<compile_context>
chip_gen: v7x
topology: tpu7x:2x2x1
jax: 0.10.2.dev20260603
libtpu: 0.0.44.dev20260713+nightly
codegen_flags: <defaults>
</compile_context>

<pallas_src>
import functools

import jax
import jax.numpy as jnp
from jax import lax
from jax.experimental import pallas as pl
from jax.experimental.pallas import tpu as pltpu
from jax.experimental.pallas import tpu_sc as plsc

_N = 20000
_ROWS = 160
_COLS = 128
_NPAD = _ROWS * _COLS
_N_PRE = 6000
_N_POST = 300
_OUT_ROWS = 304
_NMS_THRESH = 0.7
_FEAT_STRIDE = 16.0
_NEG = -1e30
_INT_MIN = -2147483648

_NSC = 16
_NT_SCAT = 10
_TROWS = _ROWS // _NT_SCAT
_CAP = 6144
_CROWS = 48
_PER_OUT = _CAP // _NSC
_CPAD = _CAP + 8


def _rsum(x):
    return jnp.sum(jnp.sum(x, axis=0, keepdims=True), axis=1, keepdims=True)


def _rmax(x):
    return jnp.max(jnp.max(x, axis=0, keepdims=True), axis=1, keepdims=True)


def _rmin(x):
    return jnp.min(jnp.min(x, axis=0, keepdims=True), axis=1, keepdims=True)


def _bc(x, shape=(_ROWS, _COLS)):
    return jnp.broadcast_to(x, shape)


def _select_body(anc_ref, loc_ref, sc_ref, img_ref,
                 pos_o, idx_o, y1_o, x1_o, y2_o, x2_o, ar_o, cs_o, fill_o):
    hI = img_ref[0].astype(jnp.float32)
    wI = img_ref[1].astype(jnp.float32)

    ay1 = anc_ref[0]
    ax1 = anc_ref[1]
    ay2 = anc_ref[2]
    ax2 = anc_ref[3]
    dy = loc_ref[0]
    dx = loc_ref[1]
    dh = loc_ref[2]
    dw = loc_ref[3]

    src_h = ay2 - ay1
    src_w = ax2 - ax1
    src_cy = ay1 + 0.5 * src_h
    src_cx = ax1 + 0.5 * src_w
    cy = dy * src_h + src_cy
    cx = dx * src_w + src_cx
    h = jnp.exp(dh) * src_h
    w = jnp.exp(dw) * src_w
    y1 = jnp.clip(cy - 0.5 * h, 0.0, hI)
    x1 = jnp.clip(cx - 0.5 * w, 0.0, wI)
    y2 = jnp.clip(cy + 0.5 * h, 0.0, hI)
    x2 = jnp.clip(cx + 0.5 * w, 0.0, wI)
    hh = y2 - y1
    ww = x2 - x1
    valid = (hh >= _FEAT_STRIDE) & (ww >= _FEAT_STRIDE)
    score_f = jnp.where(valid, sc_ref[...], -1e9)

    idx = (lax.broadcasted_iota(jnp.int32, (_ROWS, _COLS), 0) * _COLS
           + lax.broadcasted_iota(jnp.int32, (_ROWS, _COLS), 1))
    in_range = idx < _N
    bits = lax.bitcast_convert_type(score_f, jnp.int32)
    key = jnp.where(bits >= 0, bits, bits ^ 0x7FFFFFFF)
    key = jnp.where(in_range, key, _INT_MIN)

    cnt0 = _rsum((key >= 0).astype(jnp.int32))
    v = jnp.where(cnt0 >= _N_PRE, 0, _INT_MIN).astype(jnp.int32)
    for b in range(30, -1, -1):
        cand = v | (1 << b)
        cnt = _rsum((key >= _bc(cand)).astype(jnp.int32))
        v = jnp.where(cnt >= _N_PRE, cand, v)
    tau = v

    tie = key == _bc(tau)
    cnt_ge = _rsum((key >= _bc(tau)).astype(jnp.int32))
    cnt_eq = _rsum(tie.astype(jnp.int32))
    needed = _N_PRE - (cnt_ge - cnt_eq)

    u = jnp.zeros((1, 1), jnp.int32)
    for b in range(14, -1, -1):
        cand = u | (1 << b)
        c = _rsum((tie & (idx < _bc(cand))).astype(jnp.int32))
        u = jnp.where(c < needed, cand, u)
    ucut = u

    member = (key > _bc(tau)) | (tie & (idx <= _bc(ucut)))
    alive = member & (score_f > -1e8)
    cs = jnp.where(alive, score_f, _NEG)

    areas = jnp.maximum(x2 - x1, 0.0) * jnp.maximum(y2 - y1, 0.0)

    a = alive.astype(jnp.int32)
    rp = a
    for d in (1, 2, 4, 8, 16, 32, 64):
        rp = rp + jnp.concatenate(
            [jnp.zeros((_ROWS, d), jnp.int32), rp[:, :_COLS - d]], axis=1)
    rt = rp[:, _COLS - 1:_COLS]
    ip = rt
    for d in (1, 2, 4, 8, 16, 32, 64, 128):
        ip = ip + jnp.concatenate(
            [jnp.zeros((d, 1), jnp.int32), ip[:_ROWS - d, :]], axis=0)
    pos = (ip - rt) + rp - a
    pos_o[...] = jnp.where(alive, pos, _CAP)
    idx_o[...] = idx

    maxkey = _rmax(key)
    j0 = _rmin(jnp.where(key == _bc(maxkey), idx, 1 << 30))
    oh0 = idx == _bc(j0)
    f_y1 = _rsum(jnp.where(oh0, y1, 0.0))
    f_x1 = _rsum(jnp.where(oh0, x1, 0.0))
    f_y2 = _rsum(jnp.where(oh0, y2, 0.0))
    f_x2 = _rsum(jnp.where(oh0, x2, 0.0))
    lane = lax.broadcasted_iota(jnp.int32, (1, _COLS), 1)
    frow = jnp.where(
        lane == 0, _bc(f_y1, (1, _COLS)),
        jnp.where(lane == 1, _bc(f_x1, (1, _COLS)),
                  jnp.where(lane == 2, _bc(f_y2, (1, _COLS)),
                            jnp.where(lane == 3, _bc(f_x2, (1, _COLS)),
                                      jnp.zeros((1, _COLS), jnp.float32)))))

    y1_o[...] = y1
    x1_o[...] = x1
    y2_o[...] = y2
    x2_o[...] = x2
    ar_o[...] = areas
    cs_o[...] = cs
    fill_o[...] = jnp.broadcast_to(frow, (8, _COLS))


def _compact_body(pos_h, idx_h, cs_h, y1_h, x1_h, y2_h, x2_h, ar_h,
                  cidx_h, ccs_h, cy1_h, cx1_h, cy2_h, cx2_h, car_h,
                  posb, pib, pf0, pf1, pf2, pf3, pf4, pf5,
                  inii, inif, sem):
    cid = lax.axis_index("c")
    sid = lax.axis_index("s")

    @pl.when(cid == 0)
    def _work():
        ob = sid * _PER_OUT

        for k in range(_PER_OUT // 16):
            inii[pl.ds(k * 16, 16)] = jnp.full((16,), _NPAD - 1, jnp.int32)
            inif[pl.ds(k * 16, 16)] = jnp.full((16,), _NEG, jnp.float32)
        fbufs = [pf0, pf1, pf2, pf3, pf4, pf5]
        fsrcs = [cs_h, y1_h, x1_h, y2_h, x2_h, ar_h]
        hs = [pltpu.async_copy(inii, cidx_h.at[pl.ds(ob, _PER_OUT)], sem),
              pltpu.async_copy(inif, ccs_h.at[pl.ds(ob, _PER_OUT)], sem)]
        for h in hs:
            h.wait()

        @pl.when(sid < _NT_SCAT)
        def _stage():
            rb = sid * _TROWS
            hs2 = [pltpu.async_copy(pos_h.at[pl.ds(rb, _TROWS)], posb, sem),
                   pltpu.async_copy(idx_h.at[pl.ds(rb, _TROWS)], pib, sem)]
            for src, buf in zip(fsrcs, fbufs):
                hs2.append(pltpu.async_copy(src.at[pl.ds(rb, _TROWS)], buf,
                                            sem))
            for h in hs2:
                h.wait()

        plsc.subcore_barrier()

        @pl.when(sid < _NT_SCAT)
        def _scatter():
            fdsts = [ccs_h, cy1_h, cx1_h, cy2_h, cx2_h, car_h]
            hs3 = []
            for j in range(_TROWS):
                hs3.append(pltpu.async_copy(pib.at[j], cidx_h.at[posb.at[j]],
                                            sem))
                for buf, dst in zip(fbufs, fdsts):
                    hs3.append(pltpu.async_copy(buf.at[j],
                                                dst.at[posb.at[j]], sem))
            for h in hs3:
                h.wait()


_compact = functools.partial(
    pl.kernel,
    mesh=plsc.VectorSubcoreMesh(core_axis_name="c", subcore_axis_name="s"),
    out_type=[jax.ShapeDtypeStruct((_CPAD,), jnp.int32)]
    + [jax.ShapeDtypeStruct((_CPAD,), jnp.float32) for _ in range(6)],
    scratch_types=[
        pltpu.VMEM((_TROWS, _COLS), jnp.int32),
        pltpu.VMEM((_TROWS, _COLS), jnp.int32),
    ]
    + [pltpu.VMEM((_TROWS, _COLS), jnp.float32) for _ in range(6)]
    + [
        pltpu.VMEM((_PER_OUT,), jnp.int32),
        pltpu.VMEM((_PER_OUT,), jnp.float32),
        pltpu.SemaphoreType.DMA,
    ],
)(_compact_body)


def _nms_body(cidx_ref, y1_ref, x1_ref, y2_ref, x2_ref, ar_ref, cs_ref,
              fill_ref, out_ref, cs_s):
    cs_s[...] = cs_ref[...]
    cidx = cidx_ref[...]
    frow = fill_ref[0:1, :]
    lane = lax.broadcasted_iota(jnp.int32, (1, _COLS), 1)

    def _shape(x):
        return jnp.broadcast_to(x, (_CROWS, _COLS))

    def _cmax(x):
        return jnp.max(jnp.max(x, axis=0, keepdims=True), axis=1,
                       keepdims=True)

    def _cmin(x):
        return jnp.min(jnp.min(x, axis=0, keepdims=True), axis=1,
                       keepdims=True)

    def _csum(x):
        return jnp.sum(jnp.sum(x, axis=0, keepdims=True), axis=1,
                       keepdims=True)

    def _nms_step(k, carry):
        s = cs_s[...]
        m = _cmax(s)
        found = m > -1e20
        curi = _cmin(jnp.where(s == _shape(m), cidx, 1 << 30))
        oh = cidx == _shape(curi)
        cy1 = _csum(jnp.where(oh, y1_ref[...], 0.0))
        cx1 = _csum(jnp.where(oh, x1_ref[...], 0.0))
        cy2 = _csum(jnp.where(oh, y2_ref[...], 0.0))
        cx2 = _csum(jnp.where(oh, x2_ref[...], 0.0))
        car = _csum(jnp.where(oh, ar_ref[...], 0.0))
        row = jnp.where(
            lane == 0, jnp.broadcast_to(cy1, (1, _COLS)),
            jnp.where(lane == 1, jnp.broadcast_to(cx1, (1, _COLS)),
                      jnp.where(lane == 2, jnp.broadcast_to(cy2, (1, _COLS)),
                                jnp.broadcast_to(cx2, (1, _COLS)))))
        out_ref[pl.ds(k, 1), :] = jnp.where(
            jnp.broadcast_to(found, (1, _COLS)), row, frow)
        xx1 = jnp.maximum(_shape(cx1), x1_ref[...])
        yy1 = jnp.maximum(_shape(cy1), y1_ref[...])
        xx2 = jnp.minimum(_shape(cx2), x2_ref[...])
        yy2 = jnp.minimum(_shape(cy2), y2_ref[...])
        inter = jnp.maximum(xx2 - xx1, 0.0) * jnp.maximum(yy2 - yy1, 0.0)
        iou = inter / (_shape(car) + ar_ref[...] - inter + 1e-9)
        supp = (iou > _NMS_THRESH) | oh
        cs_s[...] = jnp.where(_shape(found) & supp, _NEG, s)
        return carry

    lax.fori_loop(0, _N_POST, _nms_step, 0)


@jax.jit
def kernel(anchor, loc, score, img_size):
    anc = jnp.pad(anchor, ((0, _NPAD - _N), (0, 0))).T.reshape(4, _ROWS, _COLS)
    locp = jnp.pad(loc, ((0, _NPAD - _N), (0, 0))).T.reshape(4, _ROWS, _COLS)
    scp = jnp.pad(score, (0, _NPAD - _N)).reshape(_ROWS, _COLS)

    pos, idxg, y1, x1, y2, x2, ar, cs, fill = pl.pallas_call(
        _select_body,
        out_shape=[jax.ShapeDtypeStruct((_ROWS, _COLS), jnp.int32)
                   for _ in range(2)]
        + [jax.ShapeDtypeStruct((_ROWS, _COLS), jnp.float32)
           for _ in range(6)]
        + [jax.ShapeDtypeStruct((8, _COLS), jnp.float32)],
        in_specs=[
            pl.BlockSpec(memory_space=pltpu.VMEM),
            pl.BlockSpec(memory_space=pltpu.VMEM),
            pl.BlockSpec(memory_space=pltpu.VMEM),
            pl.BlockSpec(memory_space=pltpu.SMEM),
        ],
        out_specs=[pl.BlockSpec(memory_space=pltpu.VMEM)
                   for _ in range(9)],
    )(anc, locp, scp, img_size)

    cidx, ccs, cy1, cx1, cy2, cx2, car = _compact(
        pos, idxg, cs, y1, x1, y2, x2, ar)

    out = pl.pallas_call(
        _nms_body,
        out_shape=jax.ShapeDtypeStruct((_OUT_ROWS, _COLS), jnp.float32),
        in_specs=[pl.BlockSpec(memory_space=pltpu.VMEM)
                  for _ in range(8)],
        out_specs=pl.BlockSpec(memory_space=pltpu.VMEM),
        scratch_shapes=[pltpu.VMEM((_CROWS, _COLS), jnp.float32)],
    )(cidx[:_CAP].reshape(_CROWS, _COLS),
      cy1[:_CAP].reshape(_CROWS, _COLS), cx1[:_CAP].reshape(_CROWS, _COLS),
      cy2[:_CAP].reshape(_CROWS, _COLS), cx2[:_CAP].reshape(_CROWS, _COLS),
      car[:_CAP].reshape(_CROWS, _COLS), ccs[:_CAP].reshape(_CROWS, _COLS),
      fill)
    return out[:_N_POST, :4]

# --- scband reference (transcript-rebuilt; emitter-appended) ---
"""Pipeline reference for scband-proposal-creator-1683627180553 (READ-ONLY COPY).

The authoritative reference and input builder live on the scoring server;
editing this copy changes nothing except your own understanding.
"""

import jax, jax.numpy as jnp
import numpy as np

N = 20000
N_PRE = 6000
N_POST = 300
NMS_THRESH = 0.7
FEAT_STRIDE = 16.0


def setup_inputs(seed: int = 0) -> dict:
    key = jax.random.key(seed)
    k1, k2, k3, k4 = jax.random.split(key, 4)
    ctr = jax.random.uniform(k1, (N, 2), dtype=jnp.float32) * 800.0
    sz = jax.random.uniform(k2, (N, 2), dtype=jnp.float32) * 240.0 + 16.0
    anchor = jnp.concatenate([ctr - 0.5 * sz, ctr + 0.5 * sz], axis=1)  # (y1,x1,y2,x2)
    loc = jax.random.normal(k3, (N, 4), dtype=jnp.float32) * 0.1
    score = jax.random.uniform(k4, (N,), dtype=jnp.float32)
    img_size = jnp.array([800, 800], dtype=jnp.int32)
    return {"anchor": anchor, "loc": loc, "score": score, "img_size": img_size}


def _loc2bbox(loc, anchor):
    src_h = anchor[:, 2] - anchor[:, 0]
    src_w = anchor[:, 3] - anchor[:, 1]
    src_cy = anchor[:, 0] + 0.5 * src_h
    src_cx = anchor[:, 1] + 0.5 * src_w
    dy, dx, dh, dw = loc[:, 0], loc[:, 1], loc[:, 2], loc[:, 3]
    cy = dy * src_h + src_cy
    cx = dx * src_w + src_cx
    h = jnp.exp(dh) * src_h
    w = jnp.exp(dw) * src_w
    return jnp.stack([cy - 0.5 * h, cx - 0.5 * w, cy + 0.5 * h, cx + 0.5 * w], axis=1)


def _nms_mask(boxes_xyxy, init_keep, thresh):
    b = jax.lax.stop_gradient(boxes_xyxy)
    x1, y1, x2, y2 = b[:, 0], b[:, 1], b[:, 2], b[:, 3]
    areas = jnp.maximum(x2 - x1, 0.0) * jnp.maximum(y2 - y1, 0.0)
    idx = jnp.arange(b.shape[0])

    def step(keep, i):
        xx1 = jnp.maximum(x1[i], x1)
        yy1 = jnp.maximum(y1[i], y1)
        xx2 = jnp.minimum(x2[i], x2)
        yy2 = jnp.minimum(y2[i], y2)
        inter = jnp.maximum(xx2 - xx1, 0.0) * jnp.maximum(yy2 - yy1, 0.0)
        iou = inter / (areas[i] + areas - inter + 1e-9)
        suppress = (iou > thresh) & (idx > i) & keep[i]
        return keep & (~suppress), None

    keep, _ = jax.lax.scan(step, init_keep, idx)
    return keep


def reference(anchor, loc, score, img_size):
    hI = img_size[0].astype(jnp.float32)
    wI = img_size[1].astype(jnp.float32)
    bbox = _loc2bbox(loc, anchor)
    y1 = jnp.clip(bbox[:, 0], 0.0, hI)
    x1 = jnp.clip(bbox[:, 1], 0.0, wI)
    y2 = jnp.clip(bbox[:, 2], 0.0, hI)
    x2 = jnp.clip(bbox[:, 3], 0.0, wI)
    bbox = jnp.stack([y1, x1, y2, x2], axis=1)
    hh = bbox[:, 2] - bbox[:, 0]
    ww = bbox[:, 3] - bbox[:, 1]
    valid = (hh >= FEAT_STRIDE) & (ww >= FEAT_STRIDE)
    # instead of dynamically filtering (shape-dynamic), push invalid boxes to the end of the sort
    score_f = jnp.where(valid, score, -1e9)
    order = jnp.argsort(-score_f)[:N_PRE]
    boxes = bbox[order]
    sc = score_f[order]
    init_keep = sc > -1e8
    boxes_xyxy = boxes[:, jnp.array([1, 0, 3, 2])]  # y1x1y2x2 -> x1y1x2y2
    keep = _nms_mask(boxes_xyxy, init_keep, NMS_THRESH)
    keep_idx = jnp.nonzero(keep, size=N_POST, fill_value=0)[0]
    roi = boxes[keep_idx]
    return roi

if __name__ == "__main__":
    import jax
    _d = setup_inputs()
    print(jax.jit(kernel)(*tuple(_d.values())))

</pallas_src>

<mosaic_0001>
#map = affine_map<(d0, d1) -> (0, 0)>
#map1 = affine_map<(d0, d1) -> (0)>
module attributes {stable_mosaic.version = 14 : i64} {
  func.func @_compact_body(%arg0: i32, %arg1: i32, %arg2: memref<160x128xi32, #tpu.memory_space<hbm>>, %arg3: memref<160x128xi32, #tpu.memory_space<hbm>>, %arg4: memref<160x128xf32, #tpu.memory_space<hbm>>, %arg5: memref<160x128xf32, #tpu.memory_space<hbm>>, %arg6: memref<160x128xf32, #tpu.memory_space<hbm>>, %arg7: memref<160x128xf32, #tpu.memory_space<hbm>>, %arg8: memref<160x128xf32, #tpu.memory_space<hbm>>, %arg9: memref<160x128xf32, #tpu.memory_space<hbm>>, %arg10: memref<6152xi32, #tpu.memory_space<hbm>>, %arg11: memref<6152xf32, #tpu.memory_space<hbm>>, %arg12: memref<6152xf32, #tpu.memory_space<hbm>>, %arg13: memref<6152xf32, #tpu.memory_space<hbm>>, %arg14: memref<6152xf32, #tpu.memory_space<hbm>>, %arg15: memref<6152xf32, #tpu.memory_space<hbm>>, %arg16: memref<6152xf32, #tpu.memory_space<hbm>>, %arg17: memref<16x128xi32, #tpu.memory_space<vmem>>, %arg18: memref<16x128xi32, #tpu.memory_space<vmem>>, %arg19: memref<16x128xf32, #tpu.memory_space<vmem>>, %arg20: memref<16x128xf32, #tpu.memory_space<vmem>>, %arg21: memref<16x128xf32, #tpu.memory_space<vmem>>, %arg22: memref<16x128xf32, #tpu.memory_space<vmem>>, %arg23: memref<16x128xf32, #tpu.memory_space<vmem>>, %arg24: memref<16x128xf32, #tpu.memory_space<vmem>>, %arg25: memref<384xi32, #tpu.memory_space<vmem>>, %arg26: memref<384xf32, #tpu.memory_space<vmem>>, %arg27: memref<!tpu.dma_semaphore, #tpu.memory_space<semaphore_mem>>) attributes {dimension_semantics = [#tpu.dimension_semantics<core_parallel>, #tpu.dimension_semantics<subcore_parallel>], iteration_bounds = array<i64: 2, 16>, scalar_prefetch = 0 : i64, scratch_operands = 11 : i64, tpu.core_type = #tpu.core_type<sc_vector_subcore>, window_params = [{transform_indices = #map}, {transform_indices = #map}, {transform_indices = #map}, {transform_indices = #map}, {transform_indices = #map}, {transform_indices = #map}, {transform_indices = #map}, {transform_indices = #map}, {transform_indices = #map1}, {transform_indices = #map1}, {transform_indices = #map1}, {transform_indices = #map1}, {transform_indices = #map1}, {transform_indices = #map1}, {transform_indices = #map1}]} {
    %eq3A = arith.constant 0 : i32
    %eq3A_0 = arith.cmpi eq, %arg0, %eq3A : i32
    %convert_element_type3A = arith.extui %eq3A_0 : i1 to i32
    %cond3A = arith.constant 0 : i32
    %cond3A_1 = arith.cmpi ne, %convert_element_type3A, %cond3A : i32
    scf.if %cond3A_1 {
      %mul3A = arith.constant 384 : i32
      %mul3A_2 = arith.muli %arg1, %mul3A : i32
      %broadcast_in_dim3A = arith.constant 20479 : i32
      %broadcast_in_dim3A_3 = vector.broadcast %broadcast_in_dim3A : i32 to vector<16xi32>
      %swap3A = arith.constant 0 : index
      %swap3A_4 = tpu.vector_load %arg25[%swap3A] {strides = array<i32>} : memref<384xi32, #tpu.memory_space<vmem>>, vector<16xi32>,
      %swap3A_5 = vector.shape_cast %swap3A_4 : vector<16xi32> to vector<16xi32>
      %swap3A_6 = vector.shape_cast %broadcast_in_dim3A_3 : vector<16xi32> to vector<16xi32>
      tpu.vector_store %arg25[%swap3A], %swap3A_6 {strides = array<i32>} : memref<384xi32, #tpu.memory_space<vmem>>, vector<16xi32>,
      %broadcast_in_dim3A_7 = arith.constant -1.000000e+30 : f32
      %broadcast_in_dim3A_8 = vector.broadcast %broadcast_in_dim3A_7 : f32 to vector<16xf32>
      %swap3A_9 = arith.constant 0 : index
      %swap3A_10 = tpu.vector_load %arg26[%swap3A_9] {strides = array<i32>} : memref<384xf32, #tpu.memory_space<vmem>>, vector<16xf32>,
      %swap3A_11 = vector.shape_cast %swap3A_10 : vector<16xf32> to vector<16xf32>
      %swap3A_12 = vector.shape_cast %broadcast_in_dim3A_8 : vector<16xf32> to vector<16xf32>
      tpu.vector_store %arg26[%swap3A_9], %swap3A_12 {strides = array<i32>} : memref<384xf32, #tpu.memory_space<vmem>>, vector<16xf32>,
      %broadcast_in_dim3A_13 = arith.constant 20479 : i32
      %broadcast_in_dim3A_14 = vector.broadcast %broadcast_in_dim3A_13 : i32 to vector<16xi32>
      %swap3A_15 = arith.constant 16 : index
      %swap3A_16 = tpu.vector_load %arg25[%swap3A_15] {strides = array<i32>} : memref<384xi32, #tpu.memory_space<vmem>>, vector<16xi32>,
      %swap3A_17 = vector.shape_cast %swap3A_16 : vector<16xi32> to vector<16xi32>
      %swap3A_18 = vector.shape_cast %broadcast_in_dim3A_14 : vector<16xi32> to vector<16xi32>
      tpu.vector_store %arg25[%swap3A_15], %swap3A_18 {strides = array<i32>} : memref<384xi32, #tpu.memory_space<vmem>>, vector<16xi32>,
      %broadcast_in_dim3A_19 = arith.constant -1.000000e+30 : f32
      %broadcast_in_dim3A_20 = vector.broadcast %broadcast_in_dim3A_19 : f32 to vector<16xf32>
      %swap3A_21 = arith.constant 16 : index
      %swap3A_22 = tpu.vector_load %arg26[%swap3A_21] {strides = array<i32>} : memref<384xf32, #tpu.memory_space<vmem>>, vector<16xf32>,
      %swap3A_23 = vector.shape_cast %swap3A_22 : vector<16xf32> to vector<16xf32>
      %swap3A_24 = vector.shape_cast %broadcast_in_dim3A_20 : vector<16xf32> to vector<16xf32>
      tpu.vector_store %arg26[%swap3A_21], %swap3A_24 {strides = array<i32>} : memref<384xf32, #tpu.memory_space<vmem>>, vector<16xf32>,
      %broadcast_in_dim3A_25 = arith.constant 20479 : i32
      %broadcast_in_dim3A_26 = vector.broadcast %broadcast_in_dim3A_25 : i32 to vector<16xi32>
      %swap3A_27 = arith.constant 32 : index
      %swap3A_28 = tpu.vector_load %arg25[%swap3A_27] {strides = array<i32>} : memref<384xi32, #tpu.memory_space<vmem>>, vector<16xi32>,
      %swap3A_29 = vector.shape_cast %swap3A_28 : vector<16xi32> to vector<16xi32>
      %swap3A_30 = vector.shape_cast %broadcast_in_dim3A_26 : vector<16xi32> to vector<16xi32>
      tpu.vector_store %arg25[%swap3A_27], %swap3A_30 {strides = array<i32>} : memref<384xi32, #tpu.memory_space<vmem>>, vector<16xi32>,
      %broadcast_in_dim3A_31 = arith.constant -1.000000e+30 : f32
      %broadcast_in_dim3A_32 = vector.broadcast %broadcast_in_dim3A_31 : f32 to vector<16xf32>
      %swap3A_33 = arith.constant 32 : index
      %swap3A_34 = tpu.vector_load %arg26[%swap3A_33] {strides = array<i32>} : memref<384xf32, #tpu.memory_space<vmem>>, vector<16xf32>,
      %swap3A_35 = vector.shape_cast %swap3A_34 : vector<16xf32> to vector<16xf32>
      %swap3A_36 = vector.shape_cast %broadcast_in_dim3A_32 : vector<16xf32> to vector<16xf32>
      tpu.vector_store %arg26[%swap3A_33], %swap3A_36 {strides = array<i32>} : memref<384xf32, #tpu.memory_space<vmem>>, vector<16xf32>,
      %broadcast_in_dim3A_37 = arith.constant 20479 : i32
      %broadcast_in_dim3A_38 = vector.broadcast %broadcast_in_dim3A_37 : i32 to vector<16xi32>
      %swap3A_39 = arith.constant 48 : index
      %swap3A_40 = tpu.vector_load %arg25[%swap3A_39] {strides = array<i32>} : memref<384xi32, #tpu.memory_space<vmem>>, vector<16xi32>,
      %swap3A_41 = vector.shape_cast %swap3A_40 : vector<16xi32> to vector<16xi32>
      %swap3A_42 = vector.shape_cast %broadcast_in_dim3A_38 : vector<16xi32> to vector<16xi32>
      tpu.vector_store %arg25[%swap3A_39], %swap3A_42 {strides = array<i32>} : memref<384xi32, #tpu.memory_space<vmem>>, vector<16xi32>,
      %broadcast_in_dim3A_43 = arith.constant -1.000000e+30 : f32
      %broadcast_in_dim3A_44 = vector.broadcast %broadcast_in_dim3A_43 : f32 to vector<16xf32>
      %swap3A_45 = arith.constant 48 : index
      %swap3A_46 = tpu.vector_load %arg26[%swap3A_45] {strides = array<i32>} : memref<384xf32, #tpu.memory_space<vmem>>, vector<16xf32>,
      %swap3A_47 = vector.shape_cast %swap3A_46 : vector<16xf32> to vector<16xf32>
      %swap3A_48 = vector.shape_cast %broadcast_in_dim3A_44 : vector<16xf32> to vector<16xf32>
      tpu.vector_store %arg26[%swap3A_45], %swap3A_48 {strides = array<i32>} : memref<384xf32, #tpu.memory_space<vmem>>, vector<16xf32>,
      %broadcast_in_dim3A_49 = arith.constant 20479 : i32
      %broadcast_in_dim3A_50 = vector.broadcast %broadcast_in_dim3A_49 : i32 to vector<16xi32>
      %swap3A_51 = arith.constant 64 : index
      %swap3A_52 = tpu.vector_load %arg25[%swap3A_51] {strides = array<i32>} : memref<384xi32, #tpu.memory_space<vmem>>, vector<16xi32>,
      %swap3A_53 = vector.shape_cast %swap3A_52 : vector<16xi32> to vector<16xi32>
      %swap3A_54 = vector.shape_cast %broadcast_in_dim3A_50 : vector<16xi32> to vector<16xi32>
      tpu.vector_store %arg25[%swap3A_51], %swap3A_54 {strides = array<i32>} : memref<384xi32, #tpu.memory_space<vmem>>, vector<16xi32>,
      %broadcast_in_dim3A_55 = arith.constant -1.000000e+30 : f32
      %broadcast_in_dim3A_56 = vector.broadcast %broadcast_in_dim3A_55 : f32 to vector<16xf32>
      %swap3A_57 = arith.constant 64 : index
      %swap3A_58 = tpu.vector_load %arg26[%swap3A_57] {strides = array<i32>} : memref<384xf32, #tpu.memory_space<vmem>>, vector<16xf32>,
      %swap3A_59 = vector.shape_cast %swap3A_58 : vector<16xf32> to vector<16xf32>
      %swap3A_60 = vector.shape_cast %broadcast_in_dim3A_56 : vector<16xf32> to vector<16xf32>
      tpu.vector_store %arg26[%swap3A_57], %swap3A_60 {strides = array<i32>} : memref<384xf32, #tpu.memory_space<vmem>>, vector<16xf32>,
      %broadcast_in_dim3A_61 = arith.constant 20479 : i32
      %broadcast_in_dim3A_62 = vector.broadcast %broadcast_in_dim3A_61 : i32 to vector<16xi32>
      %swap3A_63 = arith.constant 80 : index
      %swap3A_64 = tpu.vector_load %arg25[%swap3A_63] {strides = array<i32>} : memref<384xi32, #tpu.memory_space<vmem>>, vector<16xi32>,
      %swap3A_65 = vector.shape_cast %swap3A_64 : vector<16xi32> to vector<16xi32>
      %swap3A_66 = vector.shape_cast %broadcast_in_dim3A_62 : vector<16xi32> to vector<16xi32>
      tpu.vector_store %arg25[%swap3A_63], %swap3A_66 {strides = array<i32>} : memref<384xi32, #tpu.memory_space<vmem>>, vector<16xi32>,
      %broadcast_in_dim3A_67 = arith.constant -1.000000e+30 : f32
      %broadcast_in_dim3A_68 = vector.broadcast %broadcast_in_dim3A_67 : f32 to vector<16xf32>
      %swap3A_69 = arith.constant 80 : index
      %swap3A_70 = tpu.vector_load %arg26[%swap3A_69] {strides = array<i32>} : memref<384xf32, #tpu.memory_space<vmem>>, vector<16xf32>,
      %swap3A_71 = vector.shape_cast %swap3A_70 : vector<16xf32> to vector<16xf32>
      %swap3A_72 = vector.shape_cast %broadcast_in_dim3A_68 : vector<16xf32> to vector<16xf32>
      tpu.vector_store %arg26[%swap3A_69], %swap3A_72 {strides = array<i32>} : memref<384xf32, #tpu.memory_space<vmem>>, vector<16xf32>,
      %broadcast_in_dim3A_73 = arith.constant 20479 : i32
      %broadcast_in_dim3A_74 = vector.broadcast %broadcast_in_dim3A_73 : i32 to vector<16xi32>
      %swap3A_75 = arith.constant 96 : index
      %swap3A_76 = tpu.vector_load %arg25[%swap3A_75] {strides = array<i32>} : memref<384xi32, #tpu.memory_space<vmem>>, vector<16xi32>,
      %swap3A_77 = vector.shape_cast %swap3A_76 : vector<16xi32> to vector<16xi32>
      %swap3A_78 = vector.shape_cast %broadcast_in_dim3A_74 : vector<16xi32> to vector<16xi32>
      tpu.vector_store %arg25[%swap3A_75], %swap3A_78 {strides = array<i32>} : memref<384xi32, #tpu.memory_space<vmem>>, vector<16xi32>,
      %broadcast_in_dim3A_79 = arith.constant -1.000000e+30 : f32
      %broadcast_in_dim3A_80 = vector.broadcast %broadcast_in_dim3A_79 : f32 to vector<16xf32>
      %swap3A_81 = arith.constant 96 : index
      %swap3A_82 = tpu.vector_load %arg26[%swap3A_81] {strides = array<i32>} : memref<384xf32, #tpu.memory_space<vmem>>, vector<16xf32>,
      %swap3A_83 = vector.shape_cast %swap3A_82 : vector<16xf32> to vector<16xf32>
      %swap3A_84 = vector.shape_cast %broadcast_in_dim3A_80 : vector<16xf32> to vector<16xf32>
      tpu.vector_store %arg26[%swap3A_81], %swap3A_84 {strides = array<i32>} : memref<384xf32, #tpu.memory_space<vmem>>, vector<16xf32>,
      %broadcast_in_dim3A_85 = arith.constant 20479 : i32
      %broadcast_in_dim3A_86 = vector.broadcast %broadcast_in_dim3A_85 : i32 to vector<16xi32>
      %swap3A_87 = arith.constant 112 : index
      %swap3A_88 = tpu.vector_load %arg25[%swap3A_87] {strides = array<i32>} : memref<384xi32, #tpu.memory_space<vmem>>, vector<16xi32>,
      %swap3A_89 = vector.shape_cast %swap3A_88 : vector<16xi32> to vector<16xi32>
      %swap3A_90 = vector.shape_cast %broadcast_in_dim3A_86 : vector<16xi32> to vector<16xi32>
      tpu.vector_store %arg25[%swap3A_87], %swap3A_90 {strides = array<i32>} : memref<384xi32, #tpu.memory_space<vmem>>, vector<16xi32>,
      %broadcast_in_dim3A_91 = arith.constant -1.000000e+30 : f32
      %broadcast_in_dim3A_92 = vector.broadcast %broadcast_in_dim3A_91 : f32 to vector<16xf32>
      %swap3A_93 = arith.constant 112 : index
      %swap3A_94 = tpu.vector_load %arg26[%swap3A_93] {strides = array<i32>} : memref<384xf32, #tpu.memory_space<vmem>>, vector<16xf32>,
      %swap3A_95 = vector.shape_cast %swap3A_94 : vector<16xf32> to vector<16xf32>
      %swap3A_96 = vector.shape_cast %broadcast_in_dim3A_92 : vector<16xf32> to vector<16xf32>
      tpu.vector_store %arg26[%swap3A_93], %swap3A_96 {strides = array<i32>} : memref<384xf32, #tpu.memory_space<vmem>>, vector<16xf32>,
      %broadcast_in_dim3A_97 = arith.constant 20479 : i32
      %broadcast_in_dim3A_98 = vector.broadcast %broadcast_in_dim3A_97 : i32 to vector<16xi32>
      %swap3A_99 = arith.constant 128 : index
      %swap3A_100 = tpu.vector_load %arg25[%swap3A_99] {strides = array<i32>} : memref<384xi32, #tpu.memory_space<vmem>>, vector<16xi32>,
      %swap3A_101 = vector.shape_cast %swap3A_100 : vector<16xi32> to vector<16xi32>
      %swap3A_102 = vector.shape_cast %broadcast_in_dim3A_98 : vector<16xi32> to vector<16xi32>
      tpu.vector_store %arg25[%swap3A_99], %swap3A_102 {strides = array<i32>} : memref<384xi32, #tpu.memory_space<vmem>>, vector<16xi32>,
      %broadcast_in_dim3A_103 = arith.constant -1.000000e+30 : f32
      %broadcast_in_dim3A_104 = vector.broadcast %broadcast_in_dim3A_103 : f32 to vector<16xf32>
      %swap3A_105 = arith.constant 128 : index
      %swap3A_106 = tpu.vector_load %arg26[%swap3A_105] {strides = array<i32>} : memref<384xf32, #tpu.memory_space<vmem>>, vector<16xf32>,
      %swap3A_107 = vector.shape_cast %swap3A_106 : vector<16xf32> to vector<16xf32>
      %swap3A_108 = vector.shape_cast %broadcast_in_dim3A_104 : vector<16xf32> to vector<16xf32>
      tpu.vector_store %arg26[%swap3A_105], %swap3A_108 {strides = array<i32>} : memref<384xf32, #tpu.memory_space<vmem>>, vector<16xf32>,
      %broadcast_in_dim3A_109 = arith.constant 20479 : i32
      %broadcast_in_dim3A_110 = vector.broadcast %broadcast_in_dim3A_109 : i32 to vector<16xi32>
      %swap3A_111 = arith.constant 144 : index
      %swap3A_112 = tpu.vector_load %arg25[%swap3A_111] {strides = array<i32>} : memref<384xi32, #tpu.memory_space<vmem>>, vector<16xi32>,
      %swap3A_113 = vector.shape_cast %swap3A_112 : vector<16xi32> to vector<16xi32>
      %swap3A_114 = vector.shape_cast %broadcast_in_dim3A_110 : vector<16xi32> to vector<16xi32>
      tpu.vector_store %arg25[%swap3A_111], %swap3A_114 {strides = array<i32>} : memref<384xi32, #tpu.memory_space<vmem>>, vector<16xi32>,
      %broadcast_in_dim3A_115 = arith.constant -1.000000e+30 : f32
      %broadcast_in_dim3A_116 = vector.broadcast %broadcast_in_dim3A_115 : f32 to vector<16xf32>
      %swap3A_117 = arith.constant 144 : index
      %swap3A_118 = tpu.vector_load %arg26[%swap3A_117] {strides = array<i32>} : memref<384xf32, #tpu.memory_space<vmem>>, vector<16xf32>,
      %swap3A_119 = vector.shape_cast %swap3A_118 : vector<16xf32> to vector<16xf32>
      %swap3A_120 = vector.shape_cast %broadcast_in_dim3A_116 : vector<16xf32> to vector<16xf32>
      tpu.vector_store %arg26[%swap3A_117], %swap3A_120 {strides = array<i32>} : memref<384xf32, #tpu.memory_space<vmem>>, vector<16xf32>,
      %broadcast_in_dim3A_121 = arith.constant 20479 : i32
      %broadcast_in_dim3A_122 = vector.broadcast %broadcast_in_dim3A_121 : i32 to vector<16xi32>
      %swap3A_123 = arith.constant 160 : index
      %swap3A_124 = tpu.vector_load %arg25[%swap3A_123] {strides = array<i32>} : memref<384xi32, #tpu.memory_space<vmem>>, vector<16xi32>,
      %swap3A_125 = vector.shape_cast %swap3A_124 : vector<16xi32> to vector<16xi32>
      %swap3A_126 = vector.shape_cast %broadcast_in_dim3A_122 : vector<16xi32> to vector<16xi32>
      tpu.vector_store %arg25[%swap3A_123], %swap3A_126 {strides = array<i32>} : memref<384xi32, #tpu.memory_space<vmem>>, vector<16xi32>,
      %broadcast_in_dim3A_127 = arith.constant -1.000000e+30 : f32
      %broadcast_in_dim3A_128 = vector.broadcast %broadcast_in_dim3A_127 : f32 to vector<16xf32>
      %swap3A_129 = arith.constant 160 : index
      %swap3A_130 = tpu.vector_load %arg26[%swap3A_129] {strides = array<i32>} : memref<384xf32, #tpu.memory_space<vmem>>, vector<16xf32>,
      %swap3A_131 = vector.shape_cast %swap3A_130 : vector<16xf32> to vector<16xf32>
      %swap3A_132 = vector.shape_cast %broadcast_in_dim3A_128 : vector<16xf32> to vector<16xf32>
      tpu.vector_store %arg26[%swap3A_129], %swap3A_132 {strides = array<i32>} : memref<384xf32, #tpu.memory_space<vmem>>, vector<16xf32>,
      %broadcast_in_dim3A_133 = arith.constant 20479 : i32
      %broadcast_in_dim3A_134 = vector.broadcast %broadcast_in_dim3A_133 : i32 to vector<16xi32>
      %swap3A_135 = arith.constant 176 : index
      %swap3A_136 = tpu.vector_load %arg25[%swap3A_135] {strides = array<i32>} : memref<384xi32, #tpu.memory_space<vmem>>, vector<16xi32>,
      %swap3A_137 = vector.shape_cast %swap3A_136 : vector<16xi32> to vector<16xi32>
      %swap3A_138 = vector.shape_cast %broadcast_in_dim3A_134 : vector<16xi32> to vector<16xi32>
      tpu.vector_store %arg25[%swap3A_135], %swap3A_138 {strides = array<i32>} : memref<384xi32, #tpu.memory_space<vmem>>, vector<16xi32>,
      %broadcast_in_dim3A_139 = arith.constant -1.000000e+30 : f32
      %broadcast_in_dim3A_140 = vector.broadcast %broadcast_in_dim3A_139 : f32 to vector<16xf32>
      %swap3A_141 = arith.constant 176 : index
      %swap3A_142 = tpu.vector_load %arg26[%swap3A_141] {strides = array<i32>} : memref<384xf32, #tpu.memory_space<vmem>>, vector<16xf32>,
      %swap3A_143 = vector.shape_cast %swap3A_142 : vector<16xf32> to vector<16xf32>
      %swap3A_144 = vector.shape_cast %broadcast_in_dim3A_140 : vector<16xf32> to vector<16xf32>
      tpu.vector_store %arg26[%swap3A_141], %swap3A_144 {strides = array<i32>} : memref<384xf32, #tpu.memory_space<vmem>>, vector<16xf32>,
      %broadcast_in_dim3A_145 = arith.constant 20479 : i32
      %broadcast_in_dim3A_146 = vector.broadcast %broadcast_in_dim3A_145 : i32 to vector<16xi32>
      %swap3A_147 = arith.constant 192 : index
      %swap3A_148 = tpu.vector_load %arg25[%swap3A_147] {strides = array<i32>} : memref<384xi32, #tpu.memory_space<vmem>>, vector<16xi32>,
      %swap3A_149 = vector.shape_cast %swap3A_148 : vector<16xi32> to vector<16xi32>
      %swap3A_150 = vector.shape_cast %broadcast_in_dim3A_146 : vector<16xi32> to vector<16xi32>
      tpu.vector_store %arg25[%swap3A_147], %swap3A_150 {strides = array<i32>} : memref<384xi32, #tpu.memory_space<vmem>>, vector<16xi32>,
      %broadcast_in_dim3A_151 = arith.constant -1.000000e+30 : f32
      %broadcast_in_dim3A_152 = vector.broadcast %broadcast_in_dim3A_151 : f32 to vector<16xf32>
      %swap3A_153 = arith.constant 192 : index
      %swap3A_154 = tpu.vector_load %arg26[%swap3A_153] {strides = array<i32>} : memref<384xf32, #tpu.memory_space<vmem>>, vector<16xf32>,
      %swap3A_155 = vector.shape_cast %swap3A_154 : vector<16xf32> to vector<16xf32>
      %swap3A_156 = vector.shape_cast %broadcast_in_dim3A_152 : vector<16xf32> to vector<16xf32>
      tpu.vector_store %arg26[%swap3A_153], %swap3A_156 {strides = array<i32>} : memref<384xf32, #tpu.memory_space<vmem>>, vector<16xf32>,
      %broadcast_in_dim3A_157 = arith.constant 20479 : i32
      %broadcast_in_dim3A_158 = vector.broadcast %broadcast_in_dim3A_157 : i32 to vector<16xi32>
      %swap3A_159 = arith.constant 208 : index
      %swap3A_160 = tpu.vector_load %arg25[%swap3A_159] {strides = array<i32>} : memref<384xi32, #tpu.memory_space<vmem>>, vector<16xi32>,
      %swap3A_161 = vector.shape_cast %swap3A_160 : vector<16xi32> to vector<16xi32>
      %swap3A_162 = vector.shape_cast %broadcast_in_dim3A_158 : vector<16xi32> to vector<16xi32>
      tpu.vector_store %arg25[%swap3A_159], %swap3A_162 {strides = array<i32>} : memref<384xi32, #tpu.memory_space<vmem>>, vector<16xi32>,
      %broadcast_in_dim3A_163 = arith.constant -1.000000e+30 : f32
      %broadcast_in_dim3A_164 = vector.broadcast %broadcast_in_dim3A_163 : f32 to vector<16xf32>
      %swap3A_165 = arith.constant 208 : index
      %swap3A_166 = tpu.vector_load %arg26[%swap3A_165] {strides = array<i32>} : memref<384xf32, #tpu.memory_space<vmem>>, vector<16xf32>,
      %swap3A_167 = vector.shape_cast %swap3A_166 : vector<16xf32> to vector<16xf32>
      %swap3A_168 = vector.shape_cast %broadcast_in_dim3A_164 : vector<16xf32> to vector<16xf32>
      tpu.vector_store %arg26[%swap3A_165], %swap3A_168 {strides = array<i32>} : memref<384xf32, #tpu.memory_space<vmem>>, vector<16xf32>,
      %broadcast_in_dim3A_169 = arith.constant 20479 : i32
      %broadcast_in_dim3A_170 = vector.broadcast %broadcast_in_dim3A_169 : i32 to vector<16xi32>
      %swap3A_171 = arith.constant 224 : index
      %swap3A_172 = tpu.vector_load %arg25[%swap3A_171] {strides = array<i32>} : memref<384xi32, #tpu.memory_space<vmem>>, vector<16xi32>,
      %swap3A_173 = vector.shape_cast %swap3A_172 : vector<16xi32> to vector<16xi32>
      %swap3A_174 = vector.shape_cast %broadcast_in_dim3A_170 : vector<16xi32> to vector<16xi32>
      tpu.vector_store %arg25[%swap3A_171], %swap3A_174 {strides = array<i32>} : memref<384xi32, #tpu.memory_space<vmem>>, vector<16xi32>,
      %broadcast_in_dim3A_175 = arith.constant -1.000000e+30 : f32
      %broadcast_in_dim3A_176 = vector.broadcast %broadcast_in_dim3A_175 : f32 to vector<16xf32>
      %swap3A_177 = arith.constant 224 : index
      %swap3A_178 = tpu.vector_load %arg26[%swap3A_177] {strides = array<i32>} : memref<384xf32, #tpu.memory_space<vmem>>, vector<16xf32>,
      %swap3A_179 = vector.shape_cast %swap3A_178 : vector<16xf32> to vector<16xf32>
      %swap3A_180 = vector.shape_cast %broadcast_in_dim3A_176 : vector<16xf32> to vector<16xf32>
      tpu.vector_store %arg26[%swap3A_177], %swap3A_180 {strides = array<i32>} : memref<384xf32, #tpu.memory_space<vmem>>, vector<16xf32>,
      %broadcast_in_dim3A_181 = arith.constant 20479 : i32
      %broadcast_in_dim3A_182 = vector.broadcast %broadcast_in_dim3A_181 : i32 to vector<16xi32>
      %swap3A_183 = arith.constant 240 : index
      %swap3A_184 = tpu.vector_load %arg25[%swap3A_183] {strides = array<i32>} : memref<384xi32, #tpu.memory_space<vmem>>, vector<16xi32>,
      %swap3A_185 = vector.shape_cast %swap3A_184 : vector<16xi32> to vector<16xi32>
      %swap3A_186 = vector.shape_cast %broadcast_in_dim3A_182 : vector<16xi32> to vector<16xi32>
      tpu.vector_store %arg25[%swap3A_183], %swap3A_186 {strides = array<i32>} : memref<384xi32, #tpu.memory_space<vmem>>, vector<16xi32>,
      %broadcast_in_dim3A_187 = arith.constant -1.000000e+30 : f32
      %broadcast_in_dim3A_188 = vector.broadcast %broadcast_in_dim3A_187 : f32 to vector<16xf32>
      %swap3A_189 = arith.constant 240 : index
      %swap3A_190 = tpu.vector_load %arg26[%swap3A_189] {strides = array<i32>} : memref<384xf32, #tpu.memory_space<vmem>>, vector<16xf32>,
      %swap3A_191 = vector.shape_cast %swap3A_190 : vector<16xf32> to vector<16xf32>
      %swap3A_192 = vector.shape_cast %broadcast_in_dim3A_188 : vector<16xf32> to vector<16xf32>
      tpu.vector_store %arg26[%swap3A_189], %swap3A_192 {strides = array<i32>} : memref<384xf32, #tpu.memory_space<vmem>>, vector<16xf32>,
      %broadcast_in_dim3A_193 = arith.constant 20479 : i32
      %broadcast_in_dim3A_194 = vector.broadcast %broadcast_in_dim3A_193 : i32 to vector<16xi32>
      %swap3A_195 = arith.constant 256 : index
      %swap3A_196 = tpu.vector_load %arg25[%swap3A_195] {strides = array<i32>} : memref<384xi32, #tpu.memory_space<vmem>>, vector<16xi32>,
      %swap3A_197 = vector.shape_cast %swap3A_196 : vector<16xi32> to vector<16xi32>
      %swap3A_198 = vector.shape_cast %broadcast_in_dim3A_194 : vector<16xi32> to vector<16xi32>
      tpu.vector_store %arg25[%swap3A_195], %swap3A_198 {strides = array<i32>} : memref<384xi32, #tpu.memory_space<vmem>>, vector<16xi32>,
      %broadcast_in_dim3A_199 = arith.constant -1.000000e+30 : f32
      %broadcast_in_dim3A_200 = vector.broadcast %broadcast_in_dim3A_199 : f32 to vector<16xf32>
      %swap3A_201 = arith.constant 256 : index
      %swap3A_202 = tpu.vector_load %arg26[%swap3A_201] {strides = array<i32>} : memref<384xf32, #tpu.memory_space<vmem>>, vector<16xf32>,
      %swap3A_203 = vector.shape_cast %swap3A_202 : vector<16xf32> to vector<16xf32>
      %swap3A_204 = vector.shape_cast %broadcast_in_dim3A_200 : vector<16xf32> to vector<16xf32>
      tpu.vector_store %arg26[%swap3A_201], %swap3A_204 {strides = array<i32>} : memref<384xf32, #tpu.memory_space<vmem>>, vector<16xf32>,
      %broadcast_in_dim3A_205 = arith.constant 20479 : i32
      %broadcast_in_dim3A_206 = vector.broadcast %broadcast_in_dim3A_205 : i32 to vector<16xi32>
      %swap3A_207 = arith.constant 272 : index
      %swap3A_208 = tpu.vector_load %arg25[%swap3A_207] {strides = array<i32>} : memref<384xi32, #tpu.memory_space<vmem>>, vector<16xi32>,
      %swap3A_209 = vector.shape_cast %swap3A_208 : vector<16xi32> to vector<16xi32>
      %swap3A_210 = vector.shape_cast %broadcast_in_dim3A_206 : vector<16xi32> to vector<16xi32>
      tpu.vector_store %arg25[%swap3A_207], %swap3A_210 {strides = array<i32>} : memref<384xi32, #tpu.memory_space<vmem>>, vector<16xi32>,
      %broadcast_in_dim3A_211 = arith.constant -1.000000e+30 : f32
      %broadcast_in_dim3A_212 = vector.broadcast %broadcast_in_dim3A_211 : f32 to vector<16xf32>
      %swap3A_213 = arith.constant 272 : index
      %swap3A_214 = tpu.vector_load %arg26[%swap3A_213] {strides = array<i32>} : memref<384xf32, #tpu.memory_space<vmem>>, vector<16xf32>,
      %swap3A_215 = vector.shape_cast %swap3A_214 : vector<16xf32> to vector<16xf32>
      %swap3A_216 = vector.shape_cast %broadcast_in_dim3A_212 : vector<16xf32> to vector<16xf32>
      tpu.vector_store %arg26[%swap3A_213], %swap3A_216 {strides = array<i32>} : memref<384xf32, #tpu.memory_space<vmem>>, vector<16xf32>,
      %broadcast_in_dim3A_217 = arith.constant 20479 : i32
      %broadcast_in_dim3A_218 = vector.broadcast %broadcast_in_dim3A_217 : i32 to vector<16xi32>
      %swap3A_219 = arith.constant 288 : index
      %swap3A_220 = tpu.vector_load %arg25[%swap3A_219] {strides = array<i32>} : memref<384xi32, #tpu.memory_space<vmem>>, vector<16xi32>,
      %swap3A_221 = vector.shape_cast %swap3A_220 : vector<16xi32> to vector<16xi32>
      %swap3A_222 = vector.shape_cast %broadcast_in_dim3A_218 : vector<16xi32> to vector<16xi32>
      tpu.vector_store %arg25[%swap3A_219], %swap3A_222 {strides = array<i32>} : memref<384xi32, #tpu.memory_space<vmem>>, vector<16xi32>,
      %broadcast_in_dim3A_223 = arith.constant -1.000000e+30 : f32
      %broadcast_in_dim3A_224 = vector.broadcast %broadcast_in_dim3A_223 : f32 to vector<16xf32>
      %swap3A_225 = arith.constant 288 : index
      %swap3A_226 = tpu.vector_load %arg26[%swap3A_225] {strides = array<i32>} : memref<384xf32, #tpu.memory_space<vmem>>, vector<16xf32>,
      %swap3A_227 = vector.shape_cast %swap3A_226 : vector<16xf32> to vector<16xf32>
      %swap3A_228 = vector.shape_cast %broadcast_in_dim3A_224 : vector<16xf32> to vector<16xf32>
      tpu.vector_store %arg26[%swap3A_225], %swap3A_228 {strides = array<i32>} : memref<384xf32, #tpu.memory_space<vmem>>, vector<16xf32>,
      %broadcast_in_dim3A_229 = arith.constant 20479 : i32
      %broadcast_in_dim3A_230 = vector.broadcast %broadcast_in_dim3A_229 : i32 to vector<16xi32>
      %swap3A_231 = arith.constant 304 : index
      %swap3A_232 = tpu.vector_load %arg25[%swap3A_231] {strides = array<i32>} : memref<384xi32, #tpu.memory_space<vmem>>, vector<16xi32>,
      %swap3A_233 = vector.shape_cast %swap3A_232 : vector<16xi32> to vector<16xi32>
      %swap3A_234 = vector.shape_cast %broadcast_in_dim3A_230 : vector<16xi32> to vector<16xi32>
      tpu.vector_store %arg25[%swap3A_231], %swap3A_234 {strides = array<i32>} : memref<384xi32, #tpu.memory_space<vmem>>, vector<16xi32>,
      %broadcast_in_dim3A_235 = arith.constant -1.000000e+30 : f32
      %broadcast_in_dim3A_236 = vector.broadcast %broadcast_in_dim3A_235 : f32 to vector<16xf32>
      %swap3A_237 = arith.constant 304 : index
      %swap3A_238 = tpu.vector_load %arg26[%swap3A_237] {strides = array<i32>} : memref<384xf32, #tpu.memory_space<vmem>>, vector<16xf32>,
      %swap3A_239 = vector.shape_cast %swap3A_238 : vector<16xf32> to vector<16xf32>
      %swap3A_240 = vector.shape_cast %broadcast_in_dim3A_236 : vector<16xf32> to vector<16xf32>
      tpu.vector_store %arg26[%swap3A_237], %swap3A_240 {strides = array<i32>} : memref<384xf32, #tpu.memory_space<vmem>>, vector<16xf32>,
      %broadcast_in_dim3A_241 = arith.constant 20479 : i32
      %broadcast_in_dim3A_242 = vector.broadcast %broadcast_in_dim3A_241 : i32 to vector<16xi32>
      %swap3A_243 = arith.constant 320 : index
      %swap3A_244 = tpu.vector_load %arg25[%swap3A_243] {strides = array<i32>} : memref<384xi32, #tpu.memory_space<vmem>>, vector<16xi32>,
      %swap3A_245 = vector.shape_cast %swap3A_244 : vector<16xi32> to vector<16xi32>
      %swap3A_246 = vector.shape_cast %broadcast_in_dim3A_242 : vector<16xi32> to vector<16xi32>
      tpu.vector_store %arg25[%swap3A_243], %swap3A_246 {strides = array<i32>} : memref<384xi32, #tpu.memory_space<vmem>>, vector<16xi32>,
      %broadcast_in_dim3A_247 = arith.constant -1.000000e+30 : f32
      %broadcast_in_dim3A_248 = vector.broadcast %broadcast_in_dim3A_247 : f32 to vector<16xf32>
      %swap3A_249 = arith.constant 320 : index
      %swap3A_250 = tpu.vector_load %arg26[%swap3A_249] {strides = array<i32>} : memref<384xf32, #tpu.memory_space<vmem>>, vector<16xf32>,
      %swap3A_251 = vector.shape_cast %swap3A_250 : vector<16xf32> to vector<16xf32>
      %swap3A_252 = vector.shape_cast %broadcast_in_dim3A_248 : vector<16xf32> to vector<16xf32>
      tpu.vector_store %arg26[%swap3A_249], %swap3A_252 {strides = array<i32>} : memref<384xf32, #tpu.memory_space<vmem>>, vector<16xf32>,
      %broadcast_in_dim3A_253 = arith.constant 20479 : i32
      %broadcast_in_dim3A_254 = vector.broadcast %broadcast_in_dim3A_253 : i32 to vector<16xi32>
      %swap3A_255 = arith.constant 336 : index
      %swap3A_256 = tpu.vector_load %arg25[%swap3A_255] {strides = array<i32>} : memref<384xi32, #tpu.memory_space<vmem>>, vector<16xi32>,
      %swap3A_257 = vector.shape_cast %swap3A_256 : vector<16xi32> to vector<16xi32>
      %swap3A_258 = vector.shape_cast %broadcast_in_dim3A_254 : vector<16xi32> to vector<16xi32>
      tpu.vector_store %arg25[%swap3A_255], %swap3A_258 {strides = array<i32>} : memref<384xi32, #tpu.memory_space<vmem>>, vector<16xi32>,
      %broadcast_in_dim3A_259 = arith.constant -1.000000e+30 : f32
      %broadcast_in_dim3A_260 = vector.broadcast %broadcast_in_dim3A_259 : f32 to vector<16xf32>
      %swap3A_261 = arith.constant 336 : index
      %swap3A_262 = tpu.vector_load %arg26[%swap3A_261] {strides = array<i32>} : memref<384xf32, #tpu.memory_space<vmem>>, vector<16xf32>,
      %swap3A_263 = vector.shape_cast %swap3A_262 : vector<16xf32> to vector<16xf32>
      %swap3A_264 = vector.shape_cast %broadcast_in_dim3A_260 : vector<16xf32> to vector<16xf32>
      tpu.vector_store %arg26[%swap3A_261], %swap3A_264 {strides = array<i32>} : memref<384xf32, #tpu.memory_space<vmem>>, vector<16xf32>,
      %broadcast_in_dim3A_265 = arith.constant 20479 : i32
      %broadcast_in_dim3A_266 = vector.broadcast %broadcast_in_dim3A_265 : i32 to vector<16xi32>
      %swap3A_267 = arith.constant 352 : index
      %swap3A_268 = tpu.vector_load %arg25[%swap3A_267] {strides = array<i32>} : memref<384xi32, #tpu.memory_space<vmem>>, vector<16xi32>,
      %swap3A_269 = vector.shape_cast %swap3A_268 : vector<16xi32> to vector<16xi32>
      %swap3A_270 = vector.shape_cast %broadcast_in_dim3A_266 : vector<16xi32> to vector<16xi32>
      tpu.vector_store %arg25[%swap3A_267], %swap3A_270 {strides = array<i32>} : memref<384xi32, #tpu.memory_space<vmem>>, vector<16xi32>,
      %broadcast_in_dim3A_271 = arith.constant -1.000000e+30 : f32
      %broadcast_in_dim3A_272 = vector.broadcast %broadcast_in_dim3A_271 : f32 to vector<16xf32>
      %swap3A_273 = arith.constant 352 : index
      %swap3A_274 = tpu.vector_load %arg26[%swap3A_273] {strides = array<i32>} : memref<384xf32, #tpu.memory_space<vmem>>, vector<16xf32>,
      %swap3A_275 = vector.shape_cast %swap3A_274 : vector<16xf32> to vector<16xf32>
      %swap3A_276 = vector.shape_cast %broadcast_in_dim3A_272 : vector<16xf32> to vector<16xf32>
      tpu.vector_store %arg26[%swap3A_273], %swap3A_276 {strides = array<i32>} : memref<384xf32, #tpu.memory_space<vmem>>, vector<16xf32>,
      %broadcast_in_dim3A_277 = arith.constant 20479 : i32
      %broadcast_in_dim3A_278 = vector.broadcast %broadcast_in_dim3A_277 : i32 to vector<16xi32>
      %swap3A_279 = arith.constant 368 : index
      %swap3A_280 = tpu.vector_load %arg25[%swap3A_279] {strides = array<i32>} : memref<384xi32, #tpu.memory_space<vmem>>, vector<16xi32>,
      %swap3A_281 = vector.shape_cast %swap3A_280 : vector<16xi32> to vector<16xi32>
      %swap3A_282 = vector.shape_cast %broadcast_in_dim3A_278 : vector<16xi32> to vector<16xi32>
      tpu.vector_store %arg25[%swap3A_279], %swap3A_282 {strides = array<i32>} : memref<384xi32, #tpu.memory_space<vmem>>, vector<16xi32>,
      %broadcast_in_dim3A_283 = arith.constant -1.000000e+30 : f32
      %broadcast_in_dim3A_284 = vector.broadcast %broadcast_in_dim3A_283 : f32 to vector<16xf32>
      %swap3A_285 = arith.constant 368 : index
      %swap3A_286 = tpu.vector_load %arg26[%swap3A_285] {strides = array<i32>} : memref<384xf32, #tpu.memory_space<vmem>>, vector<16xf32>,
      %swap3A_287 = vector.shape_cast %swap3A_286 : vector<16xf32> to vector<16xf32>
      %swap3A_288 = vector.shape_cast %broadcast_in_dim3A_284 : vector<16xf32> to vector<16xf32>
      tpu.vector_store %arg26[%swap3A_285], %swap3A_288 {strides = array<i32>} : memref<384xf32, #tpu.memory_space<vmem>>, vector<16xf32>,
      %dma_start3A = tpu.memref_slice %arg10[%mul3A_2] : memref<6152xi32, #tpu.memory_space<hbm>> -> memref<384xi32, #tpu.memory_space<hbm>>
      %dma_start3A_289 = tpu.memref_slice %arg10[%mul3A_2] : memref<6152xi32, #tpu.memory_space<hbm>> -> memref<384xi32, #tpu.memory_space<hbm>>
      tpu.enqueue_dma source(%arg25 : memref<384xi32, #tpu.memory_space<vmem>>) target(%dma_start3A_289 : memref<384xi32, #tpu.memory_space<hbm>>) target_semaphore(%arg27 : memref<!tpu.dma_semaphore, #tpu.memory_space<semaphore_mem>>)
      %dma_start3A_290 = tpu.memref_slice %arg11[%mul3A_2] : memref<6152xf32, #tpu.memory_space<hbm>> -> memref<384xf32, #tpu.memory_space<hbm>>
      %dma_start3A_291 = tpu.memref_slice %arg11[%mul3A_2] : memref<6152xf32, #tpu.memory_space<hbm>> -> memref<384xf32, #tpu.memory_space<hbm>>
      tpu.enqueue_dma source(%arg26 : memref<384xf32, #tpu.memory_space<vmem>>) target(%dma_start3A_291 : memref<384xf32, #tpu.memory_space<hbm>>) target_semaphore(%arg27 : memref<!tpu.dma_semaphore, #tpu.memory_space<semaphore_mem>>)
      %dma_wait3A = tpu.memref_slice %arg10[%mul3A_2] : memref<6152xi32, #tpu.memory_space<hbm>> -> memref<384xi32, #tpu.memory_space<hbm>>
      %dma_wait3A_292 = tpu.memref_slice %arg10[%mul3A_2] : memref<6152xi32, #tpu.memory_space<hbm>> -> memref<384xi32, #tpu.memory_space<hbm>>
      tpu.wait_dma2 semaphore(%arg27 : memref<!tpu.dma_semaphore, #tpu.memory_space<semaphore_mem>>) src(%arg25 : memref<384xi32, #tpu.memory_space<vmem>>) dst(%dma_wait3A_292 : memref<384xi32, #tpu.memory_space<hbm>>)
      %dma_wait3A_293 = tpu.memref_slice %arg11[%mul3A_2] : memref<6152xf32, #tpu.memory_space<hbm>> -> memref<384xf32, #tpu.memory_space<hbm>>
      %dma_wait3A_294 = tpu.memref_slice %arg11[%mul3A_2] : memref<6152xf32, #tpu.memory_space<hbm>> -> memref<384xf32, #tpu.memory_space<hbm>>
      tpu.wait_dma2 semaphore(%arg27 : memref<!tpu.dma_semaphore, #tpu.memory_space<semaphore_mem>>) src(%arg26 : memref<384xf32, #tpu.memory_space<vmem>>) dst(%dma_wait3A_294 : memref<384xf32, #tpu.memory_space<hbm>>)
      %lt3A = arith.constant 10 : i32
      %lt3A_295 = arith.cmpi slt, %arg1, %lt3A : i32
      %convert_element_type3A_296 = arith.extui %lt3A_295 : i1 to i32
      %cond3A_297 = arith.constant 0 : i32
      %cond3A_298 = arith.cmpi ne, %convert_element_type3A_296, %cond3A_297 : i32
      scf.if %cond3A_298 {
        %mul3A_304 = arith.constant 16 : i32
        %mul3A_305 = arith.muli %arg1, %mul3A_304 : i32
        %dma_start3A_306 = arith.constant 0 : i32
        %dma_start3A_307 = tpu.memref_slice %arg2[%mul3A_305, %dma_start3A_306] : memref<160x128xi32, #tpu.memory_space<hbm>> -> memref<16x128xi32, #tpu.memory_space<hbm>>
        %dma_start3A_308 = arith.constant 0 : i32
        %dma_start3A_309 = tpu.memref_slice %arg2[%mul3A_305, %dma_start3A_308] : memref<160x128xi32, #tpu.memory_space<hbm>> -> memref<16x128xi32, #tpu.memory_space<hbm>>
        tpu.enqueue_dma source(%dma_start3A_309 : memref<16x128xi32, #tpu.memory_space<hbm>>) target(%arg17 : memref<16x128xi32, #tpu.memory_space<vmem>>) target_semaphore(%arg27 : memref<!tpu.dma_semaphore, #tpu.memory_space<semaphore_mem>>)
        %dma_start3A_310 = arith.constant 0 : i32
        %dma_start3A_311 = tpu.memref_slice %arg3[%mul3A_305, %dma_start3A_310] : memref<160x128xi32, #tpu.memory_space<hbm>> -> memref<16x128xi32, #tpu.memory_space<hbm>>
        %dma_start3A_312 = arith.constant 0 : i32
        %dma_start3A_313 = tpu.memref_slice %arg3[%mul3A_305, %dma_start3A_312] : memref<160x128xi32, #tpu.memory_space<hbm>> -> memref<16x128xi32, #tpu.memory_space<hbm>>
        tpu.enqueue_dma source(%dma_start3A_313 : memref<16x128xi32, #tpu.memory_space<hbm>>) target(%arg18 : memref<16x128xi32, #tpu.memory_space<vmem>>) target_semaphore(%arg27 : memref<!tpu.dma_semaphore, #tpu.memory_space<semaphore_mem>>)
        %dma_start3A_314 = arith.constant 0 : i32
        %dma_start3A_315 = tpu.memref_slice %arg4[%mul3A_305, %dma_start3A_314] : memref<160x128xf32, #tpu.memory_space<hbm>> -> memref<16x128xf32, #tpu.memory_space<hbm>>
        %dma_start3A_316 = arith.constant 0 : i32
        %dma_start3A_317 = tpu.memref_slice %arg4[%mul3A_305, %dma_start3A_316] : memref<160x128xf32, #tpu.memory_space<hbm>> -> memref<16x128xf32, #tpu.memory_space<hbm>>
        tpu.enqueue_dma source(%dma_start3A_317 : memref<16x128xf32, #tpu.memory_space<hbm>>) target(%arg19 : memref<16x128xf32, #tpu.memory_space<vmem>>) target_semaphore(%arg27 : memref<!tpu.dma_semaphore, #tpu.memory_space<semaphore_mem>>)
        %dma_start3A_318 = arith.constant 0 : i32
        %dma_start3A_319 = tpu.memref_slice %arg5[%mul3A_305, %dma_start3A_318] : memref<160x128xf32, #tpu.memory_space<hbm>> -> memref<16x128xf32, #tpu.memory_space<hbm>>
        %dma_start3A_320 = arith.constant 0 : i32
        %dma_start3A_321 = tpu.memref_slice %arg5[%mul3A_305, %dma_start3A_320] : memref<160x128xf32, #tpu.memory_space<hbm>> -> memref<16x128xf32, #tpu.memory_space<hbm>>
        tpu.enqueue_dma source(%dma_start3A_321 : memref<16x128xf32, #tpu.memory_space<hbm>>) target(%arg20 : memref<16x128xf32, #tpu.memory_space<vmem>>) target_semaphore(%arg27 : memref<!tpu.dma_semaphore, #tpu.memory_space<semaphore_mem>>)
        %dma_start3A_322 = arith.constant 0 : i32
        %dma_start3A_323 = tpu.memref_slice %arg6[%mul3A_305, %dma_start3A_322] : memref<160x128xf32, #tpu.memory_space<hbm>> -> memref<16x128xf32, #tpu.memory_space<hbm>>
        %dma_start3A_324 = arith.constant 0 : i32
        %dma_start3A_325 = tpu.memref_slice %arg6[%mul3A_305, %dma_start3A_324] : memref<160x128xf32, #tpu.memory_space<hbm>> -> memref<16x128xf32, #tpu.memory_space<hbm>>
        tpu.enqueue_dma source(%dma_start3A_325 : memref<16x128xf32, #tpu.memory_space<hbm>>) target(%arg21 : memref<16x128xf32, #tpu.memory_space<vmem>>) target_semaphore(%arg27 : memref<!tpu.dma_semaphore, #tpu.memory_space<semaphore_mem>>)
        %dma_start3A_326 = arith.constant 0 : i32
        %dma_start3A_327 = tpu.memref_slice %arg7[%mul3A_305, %dma_start3A_326] : memref<160x128xf32, #tpu.memory_space<hbm>> -> memref<16x128xf32, #tpu.memory_space<hbm>>
        %dma_start3A_328 = arith.constant 0 : i32
        %dma_start3A_329 = tpu.memref_slice %arg7[%mul3A_305, %dma_start3A_328] : memref<160x128xf32, #tpu.memory_space<hbm>> -> memref<16x128xf32, #tpu.memory_space<hbm>>
        tpu.enqueue_dma source(%dma_start3A_329 : memref<16x128xf32, #tpu.memory_space<hbm>>) target(%arg22 : memref<16x128xf32, #tpu.memory_space<vmem>>) target_semaphore(%arg27 : memref<!tpu.dma_semaphore, #tpu.memory_space<semaphore_mem>>)
        %dma_start3A_330 = arith.constant 0 : i32
        %dma_start3A_331 = tpu.memref_slice %arg8[%mul3A_305, %dma_start3A_330] : memref<160x128xf32, #tpu.memory_space<hbm>> -> memref<16x128xf32, #tpu.memory_space<hbm>>
        %dma_start3A_332 = arith.constant 0 : i32
        %dma_start3A_333 = tpu.memref_slice %arg8[%mul3A_305, %dma_start3A_332] : memref<160x128xf32, #tpu.memory_space<hbm>> -> memref<16x128xf32, #tpu.memory_space<hbm>>
        tpu.enqueue_dma source(%dma_start3A_333 : memref<16x128xf32, #tpu.memory_space<hbm>>) target(%arg23 : memref<16x128xf32, #tpu.memory_space<vmem>>) target_semaphore(%arg27 : memref<!tpu.dma_semaphore, #tpu.memory_space<semaphore_mem>>)
        %dma_start3A_334 = arith.constant 0 : i32
        %dma_start3A_335 = tpu.memref_slice %arg9[%mul3A_305, %dma_start3A_334] : memref<160x128xf32, #tpu.memory_space<hbm>> -> memref<16x128xf32, #tpu.memory_space<hbm>>
        %dma_start3A_336 = arith.constant 0 : i32
        %dma_start3A_337 = tpu.memref_slice %arg9[%mul3A_305, %dma_start3A_336] : memref<160x128xf32, #tpu.memory_space<hbm>> -> memref<16x128xf32, #tpu.memory_space<hbm>>
        tpu.enqueue_dma source(%dma_start3A_337 : memref<16x128xf32, #tpu.memory_space<hbm>>) target(%arg24 : memref<16x128xf32, #tpu.memory_space<vmem>>) target_semaphore(%arg27 : memref<!tpu.dma_semaphore, #tpu.memory_space<semaphore_mem>>)
        %dma_wait3A_338 = arith.constant 0 : i32
        %dma_wait3A_339 = tpu.memref_slice %arg2[%mul3A_305, %dma_wait3A_338] : memref<160x128xi32, #tpu.memory_space<hbm>> -> memref<16x128xi32, #tpu.memory_space<hbm>>
        %dma_wait3A_340 = arith.constant 0 : i32
        %dma_wait3A_341 = tpu.memref_slice %arg2[%mul3A_305, %dma_wait3A_340] : memref<160x128xi32, #tpu.memory_space<hbm>> -> memref<16x128xi32, #tpu.memory_space<hbm>>
        tpu.wait_dma2 semaphore(%arg27 : memref<!tpu.dma_semaphore, #tpu.memory_space<semaphore_mem>>) src(%dma_wait3A_341 : memref<16x128xi32, #tpu.memory_space<hbm>>) dst(%arg17 : memref<16x128xi32, #tpu.memory_space<vmem>>)
        %dma_wait3A_342 = arith.constant 0 : i32
        %dma_wait3A_343 = tpu.memref_slice %arg3[%mul3A_305, %dma_wait3A_342] : memref<160x128xi32, #tpu.memory_space<hbm>> -> memref<16x128xi32, #tpu.memory_space<hbm>>
        %dma_wait3A_344 = arith.constant 0 : i32
        %dma_wait3A_345 = tpu.memref_slice %arg3[%mul3A_305, %dma_wait3A_344] : memref<160x128xi32, #tpu.memory_space<hbm>> -> memref<16x128xi32, #tpu.memory_space<hbm>>
        tpu.wait_dma2 semaphore(%arg27 : memref<!tpu.dma_semaphore, #tpu.memory_space<semaphore_mem>>) src(%dma_wait3A_345 : memref<16x128xi32, #tpu.memory_space<hbm>>) dst(%arg18 : memref<16x128xi32, #tpu.memory_space<vmem>>)
        %dma_wait3A_346 = arith.constant 0 : i32
        %dma_wait3A_347 = tpu.memref_slice %arg4[%mul3A_305, %dma_wait3A_346] : memref<160x128xf32, #tpu.memory_space<hbm>> -> memref<16x128xf32, #tpu.memory_space<hbm>>
        %dma_wait3A_348 = arith.constant 0 : i32
        %dma_wait3A_349 = tpu.memref_slice %arg4[%mul3A_305, %dma_wait3A_348] : memref<160x128xf32, #tpu.memory_space<hbm>> -> memref<16x128xf32, #tpu.memory_space<hbm>>
        tpu.wait_dma2 semaphore(%arg27 : memref<!tpu.dma_semaphore, #tpu.memory_space<semaphore_mem>>) src(%dma_wait3A_349 : memref<16x128xf32, #tpu.memory_space<hbm>>) dst(%arg19 : memref<16x128xf32, #tpu.memory_space<vmem>>)
        %dma_wait3A_350 = arith.constant 0 : i32
        %dma_wait3A_351 = tpu.memref_slice %arg5[%mul3A_305, %dma_wait3A_350] : memref<160x128xf32, #tpu.memory_space<hbm>> -> memref<16x128xf32, #tpu.memory_space<hbm>>
        %dma_wait3A_352 = arith.constant 0 : i32
        %dma_wait3A_353 = tpu.memref_slice %arg5[%mul3A_305, %dma_wait3A_352] : memref<160x128xf32, #tpu.memory_space<hbm>> -> memref<16x128xf32, #tpu.memory_space<hbm>>
        tpu.wait_dma2 semaphore(%arg27 : memref<!tpu.dma_semaphore, #tpu.memory_space<semaphore_mem>>) src(%dma_wait3A_353 : memref<16x128xf32, #tpu.memory_space<hbm>>) dst(%arg20 : memref<16x128xf32, #tpu.memory_space<vmem>>)
        %dma_wait3A_354 = arith.constant 0 : i32
        %dma_wait3A_355 = tpu.memref_slice %arg6[%mul3A_305, %dma_wait3A_354] : memref<160x128xf32, #tpu.memory_space<hbm>> -> memref<16x128xf32, #tpu.memory_space<hbm>>
        %dma_wait3A_356 = arith.constant 0 : i32
        %dma_wait3A_357 = tpu.memref_slice %arg6[%mul3A_305, %dma_wait3A_356] : memref<160x128xf32, #tpu.memory_space<hbm>> -> memref<16x128xf32, #tpu.memory_space<hbm>>
        tpu.wait_dma2 semaphore(%arg27 : memref<!tpu.dma_semaphore, #tpu.memory_space<semaphore_mem>>) src(%dma_wait3A_357 : memref<16x128xf32, #tpu.memory_space<hbm>>) dst(%arg21 : memref<16x128xf32, #tpu.memory_space<vmem>>)
        %dma_wait3A_358 = arith.constant 0 : i32
        %dma_wait3A_359 = tpu.memref_slice %arg7[%mul3A_305, %dma_wait3A_358] : memref<160x128xf32, #tpu.memory_space<hbm>> -> memref<16x128xf32, #tpu.memory_space<hbm>>
        %dma_wait3A_360 = arith.constant 0 : i32
        %dma_wait3A_361 = tpu.memref_slice %arg7[%mul3A_305, %dma_wait3A_360] : memref<160x128xf32, #tpu.memory_space<hbm>> -> memref<16x128xf32, #tpu.memory_space<hbm>>
        tpu.wait_dma2 semaphore(%arg27 : memref<!tpu.dma_semaphore, #tpu.memory_space<semaphore_mem>>) src(%dma_wait3A_361 : memref<16x128xf32, #tpu.memory_space<hbm>>) dst(%arg22 : memref<16x128xf32, #tpu.memory_space<vmem>>)
        %dma_wait3A_362 = arith.constant 0 : i32
        %dma_wait3A_363 = tpu.memref_slice %arg8[%mul3A_305, %dma_wait3A_362] : memref<160x128xf32, #tpu.memory_space<hbm>> -> memref<16x128xf32, #tpu.memory_space<hbm>>
        %dma_wait3A_364 = arith.constant 0 : i32
        %dma_wait3A_365 = tpu.memref_slice %arg8[%mul3A_305, %dma_wait3A_364] : memref<160x128xf32, #tpu.memory_space<hbm>> -> memref<16x128xf32, #tpu.memory_space<hbm>>
        tpu.wait_dma2 semaphore(%arg27 : memref<!tpu.dma_semaphore, #tpu.memory_space<semaphore_mem>>) src(%dma_wait3A_365 : memref<16x128xf32, #tpu.memory_space<hbm>>) dst(%arg23 : memref<16x128xf32, #tpu.memory_space<vmem>>)
        %dma_wait3A_366 = arith.constant 0 : i32
        %dma_wait3A_367 = tpu.memref_slice %arg9[%mul3A_305, %dma_wait3A_366] : memref<160x128xf32, #tpu.memory_space<hbm>> -> memref<16x128xf32, #tpu.memory_space<hbm>>
        %dma_wait3A_368 = arith.constant 0 : i32
        %dma_wait3A_369 = tpu.memref_slice %arg9[%mul3A_305, %dma_wait3A_368] : memref<160x128xf32, #tpu.memory_space<hbm>> -> memref<16x128xf32, #tpu.memory_space<hbm>>
        tpu.wait_dma2 semaphore(%arg27 : memref<!tpu.dma_semaphore, #tpu.memory_space<semaphore_mem>>) src(%dma_wait3A_369 : memref<16x128xf32, #tpu.memory_space<hbm>>) dst(%arg24 : memref<16x128xf32, #tpu.memory_space<vmem>>)
      } else {
      }
      %barrier3A = arith.constant 0 : index
      tpu.barrier barrier_id(%barrier3A)
      %lt3A_299 = arith.constant 10 : i32
      %lt3A_300 = arith.cmpi slt, %arg1, %lt3A_299 : i32
      %convert_element_type3A_301 = arith.extui %lt3A_300 : i1 to i32
      %cond3A_302 = arith.constant 0 : i32
      %cond3A_303 = arith.cmpi ne, %convert_element_type3A_301, %cond3A_302 : i32
      scf.if %cond3A_303 {
        %dma_start3A_304 = arith.constant 0 : i32
        %dma_start3A_305 = arith.constant 0 : i32
        %dma_start3A_306 = arith.constant 0 : i32
        %dma_start3A_307 = tpu.memref_slice %arg18[%dma_start3A_304, %dma_start3A_306] : memref<16x128xi32, #tpu.memory_space<vmem>> -> memref<1x128xi32, #tpu.memory_space<vmem>>
        %dma_start3A_308 = tpu.memref_squeeze %dma_start3A_307 : memref<1x128xi32, #tpu.memory_space<vmem>> -> memref<128xi32, #tpu.memory_space<vmem>>
        %dma_start3A_309 = arith.constant 0 : i32
        %dma_start3A_310 = tpu.memref_slice %arg17[%dma_start3A_305, %dma_start3A_309] : memref<16x128xi32, #tpu.memory_space<vmem>> -> memref<1x128xi32, #tpu.memory_space<vmem>>
        %dma_start3A_311 = tpu.memref_squeeze %dma_start3A_310 : memref<1x128xi32, #tpu.memory_space<vmem>> -> memref<128xi32, #tpu.memory_space<vmem>>
        %dma_start3A_312 = arith.constant 0 : i32
        %dma_start3A_313 = tpu.memref_slice %arg10[%dma_start3A_312] : memref<6152xi32, #tpu.memory_space<hbm>> -> memref<6152xi32, #tpu.memory_space<hbm>>
        tpu.enqueue_indirect_dma source(%dma_start3A_308 : memref<128xi32, #tpu.memory_space<vmem>>) target(%dma_start3A_313 : memref<6152xi32, #tpu.memory_space<hbm>>) offsets(%dma_start3A_311 : memref<128xi32, #tpu.memory_space<vmem>>) semaphore(%arg27 : memref<!tpu.dma_semaphore, #tpu.memory_space<semaphore_mem>>)
        %dma_start3A_314 = arith.constant 0 : i32
        %dma_start3A_315 = arith.constant 0 : i32
        %dma_start3A_316 = arith.constant 0 : i32
        %dma_start3A_317 = tpu.memref_slice %arg19[%dma_start3A_314, %dma_start3A_316] : memref<16x128xf32, #tpu.memory_space<vmem>> -> memref<1x128xf32, #tpu.memory_space<vmem>>
        %dma_start3A_318 = tpu.memref_squeeze %dma_start3A_317 : memref<1x128xf32, #tpu.memory_space<vmem>> -> memref<128xf32, #tpu.memory_space<vmem>>
        %dma_start3A_319 = arith.constant 0 : i32
        %dma_start3A_320 = tpu.memref_slice %arg17[%dma_start3A_315, %dma_start3A_319] : memref<16x128xi32, #tpu.memory_space<vmem>> -> memref<1x128xi32, #tpu.memory_space<vmem>>
        %dma_start3A_321 = tpu.memref_squeeze %dma_start3A_320 : memref<1x128xi32, #tpu.memory_space<vmem>> -> memref<128xi32, #tpu.memory_space<vmem>>
        %dma_start3A_322 = arith.constant 0 : i32
        %dma_start3A_323 = tpu.memref_slice %arg11[%dma_start3A_322] : memref<6152xf32, #tpu.memory_space<hbm>> -> memref<6152xf32, #tpu.memory_space<hbm>>
        tpu.enqueue_indirect_dma source(%dma_start3A_318 : memref<128xf32, #tpu.memory_space<vmem>>) target(%dma_start3A_323 : memref<6152xf32, #tpu.memory_space<hbm>>) offsets(%dma_start3A_321 : memref<128xi32, #tpu.memory_space<vmem>>) semaphore(%arg27 : memref<!tpu.dma_semaphore, #tpu.memory_space<semaphore_mem>>)
        %dma_start3A_324 = arith.constant 0 : i32
        %dma_start3A_325 = arith.constant 0 : i32
        %dma_start3A_326 = arith.constant 0 : i32
        %dma_start3A_327 = tpu.memref_slice %arg20[%dma_start3A_324, %dma_start3A_326] : memref<16x128xf32, #tpu.memory_space<vmem>> -> memref<1x128xf32, #tpu.memory_space<vmem>>
        %dma_start3A_328 = tpu.memref_squeeze %dma_start3A_327 : memref<1x128xf32, #tpu.memory_space<vmem>> -> memref<128xf32, #tpu.memory_space<vmem>>
        %dma_start3A_329 = arith.constant 0 : i32
        %dma_start3A_330 = tpu.memref_slice %arg17[%dma_start3A_325, %dma_start3A_329] : memref<16x128xi32, #tpu.memory_space<vmem>> -> memref<1x128xi32, #tpu.memory_space<vmem>>
        %dma_start3A_331 = tpu.memref_squeeze %dma_start3A_330 : memref<1x128xi32, #tpu.memory_space<vmem>> -> memref<128xi32, #tpu.memory_space<vmem>>
        %dma_start3A_332 = arith.constant 0 : i32
        %dma_start3A_333 = tpu.memref_slice %arg12[%dma_start3A_332] : memref<6152xf32, #tpu.memory_space<hbm>> -> memref<6152xf32, #tpu.memory_space<hbm>>
        tpu.enqueue_indirect_dma source(%dma_start3A_328 : memref<128xf32, #tpu.memory_space<vmem>>) target(%dma_start3A_333 : memref<6152xf32, #tpu.memory_space<hbm>>) offsets(%dma_start3A_331 : memref<128xi32, #tpu.memory_space<vmem>>) semaphore(%arg27 : memref<!tpu.dma_semaphore, #tpu.memory_space<semaphore_mem>>)
        %dma_start3A_334 = arith.constant 0 : i32
        %dma_start3A_335 = arith.constant 0 : i32
        %dma_start3A_336 = arith.constant 0 : i32
        %dma_start3A_337 = tpu.memref_slice %arg21[%dma_start3A_334, %dma_start3A_336] : memref<16x128xf32, #tpu.memory_space<vmem>> -> memref<1x128xf32, #tpu.memory_space<vmem>>
        %dma_start3A_338 = tpu.memref_squeeze %dma_start3A_337 : memref<1x128xf32, #tpu.memory_space<vmem>> -> memref<128xf32, #tpu.memory_space<vmem>>
        %dma_start3A_339 = arith.constant 0 : i32
        %dma_start3A_340 = tpu.memref_slice %arg17[%dma_start3A_335, %dma_start3A_339] : memref<16x128xi32, #tpu.memory_space<vmem>> -> memref<1x128xi32, #tpu.memory_space<vmem>>
        %dma_start3A_341 = tpu.memref_squeeze %dma_start3A_340 : memref<1x128xi32, #tpu.memory_space<vmem>> -> memref<128xi32, #tpu.memory_space<vmem>>
        %dma_start3A_342 = arith.constant 0 : i32
        %dma_start3A_343 = tpu.memref_slice %arg13[%dma_start3A_342] : memref<6152xf32, #tpu.memory_space<hbm>> -> memref<6152xf32, #tpu.memory_space<hbm>>
        tpu.enqueue_indirect_dma source(%dma_start3A_338 : memref<128xf32, #tpu.memory_space<vmem>>) target(%dma_start3A_343 : memref<6152xf32, #tpu.memory_space<hbm>>) offsets(%dma_start3A_341 : memref<128xi32, #tpu.memory_space<vmem>>) semaphore(%arg27 : memref<!tpu.dma_semaphore, #tpu.memory_space<semaphore_mem>>)
        %dma_start3A_344 = arith.constant 0 : i32
        %dma_start3A_345 = arith.constant 0 : i32
        %dma_start3A_346 = arith.constant 0 : i32
        %dma_start3A_347 = tpu.memref_slice %arg22[%dma_start3A_344, %dma_start3A_346] : memref<16x128xf32, #tpu.memory_space<vmem>> -> memref<1x128xf32, #tpu.memory_space<vmem>>
        %dma_start3A_348 = tpu.memref_squeeze %dma_start3A_347 : memref<1x128xf32, #tpu.memory_space<vmem>> -> memref<128xf32, #tpu.memory_space<vmem>>
        %dma_start3A_349 = arith.constant 0 : i32
        %dma_start3A_350 = tpu.memref_slice %arg17[%dma_start3A_345, %dma_start3A_349] : memref<16x128xi32, #tpu.memory_space<vmem>> -> memref<1x128xi32, #tpu.memory_space<vmem>>
        %dma_start3A_351 = tpu.memref_squeeze %dma_start3A_350 : memref<1x128xi32, #tpu.memory_space<vmem>> -> memref<128xi32, #tpu.memory_space<vmem>>
        %dma_start3A_352 = arith.constant 0 : i32
        %dma_start3A_353 = tpu.memref_slice %arg14[%dma_start3A_352] : memref<6152xf32, #tpu.memory_space<hbm>> -> memref<6152xf32, #tpu.memory_space<hbm>>
        tpu.enqueue_indirect_dma source(%dma_start3A_348 : memref<128xf32, #tpu.memory_space<vmem>>) target(%dma_start3A_353 : memref<6152xf32, #tpu.memory_space<hbm>>) offsets(%dma_start3A_351 : memref<128xi32, #tpu.memory_space<vmem>>) semaphore(%arg27 : memref<!tpu.dma_semaphore, #tpu.memory_space<semaphore_mem>>)
        %dma_start3A_354 = arith.constant 0 : i32
        %dma_start3A_355 = arith.constant 0 : i32
        %dma_start3A_356 = arith.constant 0 : i32
        %dma_start3A_357 = tpu.memref_slice %arg23[%dma_start3A_354, %dma_start3A_356] : memref<16x128xf32, #tpu.memory_space<vmem>> -> memref<1x128xf32, #tpu.memory_space<vmem>>
        %dma_start3A_358 = tpu.memref_squeeze %dma_start3A_357 : memref<1x128xf32, #tpu.memory_space<vmem>> -> memref<128xf32, #tpu.memory_space<vmem>>
        %dma_start3A_359 = arith.constant 0 : i32
        %dma_start3A_360 = tpu.memref_slice %arg17[%dma_start3A_355, %dma_start3A_359] : memref<16x128xi32, #tpu.memory_space<vmem>> -> memref<1x128xi32, #tpu.memory_space<vmem>>
        %dma_start3A_361 = tpu.memref_squeeze %dma_start3A_360 : memref<1x128xi32, #tpu.memory_space<vmem>> -> memref<128xi32, #tpu.memory_space<vmem>>
        %dma_start3A_362 = arith.constant 0 : i32
        %dma_start3A_363 = tpu.memref_slice %arg15[%dma_start3A_362] : memref<6152xf32, #tpu.memory_space<hbm>> -> memref<6152xf32, #tpu.memory_space<hbm>>
        tpu.enqueue_indirect_dma source(%dma_start3A_358 : memref<128xf32, #tpu.memory_space<vmem>>) target(%dma_start3A_363 : memref<6152xf32, #tpu.memory_space<hbm>>) offsets(%dma_start3A_361 : memref<128xi32, #tpu.memory_space<vmem>>) semaphore(%arg27 : memref<!tpu.dma_semaphore, #tpu.memory_space<semaphore_mem>>)
        %dma_start3A_364 = arith.constant 0 : i32
        %dma_start3A_365 = arith.constant 0 : i32
        %dma_start3A_366 = arith.constant 0 : i32
        %dma_start3A_367 = tpu.memref_slice %arg24[%dma_start3A_364, %dma_start3A_366] : memref<16x128xf32, #tpu.memory_space<vmem>> -> memref<1x128xf32, #tpu.memory_space<vmem>>
        %dma_start3A_368 = tpu.memref_squeeze %dma_start3A_367 : memref<1x128xf32, #tpu.memory_space<vmem>> -> memref<128xf32, #tpu.memory_space<vmem>>
        %dma_start3A_369 = arith.constant 0 : i32
        %dma_start3A_370 = tpu.memref_slice %arg17[%dma_start3A_365, %dma_start3A_369] : memref<16x128xi32, #tpu.memory_space<vmem>> -> memref<1x128xi32, #tpu.memory_space<vmem>>
        %dma_start3A_371 = tpu.memref_squeeze %dma_start3A_370 : memref<1x128xi32, #tpu.memory_space<vmem>> -> memref<128xi32, #tpu.memory_space<vmem>>
        %dma_start3A_372 = arith.constant 0 : i32
        %dma_start3A_373 = tpu.memref_slice %arg16[%dma_start3A_372] : memref<6152xf32, #tpu.memory_space<hbm>> -> memref<6152xf32, #tpu.memory_space<hbm>>
        tpu.enqueue_indirect_dma source(%dma_start3A_368 : memref<128xf32, #tpu.memory_space<vmem>>) target(%dma_start3A_373 : memref<6152xf32, #tpu.memory_space<hbm>>) offsets(%dma_start3A_371 : memref<128xi32, #tpu.memory_space<vmem>>) semaphore(%arg27 : memref<!tpu.dma_semaphore, #tpu.memory_space<semaphore_mem>>)
        %dma_start3A_374 = arith.constant 1 : i32
        %dma_start3A_375 = arith.constant 1 : i32
        %dma_start3A_376 = arith.constant 0 : i32
        %dma_start3A_377 = tpu.memref_slice %arg18[%dma_start3A_374, %dma_start3A_376] : memref<16x128xi32, #tpu.memory_space<vmem>> -> memref<1x128xi32, #tpu.memory_space<vmem>>
        %dma_start3A_378 = tpu.memref_squeeze %dma_start3A_377 : memref<1x128xi32, #tpu.memory_space<vmem>> -> memref<128xi32, #tpu.memory_space<vmem>>
        %dma_start3A_379 = arith.constant 0 : i32
        %dma_start3A_380 = tpu.memref_slice %arg17[%dma_start3A_375, %dma_start3A_379] : memref<16x128xi32, #tpu.memory_space<vmem>> -> memref<1x128xi32, #tpu.memory_space<vmem>>
        %dma_start3A_381 = tpu.memref_squeeze %dma_start3A_380 : memref<1x128xi32, #tpu.memory_space<vmem>> -> memref<128xi32, #tpu.memory_space<vmem>>
        %dma_start3A_382 = arith.constant 0 : i32
        %dma_start3A_383 = tpu.memref_slice %arg10[%dma_start3A_382] : memref<6152xi32, #tpu.memory_space<hbm>> -> memref<6152xi32, #tpu.memory_space<hbm>>
        tpu.enqueue_indirect_dma source(%dma_start3A_378 : memref<128xi32, #tpu.memory_space<vmem>>) target(%dma_start3A_383 : memref<6152xi32, #tpu.memory_space<hbm>>) offsets(%dma_start3A_381 : memref<128xi32, #tpu.memory_space<vmem>>) semaphore(%arg27 : memref<!tpu.dma_semaphore, #tpu.memory_space<semaphore_mem>>)
        %dma_start3A_384 = arith.constant 1 : i32
        %dma_start3A_385 = arith.constant 1 : i32
        %dma_start3A_386 = arith.constant 0 : i32
        %dma_start3A_387 = tpu.memref_slice %arg19[%dma_start3A_384, %dma_start3A_386] : memref<16x128xf32, #tpu.memory_space<vmem>> -> memref<1x128xf32, #tpu.memory_space<vmem>>
        %dma_start3A_388 = tpu.memref_squeeze %dma_start3A_387 : memref<1x128xf32, #tpu.memory_space<vmem>> -> memref<128xf32, #tpu.memory_space<vmem>>
        %dma_start3A_389 = arith.constant 0 : i32
        %dma_start3A_390 = tpu.memref_slice %arg17[%dma_start3A_385, %dma_start3A_389] : memref<16x128xi32, #tpu.memory_space<vmem>> -> memref<1x128xi32, #tpu.memory_space<vmem>>
        %dma_start3A_391 = tpu.memref_squeeze %dma_start3A_390 : memref<1x128xi32, #tpu.memory_space<vmem>> -> memref<128xi32, #tpu.memory_space<vmem>>
        %dma_start3A_392 = arith.constant 0 : i32
        %dma_start3A_393 = tpu.memref_slice %arg11[%dma_start3A_392] : memref<6152xf32, #tpu.memory_space<hbm>> -> memref<6152xf32, #tpu.memory_space<hbm>>
        tpu.enqueue_indirect_dma source(%dma_start3A_388 : memref<128xf32, #tpu.memory_space<vmem>>) target(%dma_start3A_393 : memref<6152xf32, #tpu.memory_space<hbm>>) offsets(%dma_start3A_391 : memref<128xi32, #tpu.memory_space<vmem>>) semaphore(%arg27 : memref<!tpu.dma_semaphore, #tpu.memory_space<semaphore_mem>>)
        %dma_start3A_394 = arith.constant 1 : i32
        %dma_start3A_395 = arith.constant 1 : i32
        %dma_start3A_396 = arith.constant 0 : i32
        %dma_start3A_397 = tpu.memref_slice %arg20[%dma_start3A_394, %dma_start3A_396] : memref<16x128xf32, #tpu.memory_space<vmem>> -> memref<1x128xf32, #tpu.memory_space<vmem>>
        %dma_start3A_398 = tpu.memref_squeeze %dma_start3A_397 : memref<1x128xf32, #tpu.memory_space<vmem>> -> memref<128xf32, #tpu.memory_space<vmem>>
        %dma_start3A_399 = arith.constant 0 : i32
        %dma_start3A_400 = tpu.memref_slice %arg17[%dma_start3A_395, %dma_start3A_399] : memref<16x128xi32, #tpu.memory_space<vmem>> -> memref<1x128xi32, #tpu.memory_space<vmem>>
        %dma_start3A_401 = tpu.memref_squeeze %dma_start3A_400 : memref<1x128xi32, #tpu.memory_space<vmem>> -> memref<128xi32, #tpu.memory_space<vmem>>
        %dma_start3A_402 = arith.constant 0 : i32
        %dma_start3A_403 = tpu.memref_slice %arg12[%dma_start3A_402] : memref<6152xf32, #tpu.memory_space<hbm>> -> memref<6152xf32, #tpu.memory_space<hbm>>
        tpu.enqueue_indirect_dma source(%dma_start3A_398 : memref<128xf32, #tpu.memory_space<vmem>>) target(%dma_start3A_403 : memref<6152xf32, #tpu.memory_space<hbm>>) offsets(%dma_start3A_401 : memref<128xi32, #tpu.memory_space<vmem>>) semaphore(%arg27 : memref<!tpu.dma_semaphore, #tpu.memory_space<semaphore_mem>>)
        %dma_start3A_404 = arith.constant 1 : i32
        %dma_start3A_405 = arith.constant 1 : i32
        %dma_start3A_406 = arith.constant 0 : i32
        %dma_start3A_407 = tpu.memref_slice %arg21[%dma_start3A_404, %dma_start3A_406] : memref<16x128xf32, #tpu.memory_space<vmem>> -> memref<1x128xf32, #tpu.memory_space<vmem>>
        %dma_start3A_408 = tpu.memref_squeeze %dma_start3A_407 : memref<1x128xf32, #tpu.memory_space<vmem>> -> memref<128xf32, #tpu.memory_space<vmem>>
        %dma_start3A_409 = arith.constant 0 : i32
        %dma_start3A_410 = tpu.memref_slice %arg17[%dma_start3A_405, %dma_start3A_409] : memref<16x128xi32, #tpu.memory_space<vmem>> -> memref<1x128xi32, #tpu.memory_space<vmem>>
        %dma_start3A_411 = tpu.memref_squeeze %dma_start3A_410 : memref<1x128xi32, #tpu.memory_space<vmem>> -> memref<128xi32, #tpu.memory_space<vmem>>
        %dma_start3A_412 = arith.constant 0 : i32
        %dma_start3A_413 = tpu.memref_slice %arg13[%dma_start3A_412] : memref<6152xf32, #tpu.memory_space<hbm>> -> memref<6152xf32, #tpu.memory_space<hbm>>
        tpu.enqueue_indirect_dma source(%dma_start3A_408 : memref<128xf32, #tpu.memory_space<vmem>>) target(%dma_start3A_413 : memref<6152xf32, #tpu.memory_space<hbm>>) offsets(%dma_start3A_411 : memref<128xi32, #tpu.memory_space<vmem>>) semaphore(%arg27 : memref<!tpu.dma_semaphore, #tpu.memory_space<semaphore_mem>>)
        %dma_start3A_414 = arith.constant 1 : i32
        %dma_start3A_415 = arith.constant 1 : i32
        %dma_start3A_416 = arith.constant 0 : i32
        %dma_start3A_417 = tpu.memref_slice %arg22[%dma_start3A_414, %dma_start3A_416] : memref<16x128xf32, #tpu.memory_space<vmem>> -> memref<1x128xf32, #tpu.memory_space<vmem>>
        %dma_start3A_418 = tpu.memref_squeeze %dma_start3A_417 : memref<1x128xf32, #tpu.memory_space<vmem>> -> memref<128xf32, #tpu.memory_space<vmem>>
        %dma_start3A_419 = arith.constant 0 : i32
        %dma_start3A_420 = tpu.memref_slice %arg17[%dma_start3A_415, %dma_start3A_419] : memref<16x128xi32, #tpu.memory_space<vmem>> -> memref<1x128xi32, #tpu.memory_space<vmem>>
        %dma_start3A_421 = tpu.memref_squeeze %dma_start3A_420 : memref<1x128xi32, #tpu.memory_space<vmem>> -> memref<128xi32, #tpu.memory_space<vmem>>
        %dma_start3A_422 = arith.constant 0 : i32
        %dma_start3A_423 = tpu.memref_slice %arg14[%dma_start3A_422] : memref<6152xf32, #tpu.memory_space<hbm>> -> memref<6152xf32, #tpu.memory_space<hbm>>
        tpu.enqueue_indirect_dma source(%dma_start3A_418 : memref<128xf32, #tpu.memory_space<vmem>>) target(%dma_start3A_423 : memref<6152xf32, #tpu.memory_space<hbm>>) offsets(%dma_start3A_421 : memref<128xi32, #tpu.memory_space<vmem>>) semaphore(%arg27 : memref<!tpu.dma_semaphore, #tpu.memory_space<semaphore_mem>>)
        %dma_start3A_424 = arith.constant 1 : i32
        %dma_start3A_425 = arith.constant 1 : i32
        %dma_start3A_426 = arith.constant 0 : i32
        %dma_start3A_427 = tpu.memref_slice %arg23[%dma_start3A_424, %dma_start3A_426] : memref<16x128xf32, #tpu.memory_space<vmem>> -> memref<1x128xf32, #tpu.memory_space<vmem>>
        %dma_start3A_428 = tpu.memref_squeeze %dma_start3A_427 : memref<1x128xf32, #tpu.memory_space<vmem>> -> memref<128xf32, #tpu.memory_space<vmem>>
        %dma_start3A_429 = arith.constant 0 : i32
        %dma_start3A_430 = tpu.memref_slice %arg17[%dma_start3A_425, %dma_start3A_429] : memref<16x128xi32, #tpu.memory_space<vmem>> -> memref<1x128xi32, #tpu.memory_space<vmem>>
        %dma_start3A_431 = tpu.memref_squeeze %dma_start3A_430 : memref<1x128xi32, #tpu.memory_space<vmem>> -> memref<128xi32, #tpu.memory_space<vmem>>
        %dma_start3A_432 = arith.constant 0 : i32
        %dma_start3A_433 = tpu.memref_slice %arg15[%dma_start3A_432] : memref<6152xf32, #tpu.memory_space<hbm>> -> memref<6152xf32, #tpu.memory_space<hbm>>
        tpu.enqueue_indirect_dma source(%dma_start3A_428 : memref<128xf32, #tpu.memory_space<vmem>>) target(%dma_start3A_433 : memref<6152xf32, #tpu.memory_space<hbm>>) offsets(%dma_start3A_431 : memref<128xi32, #tpu.memory_space<vmem>>) semaphore(%arg27 : memref<!tpu.dma_semaphore, #tpu.memory_space<semaphore_mem>>)
        %dma_start3A_434 = arith.constant 1 : i32
        %dma_start3A_435 = arith.constant 1 : i32
        %dma_start3A_436 = arith.constant 0 : i32
        %dma_start3A_437 = tpu.memref_slice %arg24[%dma_start3A_434, %dma_start3A_436] : memref<16x128xf32, #tpu.memory_space<vmem>> -> memref<1x128xf32, #tpu.memory_space<vmem>>
        %dma_start3A_438 = tpu.memref_squeeze %dma_start3A_437 : memref<1x128xf32, #tpu.memory_space<vmem>> -> memref<128xf32, #tpu.memory_space<vmem>>
        %dma_start3A_439 = arith.constant 0 : i32
        %dma_start3A_440 = tpu.memref_slice %arg17[%dma_start3A_435, %dma_start3A_439] : memref<16x128xi32, #tpu.memory_space<vmem>> -> memref<1x128xi32, #tpu.memory_space<vmem>>
        %dma_start3A_441 = tpu.memref_squeeze %dma_start3A_440 : memref<1x128xi32, #tpu.memory_space<vmem>> -> memref<128xi32, #tpu.memory_space<vmem>>
        %dma_start3A_442 = arith.constant 0 : i32
        %dma_start3A_443 = tpu.memref_slice %arg16[%dma_start3A_442] : memref<6152xf32, #tpu.memory_space<hbm>> -> memref<6152xf32, #tpu.memory_space<hbm>>
        tpu.enqueue_indirect_dma source(%dma_start3A_438 : memref<128xf32, #tpu.memory_space<vmem>>) target(%dma_start3A_443 : memref<6152xf32, #tpu.memory_space<hbm>>) offsets(%dma_start3A_441 : memref<128xi32, #tpu.memory_space<vmem>>) semaphore(%arg27 : memref<!tpu.dma_semaphore, #tpu.memory_space<semaphore_mem>>)
        %dma_start3A_444 = arith.constant 2 : i32
        %dma_start3A_445 = arith.constant 2 : i32
        %dma_start3A_446 = arith.constant 0 : i32
        %dma_start3A_447 = tpu.memref_slice %arg18[%dma_start3A_444, %dma_start3A_446] : memref<16x128xi32, #tpu.memory_space<vmem>> -> memref<1x128xi32, #tpu.memory_space<vmem>>
        %dma_start3A_448 = tpu.memref_squeeze %dma_start3A_447 : memref<1x128xi32, #tpu.memory_space<vmem>> -> memref<128xi32, #tpu.memory_space<vmem>>
        %dma_start3A_449 = arith.constant 0 : i32
        %dma_start3A_450 = tpu.memref_slice %arg17[%dma_start3A_445, %dma_start3A_449] : memref<16x128xi32, #tpu.memory_space<vmem>> -> memref<1x128xi32, #tpu.memory_space<vmem>>
        %dma_start3A_451 = tpu.memref_squeeze %dma_start3A_450 : memref<1x128xi32, #tpu.memory_space<vmem>> -> memref<128xi32, #tpu.memory_space<vmem>>
        %dma_start3A_452 = arith.constant 0 : i32
        %dma_start3A_453 = tpu.memref_slice %arg10[%dma_start3A_452] : memref<6152xi32, #tpu.memory_space<hbm>> -> memref<6152xi32, #tpu.memory_space<hbm>>
        tpu.enqueue_indirect_dma source(%dma_start3A_448 : memref<128xi32, #tpu.memory_space<vmem>>) target(%dma_start3A_453 : memref<6152xi32, #tpu.memory_space<hbm>>) offsets(%dma_start3A_451 : memref<128xi32, #tpu.memory_space<vmem>>) semaphore(%arg27 : memref<!tpu.dma_semaphore, #tpu.memory_space<semaphore_mem>>)
        %dma_start3A_454 = arith.constant 2 : i32
        %dma_start3A_455 = arith.constant 2 : i32
        %dma_start3A_456 = arith.constant 0 : i32
        %dma_start3A_457 = tpu.memref_slice %arg19[%dma_start3A_454, %dma_start3A_456] : memref<16x128xf32, #tpu.memory_space<vmem>> -> memref<1x128xf32, #tpu.memory_space<vmem>>
        %dma_start3A_458 = tpu.memref_squeeze %dma_start3A_457 : memref<1x128xf32, #tpu.memory_space<vmem>> -> memref<128xf32, #tpu.memory_space<vmem>>
        %dma_start3A_459 = arith.constant 0 : i32
        %dma_start3A_460 = tpu.memref_slice %arg17[%dma_start3A_455, %dma_start3A_459] : memref<16x128xi32, #tpu.memory_space<vmem>> -> memref<1x128xi32, #tpu.memory_space<vmem>>
        %dma_start3A_461 = tpu.memref_squeeze %dma_start3A_460 : memref<1x128xi32, #tpu.memory_space<vmem>> -> memref<128xi32, #tpu.memory_space<vmem>>
        %dma_start3A_462 = arith.constant 0 : i32
        %dma_start3A_463 = tpu.memref_slice %arg11[%dma_start3A_462] : memref<6152xf32, #tpu.memory_space<hbm>> -> memref<6152xf32, #tpu.memory_space<hbm>>
        tpu.enqueue_indirect_dma source(%dma_start3A_458 : memref<128xf32, #tpu.memory_space<vmem>>) target(%dma_start3A_463 : memref<6152xf32, #tpu.memory_space<hbm>>) offsets(%dma_start3A_461 : memref<128xi32, #tpu.memory_space<vmem>>) semaphore(%arg27 : memref<!tpu.dma_semaphore, #tpu.memory_space<semaphore_mem>>)
        %dma_start3A_464 = arith.constant 2 : i32
        %dma_start3A_465 = arith.constant 2 : i32
        %dma_start3A_466 = arith.constant 0 : i32
        %dma_start3A_467 = tpu.memref_slice %arg20[%dma_start3A_464, %dma_start3A_466] : memref<16x128xf32, #tpu.memory_space<vmem>> -> memref<1x128xf32, #tpu.memory_space<vmem>>
        %dma_start3A_468 = tpu.memref_squeeze %dma_start3A_467 : memref<1x128xf32, #tpu.memory_space<vmem>> -> memref<128xf32, #tpu.memory_space<vmem>>
        %dma_start3A_469 = arith.constant 0 : i32
        %dma_start3A_470 = tpu.memref_slice %arg17[%dma_start3A_465, %dma_start3A_469] : memref<16x128xi32, #tpu.memory_space<vmem>> -> memref<1x128xi32, #tpu.memory_space<vmem>>
        %dma_start3A_471 = tpu.memref_squeeze %dma_start3A_470 : memref<1x128xi32, #tpu.memory_space<vmem>> -> memref<128xi32, #tpu.memory_space<vmem>>
        %dma_start3A_472 = arith.constant 0 : i32
        %dma_start3A_473 = tpu.memref_slice %arg12[%dma_start3A_472] : memref<6152xf32, #tpu.memory_space<hbm>> -> memref<6152xf32, #tpu.memory_space<hbm>>
        tpu.enqueue_indirect_dma source(%dma_start3A_468 : memref<128xf32, #tpu.memory_space<vmem>>) target(%dma_start3A_473 : memref<6152xf32, #tpu.memory_space<hbm>>) offsets(%dma_start3A_471 : memref<128xi32, #tpu.memory_space<vmem>>) semaphore(%arg27 : memref<!tpu.dma_semaphore, #tpu.memory_space<semaphore_mem>>)
        %dma_start3A_474 = arith.constant 2 : i32
        %dma_start3A_475 = arith.constant 2 : i32
        %dma_start3A_476 = arith.constant 0 : i32
        %dma_start3A_477 = tpu.memref_slice %arg21[%dma_start3A_474, %dma_start3A_476] : memref<16x128xf32, #tpu.memory_space<vmem>> -> memref<1x128xf32, #tpu.memory_space<vmem>>
        %dma_start3A_478 = tpu.memref_squeeze %dma_start3A_477 : memref<1x128xf32, #tpu.memory_space<vmem>> -> memref<128xf32, #tpu.memory_space<vmem>>
        %dma_start3A_479 = arith.constant 0 : i32
        %dma_start3A_480 = tpu.memref_slice %arg17[%dma_start3A_475, %dma_start3A_479] : memref<16x128xi32, #tpu.memory_space<vmem>> -> memref<1x128xi32, #tpu.memory_space<vmem>>
        %dma_start3A_481 = tpu.memref_squeeze %dma_start3A_480 : memref<1x128xi32, #tpu.memory_space<vmem>> -> memref<128xi32, #tpu.memory_space<vmem>>
        %dma_start3A_482 = arith.constant 0 : i32
        %dma_start3A_483 = tpu.memref_slice %arg13[%dma_start3A_482] : memref<6152xf32, #tpu.memory_space<hbm>> -> memref<6152xf32, #tpu.memory_space<hbm>>
        tpu.enqueue_indirect_dma source(%dma_start3A_478 : memref<128xf32, #tpu.memory_space<vmem>>) target(%dma_start3A_483 : memref<6152xf32, #tpu.memory_space<hbm>>) offsets(%dma_start3A_481 : memref<128xi32, #tpu.memory_space<vmem>>) semaphore(%arg27 : memref<!tpu.dma_semaphore, #tpu.memory_space<semaphore_mem>>)
        %dma_start3A_484 = arith.constant 2 : i32
        %dma_start3A_485 = arith.constant 2 : i32
        %dma_start3A_486 = arith.constant 0 : i32
        %dma_start3A_487 = tpu.memref_slice %arg22[%dma_start3A_484, %dma_start3A_486] : memref<16x128xf32, #tpu.memory_space<vmem>> -> memref<1x128xf32, #tpu.memory_space<vmem>>
        %dma_start3A_488 = tpu.memref_squeeze %dma_start3A_487 : memref<1x128xf32, #tpu.memory_space<vmem>> -> memref<128xf32, #tpu.memory_space<vmem>>
        %dma_start3A_489 = arith.constant 0 : i32
        %dma_start3A_490 = tpu.memref_slice %arg17[%dma_start3A_485, %dma_start3A_489] : memref<16x128xi32, #tpu.memory_space<vmem>> -> memref<1x128xi32, #tpu.memory_space<vmem>>
        %dma_start3A_491 = tpu.memref_squeeze %dma_start3A_490 : memref<1x128xi32, #tpu.memory_space<vmem>> -> memref<128xi32, #tpu.memory_space<vmem>>
        %dma_start3A_492 = arith.constant 0 : i32
        %dma_start3A_493 = tpu.memref_slice %arg14[%dma_start3A_492] : memref<6152xf32, #tpu.memory_space<hbm>> -> memref<6152xf32, #tpu.memory_space<hbm>>
        tpu.enqueue_indirect_dma source(%dma_start3A_488 : memref<128xf32, #tpu.memory_space<vmem>>) target(%dma_start3A_493 : memref<6152xf32, #tpu.memory_space<hbm>>) offsets(%dma_start3A_491 : memref<128xi32, #tpu.memory_space<vmem>>) semaphore(%arg27 : memref<!tpu.dma_semaphore, #tpu.memory_space<semaphore_mem>>)
        %dma_start3A_494 = arith.constant 2 : i32
        %dma_start3A_495 = arith.constant 2 : i32
        %dma_start3A_496 = arith.constant 0 : i32
        %dma_start3A_497 = tpu.memref_slice %arg23[%dma_start3A_494, %dma_start3A_496] : memref<16x128xf32, #tpu.memory_space<vmem>> -> memref<1x128xf32, #tpu.memory_space<vmem>>
        %dma_start3A_498 = tpu.memref_squeeze %dma_start3A_497 : memref<1x128xf32, #tpu.memory_space<vmem>> -> memref<128xf32, #tpu.memory_space<vmem>>
        %dma_start3A_499 = arith.constant 0 : i32
        %dma_start3A_500 = tpu.memref_slice %arg17[%dma_start3A_495, %dma_start3A_499] : memref<16x128xi32, #tpu.memory_space<vmem>> -> memref<1x128xi32, #tpu.memory_space<vmem>>
        %dma_start3A_501 = tpu.memref_squeeze %dma_start3A_500 : memref<1x128xi32, #tpu.memory_space<vmem>> -> memref<128xi32, #tpu.memory_space<vmem>>
        %dma_start3A_502 = arith.constant 0 : i32
        %dma_start3A_503 = tpu.memref_slice %arg15[%dma_start3A_502] : memref<6152xf32, #tpu.memory_space<hbm>> -> memref<6152xf32, #tpu.memory_space<hbm>>
        tpu.enqueue_indirect_dma source(%dma_start3A_498 : memref<128xf32, #tpu.memory_space<vmem>>) target(%dma_start3A_503 : memref<6152xf32, #tpu.memory_space<hbm>>) offsets(%dma_start3A_501 : memref<128xi32, #tpu.memory_space<vmem>>) semaphore(%arg27 : memref<!tpu.dma_semaphore, #tpu.memory_space<semaphore_mem>>)
        %dma_start3A_504 = arith.constant 2 : i32
        %dma_start3A_505 = arith.constant 2 : i32
        %dma_start3A_506 = arith.constant 0 : i32
        %dma_start3A_507 = tpu.memref_slice %arg24[%dma_start3A_504, %dma_start3A_506] : memref<16x128xf32, #tpu.memory_space<vmem>> -> memref<1x128xf32, #tpu.memory_space<vmem>>
        %dma_start3A_508 = tpu.memref_squeeze %dma_start3A_507 : memref<1x128xf32, #tpu.memory_space<vmem>> -> memref<128xf32, #tpu.memory_space<vmem>>
        %dma_start3A_509 = arith.constant 0 : i32
        %dma_start3A_510 = tpu.memref_slice %arg17[%dma_start3A_505, %dma_start3A_509] : memref<16x128xi32, #tpu.memory_space<vmem>> -> memref<1x128xi32, #tpu.memory_space<vmem>>
        %dma_start3A_511 = tpu.memref_squeeze %dma_start3A_510 : memref<1x128xi32, #tpu.memory_space<vmem>> -> memref<128xi32, #tpu.memory_space<vmem>>
        %dma_start3A_512 = arith.constant 0 : i32
        %dma_start3A_513 = tpu.memref_slice %arg16[%dma_start3A_512] : memref<6152xf32, #tpu.memory_space<hbm>> -> memref<6152xf32, #tpu.memory_space<hbm>>
        tpu.enqueue_indirect_dma source(%dma_start3A_508 : memref<128xf32, #tpu.memory_space<vmem>>) target(%dma_start3A_513 : memref<6152xf32, #tpu.memory_space<hbm>>) offsets(%dma_start3A_511 : memref<128xi32, #tpu.memory_space<vmem>>) semaphore(%arg27 : memref<!tpu.dma_semaphore, #tpu.memory_space<semaphore_mem>>)
        %dma_start3A_514 = arith.constant 3 : i32
        %dma_start3A_515 = arith.constant 3 : i32
        %dma_start3A_516 = arith.constant 0 : i32
        %dma_start3A_517 = tpu.memref_slice %arg18[%dma_start3A_514, %dma_start3A_516] : memref<16x128xi32, #tpu.memory_space<vmem>> -> memref<1x128xi32, #tpu.memory_space<vmem>>
        %dma_start3A_518 = tpu.memref_squeeze %dma_start3A_517 : memref<1x128xi32, #tpu.memory_space<vmem>> -> memref<128xi32, #tpu.memory_space<vmem>>
        %dma_start3A_519 = arith.constant 0 : i32
        %dma_start3A_520 = tpu.memref_slice %arg17[%dma_start3A_515, %dma_start3A_519] : memref<16x128xi32, #tpu.memory_space<vmem>> -> memref<1x128xi32, #tpu.memory_space<vmem>>
        %dma_start3A_521 = tpu.memref_squeeze %dma_start3A_520 : memref<1x128xi32, #tpu.memory_space<vmem>> -> memref<128xi32, #tpu.memory_space<vmem>>
        %dma_start3A_522 = arith.constant 0 : i32
        %dma_start3A_523 = tpu.memref_slice %arg10[%dma_start3A_522] : memref<6152xi32, #tpu.memory_space<hbm>> -> memref<6152xi32, #tpu.memory_space<hbm>>
        tpu.enqueue_indirect_dma source(%dma_start3A_518 : memref<128xi32, #tpu.memory_space<vmem>>) target(%dma_start3A_523 : memref<6152xi32, #tpu.memory_space<hbm>>) offsets(%dma_start3A_521 : memref<128xi32, #tpu.memory_space<vmem>>) semaphore(%arg27 : memref<!tpu.dma_semaphore, #tpu.memory_space<semaphore_mem>>)
        %dma_start3A_524 = arith.constant 3 : i32
        %dma_start3A_525 = arith.constant 3 : i32
        %dma_start3A_526 = arith.constant 0 : i32
        %dma_start3A_527 = tpu.memref_slice %arg19[%dma_start3A_524, %dma_start3A_526] : memref<16x128xf32, #tpu.memory_space<vmem>> -> memref<1x128xf32, #tpu.memory_space<vmem>>
        %dma_start3A_528 = tpu.memref_squeeze %dma_start3A_527 : memref<1x128xf32, #tpu.memory_space<vmem>> -> memref<128xf32, #tpu.memory_space<vmem>>
        %dma_start3A_529 = arith.constant 0 : i32
        %dma_start3A_530 = tpu.memref_slice %arg17[%dma_start3A_525, %dma_start3A_529] : memref<16x128xi32, #tpu.memory_space<vmem>> -> memref<1x128xi32, #tpu.memory_space<vmem>>
        %dma_start3A_531 = tpu.memref_squeeze %dma_start3A_530 : memref<1x128xi32, #tpu.memory_space<vmem>> -> memref<128xi32, #tpu.memory_space<vmem>>
        %dma_start3A_532 = arith.constant 0 : i32
        %dma_start3A_533 = tpu.memref_slice %arg11[%dma_start3A_532] : memref<6152xf32, #tpu.memory_space<hbm>> -> memref<6152xf32, #tpu.memory_space<hbm>>
        tpu.enqueue_indirect_dma source(%dma_start3A_528 : memref<128xf32, #tpu.memory_space<vmem>>) target(%dma_start3A_533 : memref<6152xf32, #tpu.memory_space<hbm>>) offsets(%dma_start3A_531 : memref<128xi32, #tpu.memory_space<vmem>>) semaphore(%arg27 : memref<!tpu.dma_semaphore, #tpu.memory_space<semaphore_mem>>)
        %dma_start3A_534 = arith.constant 3 : i32
        %dma_start3A_535 = arith.constant 3 : i32
        %dma_start3A_536 = arith.constant 0 : i32
        %dma_start3A_537 = tpu.memref_slice %arg20[%dma_start3A_534, %dma_start3A_536] : memref<16x128xf32, #tpu.memory_space<vmem>> -> memref<1x128xf32, #tpu.memory_space<vmem>>
        %dma_start3A_538 = tpu.memref_squeeze %dma_start3A_537 : memref<1x128xf32, #tpu.memory_space<vmem>> -> memref<128xf32, #tpu.memory_space<vmem>>
        %dma_start3A_539 = arith.constant 0 : i32
        %dma_start3A_540 = tpu.memref_slice %arg17[%dma_start3A_535, %dma_start3A_539] : memref<16x128xi32, #tpu.memory_space<vmem>> -> memref<1x128xi32, #tpu.memory_space<vmem>>
        %dma_start3A_541 = tpu.memref_squeeze %dma_start3A_540 : memref<1x128xi32, #tpu.memory_space<vmem>> -> memref<128xi32, #tpu.memory_space<vmem>>
        %dma_start3A_542 = arith.constant 0 : i32
        %dma_start3A_543 = tpu.memref_slice %arg12[%dma_start3A_542] : memref<6152xf32, #tpu.memory_space<hbm>> -> memref<6152xf32, #tpu.memory_space<hbm>>
        tpu.enqueue_indirect_dma source(%dma_start3A_538 : memref<128xf32, #tpu.memory_space<vmem>>) target(%dma_start3A_543 : memref<6152xf32, #tpu.memory_space<hbm>>) offsets(%dma_start3A_541 : memref<128xi32, #tpu.memory_space<vmem>>) semaphore(%arg27 : memref<!tpu.dma_semaphore, #tpu.memory_space<semaphore_mem>>)
        %dma_start3A_544 = arith.constant 3 : i32
        %dma_start3A_545 = arith.constant 3 : i32
        %dma_start3A_546 = arith.constant 0 : i32
        %dma_start3A_547 = tpu.memref_slice %arg21[%dma_start3A_544, %dma_start3A_546] : memref<16x128xf32, #tpu.memory_space<vmem>> -> memref<1x128xf32, #tpu.memory_space<vmem>>
        %dma_start3A_548 = tpu.memref_squeeze %dma_start3A_547 : memref<1x128xf32, #tpu.memory_space<vmem>> -> memref<128xf32, #tpu.memory_space<vmem>>
        %dma_start3A_549 = arith.constant 0 : i32
        %dma_start3A_550 = tpu.memref_slice %arg17[%dma_start3A_545, %dma_start3A_549] : memref<16x128xi32, #tpu.memory_space<vmem>> -> memref<1x128xi32, #tpu.memory_space<vmem>>
        %dma_start3A_551 = tpu.memref_squeeze %dma_start3A_550 : memref<1x128xi32, #tpu.memory_space<vmem>> -> memref<128xi32, #tpu.memory_space<vmem>>
        %dma_start3A_552 = arith.constant 0 : i32
        %dma_start3A_553 = tpu.memref_slice %arg13[%dma_start3A_552] : memref<6152xf32, #tpu.memory_space<hbm>> -> memref<6152xf32, #tpu.memory_space<hbm>>
        tpu.enqueue_indirect_dma source(%dma_start3A_548 : memref<128xf32, #tpu.memory_space<vmem>>) target(%dma_start3A_553 : memref<6152xf32, #tpu.memory_space<hbm>>) offsets(%dma_start3A_551 : memref<128xi32, #tpu.memory_space<vmem>>) semaphore(%arg27 : memref<!tpu.dma_semaphore, #tpu.memory_space<semaphore_mem>>)
        %dma_start3A_554 = arith.constant 3 : i32
        %dma_start3A_555 = arith.constant 3 : i32
        %dma_start3A_556 = arith.constant 0 : i32
        %dma_start3A_557 = tpu.memref_slice %arg22[%dma_start3A_554, %dma_start3A_556] : memref<16x128xf32, #tpu.memory_space<vmem>> -> memref<1x128xf32, #tpu.memory_space<vmem>>
        %dma_start3A_558 = tpu.memref_squeeze %dma_start3A_557 : memref<1x128xf32, #tpu.memory_space<vmem>> -> memref<128xf32, #tpu.memory_space<vmem>>
        %dma_start3A_559 = arith.constant 0 : i32
        %dma_start3A_560 = tpu.memref_slice %arg17[%dma_start3A_555, %dma_start3A_559] : memref<16x128xi32, #tpu.memory_space<vmem>> -> memref<1x128xi32, #tpu.memory_space<vmem>>
        %dma_start3A_561 = tpu.memref_squeeze %dma_start3A_560 : memref<1x128xi32, #tpu.memory_space<vmem>> -> memref<128xi32, #tpu.memory_space<vmem>>
        %dma_start3A_562 = arith.constant 0 : i32
        %dma_start3A_563 = tpu.memref_slice %arg14[%dma_start3A_562] : memref<6152xf32, #tpu.memory_space<hbm>> -> memref<6152xf32, #tpu.memory_space<hbm>>
        tpu.enqueue_indirect_dma source(%dma_start3A_558 : memref<128xf32, #tpu.memory_space<vmem>>) target(%dma_start3A_563 : memref<6152xf32, #tpu.memory_space<hbm>>) offsets(%dma_start3A_561 : memref<128xi32, #tpu.memory_space<vmem>>) semaphore(%arg27 : memref<!tpu.dma_semaphore, #tpu.memory_space<semaphore_mem>>)
        %dma_start3A_564 = arith.constant 3 : i32
        %dma_start3A_565 = arith.constant 3 : i32
        %dma_start3A_566 = arith.constant 0 : i32
        %dma_start3A_567 = tpu.memref_slice %arg23[%dma_start3A_564, %dma_start3A_566] : memref<16x128xf32, #tpu.memory_space<vmem>> -> memref<1x128xf32, #tpu.memory_space<vmem>>
        %dma_start3A_568 = tpu.memref_squeeze %dma_start3A_567 : memref<1x128xf32, #tpu.memory_space<vmem>> -> memref<128xf32, #tpu.memory_space<vmem>>
        %dma_start3A_569 = arith.constant 0 : i32
        %dma_start3A_570 = tpu.memref_slice %arg17[%dma_start3A_565, %dma_start3A_569] : memref<16x128xi32, #tpu.memory_space<vmem>> -> memref<1x128xi32, #tpu.memory_space<vmem>>
        %dma_start3A_571 = tpu.memref_squeeze %dma_start3A_570 : memref<1x128xi32, #tpu.memory_space<vmem>> -> memref<128xi32, #tpu.memory_space<vmem>>
        %dma_start3A_572 = arith.constant 0 : i32
        %dma_start3A_573 = tpu.memref_slice %arg15[%dma_start3A_572] : memref<6152xf32, #tpu.memory_space<hbm>> -> memref<6152xf32, #tpu.memory_space<hbm>>
        tpu.enqueue_indirect_dma source(%dma_start3A_568 : memref<128xf32, #tpu.memory_space<vmem>>) target(%dma_start3A_573 : memref<6152xf32, #tpu.memory_space<hbm>>) offsets(%dma_start3A_571 : memref<128xi32, #tpu.memory_space<vmem>>) semaphore(%arg27 : memref<!tpu.dma_semaphore, #tpu.memory_space<semaphore_mem>>)
        %dma_start3A_574 = arith.constant 3 : i32
        %dma_start3A_575 = arith.constant 3 : i32
        %dma_start3A_576 = arith.constant 0 : i32
        %dma_start3A_577 = tpu.memref_slice %arg24[%dma_start3A_574, %dma_start3A_576] : memref<16x128xf32, #tpu.memory_space<vmem>> -> memref<1x128xf32, #tpu.memory_space<vmem>>
        %dma_start3A_578 = tpu.memref_squeeze %dma_start3A_577 : memref<1x128xf32, #tpu.memory_space<vmem>> -> memref<128xf32, #tpu.memory_space<vmem>>
        %dma_start3A_579 = arith.constant 0 : i32
        %dma_start3A_580 = tpu.memref_slice %arg17[%dma_start3A_575, %dma_start3A_579] : memref<16x128xi32, #tpu.memory_space<vmem>> -> memref<1x128xi32, #tpu.memory_space<vmem>>
        %dma_start3A_581 = tpu.memref_squeeze %dma_start3A_580 : memref<1x128xi32, #tpu.memory_space<vmem>> -> memref<128xi32, #tpu.memory_space<vmem>>
        %dma_start3A_582 = arith.constant 0 : i32
        %dma_start3A_583 = tpu.memref_slice %arg16[%dma_start3A_582] : memref<6152xf32, #tpu.memory_space<hbm>> -> memref<6152xf32, #tpu.memory_space<hbm>>
        tpu.enqueue_indirect_dma source(%dma_start3A_578 : memref<128xf32, #tpu.memory_space<vmem>>) target(%dma_start3A_583 : memref<6152xf32, #tpu.memory_space<hbm>>) offsets(%dma_start3A_581 : memref<128xi32, #tpu.memory_space<vmem>>) semaphore(%arg27 : memref<!tpu.dma_semaphore, #tpu.memory_space<semaphore_mem>>)
        %dma_start3A_584 = arith.constant 4 : i32
        %dma_start3A_585 = arith.constant 4 : i32
        %dma_start3A_586 = arith.constant 0 : i32
        %dma_start3A_587 = tpu.memref_slice %arg18[%dma_start3A_584, %dma_start3A_586] : memref<16x128xi32, #tpu.memory_space<vmem>> -> memref<1x128xi32, #tpu.memory_space<vmem>>
        %dma_start3A_588 = tpu.memref_squeeze %dma_start3A_587 : memref<1x128xi32, #tpu.memory_space<vmem>> -> memref<128xi32, #tpu.memory_space<vmem>>
        %dma_start3A_589 = arith.constant 0 : i32
        %dma_start3A_590 = tpu.memref_slice %arg17[%dma_start3A_585, %dma_start3A_589] : memref<16x128xi32, #tpu.memory_space<vmem>> -> memref<1x128xi32, #tpu.memory_space<vmem>>
        %dma_start3A_591 = tpu.memref_squeeze %dma_start3A_590 : memref<1x128xi32, #tpu.memory_space<vmem>> -> memref<128xi32, #tpu.memory_space<vmem>>
        %dma_start3A_592 = arith.constant 0 : i32
        %dma_start3A_593 = tpu.memref_slice %arg10[%dma_start3A_592] : memref<6152xi32, #tpu.memory_space<hbm>> -> memref<6152xi32, #tpu.memory_space<hbm>>
        tpu.enqueue_indirect_dma source(%dma_start3A_588 : memref<128xi32, #tpu.memory_space<vmem>>) target(%dma_start3A_593 : memref<6152xi32, #tpu.memory_space<hbm>>) offsets(%dma_start3A_591 : memref<128xi32, #tpu.memory_space<vmem>>) semaphore(%arg27 : memref<!tpu.dma_semaphore, #tpu.memory_space<semaphore_mem>>)
        %dma_start3A_594 = arith.constant 4 : i32
        %dma_start3A_595 = arith.constant 4 : i32
        %dma_start3A_596 = arith.constant 0 : i32
        %dma_start3A_597 = tpu.memref_slice %arg19[%dma_start3A_594, %dma_start3A_596] : memref<16x128xf32, #tpu.memory_space<vmem>> -> memref<1x128xf32, #tpu.memory_space<vmem>>
        %dma_start3A_598 = tpu.memref_squeeze %dma_start3A_597 : memref<1x128xf32, #tpu.memory_space<vmem>> -> memref<128xf32, #tpu.memory_space<vmem>>
        %dma_start3A_599 = arith.constant 0 : i32
        %dma_start3A_600 = tpu.memref_slice %arg17[%dma_start3A_595, %dma_start3A_599] : memref<16x128xi32, #tpu.memory_space<vmem>> -> memref<1x128xi32, #tpu.memory_space<vmem>>
        %dma_start3A_601 = tpu.memref_squeeze %dma_start3A_600 : memref<1x128xi32, #tpu.memory_space<vmem>> -> memref<128xi32, #tpu.memory_space<vmem>>
        %dma_start3A_602 = arith.constant 0 : i32
        %dma_start3A_603 = tpu.memref_slice %arg11[%dma_start3A_602] : memref<6152xf32, #tpu.memory_space<hbm>> -> memref<6152xf32, #tpu.memory_space<hbm>>
        tpu.enqueue_indirect_dma source(%dma_start3A_598 : memref<128xf32, #tpu.memory_space<vmem>>) target(%dma_start3A_603 : memref<6152xf32, #tpu.memory_space<hbm>>) offsets(%dma_start3A_601 : memref<128xi32, #tpu.memory_space<vmem>>) semaphore(%arg27 : memref<!tpu.dma_semaphore, #tpu.memory_space<semaphore_mem>>)
        %dma_start3A_604 = arith.constant 4 : i32
        %dma_start3A_605 = arith.constant 4 : i32
        %dma_start3A_606 = arith.constant 0 : i32
        %dma_start3A_607 = tpu.memref_slice %arg20[%dma_start3A_604, %dma_start3A_606] : memref<16x128xf32, #tpu.memory_space<vmem>> -> memref<1x128xf32, #tpu.memory_space<vmem>>
        %dma_start3A_608 = tpu.memref_squeeze %dma_start3A_607 : memref<1x128xf32, #tpu.memory_space<vmem>> -> memref<128xf32, #tpu.memory_space<vmem>>
        %dma_start3A_609 = arith.constant 0 : i32
        %dma_start3A_610 = tpu.memref_slice %arg17[%dma_start3A_605, %dma_start3A_609] : memref<16x128xi32, #tpu.memory_space<vmem>> -> memref<1x128xi32, #tpu.memory_space<vmem>>
        %dma_start3A_611 = tpu.memref_squeeze %dma_start3A_610 : memref<1x128xi32, #tpu.memory_space<vmem>> -> memref<128xi32, #tpu.memory_space<vmem>>
        %dma_start3A_612 = arith.constant 0 : i32
        %dma_start3A_613 = tpu.memref_slice %arg12[%dma_start3A_612] : memref<6152xf32, #tpu.memory_space<hbm>> -> memref<6152xf32, #tpu.memory_space<hbm>>
        tpu.enqueue_indirect_dma source(%dma_start3A_608 : memref<128xf32, #tpu.memory_space<vmem>>) target(%dma_start3A_613 : memref<6152xf32, #tpu.memory_space<hbm>>) offsets(%dma_start3A_611 : memref<128xi32, #tpu.memory_space<vmem>>) semaphore(%arg27 : memref<!tpu.dma_semaphore, #tpu.memory_space<semaphore_mem>>)
        %dma_start3A_614 = arith.constant 4 : i32
        %dma_start3A_615 = arith.constant 4 : i32
        %dma_start3A_616 = arith.constant 0 : i32
        %dma_start3A_617 = tpu.memref_slice %arg21[%dma_start3A_614, %dma_start3A_616] : memref<16x128xf32, #tpu.memory_space<vmem>> -> memref<1x128xf32, #tpu.memory_space<vmem>>
        %dma_start3A_618 = tpu.memref_squeeze %dma_start3A_617 : memref<1x128xf32, #tpu.memory_space<vmem>> -> memref<128xf32, #tpu.memory_space<vmem>>
        %dma_start3A_619 = arith.constant 0 : i32
        %dma_start3A_620 = tpu.memref_slice %arg17[%dma_start3A_615, %dma_start3A_619] : memref<16x128xi32, #tpu.memory_space<vmem>> -> memref<1x128xi32, #tpu.memory_space<vmem>>
        %dma_start3A_621 = tpu.memref_squeeze %dma_start3A_620 : memref<1x128xi32, #tpu.memory_space<vmem>> -> memref<128xi32, #tpu.memory_space<vmem>>
        %dma_start3A_622 = arith.constant 0 : i32
        %dma_start3A_623 = tpu.memref_slice %arg13[%dma_start3A_622] : memref<6152xf32, #tpu.memory_space<hbm>> -> memref<6152xf32, #tpu.memory_space<hbm>>
        tpu.enqueue_indirect_dma source(%dma_start3A_618 : memref<128xf32, #tpu.memory_space<vmem>>) target(%dma_start3A_623 : memref<6152xf32, #tpu.memory_space<hbm>>) offsets(%dma_start3A_621 : memref<128xi32, #tpu.memory_space<vmem>>) semaphore(%arg27 : memref<!tpu.dma_semaphore, #tpu.memory_space<semaphore_mem>>)
        %dma_start3A_624 = arith.constant 4 : i32
        %dma_start3A_625 = arith.constant 4 : i32
        %dma_start3A_626 = arith.constant 0 : i32
        %dma_start3A_627 = tpu.memref_slice %arg22[%dma_start3A_624, %dma_start3A_626] : memref<16x128xf32, #tpu.memory_space<vmem>> -> memref<1x128xf32, #tpu.memory_space<vmem>>
        %dma_start3A_628 = tpu.memref_squeeze %dma_start3A_627 : memref<1x128xf32, #tpu.memory_space<vmem>> -> memref<128xf32, #tpu.memory_space<vmem>>
        %dma_start3A_629 = arith.constant 0 : i32
        %dma_start3A_630 = tpu.memref_slice %arg17[%dma_start3A_625, %dma_start3A_629] : memref<16x128xi32, #tpu.memory_space<vmem>> -> memref<1x128xi32, #tpu.memory_space<vmem>>
        %dma_start3A_631 = tpu.memref_squeeze %dma_start3A_630 : memref<1x128xi32, #tpu.memory_space<vmem>> -> memref<128xi32, #tpu.memory_space<vmem>>
        %dma_start3A_632 = arith.constant 0 : i32
        %dma_start3A_633 = tpu.memref_slice %arg14[%dma_start3A_632] : memref<6152xf32, #tpu.memory_space<hbm>> -> memref<6152xf32, #tpu.memory_space<hbm>>
        tpu.enqueue_indirect_dma source(%dma_start3A_628 : memref<128xf32, #tpu.memory_space<vmem>>) target(%dma_start3A_633 : memref<6152xf32, #tpu.memory_space<hbm>>) offsets(%dma_start3A_631 : memref<128xi32, #tpu.memory_space<vmem>>) semaphore(%arg27 : memref<!tpu.dma_semaphore, #tpu.memory_space<semaphore_mem>>)
        %dma_start3A_634 = arith.constant 4 : i32
        %dma_start3A_635 = arith.constant 4 : i32
        %dma_start3A_636 = arith.constant 0 : i32
        %dma_start3A_637 = tpu.memref_slice %arg23[%dma_start3A_634, %dma_start3A_636] : memref<16x128xf32, #tpu.memory_space<vmem>> -> memref<1x128xf32, #tpu.memory_space<vmem>>
        %dma_start3A_638 = tpu.memref_squeeze %dma_start3A_637 : memref<1x128xf32, #tpu.memory_space<vmem>> -> memref<128xf32, #tpu.memory_space<vmem>>
        %dma_start3A_639 = arith.constant 0 : i32
        %dma_start3A_640 = tpu.memref_slice %arg17[%dma_start3A_635, %dma_start3A_639] : memref<16x128xi32, #tpu.memory_space<vmem>> -> memref<1x128xi32, #tpu.memory_space<vmem>>
        %dma_start3A_641 = tpu.memref_squeeze %dma_start3A_640 : memref<1x128xi32, #tpu.memory_space<vmem>> -> memref<128xi32, #tpu.memory_space<vmem>>
        %dma_start3A_642 = arith.constant 0 : i32
        %dma_start3A_643 = tpu.memref_slice %arg15[%dma_start3A_642] : memref<6152xf32, #tpu.memory_space<hbm>> -> memref<6152xf32, #tpu.memory_space<hbm>>
        tpu.enqueue_indirect_dma source(%dma_start3A_638 : memref<128xf32, #tpu.memory_space<vmem>>) target(%dma_start3A_643 : memref<6152xf32, #tpu.memory_space<hbm>>) offsets(%dma_start3A_641 : memref<128xi32, #tpu.memory_space<vmem>>) semaphore(%arg27 : memref<!tpu.dma_semaphore, #tpu.memory_space<semaphore_mem>>)
        %dma_start3A_644 = arith.constant 4 : i32
        %dma_start3A_645 = arith.constant 4 : i32
        %dma_start3A_646 = arith.constant 0 : i32
        %dma_start3A_647 = tpu.memref_slice %arg24[%dma_start3A_644, %dma_start3A_646] : memref<16x128xf32, #tpu.memory_space<vmem>> -> memref<1x128xf32, #tpu.memory_space<vmem>>
        %dma_start3A_648 = tpu.memref_squeeze %dma_start3A_647 : memref<1x128xf32, #tpu.memory_space<vmem>> -> memref<128xf32, #tpu.memory_space<vmem>>
        %dma_start3A_649 = arith.constant 0 : i32
        %dma_start3A_650 = tpu.memref_slice %arg17[%dma_start3A_645, %dma_start3A_649] : memref<16x128xi32, #tpu.memory_space<vmem>> -> memref<1x128xi32, #tpu.memory_space<vmem>>
        %dma_start3A_651 = tpu.memref_squeeze %dma_start3A_650 : memref<1x128xi32, #tpu.memory_space<vmem>> -> memref<128xi32, #tpu.memory_space<vmem>>
        %dma_start3A_652 = arith.constant 0 : i32
        %dma_start3A_653 = tpu.memref_slice %arg16[%dma_start3A_652] : memref<6152xf32, #tpu.memory_space<hbm>> -> memref<6152xf32, #tpu.memory_space<hbm>>
        tpu.enqueue_indirect_dma source(%dma_start3A_648 : memref<128xf32, #tpu.memory_space<vmem>>) target(%dma_start3A_653 : memref<6152xf32, #tpu.memory_space<hbm>>) offsets(%dma_start3A_651 : memref<128xi32, #tpu.memory_space<vmem>>) semaphore(%arg27 : memref<!tpu.dma_semaphore, #tpu.memory_space<semaphore_mem>>)
        %dma_start3A_654 = arith.constant 5 : i32
        %dma_start3A_655 = arith.constant 5 : i32
        %dma_start3A_656 = arith.constant 0 : i32
        %dma_start3A_657 = tpu.memref_slice %arg18[%dma_start3A_654, %dma_start3A_656] : memref<16x128xi32, #tpu.memory_space<vmem>> -> memref<1x128xi32, #tpu.memory_space<vmem>>
        %dma_start3A_658 = tpu.memref_squeeze %dma_start3A_657 : memref<1x128xi32, #tpu.memory_space<vmem>> -> memref<128xi32, #tpu.memory_space<vmem>>
        %dma_start3A_659 = arith.constant 0 : i32
        %dma_start3A_660 = tpu.memref_slice %arg17[%dma_start3A_655, %dma_start3A_659] : memref<16x128xi32, #tpu.memory_space<vmem>> -> memref<1x128xi32, #tpu.memory_space<vmem>>
        %dma_start3A_661 = tpu.memref_squeeze %dma_start3A_660 : memref<1x128xi32, #tpu.memory_space<vmem>> -> memref<128xi32, #tpu.memory_space<vmem>>
        %dma_start3A_662 = arith.constant 0 : i32
        %dma_start3A_663 = tpu.memref_slice %arg10[%dma_start3A_662] : memref<6152xi32, #tpu.memory_space<hbm>> -> memref<6152xi32, #tpu.memory_space<hbm>>
        tpu.enqueue_indirect_dma source(%dma_start3A_658 : memref<128xi32, #tpu.memory_space<vmem>>) target(%dma_start3A_663 : memref<6152xi32, #tpu.memory_space<hbm>>) offsets(%dma_start3A_661 : memref<128xi32, #tpu.memory_space<vmem>>) semaphore(%arg27 : memref<!tpu.dma_semaphore, #tpu.memory_space<semaphore_mem>>)
        %dma_start3A_664 = arith.constant 5 : i32
        %dma_start3A_665 = arith.constant 5 : i32
        %dma_start3A_666 = arith.constant 0 : i32
        %dma_start3A_667 = tpu.memref_slice %arg19[%dma_start3A_664, %dma_start3A_666] : memref<16x128xf32, #tpu.memory_space<vmem>> -> memref<1x128xf32, #tpu.memory_space<vmem>>
        %dma_start3A_668 = tpu.memref_squeeze %dma_start3A_667 : memref<1x128xf32, #tpu.memory_space<vmem>> -> memref<128xf32, #tpu.memory_space<vmem>>
        %dma_start3A_669 = arith.constant 0 : i32
        %dma_start3A_670 = tpu.memref_slice %arg17[%dma_start3A_665, %dma_start3A_669] : memref<16x128xi32, #tpu.memory_space<vmem>> -> memref<1x128xi32, #tpu.memory_space<vmem>>
        %dma_start3A_671 = tpu.memref_squeeze %dma_start3A_670 : memref<1x128xi32, #tpu.memory_space<vmem>> -> memref<128xi32, #tpu.memory_space<vmem>>
        %dma_start3A_672 = arith.constant 0 : i32
        %dma_start3A_673 = tpu.memref_slice %arg11[%dma_start3A_672] : memref<6152xf32, #tpu.memory_space<hbm>> -> memref<6152xf32, #tpu.memory_space<hbm>>
        tpu.enqueue_indirect_dma source(%dma_start3A_668 : memref<128xf32, #tpu.memory_space<vmem>>) target(%dma_start3A_673 : memref<6152xf32, #tpu.memory_space<hbm>>) offsets(%dma_start3A_671 : memref<128xi32, #tpu.memory_space<vmem>>) semaphore(%arg27 : memref<!tpu.dma_semaphore, #tpu.memory_space<semaphore_mem>>)
        %dma_start3A_674 = arith.constant 5 : i32
        %dma_start3A_675 = arith.constant 5 : i32
        %dma_start3A_676 = arith.constant 0 : i32
        %dma_start3A_677 = tpu.memref_slice %arg20[%dma_start3A_674, %dma_start3A_676] : memref<16x128xf32, #tpu.memory_space<vmem>> -> memref<1x128xf32, #tpu.memory_space<vmem>>
        %dma_start3A_678 = tpu.memref_squeeze %dma_start3A_677 : memref<1x128xf32, #tpu.memory_space<vmem>> -> memref<128xf32, #tpu.memory_space<vmem>>
        %dma_start3A_679 = arith.constant 0 : i32
        %dma_start3A_680 = tpu.memref_slice %arg17[%dma_start3A_675, %dma_start3A_679] : memref<16x128xi32, #tpu.memory_space<vmem>> -> memref<1x128xi32, #tpu.memory_space<vmem>>
        %dma_start3A_681 = tpu.memref_squeeze %dma_start3A_680 : memref<1x128xi32, #tpu.memory_space<vmem>> -> memref<128xi32, #tpu.memory_space<vmem>>
        %dma_start3A_682 = arith.constant 0 : i32
        %dma_start3A_683 = tpu.memref_slice %arg12[%dma_start3A_682] : memref<6152xf32, #tpu.memory_space<hbm>> -> memref<6152xf32, #tpu.memory_space<hbm>>
        tpu.enqueue_indirect_dma source(%dma_start3A_678 : memref<128xf32, #tpu.memory_space<vmem>>) target(%dma_start3A_683 : memref<6152xf32, #tpu.memory_space<hbm>>) offsets(%dma_start3A_681 : memref<128xi32, #tpu.memory_space<vmem>>) semaphore(%arg27 : memref<!tpu.dma_semaphore, #tpu.memory_space<semaphore_mem>>)
        %dma_start3A_684 = arith.constant 5 : i32
        %dma_start3A_685 = arith.constant 5 : i32
        %dma_start3A_686 = arith.constant 0 : i32
        %dma_start3A_687 = tpu.memref_slice %arg21[%dma_start3A_684, %dma_start3A_686] : memref<16x128xf32, #tpu.memory_space<vmem>> -> memref<1x128xf32, #tpu.memory_space<vmem>>
        %dma_start3A_688 = tpu.memref_squeeze %dma_start3A_687 : memref<1x128xf32, #tpu.memory_space<vmem>> -> memref<128xf32, #tpu.memory_space<vmem>>
        %dma_start3A_689 = arith.constant 0 : i32
        %dma_start3A_690 = tpu.memref_slice %arg17[%dma_start3A_685, %dma_start3A_689] : memref<16x128xi32, #tpu.memory_space<vmem>> -> memref<1x128xi32, #tpu.memory_space<vmem>>
        %dma_start3A_691 = tpu.memref_squeeze %dma_start3A_690 : memref<1x128xi32, #tpu.memory_space<vmem>> -> memref<128xi32, #tpu.memory_space<vmem>>
        %dma_start3A_692 = arith.constant 0 : i32
        %dma_start3A_693 = tpu.memref_slice %arg13[%dma_start3A_692] : memref<6152xf32, #tpu.memory_space<hbm>> -> memref<6152xf32, #tpu.memory_space<hbm>>
        tpu.enqueue_indirect_dma source(%dma_start3A_688 : memref<128xf32, #tpu.memory_space<vmem>>) target(%dma_start3A_693 : memref<6152xf32, #tpu.memory_space<hbm>>) offsets(%dma_start3A_691 : memref<128xi32, #tpu.memory_space<vmem>>) semaphore(%arg27 : memref<!tpu.dma_semaphore, #tpu.memory_space<semaphore_mem>>)
        %dma_start3A_694 = arith.constant 5 : i32
        %dma_start3A_695 = arith.constant 5 : i32
        %dma_start3A_696 = arith.constant 0 : i32
        %dma_start3A_697 = tpu.memref_slice %arg22[%dma_start3A_694, %dma_start3A_696] : memref<16x128xf32, #tpu.memory_space<vmem>> -> memref<1x128xf32, #tpu.memory_space<vmem>>
        %dma_start3A_698 = tpu.memref_squeeze %dma_start3A_697 : memref<1x128xf32, #tpu.memory_space<vmem>> -> memref<128xf32, #tpu.memory_space<vmem>>
        %dma_start3A_699 = arith.constant 0 : i32
        %dma_start3A_700 = tpu.memref_slice %arg17[%dma_start3A_695, %dma_start3A_699] : memref<16x128xi32, #tpu.memory_space<vmem>> -> memref<1x128xi32, #tpu.memory_space<vmem>>
        %dma_start3A_701 = tpu.memref_squeeze %dma_start3A_700 : memref<1x128xi32, #tpu.memory_space<vmem>> -> memref<128xi32, #tpu.memory_space<vmem>>
        %dma_start3A_702 = arith.constant 0 : i32
        %dma_start3A_703 = tpu.memref_slice %arg14[%dma_start3A_702] : memref<6152xf32, #tpu.memory_space<hbm>> -> memref<6152xf32, #tpu.memory_space<hbm>>
        tpu.enqueue_indirect_dma source(%dma_start3A_698 : memref<128xf32, #tpu.memory_space<vmem>>) target(%dma_start3A_703 : memref<6152xf32, #tpu.memory_space<hbm>>) offsets(%dma_start3A_701 : memref<128xi32, #tpu.memory_space<vmem>>) semaphore(%arg27 : memref<!tpu.dma_semaphore, #tpu.memory_space<semaphore_mem>>)
        %dma_start3A_704 = arith.constant 5 : i32
        %dma_start3A_705 = arith.constant 5 : i32
        %dma_start3A_706 = arith.constant 0 : i32
        %dma_start3A_707 = tpu.memref_slice %arg23[%dma_start3A_704, %dma_start3A_706] : memref<16x128xf32, #tpu.memory_space<vmem>> -> memref<1x128xf32, #tpu.memory_space<vmem>>
        %dma_start3A_708 = tpu.memref_squeeze %dma_start3A_707 : memref<1x128xf32, #tpu.memory_space<vmem>> -> memref<128xf32, #tpu.memory_space<vmem>>
        %dma_start3A_709 = arith.constant 0 : i32
        %dma_start3A_710 = tpu.memref_slice %arg17[%dma_start3A_705, %dma_start3A_709] : memref<16x128xi32, #tpu.memory_space<vmem>> -> memref<1x128xi32, #tpu.memory_space<vmem>>
        %dma_start3A_711 = tpu.memref_squeeze %dma_start3A_710 : memref<1x128xi32, #tpu.memory_space<vmem>> -> memref<128xi32, #tpu.memory_space<vmem>>
        %dma_start3A_712 = arith.constant 0 : i32
        %dma_start3A_713 = tpu.memref_slice %arg15[%dma_start3A_712] : memref<6152xf32, #tpu.memory_space<hbm>> -> memref<6152xf32, #tpu.memory_space<hbm>>
        tpu.enqueue_indirect_dma source(%dma_start3A_708 : memref<128xf32, #tpu.memory_space<vmem>>) target(%dma_start3A_713 : memref<6152xf32, #tpu.memory_space<hbm>>) offsets(%dma_start3A_711 : memref<128xi32, #tpu.memory_space<vmem>>) semaphore(%arg27 : memref<!tpu.dma_semaphore, #tpu.memory_space<semaphore_mem>>)
        %dma_start3A_714 = arith.constant 5 : i32
        %dma_start3A_715 = arith.constant 5 : i32
        %dma_start3A_716 = arith.constant 0 : i32
        %dma_start3A_717 = tpu.memref_slice %arg24[%dma_start3A_714, %dma_start3A_716] : memref<16x128xf32, #tpu.memory_space<vmem>> -> memref<1x128xf32, #tpu.memory_space<vmem>>
        %dma_start3A_718 = tpu.memref_squeeze %dma_start3A_717 : memref<1x128xf32, #tpu.memory_space<vmem>> -> memref<128xf32, #tpu.memory_space<vmem>>
        %dma_start3A_719 = arith.constant 0 : i32
        %dma_start3A_720 = tpu.memref_slice %arg17[%dma_start3A_715, %dma_start3A_719] : memref<16x128xi32, #tpu.memory_space<vmem>> -> memref<1x128xi32, #tpu.memory_space<vmem>>
        %dma_start3A_721 = tpu.memref_squeeze %dma_start3A_720 : memref<1x128xi32, #tpu.memory_space<vmem>> -> memref<128xi32, #tpu.memory_space<vmem>>
        %dma_start3A_722 = arith.constant 0 : i32
        %dma_start3A_723 = tpu.memref_slice %arg16[%dma_start3A_722] : memref<6152xf32, #tpu.memory_space<hbm>> -> memref<6152xf32, #tpu.memory_space<hbm>>
        tpu.enqueue_indirect_dma source(%dma_start3A_718 : memref<128xf32, #tpu.memory_space<vmem>>) target(%dma_start3A_723 : memref<6152xf32, #tpu.memory_space<hbm>>) offsets(%dma_start3A_721 : memref<128xi32, #tpu.memory_space<vmem>>) semaphore(%arg27 : memref<!tpu.dma_semaphore, #tpu.memory_space<semaphore_mem>>)
        %dma_start3A_724 = arith.constant 6 : i32
        %dma_start3A_725 = arith.constant 6 : i32
        %dma_start3A_726 = arith.constant 0 : i32
        %dma_start3A_727 = tpu.memref_slice %arg18[%dma_start3A_724, %dma_start3A_726] : memref<16x128xi32, #tpu.memory_space<vmem>> -> memref<1x128xi32, #tpu.memory_space<vmem>>
        %dma_start3A_728 = tpu.memref_squeeze %dma_start3A_727 : memref<1x128xi32, #tpu.memory_space<vmem>> -> memref<128xi32, #tpu.memory_space<vmem>>
        %dma_start3A_729 = arith.constant 0 : i32
        %dma_start3A_730 = tpu.memref_slice %arg17[%dma_start3A_725, %dma_start3A_729] : memref<16x128xi32, #tpu.memory_space<vmem>> -> memref<1x128xi32, #tpu.memory_space<vmem>>
        %dma_start3A_731 = tpu.memref_squeeze %dma_start3A_730 : memref<1x128xi32, #tpu.memory_space<vmem>> -> memref<128xi32, #tpu.memory_space<vmem>>
        %dma_start3A_732 = arith.constant 0 : i32
        %dma_start3A_733 = tpu.memref_slice %arg10[%dma_start3A_732] : memref<6152xi32, #tpu.memory_space<hbm>> -> memref<6152xi32, #tpu.memory_space<hbm>>
        tpu.enqueue_indirect_dma source(%dma_start3A_728 : memref<128xi32, #tpu.memory_space<vmem>>) target(%dma_start3A_733 : memref<6152xi32, #tpu.memory_space<hbm>>) offsets(%dma_start3A_731 : memref<128xi32, #tpu.memory_space<vmem>>) semaphore(%arg27 : memref<!tpu.dma_semaphore, #tpu.memory_space<semaphore_mem>>)
        %dma_start3A_734 = arith.constant 6 : i32
        %dma_start3A_735 = arith.constant 6 : i32
        %dma_start3A_736 = arith.constant 0 : i32
        %dma_start3A_737 = tpu.memref_slice %arg19[%dma_start3A_734, %dma_start3A_736] : memref<16x128xf32, #tpu.memory_space<vmem>> -> memref<1x128xf32, #tpu.memory_space<vmem>>
        %dma_start3A_738 = tpu.memref_squeeze %dma_start3A_737 : memref<1x128xf32, #tpu.memory_space<vmem>> -> memref<128xf32, #tpu.memory_space<vmem>>
        %dma_start3A_739 = arith.constant 0 : i32
        %dma_start3A_740 = tpu.memref_slice %arg17[%dma_start3A_735, %dma_start3A_739] : memref<16x128xi32, #tpu.memory_space<vmem>> -> memref<1x128xi32, #tpu.memory_space<vmem>>
        %dma_start3A_741 = tpu.memref_squeeze %dma_start3A_740 : memref<1x128xi32, #tpu.memory_space<vmem>> -> memref<128xi32, #tpu.memory_space<vmem>>
        %dma_start3A_742 = arith.constant 0 : i32
        %dma_start3A_743 = tpu.memref_slice %arg11[%dma_start3A_742] : memref<6152xf32, #tpu.memory_space<hbm>> -> memref<6152xf32, #tpu.memory_space<hbm>>
        tpu.enqueue_indirect_dma source(%dma_start3A_738 : memref<128xf32, #tpu.memory_space<vmem>>) target(%dma_start3A_743 : memref<6152xf32, #tpu.memory_space<hbm>>) offsets(%dma_start3A_741 : memref<128xi32, #tpu.memory_space<vmem>>) semaphore(%arg27 : memref<!tpu.dma_semaphore, #tpu.memory_space<semaphore_mem>>)
        %dma_start3A_744 = arith.constant 6 : i32
        %dma_start3A_745 = arith.constant 6 : i32
        %dma_start3A_746 = arith.constant 0 : i32
        %dma_start3A_747 = tpu.memref_slice %arg20[%dma_start3A_744, %dma_start3A_746] : memref<16x128xf32, #tpu.memory_space<vmem>> -> memref<1x128xf32, #tpu.memory_space<vmem>>
        %dma_start3A_748 = tpu.memref_squeeze %dma_start3A_747 : memref<1x128xf32, #tpu.memory_space<vmem>> -> memref<128xf32, #tpu.memory_space<vmem>>
        %dma_start3A_749 = arith.constant 0 : i32
        %dma_start3A_750 = tpu.memref_slice %arg17[%dma_start3A_745, %dma_start3A_749] : memref<16x128xi32, #tpu.memory_space<vmem>> -> memref<1x128xi32, #tpu.memory_space<vmem>>
        %dma_start3A_751 = tpu.memref_squeeze %dma_start3A_750 : memref<1x128xi32, #tpu.memory_space<vmem>> -> memref<128xi32, #tpu.memory_space<vmem>>
        %dma_start3A_752 = arith.constant 0 : i32
        %dma_start3A_753 = tpu.memref_slice %arg12[%dma_start3A_752] : memref<6152xf32, #tpu.memory_space<hbm>> -> memref<6152xf32, #tpu.memory_space<hbm>>
        tpu.enqueue_indirect_dma source(%dma_start3A_748 : memref<128xf32, #tpu.memory_space<vmem>>) target(%dma_start3A_753 : memref<6152xf32, #tpu.memory_space<hbm>>) offsets(%dma_start3A_751 : memref<128xi32, #tpu.memory_space<vmem>>) semaphore(%arg27 : memref<!tpu.dma_semaphore, #tpu.memory_space<semaphore_mem>>)
        %dma_start3A_754 = arith.constant 6 : i32
        %dma_start3A_755 = arith.constant 6 : i32
        %dma_start3A_756 = arith.constant 0 : i32
        %dma_start3A_757 = tpu.memref_slice %arg21[%dma_start3A_754, %dma_start3A_756] : memref<16x128xf32, #tpu.memory_space<vmem>> -> memref<1x128xf32, #tpu.memory_space<vmem>>
        %dma_start3A_758 = tpu.memref_squeeze %dma_start3A_757 : memref<1x128xf32, #tpu.memory_space<vmem>> -> memref<128xf32, #tpu.memory_space<vmem>>
        %dma_start3A_759 = arith.constant 0 : i32
        %dma_start3A_760 = tpu.memref_slice %arg17[%dma_start3A_755, %dma_start3A_759] : memref<16x128xi32, #tpu.memory_space<vmem>> -> memref<1x128xi32, #tpu.memory_space<vmem>>
        %dma_start3A_761 = tpu.memref_squeeze %dma_start3A_760 : memref<1x128xi32, #tpu.memory_space<vmem>> -> memref<128xi32, #tpu.memory_space<vmem>>
        %dma_start3A_762 = arith.constant 0 : i32
        %dma_start3A_763 = tpu.memref_slice %arg13[%dma_start3A_762] : memref<6152xf32, #tpu.memory_space<hbm>> -> memref<6152xf32, #tpu.memory_space<hbm>>
        tpu.enqueue_indirect_dma source(%dma_start3A_758 : memref<128xf32, #tpu.memory_space<vmem>>) target(%dma_start3A_763 : memref<6152xf32, #tpu.memory_space<hbm>>) offsets(%dma_start3A_761 : memref<128xi32, #tpu.memory_space<vmem>>) semaphore(%arg27 : memref<!tpu.dma_semaphore, #tpu.memory_space<semaphore_mem>>)
        %dma_start3A_764 = arith.constant 6 : i32
        %dma_start3A_765 = arith.constant 6 : i32
        %dma_start3A_766 = arith.constant 0 : i32
        %dma_start3A_767 = tpu.memref_slice %arg22[%dma_start3A_764, %dma_start3A_766] : memref<16x128xf32, #tpu.memory_space<vmem>> -> memref<1x128xf32, #tpu.memory_space<vmem>>
        %dma_start3A_768 = tpu.memref_squeeze %dma_start3A_767 : memref<1x128xf32, #tpu.memory_space<vmem>> -> memref<128xf32, #tpu.memory_space<vmem>>
        %dma_start3A_769 = arith.constant 0 : i32
        %dma_start3A_770 = tpu.memref_slice %arg17[%dma_start3A_765, %dma_start3A_769] : memref<16x128xi32, #tpu.memory_space<vmem>> -> memref<1x128xi32, #tpu.memory_space<vmem>>
        %dma_start3A_771 = tpu.memref_squeeze %dma_start3A_770 : memref<1x128xi32, #tpu.memory_space<vmem>> -> memref<128xi32, #tpu.memory_space<vmem>>
        %dma_start3A_772 = arith.constant 0 : i32
        %dma_start3A_773 = tpu.memref_slice %arg14[%dma_start3A_772] : memref<6152xf32, #tpu.memory_space<hbm>> -> memref<6152xf32, #tpu.memory_space<hbm>>
        tpu.enqueue_indirect_dma source(%dma_start3A_768 : memref<128xf32, #tpu.memory_space<vmem>>) target(%dma_start3A_773 : memref<6152xf32, #tpu.memory_space<hbm>>) offsets(%dma_start3A_771 : memref<128xi32, #tpu.memory_space<vmem>>) semaphore(%arg27 : memref<!tpu.dma_semaphore, #tpu.memory_space<semaphore_mem>>)
        %dma_start3A_774 = arith.constant 6 : i32
        %dma_start3A_775 = arith.constant 6 : i32
        %dma_start3A_776 = arith.constant 0 : i32
        %dma_start3A_777 = tpu.memref_slice %arg23[%dma_start3A_774, %dma_start3A_776] : memref<16x128xf32, #tpu.memory_space<vmem>> -> memref<1x128xf32, #tpu.memory_space<vmem>>
        %dma_start3A_778 = tpu.memref_squeeze %dma_start3A_777 : memref<1x128xf32, #tpu.memory_space<vmem>> -> memref<128xf32, #tpu.memory_space<vmem>>
        %dma_start3A_779 = arith.constant 0 : i32
        %dma_start3A_780 = tpu.memref_slice %arg17[%dma_start3A_775, %dma_start3A_779] : memref<16x128xi32, #tpu.memory_space<vmem>> -> memref<1x128xi32, #tpu.memory_space<vmem>>
        %dma_start3A_781 = tpu.memref_squeeze %dma_start3A_780 : memref<1x128xi32, #tpu.memory_space<vmem>> -> memref<128xi32, #tpu.memory_space<vmem>>
        %dma_start3A_782 = arith.constant 0 : i32
        %dma_start3A_783 = tpu.memref_slice %arg15[%dma_start3A_782] : memref<6152xf32, #tpu.memory_space<hbm>> -> memref<6152xf32, #tpu.memory_space<hbm>>
        tpu.enqueue_indirect_dma source(%dma_start3A_778 : memref<128xf32, #tpu.memory_space<vmem>>) target(%dma_start3A_783 : memref<6152xf32, #tpu.memory_space<hbm>>) offsets(%dma_start3A_781 : memref<128xi32, #tpu.memory_space<vmem>>) semaphore(%arg27 : memref<!tpu.dma_semaphore, #tpu.memory_space<semaphore_mem>>)
        %dma_start3A_784 = arith.constant 6 : i32
        %dma_start3A_785 = arith.constant 6 : i32
        %dma_start3A_786 = arith.constant 0 : i32
        %dma_start3A_787 = tpu.memref_slice %arg24[%dma_start3A_784, %dma_start3A_786] : memref<16x128xf32, #tpu.memory_space<vmem>> -> memref<1x128xf32, #tpu.memory_space<vmem>>
        %dma_start3A_788 = tpu.memref_squeeze %dma_start3A_787 : memref<1x128xf32, #tpu.memory_space<vmem>> -> memref<128xf32, #tpu.memory_space<vmem>>
        %dma_start3A_789 = arith.constant 0 : i32
        %dma_start3A_790 = tpu.memref_slice %arg17[%dma_start3A_785, %dma_start3A_789] : memref<16x128xi32, #tpu.memory_space<vmem>> -> memref<1x128xi32, #tpu.memory_space<vmem>>
        %dma_start3A_791 = tpu.memref_squeeze %dma_start3A_790 : memref<1x128xi32, #tpu.memory_space<vmem>> -> memref<128xi32, #tpu.memory_space<vmem>>
        %dma_start3A_792 = arith.constant 0 : i32
        %dma_start3A_793 = tpu.memref_slice %arg16[%dma_start3A_792] : memref<6152xf32, #tpu.memory_space<hbm>> -> memref<6152xf32, #tpu.memory_space<hbm>>
        tpu.enqueue_indirect_dma source(%dma_start3A_788 : memref<128xf32, #tpu.memory_space<vmem>>) target(%dma_start3A_793 : memref<6152xf32, #tpu.memory_space<hbm>>) offsets(%dma_start3A_791 : memref<128xi32, #tpu.memory_space<vmem>>) semaphore(%arg27 : memref<!tpu.dma_semaphore, #tpu.memory_space<semaphore_mem>>)
        %dma_start3A_794 = arith.constant 7 : i32
        %dma_start3A_795 = arith.constant 7 : i32
        %dma_start3A_796 = arith.constant 0 : i32
        %dma_start3A_797 = tpu.memref_slice %arg18[%dma_start3A_794, %dma_start3A_796] : memref<16x128xi32, #tpu.memory_space<vmem>> -> memref<1x128xi32, #tpu.memory_space<vmem>>
        %dma_start3A_798 = tpu.memref_squeeze %dma_start3A_797 : memref<1x128xi32, #tpu.memory_space<vmem>> -> memref<128xi32, #tpu.memory_space<vmem>>
        %dma_start3A_799 = arith.constant 0 : i32
        %dma_start3A_800 = tpu.memref_slice %arg17[%dma_start3A_795, %dma_start3A_799] : memref<16x128xi32, #tpu.memory_space<vmem>> -> memref<1x128xi32, #tpu.memory_space<vmem>>
        %dma_start3A_801 = tpu.memref_squeeze %dma_start3A_800 : memref<1x128xi32, #tpu.memory_space<vmem>> -> memref<128xi32, #tpu.memory_space<vmem>>
        %dma_start3A_802 = arith.constant 0 : i32
        %dma_start3A_803 = tpu.memref_slice %arg10[%dma_start3A_802] : memref<6152xi32, #tpu.memory_space<hbm>> -> memref<6152xi32, #tpu.memory_space<hbm>>
        tpu.enqueue_indirect_dma source(%dma_start3A_798 : memref<128xi32, #tpu.memory_space<vmem>>) target(%dma_start3A_803 : memref<6152xi32, #tpu.memory_space<hbm>>) offsets(%dma_start3A_801 : memref<128xi32, #tpu.memory_space<vmem>>) semaphore(%arg27 : memref<!tpu.dma_semaphore, #tpu.memory_space<semaphore_mem>>)
        %dma_start3A_804 = arith.constant 7 : i32
        %dma_start3A_805 = arith.constant 7 : i32
        %dma_start3A_806 = arith.constant 0 : i32
        %dma_start3A_807 = tpu.memref_slice %arg19[%dma_start3A_804, %dma_start3A_806] : memref<16x128xf32, #tpu.memory_space<vmem>> -> memref<1x128xf32, #tpu.memory_space<vmem>>
        %dma_start3A_808 = tpu.memref_squeeze %dma_start3A_807 : memref<1x128xf32, #tpu.memory_space<vmem>> -> memref<128xf32, #tpu.memory_space<vmem>>
        %dma_start3A_809 = arith.constant 0 : i32
        %dma_start3A_810 = tpu.memref_slice %arg17[%dma_start3A_805, %dma_start3A_809] : memref<16x128xi32, #tpu.memory_space<vmem>> -> memref<1x128xi32, #tpu.memory_space<vmem>>
        %dma_start3A_811 = tpu.memref_squeeze %dma_start3A_810 : memref<1x128xi32, #tpu.memory_space<vmem>> -> memref<128xi32, #tpu.memory_space<vmem>>
        %dma_start3A_812 = arith.constant 0 : i32
        %dma_start3A_813 = tpu.memref_slice %arg11[%dma_start3A_812] : memref<6152xf32, #tpu.memory_space<hbm>> -> memref<6152xf32, #tpu.memory_space<hbm>>
        tpu.enqueue_indirect_dma source(%dma_start3A_808 : memref<128xf32, #tpu.memory_space<vmem>>) target(%dma_start3A_813 : memref<6152xf32, #tpu.memory_space<hbm>>) offsets(%dma_start3A_811 : memref<128xi32, #tpu.memory_space<vmem>>) semaphore(%arg27 : memref<!tpu.dma_semaphore, #tpu.memory_space<semaphore_mem>>)
        %dma_start3A_814 = arith.constant 7 : i32
        %dma_start3A_815 = arith.constant 7 : i32
        %dma_start3A_816 = arith.constant 0 : i32
        %dma_start3A_817 = tpu.memref_slice %arg20[%dma_start3A_814, %dma_start3A_816] : memref<16x128xf32, #tpu.memory_space<vmem>> -> memref<1x128xf32, #tpu.memory_space<vmem>>
        %dma_start3A_818 = tpu.memref_squeeze %dma_start3A_817 : memref<1x128xf32, #tpu.memory_space<vmem>> -> memref<128xf32, #tpu.memory_space<vmem>>
        %dma_start3A_819 = arith.constant 0 : i32
        %dma_start3A_820 = tpu.memref_slice %arg17[%dma_start3A_815, %dma_start3A_819] : memref<16x128xi32, #tpu.memory_space<vmem>> -> memref<1x128xi32, #tpu.memory_space<vmem>>
        %dma_start3A_821 = tpu.memref_squeeze %dma_start3A_820 : memref<1x128xi32, #tpu.memory_space<vmem>> -> memref<128xi32, #tpu.memory_space<vmem>>
        %dma_start3A_822 = arith.constant 0 : i32
        %dma_start3A_823 = tpu.memref_slice %arg12[%dma_start3A_822] : memref<6152xf32, #tpu.memory_space<hbm>> -> memref<6152xf32, #tpu.memory_space<hbm>>
        tpu.enqueue_indirect_dma source(%dma_start3A_818 : memref<128xf32, #tpu.memory_space<vmem>>) target(%dma_start3A_823 : memref<6152xf32, #tpu.memory_space<hbm>>) offsets(%dma_start3A_821 : memref<128xi32, #tpu.memory_space<vmem>>) semaphore(%arg27 : memref<!tpu.dma_semaphore, #tpu.memory_space<semaphore_mem>>)
        %dma_start3A_824 = arith.constant 7 : i32
        %dma_start3A_825 = arith.constant 7 : i32
        %dma_start3A_826 = arith.constant 0 : i32
        %dma_start3A_827 = tpu.memref_slice %arg21[%dma_start3A_824, %dma_start3A_826] : memref<16x128xf32, #tpu.memory_space<vmem>> -> memref<1x128xf32, #tpu.memory_space<vmem>>
        %dma_start3A_828 = tpu.memref_squeeze %dma_start3A_827 : memref<1x128xf32, #tpu.memory_space<vmem>> -> memref<128xf32, #tpu.memory_space<vmem>>
        %dma_start3A_829 = arith.constant 0 : i32
        %dma_start3A_830 = tpu.memref_slice %arg17[%dma_start3A_825, %dma_start3A_829] : memref<16x128xi32, #tpu.memory_space<vmem>> -> memref<1x128xi32, #tpu.memory_space<vmem>>
        %dma_start3A_831 = tpu.memref_squeeze %dma_start3A_830 : memref<1x128xi32, #tpu.memory_space<vmem>> -> memref<128xi32, #tpu.memory_space<vmem>>
        %dma_start3A_832 = arith.constant 0 : i32
        %dma_start3A_833 = tpu.memref_slice %arg13[%dma_start3A_832] : memref<6152xf32, #tpu.memory_space<hbm>> -> memref<6152xf32, #tpu.memory_space<hbm>>
        tpu.enqueue_indirect_dma source(%dma_start3A_828 : memref<128xf32, #tpu.memory_space<vmem>>) target(%dma_start3A_833 : memref<6152xf32, #tpu.memory_space<hbm>>) offsets(%dma_start3A_831 : memref<128xi32, #tpu.memory_space<vmem>>) semaphore(%arg27 : memref<!tpu.dma_semaphore, #tpu.memory_space<semaphore_mem>>)
        %dma_start3A_834 = arith.constant 7 : i32
        %dma_start3A_835 = arith.constant 7 : i32
        %dma_start3A_836 = arith.constant 0 : i32
        %dma_start3A_837 = tpu.memref_slice %arg22[%dma_start3A_834, %dma_start3A_836] : memref<16x128xf32, #tpu.memory_space<vmem>> -> memref<1x128xf32, #tpu.memory_space<vmem>>
        %dma_start3A_838 = tpu.memref_squeeze %dma_start3A_837 : memref<1x128xf32, #tpu.memory_space<vmem>> -> memref<128xf32, #tpu.memory_space<vmem>>
        %dma_start3A_839 = arith.constant 0 : i32
        %dma_start3A_840 = tpu.memref_slice %arg17[%dma_start3A_835, %dma_start3A_839] : memref<16x128xi32, #tpu.memory_space<vmem>> -> memref<1x128xi32, #tpu.memory_space<vmem>>
        %dma_start3A_841 = tpu.memref_squeeze %dma_start3A_840 : memref<1x128xi32, #tpu.memory_space<vmem>> -> memref<128xi32, #tpu.memory_space<vmem>>
        %dma_start3A_842 = arith.constant 0 : i32
        %dma_start3A_843 = tpu.memref_slice %arg14[%dma_start3A_842] : memref<6152xf32, #tpu.memory_space<hbm>> -> memref<6152xf32, #tpu.memory_space<hbm>>
        tpu.enqueue_indirect_dma source(%dma_start3A_838 : memref<128xf32, #tpu.memory_space<vmem>>) target(%dma_start3A_843 : memref<6152xf32, #tpu.memory_space<hbm>>) offsets(%dma_start3A_841 : memref<128xi32, #tpu.memory_space<vmem>>) semaphore(%arg27 : memref<!tpu.dma_semaphore, #tpu.memory_space<semaphore_mem>>)
        %dma_start3A_844 = arith.constant 7 : i32
        %dma_start3A_845 = arith.constant 7 : i32
        %dma_start3A_846 = arith.constant 0 : i32
        %dma_start3A_847 = tpu.memref_slice %arg23[%dma_start3A_844, %dma_start3A_846] : memref<16x128xf32, #tpu.memory_space<vmem>> -> memref<1x128xf32, #tpu.memory_space<vmem>>
        %dma_start3A_848 = tpu.memref_squeeze %dma_start3A_847 : memref<1x128xf32, #tpu.memory_space<vmem>> -> memref<128xf32, #tpu.memory_space<vmem>>
        %dma_start3A_849 = arith.constant 0 : i32
        %dma_start3A_850 = tpu.memref_slice %arg17[%dma_start3A_845, %dma_start3A_849] : memref<16x128xi32, #tpu.memory_space<vmem>> -> memref<1x128xi32, #tpu.memory_space<vmem>>
        %dma_start3A_851 = tpu.memref_squeeze %dma_start3A_850 : memref<1x128xi32, #tpu.memory_space<vmem>> -> memref<128xi32, #tpu.memory_space<vmem>>
        %dma_start3A_852 = arith.constant 0 : i32
        %dma_start3A_853 = tpu.memref_slice %arg15[%dma_start3A_852] : memref<6152xf32, #tpu.memory_space<hbm>> -> memref<6152xf32, #tpu.memory_space<hbm>>
        tpu.enqueue_indirect_dma source(%dma_start3A_848 : memref<128xf32, #tpu.memory_space<vmem>>) target(%dma_start3A_853 : memref<6152xf32, #tpu.memory_space<hbm>>) offsets(%dma_start3A_851 : memref<128xi32, #tpu.memory_space<vmem>>) semaphore(%arg27 : memref<!tpu.dma_semaphore, #tpu.memory_space<semaphore_mem>>)
        %dma_start3A_854 = arith.constant 7 : i32
        %dma_start3A_855 = arith.constant 7 : i32
        %dma_start3A_856 = arith.constant 0 : i32
        %dma_start3A_857 = tpu.memref_slice %arg24[%dma_start3A_854, %dma_start3A_856] : memref<16x128xf32, #tpu.memory_space<vmem>> -> memref<1x128xf32, #tpu.memory_space<vmem>>
        %dma_start3A_858 = tpu.memref_squeeze %dma_start3A_857 : memref<1x128xf32, #tpu.memory_space<vmem>> -> memref<128xf32, #tpu.memory_space<vmem>>
        %dma_start3A_859 = arith.constant 0 : i32
        %dma_start3A_860 = tpu.memref_slice %arg17[%dma_start3A_855, %dma_start3A_859] : memref<16x128xi32, #tpu.memory_space<vmem>> -> memref<1x128xi32, #tpu.memory_space<vmem>>
        %dma_start3A_861 = tpu.memref_squeeze %dma_start3A_860 : memref<1x128xi32, #tpu.memory_space<vmem>> -> memref<128xi32, #tpu.memory_space<vmem>>
        %dma_start3A_862 = arith.constant 0 : i32
        %dma_start3A_863 = tpu.memref_slice %arg16[%dma_start3A_862] : memref<6152xf32, #tpu.memory_space<hbm>> -> memref<6152xf32, #tpu.memory_space<hbm>>
        tpu.enqueue_indirect_dma source(%dma_start3A_858 : memref<128xf32, #tpu.memory_space<vmem>>) target(%dma_start3A_863 : memref<6152xf32, #tpu.memory_space<hbm>>) offsets(%dma_start3A_861 : memref<128xi32, #tpu.memory_space<vmem>>) semaphore(%arg27 : memref<!tpu.dma_semaphore, #tpu.memory_space<semaphore_mem>>)
        %dma_start3A_864 = arith.constant 8 : i32
        %dma_start3A_865 = arith.constant 8 : i32
        %dma_start3A_866 = arith.constant 0 : i32
        %dma_start3A_867 = tpu.memref_slice %arg18[%dma_start3A_864, %dma_start3A_866] : memref<16x128xi32, #tpu.memory_space<vmem>> -> memref<1x128xi32, #tpu.memory_space<vmem>>
        %dma_start3A_868 = tpu.memref_squeeze %dma_start3A_867 : memref<1x128xi32, #tpu.memory_space<vmem>> -> memref<128xi32, #tpu.memory_space<vmem>>
        %dma_start3A_869 = arith.constant 0 : i32
        %dma_start3A_870 = tpu.memref_slice %arg17[%dma_start3A_865, %dma_start3A_869] : memref<16x128xi32, #tpu.memory_space<vmem>> -> memref<1x128xi32, #tpu.memory_space<vmem>>
        %dma_start3A_871 = tpu.memref_squeeze %dma_start3A_870 : memref<1x128xi32, #tpu.memory_space<vmem>> -> memref<128xi32, #tpu.memory_space<vmem>>
        %dma_start3A_872 = arith.constant 0 : i32
        %dma_start3A_873 = tpu.memref_slice %arg10[%dma_start3A_872] : memref<6152xi32, #tpu.memory_space<hbm>> -> memref<6152xi32, #tpu.memory_space<hbm>>
        tpu.enqueue_indirect_dma source(%dma_start3A_868 : memref<128xi32, #tpu.memory_space<vmem>>) target(%dma_start3A_873 : memref<6152xi32, #tpu.memory_space<hbm>>) offsets(%dma_start3A_871 : memref<128xi32, #tpu.memory_space<vmem>>) semaphore(%arg27 : memref<!tpu.dma_semaphore, #tpu.memory_space<semaphore_mem>>)
        %dma_start3A_874 = arith.constant 8 : i32
        %dma_start3A_875 = arith.constant 8 : i32
        %dma_start3A_876 = arith.constant 0 : i32
        %dma_start3A_877 = tpu.memref_slice %arg19[%dma_start3A_874, %dma_start3A_876] : memref<16x128xf32, #tpu.memory_space<vmem>> -> memref<1x128xf32, #tpu.memory_space<vmem>>
        %dma_start3A_878 = tpu.memref_squeeze %dma_start3A_877 : memref<1x128xf32, #tpu.memory_space<vmem>> -> memref<128xf32, #tpu.memory_space<vmem>>
        %dma_start3A_879 = arith.constant 0 : i32
        %dma_start3A_880 = tpu.memref_slice %arg17[%dma_start3A_875, %dma_start3A_879] : memref<16x128xi32, #tpu.memory_space<vmem>> -> memref<1x128xi32, #tpu.memory_space<vmem>>
        %dma_start3A_881 = tpu.memref_squeeze %dma_start3A_880 : memref<1x128xi32, #tpu.memory_space<vmem>> -> memref<128xi32, #tpu.memory_space<vmem>>
        %dma_start3A_882 = arith.constant 0 : i32
        %dma_start3A_883 = tpu.memref_slice %arg11[%dma_start3A_882] : memref<6152xf32, #tpu.memory_space<hbm>> -> memref<6152xf32, #tpu.memory_space<hbm>>
        tpu.enqueue_indirect_dma source(%dma_start3A_878 : memref<128xf32, #tpu.memory_space<vmem>>) target(%dma_start3A_883 : memref<6152xf32, #tpu.memory_space<hbm>>) offsets(%dma_start3A_881 : memref<128xi32, #tpu.memory_space<vmem>>) semaphore(%arg27 : memref<!tpu.dma_semaphore, #tpu.memory_space<semaphore_mem>>)
        %dma_start3A_884 = arith.constant 8 : i32
        %dma_start3A_885 = arith.constant 8 : i32
        %dma_start3A_886 = arith.constant 0 : i32
        %dma_start3A_887 = tpu.memref_slice %arg20[%dma_start3A_884, %dma_start3A_886] : memref<16x128xf32, #tpu.memory_space<vmem>> -> memref<1x128xf32, #tpu.memory_space<vmem>>
        %dma_start3A_888 = tpu.memref_squeeze %dma_start3A_887 : memref<1x128xf32, #tpu.memory_space<vmem>> -> memref<128xf32, #tpu.memory_space<vmem>>
        %dma_start3A_889 = arith.constant 0 : i32
        %dma_start3A_890 = tpu.memref_slice %arg17[%dma_start3A_885, %dma_start3A_889] : memref<16x128xi32, #tpu.memory_space<vmem>> -> memref<1x128xi32, #tpu.memory_space<vmem>>
        %dma_start3A_891 = tpu.memref_squeeze %dma_start3A_890 : memref<1x128xi32, #tpu.memory_space<vmem>> -> memref<128xi32, #tpu.memory_space<vmem>>
        %dma_start3A_892 = arith.constant 0 : i32
        %dma_start3A_893 = tpu.memref_slice %arg12[%dma_start3A_892] : memref<6152xf32, #tpu.memory_space<hbm>> -> memref<6152xf32, #tpu.memory_space<hbm>>
        tpu.enqueue_indirect_dma source(%dma_start3A_888 : memref<128xf32, #tpu.memory_space<vmem>>) target(%dma_start3A_893 : memref<6152xf32, #tpu.memory_space<hbm>>) offsets(%dma_start3A_891 : memref<128xi32, #tpu.memory_space<vmem>>) semaphore(%arg27 : memref<!tpu.dma_semaphore, #tpu.memory_space<semaphore_mem>>)
        %dma_start3A_894 = arith.constant 8 : i32
        %dma_start3A_895 = arith.constant 8 : i32
        %dma_start3A_896 = arith.constant 0 : i32
        %dma_start3A_897 = tpu.memref_slice %arg21[%dma_start3A_894, %dma_start3A_896] : memref<16x128xf32, #tpu.memory_space<vmem>> -> memref<1x128xf32, #tpu.memory_space<vmem>>
        %dma_start3A_898 = tpu.memref_squeeze %dma_start3A_897 : memref<1x128xf32, #tpu.memory_space<vmem>> -> memref<128xf32, #tpu.memory_space<vmem>>
        %dma_start3A_899 = arith.constant 0 : i32
        %dma_start3A_900 = tpu.memref_slice %arg17[%dma_start3A_895, %dma_start3A_899] : memref<16x128xi32, #tpu.memory_space<vmem>> -> memref<1x128xi32, #tpu.memory_space<vmem>>
        %dma_start3A_901 = tpu.memref_squeeze %dma_start3A_900 : memref<1x128xi32, #tpu.memory_space<vmem>> -> memref<128xi32, #tpu.memory_space<vmem>>
        %dma_start3A_902 = arith.constant 0 : i32
        %dma_start3A_903 = tpu.memref_slice %arg13[%dma_start3A_902] : memref<6152xf32, #tpu.memory_space<hbm>> -> memref<6152xf32, #tpu.memory_space<hbm>>
        tpu.enqueue_indirect_dma source(%dma_start3A_898 : memref<128xf32, #tpu.memory_space<vmem>>) target(%dma_start3A_903 : memref<6152xf32, #tpu.memory_space<hbm>>) offsets(%dma_start3A_901 : memref<128xi32, #tpu.memory_space<vmem>>) semaphore(%arg27 : memref<!tpu.dma_semaphore, #tpu.memory_space<semaphore_mem>>)
        %dma_start3A_904 = arith.constant 8 : i32
        %dma_start3A_905 = arith.constant 8 : i32
        %dma_start3A_906 = arith.constant 0 : i32
        %dma_start3A_907 = tpu.memref_slice %arg22[%dma_start3A_904, %dma_start3A_906] : memref<16x128xf32, #tpu.memory_space<vmem>> -> memref<1x128xf32, #tpu.memory_space<vmem>>
        %dma_start3A_908 = tpu.memref_squeeze %dma_start3A_907 : memref<1x128xf32, #tpu.memory_space<vmem>> -> memref<128xf32, #tpu.memory_space<vmem>>
        %dma_start3A_909 = arith.constant 0 : i32
        %dma_start3A_910 = tpu.memref_slice %arg17[%dma_start3A_905, %dma_start3A_909] : memref<16x128xi32, #tpu.memory_space<vmem>> -> memref<1x128xi32, #tpu.memory_space<vmem>>
        %dma_start3A_911 = tpu.memref_squeeze %dma_start3A_910 : memref<1x128xi32, #tpu.memory_space<vmem>> -> memref<128xi32, #tpu.memory_space<vmem>>
        %dma_start3A_912 = arith.constant 0 : i32
        %dma_start3A_913 = tpu.memref_slice %arg14[%dma_start3A_912] : memref<6152xf32, #tpu.memory_space<hbm>> -> memref<6152xf32, #tpu.memory_space<hbm>>
        tpu.enqueue_indirect_dma source(%dma_start3A_908 : memref<128xf32, #tpu.memory_space<vmem>>) target(%dma_start3A_913 : memref<6152xf32, #tpu.memory_space<hbm>>) offsets(%dma_start3A_911 : memref<128xi32, #tpu.memory_space<vmem>>) semaphore(%arg27 : memref<!tpu.dma_semaphore, #tpu.memory_space<semaphore_mem>>)
        %dma_start3A_914 = arith.constant 8 : i32
        %dma_start3A_915 = arith.constant 8 : i32
        %dma_start3A_916 = arith.constant 0 : i32
        %dma_start3A_917 = tpu.memref_slice %arg23[%dma_start3A_914, %dma_start3A_916] : memref<16x128xf32, #tpu.memory_space<vmem>> -> memref<1x128xf32, #tpu.memory_space<vmem>>
        %dma_start3A_918 = tpu.memref_squeeze %dma_start3A_917 : memref<1x128xf32, #tpu.memory_space<vmem>> -> memref<128xf32, #tpu.memory_space<vmem>>
        %dma_start3A_919 = arith.constant 0 : i32
        %dma_start3A_920 = tpu.memref_slice %arg17[%dma_start3A_915, %dma_start3A_919] : memref<16x128xi32, #tpu.memory_space<vmem>> -> memref<1x128xi32, #tpu.memory_space<vmem>>
        %dma_start3A_921 = tpu.memref_squeeze %dma_start3A_920 : memref<1x128xi32, #tpu.memory_space<vmem>> -> memref<128xi32, #tpu.memory_space<vmem>>
        %dma_start3A_922 = arith.constant 0 : i32
        %dma_start3A_923 = tpu.memref_slice %arg15[%dma_start3A_922] : memref<6152xf32, #tpu.memory_space<hbm>> -> memref<6152xf32, #tpu.memory_space<hbm>>
        tpu.enqueue_indirect_dma source(%dma_start3A_918 : memref<128xf32, #tpu.memory_space<vmem>>) target(%dma_start3A_923 : memref<6152xf32, #tpu.memory_space<hbm>>) offsets(%dma_start3A_921 : memref<128xi32, #tpu.memory_space<vmem>>) semaphore(%arg27 : memref<!tpu.dma_semaphore, #tpu.memory_space<semaphore_mem>>)
        %dma_start3A_924 = arith.constant 8 : i32
        %dma_start3A_925 = arith.constant 8 : i32
        %dma_start3A_926 = arith.constant 0 : i32
        %dma_start3A_927 = tpu.memref_slice %arg24[%dma_start3A_924, %dma_start3A_926] : memref<16x128xf32, #tpu.memory_space<vmem>> -> memref<1x128xf32, #tpu.memory_space<vmem>>
        %dma_start3A_928 = tpu.memref_squeeze %dma_start3A_927 : memref<1x128xf32, #tpu.memory_space<vmem>> -> memref<128xf32, #tpu.memory_space<vmem>>
        %dma_start3A_929 = arith.constant 0 : i32
        %dma_start3A_930 = tpu.memref_slice %arg17[%dma_start3A_925, %dma_start3A_929] : memref<16x128xi32, #tpu.memory_space<vmem>> -> memref<1x128xi32, #tpu.memory_space<vmem>>
        %dma_start3A_931 = tpu.memref_squeeze %dma_start3A_930 : memref<1x128xi32, #tpu.memory_space<vmem>> -> memref<128xi32, #tpu.memory_space<vmem>>
        %dma_start3A_932 = arith.constant 0 : i32
        %dma_start3A_933 = tpu.memref_slice %arg16[%dma_start3A_932] : memref<6152xf32, #tpu.memory_space<hbm>> -> memref<6152xf32, #tpu.memory_space<hbm>>
        tpu.enqueue_indirect_dma source(%dma_start3A_928 : memref<128xf32, #tpu.memory_space<vmem>>) target(%dma_start3A_933 : memref<6152xf32, #tpu.memory_space<hbm>>) offsets(%dma_start3A_931 : memref<128xi32, #tpu.memory_space<vmem>>) semaphore(%arg27 : memref<!tpu.dma_semaphore, #tpu.memory_space<semaphore_mem>>)
        %dma_start3A_934 = arith.constant 9 : i32
        %dma_start3A_935 = arith.constant 9 : i32
        %dma_start3A_936 = arith.constant 0 : i32
        %dma_start3A_937 = tpu.memref_slice %arg18[%dma_start3A_934, %dma_start3A_936] : memref<16x128xi32, #tpu.memory_space<vmem>> -> memref<1x128xi32, #tpu.memory_space<vmem>>
        %dma_start3A_938 = tpu.memref_squeeze %dma_start3A_937 : memref<1x128xi32, #tpu.memory_space<vmem>> -> memref<128xi32, #tpu.memory_space<vmem>>
        %dma_start3A_939 = arith.constant 0 : i32
        %dma_start3A_940 = tpu.memref_slice %arg17[%dma_start3A_935, %dma_start3A_939] : memref<16x128xi32, #tpu.memory_space<vmem>> -> memref<1x128xi32, #tpu.memory_space<vmem>>
        %dma_start3A_941 = tpu.memref_squeeze %dma_start3A_940 : memref<1x128xi32, #tpu.memory_space<vmem>> -> memref<128xi32, #tpu.memory_space<vmem>>
        %dma_start3A_942 = arith.constant 0 : i32
        %dma_start3A_943 = tpu.memref_slice %arg10[%dma_start3A_942] : memref<6152xi32, #tpu.memory_space<hbm>> -> memref<6152xi32, #tpu.memory_space<hbm>>
        tpu.enqueue_indirect_dma source(%dma_start3A_938 : memref<128xi32, #tpu.memory_space<vmem>>) target(%dma_start3A_943 : memref<6152xi32, #tpu.memory_space<hbm>>) offsets(%dma_start3A_941 : memref<128xi32, #tpu.memory_space<vmem>>) semaphore(%arg27 : memref<!tpu.dma_semaphore, #tpu.memory_space<semaphore_mem>>)
        %dma_start3A_944 = arith.constant 9 : i32
        %dma_start3A_945 = arith.constant 9 : i32
        %dma_start3A_946 = arith.constant 0 : i32
        %dma_start3A_947 = tpu.memref_slice %arg19[%dma_start3A_944, %dma_start3A_946] : memref<16x128xf32, #tpu.memory_space<vmem>> -> memref<1x128xf32, #tpu.memory_space<vmem>>
        %dma_start3A_948 = tpu.memref_squeeze %dma_start3A_947 : memref<1x128xf32, #tpu.memory_space<vmem>> -> memref<128xf32, #tpu.memory_space<vmem>>
        %dma_start3A_949 = arith.constant 0 : i32
        %dma_start3A_950 = tpu.memref_slice %arg17[%dma_start3A_945, %dma_start3A_949] : memref<16x128xi32, #tpu.memory_space<vmem>> -> memref<1x128xi32, #tpu.memory_space<vmem>>
        %dma_start3A_951 = tpu.memref_squeeze %dma_start3A_950 : memref<1x128xi32, #tpu.memory_space<vmem>> -> memref<128xi32, #tpu.memory_space<vmem>>
        %dma_start3A_952 = arith.constant 0 : i32
        %dma_start3A_953 = tpu.memref_slice %arg11[%dma_start3A_952] : memref<6152xf32, #tpu.memory_space<hbm>> -> memref<6152xf32, #tpu.memory_space<hbm>>
        tpu.enqueue_indirect_dma source(%dma_start3A_948 : memref<128xf32, #tpu.memory_space<vmem>>) target(%dma_start3A_953 : memref<6152xf32, #tpu.memory_space<hbm>>) offsets(%dma_start3A_951 : memref<128xi32, #tpu.memory_space<vmem>>) semaphore(%arg27 : memref<!tpu.dma_semaphore, #tpu.memory_space<semaphore_mem>>)
        %dma_start3A_954 = arith.constant 9 : i32
        %dma_start3A_955 = arith.constant 9 : i32
        %dma_start3A_956 = arith.constant 0 : i32
        %dma_start3A_957 = tpu.memref_slice %arg20[%dma_start3A_954, %dma_start3A_956] : memref<16x128xf32, #tpu.memory_space<vmem>> -> memref<1x128xf32, #tpu.memory_space<vmem>>
        %dma_start3A_958 = tpu.memref_squeeze %dma_start3A_957 : memref<1x128xf32, #tpu.memory_space<vmem>> -> memref<128xf32, #tpu.memory_space<vmem>>
        %dma_start3A_959 = arith.constant 0 : i32
        %dma_start3A_960 = tpu.memref_slice %arg17[%dma_start3A_955, %dma_start3A_959] : memref<16x128xi32, #tpu.memory_space<vmem>> -> memref<1x128xi32, #tpu.memory_space<vmem>>
        %dma_start3A_961 = tpu.memref_squeeze %dma_start3A_960 : memref<1x128xi32, #tpu.memory_space<vmem>> -> memref<128xi32, #tpu.memory_space<vmem>>
        %dma_start3A_962 = arith.constant 0 : i32
        %dma_start3A_963 = tpu.memref_slice %arg12[%dma_start3A_962] : memref<6152xf32, #tpu.memory_space<hbm>> -> memref<6152xf32, #tpu.memory_space<hbm>>
        tpu.enqueue_indirect_dma source(%dma_start3A_958 : memref<128xf32, #tpu.memory_space<vmem>>) target(%dma_start3A_963 : memref<6152xf32, #tpu.memory_space<hbm>>) offsets(%dma_start3A_961 : memref<128xi32, #tpu.memory_space<vmem>>) semaphore(%arg27 : memref<!tpu.dma_semaphore, #tpu.memory_space<semaphore_mem>>)
        %dma_start3A_964 = arith.constant 9 : i32
        %dma_start3A_965 = arith.constant 9 : i32
        %dma_start3A_966 = arith.constant 0 : i32
        %dma_start3A_967 = tpu.memref_slice %arg21[%dma_start3A_964, %dma_start3A_966] : memref<16x128xf32, #tpu.memory_space<vmem>> -> memref<1x128xf32, #tpu.memory_space<vmem>>
        %dma_start3A_968 = tpu.memref_squeeze %dma_start3A_967 : memref<1x128xf32, #tpu.memory_space<vmem>> -> memref<128xf32, #tpu.memory_space<vmem>>
        %dma_start3A_969 = arith.constant 0 : i32
        %dma_start3A_970 = tpu.memref_slice %arg17[%dma_start3A_965, %dma_start3A_969] : memref<16x128xi32, #tpu.memory_space<vmem>> -> memref<1x128xi32, #tpu.memory_space<vmem>>
        %dma_start3A_971 = tpu.memref_squeeze %dma_start3A_970 : memref<1x128xi32, #tpu.memory_space<vmem>> -> memref<128xi32, #tpu.memory_space<vmem>>
        %dma_start3A_972 = arith.constant 0 : i32
        %dma_start3A_973 = tpu.memref_slice %arg13[%dma_start3A_972] : memref<6152xf32, #tpu.memory_space<hbm>> -> memref<6152xf32, #tpu.memory_space<hbm>>
        tpu.enqueue_indirect_dma source(%dma_start3A_968 : memref<128xf32, #tpu.memory_space<vmem>>) target(%dma_start3A_973 : memref<6152xf32, #tpu.memory_space<hbm>>) offsets(%dma_start3A_971 : memref<128xi32, #tpu.memory_space<vmem>>) semaphore(%arg27 : memref<!tpu.dma_semaphore, #tpu.memory_space<semaphore_mem>>)
        %dma_start3A_974 = arith.constant 9 : i32
        %dma_start3A_975 = arith.constant 9 : i32
        %dma_start3A_976 = arith.constant 0 : i32
        %dma_start3A_977 = tpu.memref_slice %arg22[%dma_start3A_974, %dma_start3A_976] : memref<16x128xf32, #tpu.memory_space<vmem>> -> memref<1x128xf32, #tpu.memory_space<vmem>>
        %dma_start3A_978 = tpu.memref_squeeze %dma_start3A_977 : memref<1x128xf32, #tpu.memory_space<vmem>> -> memref<128xf32, #tpu.memory_space<vmem>>
        %dma_start3A_979 = arith.constant 0 : i32
        %dma_start3A_980 = tpu.memref_slice %arg17[%dma_start3A_975, %dma_start3A_979] : memref<16x128xi32, #tpu.memory_space<vmem>> -> memref<1x128xi32, #tpu.memory_space<vmem>>
        %dma_start3A_981 = tpu.memref_squeeze %dma_start3A_980 : memref<1x128xi32, #tpu.memory_space<vmem>> -> memref<128xi32, #tpu.memory_space<vmem>>
        %dma_start3A_982 = arith.constant 0 : i32
        %dma_start3A_983 = tpu.memref_slice %arg14[%dma_start3A_982] : memref<6152xf32, #tpu.memory_space<hbm>> -> memref<6152xf32, #tpu.memory_space<hbm>>
        tpu.enqueue_indirect_dma source(%dma_start3A_978 : memref<128xf32, #tpu.memory_space<vmem>>) target(%dma_start3A_983 : memref<6152xf32, #tpu.memory_space<hbm>>) offsets(%dma_start3A_981 : memref<128xi32, #tpu.memory_space<vmem>>) semaphore(%arg27 : memref<!tpu.dma_semaphore, #tpu.memory_space<semaphore_mem>>)
        %dma_start3A_984 = arith.constant 9 : i32
        %dma_start3A_985 = arith.constant 9 : i32
        %dma_start3A_986 = arith.constant 0 : i32
        %dma_start3A_987 = tpu.memref_slice %arg23[%dma_start3A_984, %dma_start3A_986] : memref<16x128xf32, #tpu.memory_space<vmem>> -> memref<1x128xf32, #tpu.memory_space<vmem>>
        %dma_start3A_988 = tpu.memref_squeeze %dma_start3A_987 : memref<1x128xf32, #tpu.memory_space<vmem>> -> memref<128xf32, #tpu.memory_space<vmem>>
        %dma_start3A_989 = arith.constant 0 : i32
        %dma_start3A_990 = tpu.memref_slice %arg17[%dma_start3A_985, %dma_start3A_989] : memref<16x128xi32, #tpu.memory_space<vmem>> -> memref<1x128xi32, #tpu.memory_space<vmem>>
        %dma_start3A_991 = tpu.memref_squeeze %dma_start3A_990 : memref<1x128xi32, #tpu.memory_space<vmem>> -> memref<128xi32, #tpu.memory_space<vmem>>
        %dma_start3A_992 = arith.constant 0 : i32
        %dma_start3A_993 = tpu.memref_slice %arg15[%dma_start3A_992] : memref<6152xf32, #tpu.memory_space<hbm>> -> memref<6152xf32, #tpu.memory_space<hbm>>
        tpu.enqueue_indirect_dma source(%dma_start3A_988 : memref<128xf32, #tpu.memory_space<vmem>>) target(%dma_start3A_993 : memref<6152xf32, #tpu.memory_space<hbm>>) offsets(%dma_start3A_991 : memref<128xi32, #tpu.memory_space<vmem>>) semaphore(%arg27 : memref<!tpu.dma_semaphore, #tpu.memory_space<semaphore_mem>>)
        %dma_start3A_994 = arith.constant 9 : i32
        %dma_start3A_995 = arith.constant 9 : i32
        %dma_start3A_996 = arith.constant 0 : i32
        %dma_start3A_997 = tpu.memref_slice %arg24[%dma_start3A_994, %dma_start3A_996] : memref<16x128xf32, #tpu.memory_space<vmem>> -> memref<1x128xf32, #tpu.memory_space<vmem>>
        %dma_start3A_998 = tpu.memref_squeeze %dma_start3A_997 : memref<1x128xf32, #tpu.memory_space<vmem>> -> memref<128xf32, #tpu.memory_space<vmem>>
        %dma_start3A_999 = arith.constant 0 : i32
        %dma_start3A_1000 = tpu.memref_slice %arg17[%dma_start3A_995, %dma_start3A_999] : memref<16x128xi32, #tpu.memory_space<vmem>> -> memref<1x128xi32, #tpu.memory_space<vmem>>
        %dma_start3A_1001 = tpu.memref_squeeze %dma_start3A_1000 : memref<1x128xi32, #tpu.memory_space<vmem>> -> memref<128xi32, #tpu.memory_space<vmem>>
        %dma_start3A_1002 = arith.constant 0 : i32
        %dma_start3A_1003 = tpu.memref_slice %arg16[%dma_start3A_1002] : memref<6152xf32, #tpu.memory_space<hbm>> -> memref<6152xf32, #tpu.memory_space<hbm>>
        tpu.enqueue_indirect_dma source(%dma_start3A_998 : memref<128xf32, #tpu.memory_space<vmem>>) target(%dma_start3A_1003 : memref<6152xf32, #tpu.memory_space<hbm>>) offsets(%dma_start3A_1001 : memref<128xi32, #tpu.memory_space<vmem>>) semaphore(%arg27 : memref<!tpu.dma_semaphore, #tpu.memory_space<semaphore_mem>>)
        %dma_start3A_1004 = arith.constant 10 : i32
        %dma_start3A_1005 = arith.constant 10 : i32
        %dma_start3A_1006 = arith.constant 0 : i32
        %dma_start3A_1007 = tpu.memref_slice %arg18[%dma_start3A_1004, %dma_start3A_1006] : memref<16x128xi32, #tpu.memory_space<vmem>> -> memref<1x128xi32, #tpu.memory_space<vmem>>
        %dma_start3A_1008 = tpu.memref_squeeze %dma_start3A_1007 : memref<1x128xi32, #tpu.memory_space<vmem>> -> memref<128xi32, #tpu.memory_space<vmem>>
        %dma_start3A_1009 = arith.constant 0 : i32
        %dma_start3A_1010 = tpu.memref_slice %arg17[%dma_start3A_1005, %dma_start3A_1009] : memref<16x128xi32, #tpu.memory_space<vmem>> -> memref<1x128xi32, #tpu.memory_space<vmem>>
        %dma_start3A_1011 = tpu.memref_squeeze %dma_start3A_1010 : memref<1x128xi32, #tpu.memory_space<vmem>> -> memref<128xi32, #tpu.memory_space<vmem>>
        %dma_start3A_1012 = arith.constant 0 : i32
        %dma_start3A_1013 = tpu.memref_slice %arg10[%dma_start3A_1012] : memref<6152xi32, #tpu.memory_space<hbm>> -> memref<6152xi32, #tpu.memory_space<hbm>>
        tpu.enqueue_indirect_dma source(%dma_start3A_1008 : memref<128xi32, #tpu.memory_space<vmem>>) target(%dma_start3A_1013 : memref<6152xi32, #tpu.memory_space<hbm>>) offsets(%dma_start3A_1011 : memref<128xi32, #tpu.memory_space<vmem>>) semaphore(%arg27 : memref<!tpu.dma_semaphore, #tpu.memory_space<semaphore_mem>>)
        %dma_start3A_1014 = arith.constant 10 : i32
        %dma_start3A_1015 = arith.constant 10 : i32
        %dma_start3A_1016 = arith.constant 0 : i32
        %dma_start3A_1017 = tpu.memref_slice %arg19[%dma_start3A_1014, %dma_start3A_1016] : memref<16x128xf32, #tpu.memory_space<vmem>> -> memref<1x128xf32, #tpu.memory_space<vmem>>
        %dma_start3A_1018 = tpu.memref_squeeze %dma_start3A_1017 : memref<1x128xf32, #tpu.memory_space<vmem>> -> memref<128xf32, #tpu.memory_space<vmem>>
        %dma_start3A_1019 = arith.constant 0 : i32
        %dma_start3A_1020 = tpu.memref_slice %arg17[%dma_start3A_1015, %dma_start3A_1019] : memref<16x128xi32, #tpu.memory_space<vmem>> -> memref<1x128xi32, #tpu.memory_space<vmem>>
        %dma_start3A_1021 = tpu.memref_squeeze %dma_start3A_1020 : memref<1x128xi32, #tpu.memory_space<vmem>> -> memref<128xi32, #tpu.memory_space<vmem>>
        %dma_start3A_1022 = arith.constant 0 : i32
        %dma_start3A_1023 = tpu.memref_slice %arg11[%dma_start3A_1022] : memref<6152xf32, #tpu.memory_space<hbm>> -> memref<6152xf32, #tpu.memory_space<hbm>>
        tpu.enqueue_indirect_dma source(%dma_start3A_1018 : memref<128xf32, #tpu.memory_space<vmem>>) target(%dma_start3A_1023 : memref<6152xf32, #tpu.memory_space<hbm>>) offsets(%dma_start3A_1021 : memref<128xi32, #tpu.memory_space<vmem>>) semaphore(%arg27 : memref<!tpu.dma_semaphore, #tpu.memory_space<semaphore_mem>>)
        %dma_start3A_1024 = arith.constant 10 : i32
        %dma_start3A_1025 = arith.constant 10 : i32
        %dma_start3A_1026 = arith.constant 0 : i32
        %dma_start3A_1027 = tpu.memref_slice %arg20[%dma_start3A_1024, %dma_start3A_1026] : memref<16x128xf32, #tpu.memory_space<vmem>> -> memref<1x128xf32, #tpu.memory_space<vmem>>
        %dma_start3A_1028 = tpu.memref_squeeze %dma_start3A_1027 : memref<1x128xf32, #tpu.memory_space<vmem>> -> memref<128xf32, #tpu.memory_space<vmem>>
        %dma_start3A_1029 = arith.constant 0 : i32
        %dma_start3A_1030 = tpu.memref_slice %arg17[%dma_start3A_1025, %dma_start3A_1029] : memref<16x128xi32, #tpu.memory_space<vmem>> -> memref<1x128xi32, #tpu.memory_space<vmem>>
        %dma_start3A_1031 = tpu.memref_squeeze %dma_start3A_1030 : memref<1x128xi32, #tpu.memory_space<vmem>> -> memref<128xi32, #tpu.memory_space<vmem>>
        %dma_start3A_1032 = arith.constant 0 : i32
        %dma_start3A_1033 = tpu.memref_slice %arg12[%dma_start3A_1032] : memref<6152xf32, #tpu.memory_space<hbm>> -> memref<6152xf32, #tpu.memory_space<hbm>>
        tpu.enqueue_indirect_dma source(%dma_start3A_1028 : memref<128xf32, #tpu.memory_space<vmem>>) target(%dma_start3A_1033 : memref<6152xf32, #tpu.memory_space<hbm>>) offsets(%dma_start3A_1031 : memref<128xi32, #tpu.memory_space<vmem>>) semaphore(%arg27 : memref<!tpu.dma_semaphore, #tpu.memory_space<semaphore_mem>>)
        %dma_start3A_1034 = arith.constant 10 : i32
        %dma_start3A_1035 = arith.constant 10 : i32
        %dma_start3A_1036 = arith.constant 0 : i32
        %dma_start3A_1037 = tpu.memref_slice %arg21[%dma_start3A_1034, %dma_start3A_1036] : memref<16x128xf32, #tpu.memory_space<vmem>> -> memref<1x128xf32, #tpu.memory_space<vmem>>
        %dma_start3A_1038 = tpu.memref_squeeze %dma_start3A_1037 : memref<1x128xf32, #tpu.memory_space<vmem>> -> memref<128xf32, #tpu.memory_space<vmem>>
        %dma_start3A_1039 = arith.constant 0 : i32
        %dma_start3A_1040 = tpu.memref_slice %arg17[%dma_start3A_1035, %dma_start3A_1039] : memref<16x128xi32, #tpu.memory_space<vmem>> -> memref<1x128xi32, #tpu.memory_space<vmem>>
        %dma_start3A_1041 = tpu.memref_squeeze %dma_start3A_1040 : memref<1x128xi32, #tpu.memory_space<vmem>> -> memref<128xi32, #tpu.memory_space<vmem>>
        %dma_start3A_1042 = arith.constant 0 : i32
        %dma_start3A_1043 = tpu.memref_slice %arg13[%dma_start3A_1042] : memref<6152xf32, #tpu.memory_space<hbm>> -> memref<6152xf32, #tpu.memory_space<hbm>>
        tpu.enqueue_indirect_dma source(%dma_start3A_1038 : memref<128xf32, #tpu.memory_space<vmem>>) target(%dma_start3A_1043 : memref<6152xf32, #tpu.memory_space<hbm>>) offsets(%dma_start3A_1041 : memref<128xi32, #tpu.memory_space<vmem>>) semaphore(%arg27 : memref<!tpu.dma_semaphore, #tpu.memory_space<semaphore_mem>>)
        %dma_start3A_1044 = arith.constant 10 : i32
        %dma_start3A_1045 = arith.constant 10 : i32
        %dma_start3A_1046 = arith.constant 0 : i32
        %dma_start3A_1047 = tpu.memref_slice %arg22[%dma_start3A_1044, %dma_start3A_1046] : memref<16x128xf32, #tpu.memory_space<vmem>> -> memref<1x128xf32, #tpu.memory_space<vmem>>
        %dma_start3A_1048 = tpu.memref_squeeze %dma_start3A_1047 : memref<1x128xf32, #tpu.memory_space<vmem>> -> memref<128xf32, #tpu.memory_space<vmem>>
        %dma_start3A_1049 = arith.constant 0 : i32
        %dma_start3A_1050 = tpu.memref_slice %arg17[%dma_start3A_1045, %dma_start3A_1049] : memref<16x128xi32, #tpu.memory_space<vmem>> -> memref<1x128xi32, #tpu.memory_space<vmem>>
        %dma_start3A_1051 = tpu.memref_squeeze %dma_start3A_1050 : memref<1x128xi32, #tpu.memory_space<vmem>> -> memref<128xi32, #tpu.memory_space<vmem>>
        %dma_start3A_1052 = arith.constant 0 : i32
        %dma_start3A_1053 = tpu.memref_slice %arg14[%dma_start3A_1052] : memref<6152xf32, #tpu.memory_space<hbm>> -> memref<6152xf32, #tpu.memory_space<hbm>>
        tpu.enqueue_indirect_dma source(%dma_start3A_1048 : memref<128xf32, #tpu.memory_space<vmem>>) target(%dma_start3A_1053 : memref<6152xf32, #tpu.memory_space<hbm>>) offsets(%dma_start3A_1051 : memref<128xi32, #tpu.memory_space<vmem>>) semaphore(%arg27 : memref<!tpu.dma_semaphore, #tpu.memory_space<semaphore_mem>>)
        %dma_start3A_1054 = arith.constant 10 : i32
        %dma_start3A_1055 = arith.constant 10 : i32
        %dma_start3A_1056 = arith.constant 0 : i32
        %dma_start3A_1057 = tpu.memref_slice %arg23[%dma_start3A_1054, %dma_start3A_1056] : memref<16x128xf32, #tpu.memory_space<vmem>> -> memref<1x128xf32, #tpu.memory_space<vmem>>
        %dma_start3A_1058 = tpu.memref_squeeze %dma_start3A_1057 : memref<1x128xf32, #tpu.memory_space<vmem>> -> memref<128xf32, #tpu.memory_space<vmem>>
        %dma_start3A_1059 = arith.constant 0 : i32
        %dma_start3A_1060 = tpu.memref_slice %arg17[%dma_start3A_1055, %dma_start3A_1059] : memref<16x128xi32, #tpu.memory_space<vmem>> -> memref<1x128xi32, #tpu.memory_space<vmem>>
        %dma_start3A_1061 = tpu.memref_squeeze %dma_start3A_1060 : memref<1x128xi32, #tpu.memory_space<vmem>> -> memref<128xi32, #tpu.memory_space<vmem>>
        %dma_start3A_1062 = arith.constant 0 : i32
        %dma_start3A_1063 = tpu.memref_slice %arg15[%dma_start3A_1062] : memref<6152xf32, #tpu.memory_space<hbm>> -> memref<6152xf32, #tpu.memory_space<hbm>>
        tpu.enqueue_indirect_dma source(%dma_start3A_1058 : memref<128xf32, #tpu.memory_space<vmem>>) target(%dma_start3A_1063 : memref<6152xf32, #tpu.memory_space<hbm>>) offsets(%dma_start3A_1061 : memref<128xi32, #tpu.memory_space<vmem>>) semaphore(%arg27 : memref<!tpu.dma_semaphore, #tpu.memory_space<semaphore_mem>>)
        %dma_start3A_1064 = arith.constant 10 : i32
        %dma_start3A_1065 = arith.constant 10 : i32
        %dma_start3A_1066 = arith.constant 0 : i32
        %dma_start3A_1067 = tpu.memref_slice %arg24[%dma_start3A_1064, %dma_start3A_1066] : memref<16x128xf32, #tpu.memory_space<vmem>> -> memref<1x128xf32, #tpu.memory_space<vmem>>
        %dma_start3A_1068 = tpu.memref_squeeze %dma_start3A_1067 : memref<1x128xf32, #tpu.memory_space<vmem>> -> memref<128xf32, #tpu.memory_space<vmem>>
        %dma_start3A_1069 = arith.constant 0 : i32
        %dma_start3A_1070 = tpu.memref_slice %arg17[%dma_start3A_1065, %dma_start3A_1069] : memref<16x128xi32, #tpu.memory_space<vmem>> -> memref<1x128xi32, #tpu.memory_space<vmem>>
        %dma_start3A_1071 = tpu.memref_squeeze %dma_start3A_1070 : memref<1x128xi32, #tpu.memory_space<vmem>> -> memref<128xi32, #tpu.memory_space<vmem>>
        %dma_start3A_1072 = arith.constant 0 : i32
        %dma_start3A_1073 = tpu.memref_slice %arg16[%dma_start3A_1072] : memref<6152xf32, #tpu.memory_space<hbm>> -> memref<6152xf32, #tpu.memory_space<hbm>>
        tpu.enqueue_indirect_dma source(%dma_start3A_1068 : memref<128xf32, #tpu.memory_space<vmem>>) target(%dma_start3A_1073 : memref<6152xf32, #tpu.memory_space<hbm>>) offsets(%dma_start3A_1071 : memref<128xi32, #tpu.memory_space<vmem>>) semaphore(%arg27 : memref<!tpu.dma_semaphore, #tpu.memory_space<semaphore_mem>>)
        %dma_start3A_1074 = arith.constant 11 : i32
        %dma_start3A_1075 = arith.constant 11 : i32
        %dma_start3A_1076 = arith.constant 0 : i32
        %dma_start3A_1077 = tpu.memref_slice %arg18[%dma_start3A_1074, %dma_start3A_1076] : memref<16x128xi32, #tpu.memory_space<vmem>> -> memref<1x128xi32, #tpu.memory_space<vmem>>
        %dma_start3A_1078 = tpu.memref_squeeze %dma_start3A_1077 : memref<1x128xi32, #tpu.memory_space<vmem>> -> memref<128xi32, #tpu.memory_space<vmem>>
        %dma_start3A_1079 = arith.constant 0 : i32
        %dma_start3A_1080 = tpu.memref_slice %arg17[%dma_start3A_1075, %dma_start3A_1079] : memref<16x128xi32, #tpu.memory_space<vmem>> -> memref<1x128xi32, #tpu.memory_space<vmem>>
        %dma_start3A_1081 = tpu.memref_squeeze %dma_start3A_1080 : memref<1x128xi32, #tpu.memory_space<vmem>> -> memref<128xi32, #tpu.memory_space<vmem>>
        %dma_start3A_1082 = arith.constant 0 : i32
        %dma_start3A_1083 = tpu.memref_slice %arg10[%dma_start3A_1082] : memref<6152xi32, #tpu.memory_space<hbm>> -> memref<6152xi32, #tpu.memory_space<hbm>>
        tpu.enqueue_indirect_dma source(%dma_start3A_1078 : memref<128xi32, #tpu.memory_space<vmem>>) target(%dma_start3A_1083 : memref<6152xi32, #tpu.memory_space<hbm>>) offsets(%dma_start3A_1081 : memref<128xi32, #tpu.memory_space<vmem>>) semaphore(%arg27 : memref<!tpu.dma_semaphore, #tpu.memory_space<semaphore_mem>>)
        %dma_start3A_1084 = arith.constant 11 : i32
        %dma_start3A_1085 = arith.constant 11 : i32
        %dma_start3A_1086 = arith.constant 0 : i32
        %dma_start3A_1087 = tpu.memref_slice %arg19[%dma_start3A_1084, %dma_start3A_1086] : memref<16x128xf32, #tpu.memory_space<vmem>> -> memref<1x128xf32, #tpu.memory_space<vmem>>
        %dma_start3A_1088 = tpu.memref_squeeze %dma_start3A_1087 : memref<1x128xf32, #tpu.memory_space<vmem>> -> memref<128xf32, #tpu.memory_space<vmem>>
        %dma_start3A_1089 = arith.constant 0 : i32
        %dma_start3A_1090 = tpu.memref_slice %arg17[%dma_start3A_1085, %dma_start3A_1089] : memref<16x128xi32, #tpu.memory_space<vmem>> -> memref<1x128xi32, #tpu.memory_space<vmem>>
        %dma_start3A_1091 = tpu.memref_squeeze %dma_start3A_1090 : memref<1x128xi32, #tpu.memory_space<vmem>> -> memref<128xi32, #tpu.memory_space<vmem>>
        %dma_start3A_1092 = arith.constant 0 : i32
        %dma_start3A_1093 = tpu.memref_slice %arg11[%dma_start3A_1092] : memref<6152xf32, #tpu.memory_space<hbm>> -> memref<6152xf32, #tpu.memory_space<hbm>>
        tpu.enqueue_indirect_dma source(%dma_start3A_1088 : memref<128xf32, #tpu.memory_space<vmem>>) target(%dma_start3A_1093 : memref<6152xf32, #tpu.memory_space<hbm>>) offsets(%dma_start3A_1091 : memref<128xi32, #tpu.memory_space<vmem>>) semaphore(%arg27 : memref<!tpu.dma_semaphore, #tpu.memory_space<semaphore_mem>>)
        %dma_start3A_1094 = arith.constant 11 : i32
        %dma_start3A_1095 = arith.constant 11 : i32
        %dma_start3A_1096 = arith.constant 0 : i32
        %dma_start3A_1097 = tpu.memref_slice %arg20[%dma_start3A_1094, %dma_start3A_1096] : memref<16x128xf32, #tpu.memory_space<vmem>> -> memref<1x128xf32, #tpu.memory_space<vmem>>
        %dma_start3A_1098 = tpu.memref_squeeze %dma_start3A_1097 : memref<1x128xf32, #tpu.memory_space<vmem>> -> memref<128xf32, #tpu.memory_space<vmem>>
        %dma_start3A_1099 = arith.constant 0 : i32
        %dma_start3A_1100 = tpu.memref_slice %arg17[%dma_start3A_1095, %dma_start3A_1099] : memref<16x128xi32, #tpu.memory_space<vmem>> -> memref<1x128xi32, #tpu.memory_space<vmem>>
        %dma_start3A_1101 = tpu.memref_squeeze %dma_start3A_1100 : memref<1x128xi32, #tpu.memory_space<vmem>> -> memref<128xi32, #tpu.memory_space<vmem>>
        %dma_start3A_1102 = arith.constant 0 : i32
        %dma_start3A_1103 = tpu.memref_slice %arg12[%dma_start3A_1102] : memref<6152xf32, #tpu.memory_space<hbm>> -> memref<6152xf32, #tpu.memory_space<hbm>>
        tpu.enqueue_indirect_dma source(%dma_start3A_1098 : memref<128xf32, #tpu.memory_space<vmem>>) target(%dma_start3A_1103 : memref<6152xf32, #tpu.memory_space<hbm>>) offsets(%dma_start3A_1101 : memref<128xi32, #tpu.memory_space<vmem>>) semaphore(%arg27 : memref<!tpu.dma_semaphore, #tpu.memory_space<semaphore_mem>>)
        %dma_start3A_1104 = arith.constant 11 : i32
        %dma_start3A_1105 = arith.constant 11 : i32
        %dma_start3A_1106 = arith.constant 0 : i32
        %dma_start3A_1107 = tpu.memref_slice %arg21[%dma_start3A_1104, %dma_start3A_1106] : memref<16x128xf32, #tpu.memory_space<vmem>> -> memref<1x128xf32, #tpu.memory_space<vmem>>
        %dma_start3A_1108 = tpu.memref_squeeze %dma_start3A_1107 : memref<1x128xf32, #tpu.memory_space<vmem>> -> memref<128xf32, #tpu.memory_space<vmem>>
        %dma_start3A_1109 = arith.constant 0 : i32
        %dma_start3A_1110 = tpu.memref_slice %arg17[%dma_start3A_1105, %dma_start3A_1109] : memref<16x128xi32, #tpu.memory_space<vmem>> -> memref<1x128xi32, #tpu.memory_space<vmem>>
        %dma_start3A_1111 = tpu.memref_squeeze %dma_start3A_1110 : memref<1x128xi32, #tpu.memory_space<vmem>> -> memref<128xi32, #tpu.memory_space<vmem>>
        %dma_start3A_1112 = arith.constant 0 : i32
        %dma_start3A_1113 = tpu.memref_slice %arg13[%dma_start3A_1112] : memref<6152xf32, #tpu.memory_space<hbm>> -> memref<6152xf32, #tpu.memory_space<hbm>>
        tpu.enqueue_indirect_dma source(%dma_start3A_1108 : memref<128xf32, #tpu.memory_space<vmem>>) target(%dma_start3A_1113 : memref<6152xf32, #tpu.memory_space<hbm>>) offsets(%dma_start3A_1111 : memref<128xi32, #tpu.memory_space<vmem>>) semaphore(%arg27 : memref<!tpu.dma_semaphore, #tpu.memory_space<semaphore_mem>>)
        %dma_start3A_1114 = arith.constant 11 : i32
        %dma_start3A_1115 = arith.constant 11 : i32
        %dma_start3A_1116 = arith.constant 0 : i32
        %dma_start3A_1117 = tpu.memref_slice %arg22[%dma_start3A_1114, %dma_start3A_1116] : memref<16x128xf32, #tpu.memory_space<vmem>> -> memref<1x128xf32, #tpu.memory_space<vmem>>
        %dma_start3A_1118 = tpu.memref_squeeze %dma_start3A_1117 : memref<1x128xf32, #tpu.memory_space<vmem>> -> memref<128xf32, #tpu.memory_space<vmem>>
        %dma_start3A_1119 = arith.constant 0 : i32
        %dma_start3A_1120 = tpu.memref_slice %arg17[%dma_start3A_1115, %dma_start3A_1119] : memref<16x128xi32, #tpu.memory_space<vmem>> -> memref<1x128xi32, #tpu.memory_space<vmem>>
        %dma_start3A_1121 = tpu.memref_squeeze %dma_start3A_1120 : memref<1x128xi32, #tpu.memory_space<vmem>> -> memref<128xi32, #tpu.memory_space<vmem>>
        %dma_start3A_1122 = arith.constant 0 : i32
        %dma_start3A_1123 = tpu.memref_slice %arg14[%dma_start3A_1122] : memref<6152xf32, #tpu.memory_space<hbm>> -> memref<6152xf32, #tpu.memory_space<hbm>>
        tpu.enqueue_indirect_dma source(%dma_start3A_1118 : memref<128xf32, #tpu.memory_space<vmem>>) target(%dma_start3A_1123 : memref<6152xf32, #tpu.memory_space<hbm>>) offsets(%dma_start3A_1121 : memref<128xi32, #tpu.memory_space<vmem>>) semaphore(%arg27 : memref<!tpu.dma_semaphore, #tpu.memory_space<semaphore_mem>>)
        %dma_start3A_1124 = arith.constant 11 : i32
        %dma_start3A_1125 = arith.constant 11 : i32
        %dma_start3A_1126 = arith.constant 0 : i32
        %dma_start3A_1127 = tpu.memref_slice %arg23[%dma_start3A_1124, %dma_start3A_1126] : memref<16x128xf32, #tpu.memory_space<vmem>> -> memref<1x128xf32, #tpu.memory_space<vmem>>
        %dma_start3A_1128 = tpu.memref_squeeze %dma_start3A_1127 : memref<1x128xf32, #tpu.memory_space<vmem>> -> memref<128xf32, #tpu.memory_space<vmem>>
        %dma_start3A_1129 = arith.constant 0 : i32
        %dma_start3A_1130 = tpu.memref_slice %arg17[%dma_start3A_1125, %dma_start3A_1129] : memref<16x128xi32, #tpu.memory_space<vmem>> -> memref<1x128xi32, #tpu.memory_space<vmem>>
        %dma_start3A_1131 = tpu.memref_squeeze %dma_start3A_1130 : memref<1x128xi32, #tpu.memory_space<vmem>> -> memref<128xi32, #tpu.memory_space<vmem>>
        %dma_start3A_1132 = arith.constant 0 : i32
        %dma_start3A_1133 = tpu.memref_slice %arg15[%dma_start3A_1132] : memref<6152xf32, #tpu.memory_space<hbm>> -> memref<6152xf32, #tpu.memory_space<hbm>>
        tpu.enqueue_indirect_dma source(%dma_start3A_1128 : memref<128xf32, #tpu.memory_space<vmem>>) target(%dma_start3A_1133 : memref<6152xf32, #tpu.memory_space<hbm>>) offsets(%dma_start3A_1131 : memref<128xi32, #tpu.memory_space<vmem>>) semaphore(%arg27 : memref<!tpu.dma_semaphore, #tpu.memory_space<semaphore_mem>>)
        %dma_start3A_1134 = arith.constant 11 : i32
        %dma_start3A_1135 = arith.constant 11 : i32
        %dma_start3A_1136 = arith.constant 0 : i32
        %dma_start3A_1137 = tpu.memref_slice %arg24[%dma_start3A_1134, %dma_start3A_1136] : memref<16x128xf32, #tpu.memory_space<vmem>> -> memref<1x128xf32, #tpu.memory_space<vmem>>
        %dma_start3A_1138 = tpu.memref_squeeze %dma_start3A_1137 : memref<1x128xf32, #tpu.memory_space<vmem>> -> memref<128xf32, #tpu.memory_space<vmem>>
        %dma_start3A_1139 = arith.constant 0 : i32
        %dma_start3A_1140 = tpu.memref_slice %arg17[%dma_start3A_1135, %dma_start3A_1139] : memref<16x128xi32, #tpu.memory_space<vmem>> -> memref<1x128xi32, #tpu.memory_space<vmem>>
        %dma_start3A_1141 = tpu.memref_squeeze %dma_start3A_1140 : memref<1x128xi32, #tpu.memory_space<vmem>> -> memref<128xi32, #tpu.memory_space<vmem>>
        %dma_start3A_1142 = arith.constant 0 : i32
        %dma_start3A_1143 = tpu.memref_slice %arg16[%dma_start3A_1142] : memref<6152xf32, #tpu.memory_space<hbm>> -> memref<6152xf32, #tpu.memory_space<hbm>>
        tpu.enqueue_indirect_dma source(%dma_start3A_1138 : memref<128xf32, #tpu.memory_space<vmem>>) target(%dma_start3A_1143 : memref<6152xf32, #tpu.memory_space<hbm>>) offsets(%dma_start3A_1141 : memref<128xi32, #tpu.memory_space<vmem>>) semaphore(%arg27 : memref<!tpu.dma_semaphore, #tpu.memory_space<semaphore_mem>>)
        %dma_start3A_1144 = arith.constant 12 : i32
        %dma_start3A_1145 = arith.constant 12 : i32
        %dma_start3A_1146 = arith.constant 0 : i32
        %dma_start3A_1147 = tpu.memref_slice %arg18[%dma_start3A_1144, %dma_start3A_1146] : memref<16x128xi32, #tpu.memory_space<vmem>> -> memref<1x128xi32, #tpu.memory_space<vmem>>
        %dma_start3A_1148 = tpu.memref_squeeze %dma_start3A_1147 : memref<1x128xi32, #tpu.memory_space<vmem>> -> memref<128xi32, #tpu.memory_space<vmem>>
        %dma_start3A_1149 = arith.constant 0 : i32
        %dma_start3A_1150 = tpu.memref_slice %arg17[%dma_start3A_1145, %dma_start3A_1149] : memref<16x128xi32, #tpu.memory_space<vmem>> -> memref<1x128xi32, #tpu.memory_space<vmem>>
        %dma_start3A_1151 = tpu.memref_squeeze %dma_start3A_1150 : memref<1x128xi32, #tpu.memory_space<vmem>> -> memref<128xi32, #tpu.memory_space<vmem>>
        %dma_start3A_1152 = arith.constant 0 : i32
        %dma_start3A_1153 = tpu.memref_slice %arg10[%dma_start3A_1152] : memref<6152xi32, #tpu.memory_space<hbm>> -> memref<6152xi32, #tpu.memory_space<hbm>>
        tpu.enqueue_indirect_dma source(%dma_start3A_1148 : memref<128xi32, #tpu.memory_space<vmem>>) target(%dma_start3A_1153 : memref<6152xi32, #tpu.memory_space<hbm>>) offsets(%dma_start3A_1151 : memref<128xi32, #tpu.memory_space<vmem>>) semaphore(%arg27 : memref<!tpu.dma_semaphore, #tpu.memory_space<semaphore_mem>>)
        %dma_start3A_1154 = arith.constant 12 : i32
        %dma_start3A_1155 = arith.constant 12 : i32
        %dma_start3A_1156 = arith.constant 0 : i32
        %dma_start3A_1157 = tpu.memref_slice %arg19[%dma_start3A_1154, %dma_start3A_1156] : memref<16x128xf32, #tpu.memory_space<vmem>> -> memref<1x128xf32, #tpu.memory_space<vmem>>
        %dma_start3A_1158 = tpu.memref_squeeze %dma_start3A_1157 : memref<1x128xf32, #tpu.memory_space<vmem>> -> memref<128xf32, #tpu.memory_space<vmem>>
        %dma_start3A_1159 = arith.constant 0 : i32
        %dma_start3A_1160 = tpu.memref_slice %arg17[%dma_start3A_1155, %dma_start3A_1159] : memref<16x128xi32, #tpu.memory_space<vmem>> -> memref<1x128xi32, #tpu.memory_space<vmem>>
        %dma_start3A_1161 = tpu.memref_squeeze %dma_start3A_1160 : memref<1x128xi32, #tpu.memory_space<vmem>> -> memref<128xi32, #tpu.memory_space<vmem>>
        %dma_start3A_1162 = arith.constant 0 : i32
        %dma_start3A_1163 = tpu.memref_slice %arg11[%dma_start3A_1162] : memref<6152xf32, #tpu.memory_space<hbm>> -> memref<6152xf32, #tpu.memory_space<hbm>>
        tpu.enqueue_indirect_dma source(%dma_start3A_1158 : memref<128xf32, #tpu.memory_space<vmem>>) target(%dma_start3A_1163 : memref<6152xf32, #tpu.memory_space<hbm>>) offsets(%dma_start3A_1161 : memref<128xi32, #tpu.memory_space<vmem>>) semaphore(%arg27 : memref<!tpu.dma_semaphore, #tpu.memory_space<semaphore_mem>>)
        %dma_start3A_1164 = arith.constant 12 : i32
        %dma_start3A_1165 = arith.constant 12 : i32
        %dma_start3A_1166 = arith.constant 0 : i32
        %dma_start3A_1167 = tpu.memref_slice %arg20[%dma_start3A_1164, %dma_start3A_1166] : memref<16x128xf32, #tpu.memory_space<vmem>> -> memref<1x128xf32, #tpu.memory_space<vmem>>
        %dma_start3A_1168 = tpu.memref_squeeze %dma_start3A_1167 : memref<1x128xf32, #tpu.memory_space<vmem>> -> memref<128xf32, #tpu.memory_space<vmem>>
        %dma_start3A_1169 = arith.constant 0 : i32
        %dma_start3A_1170 = tpu.memref_slice %arg17[%dma_start3A_1165, %dma_start3A_1169] : memref<16x128xi32, #tpu.memory_space<vmem>> -> memref<1x128xi32, #tpu.memory_space<vmem>>
        %dma_start3A_1171 = tpu.memref_squeeze %dma_start3A_1170 : memref<1x128xi32, #tpu.memory_space<vmem>> -> memref<128xi32, #tpu.memory_space<vmem>>
        %dma_start3A_1172 = arith.constant 0 : i32
        %dma_start3A_1173 = tpu.memref_slice %arg12[%dma_start3A_1172] : memref<6152xf32, #tpu.memory_space<hbm>> -> memref<6152xf32, #tpu.memory_space<hbm>>
        tpu.enqueue_indirect_dma source(%dma_start3A_1168 : memref<128xf32, #tpu.memory_space<vmem>>) target(%dma_start3A_1173 : memref<6152xf32, #tpu.memory_space<hbm>>) offsets(%dma_start3A_1171 : memref<128xi32, #tpu.memory_space<vmem>>) semaphore(%arg27 : memref<!tpu.dma_semaphore, #tpu.memory_space<semaphore_mem>>)
        %dma_start3A_1174 = arith.constant 12 : i32
        %dma_start3A_1175 = arith.constant 12 : i32
        %dma_start3A_1176 = arith.constant 0 : i32
        %dma_start3A_1177 = tpu.memref_slice %arg21[%dma_start3A_1174, %dma_start3A_1176] : memref<16x128xf32, #tpu.memory_space<vmem>> -> memref<1x128xf32, #tpu.memory_space<vmem>>
        %dma_start3A_1178 = tpu.memref_squeeze %dma_start3A_1177 : memref<1x128xf32, #tpu.memory_space<vmem>> -> memref<128xf32, #tpu.memory_space<vmem>>
        %dma_start3A_1179 = arith.constant 0 : i32
        %dma_start3A_1180 = tpu.memref_slice %arg17[%dma_start3A_1175, %dma_start3A_1179] : memref<16x128xi32, #tpu.memory_space<vmem>> -> memref<1x128xi32, #tpu.memory_space<vmem>>
        %dma_start3A_1181 = tpu.memref_squeeze %dma_start3A_1180 : memref<1x128xi32, #tpu.memory_space<vmem>> -> memref<128xi32, #tpu.memory_space<vmem>>
        %dma_start3A_1182 = arith.constant 0 : i32
        %dma_start3A_1183 = tpu.memref_slice %arg13[%dma_start3A_1182] : memref<6152xf32, #tpu.memory_space<hbm>> -> memref<6152xf32, #tpu.memory_space<hbm>>
        tpu.enqueue_indirect_dma source(%dma_start3A_1178 : memref<128xf32, #tpu.memory_space<vmem>>) target(%dma_start3A_1183 : memref<6152xf32, #tpu.memory_space<hbm>>) offsets(%dma_start3A_1181 : memref<128xi32, #tpu.memory_space<vmem>>) semaphore(%arg27 : memref<!tpu.dma_semaphore, #tpu.memory_space<semaphore_mem>>)
        %dma_start3A_1184 = arith.constant 12 : i32
        %dma_start3A_1185 = arith.constant 12 : i32
        %dma_start3A_1186 = arith.constant 0 : i32
        %dma_start3A_1187 = tpu.memref_slice %arg22[%dma_start3A_1184, %dma_start3A_1186] : memref<16x128xf32, #tpu.memory_space<vmem>> -> memref<1x128xf32, #tpu.memory_space<vmem>>
        %dma_start3A_1188 = tpu.memref_squeeze %dma_start3A_1187 : memref<1x128xf32, #tpu.memory_space<vmem>> -> memref<128xf32, #tpu.memory_space<vmem>>
        %dma_start3A_1189 = arith.constant 0 : i32
        %dma_start3A_1190 = tpu.memref_slice %arg17[%dma_start3A_1185, %dma_start3A_1189] : memref<16x128xi32, #tpu.memory_space<vmem>> -> memref<1x128xi32, #tpu.memory_space<vmem>>
        %dma_start3A_1191 = tpu.memref_squeeze %dma_start3A_1190 : memref<1x128xi32, #tpu.memory_space<vmem>> -> memref<128xi32, #tpu.memory_space<vmem>>
        %dma_start3A_1192 = arith.constant 0 : i32
        %dma_start3A_1193 = tpu.memref_slice %arg14[%dma_start3A_1192] : memref<6152xf32, #tpu.memory_space<hbm>> -> memref<6152xf32, #tpu.memory_space<hbm>>
        tpu.enqueue_indirect_dma source(%dma_start3A_1188 : memref<128xf32, #tpu.memory_space<vmem>>) target(%dma_start3A_1193 : memref<6152xf32, #tpu.memory_space<hbm>>) offsets(%dma_start3A_1191 : memref<128xi32, #tpu.memory_space<vmem>>) semaphore(%arg27 : memref<!tpu.dma_semaphore, #tpu.memory_space<semaphore_mem>>)
        %dma_start3A_1194 = arith.constant 12 : i32
        %dma_start3A_1195 = arith.constant 12 : i32
        %dma_start3A_1196 = arith.constant 0 : i32
        %dma_start3A_1197 = tpu.memref_slice %arg23[%dma_start3A_1194, %dma_start3A_1196] : memref<16x128xf32, #tpu.memory_space<vmem>> -> memref<1x128xf32, #tpu.memory_space<vmem>>
        %dma_start3A_1198 = tpu.memref_squeeze %dma_start3A_1197 : memref<1x128xf32, #tpu.memory_space<vmem>> -> memref<128xf32, #tpu.memory_space<vmem>>
        %dma_start3A_1199 = arith.constant 0 : i32
        %dma_start3A_1200 = tpu.memref_slice %arg17[%dma_start3A_1195, %dma_start3A_1199] : memref<16x128xi32, #tpu.memory_space<vmem>> -> memref<1x128xi32, #tpu.memory_space<vmem>>
        %dma_start3A_1201 = tpu.memref_squeeze %dma_start3A_1200 : memref<1x128xi32, #tpu.memory_space<vmem>> -> memref<128xi32, #tpu.memory_space<vmem>>
        %dma_start3A_1202 = arith.constant 0 : i32
        %dma_start3A_1203 = tpu.memref_slice %arg15[%dma_start3A_1202] : memref<6152xf32, #tpu.memory_space<hbm>> -> memref<6152xf32, #tpu.memory_space<hbm>>
        tpu.enqueue_indirect_dma source(%dma_start3A_1198 : memref<128xf32, #tpu.memory_space<vmem>>) target(%dma_start3A_1203 : memref<6152xf32, #tpu.memory_space<hbm>>) offsets(%dma_start3A_1201 : memref<128xi32, #tpu.memory_space<vmem>>) semaphore(%arg27 : memref<!tpu.dma_semaphore, #tpu.memory_space<semaphore_mem>>)
        %dma_start3A_1204 = arith.constant 12 : i32
        %dma_start3A_1205 = arith.constant 12 : i32
        %dma_start3A_1206 = arith.constant 0 : i32
        %dma_start3A_1207 = tpu.memref_slice %arg24[%dma_start3A_1204, %dma_start3A_1206] : memref<16x128xf32, #tpu.memory_space<vmem>> -> memref<1x128xf32, #tpu.memory_space<vmem>>
        %dma_start3A_1208 = tpu.memref_squeeze %dma_start3A_1207 : memref<1x128xf32, #tpu.memory_space<vmem>> -> memref<128xf32, #tpu.memory_space<vmem>>
        %dma_start3A_1209 = arith.constant 0 : i32
        %dma_start3A_1210 = tpu.memref_slice %arg17[%dma_start3A_1205, %dma_start3A_1209] : memref<16x128xi32, #tpu.memory_space<vmem>> -> memref<1x128xi32, #tpu.memory_space<vmem>>
        %dma_start3A_1211 = tpu.memref_squeeze %dma_start3A_1210 : memref<1x128xi32, #tpu.memory_space<vmem>> -> memref<128xi32, #tpu.memory_space<vmem>>
        %dma_start3A_1212 = arith.constant 0 : i32
        %dma_start3A_1213 = tpu.memref_slice %arg16[%dma_start3A_1212] : memref<6152xf32, #tpu.memory_space<hbm>> -> memref<6152xf32, #tpu.memory_space<hbm>>
        tpu.enqueue_indirect_dma source(%dma_start3A_1208 : memref<128xf32, #tpu.memory_space<vmem>>) target(%dma_start3A_1213 : memref<6152xf32, #tpu.memory_space<hbm>>) offsets(%dma_start3A_1211 : memref<128xi32, #tpu.memory_space<vmem>>) semaphore(%arg27 : memref<!tpu.dma_semaphore, #tpu.memory_space<semaphore_mem>>)
        %dma_start3A_1214 = arith.constant 13 : i32
        %dma_start3A_1215 = arith.constant 13 : i32
        %dma_start3A_1216 = arith.constant 0 : i32
        %dma_start3A_1217 = tpu.memref_slice %arg18[%dma_start3A_1214, %dma_start3A_1216] : memref<16x128xi32, #tpu.memory_space<vmem>> -> memref<1x128xi32, #tpu.memory_space<vmem>>
        %dma_start3A_1218 = tpu.memref_squeeze %dma_start3A_1217 : memref<1x128xi32, #tpu.memory_space<vmem>> -> memref<128xi32, #tpu.memory_space<vmem>>
        %dma_start3A_1219 = arith.constant 0 : i32
        %dma_start3A_1220 = tpu.memref_slice %arg17[%dma_start3A_1215, %dma_start3A_1219] : memref<16x128xi32, #tpu.memory_space<vmem>> -> memref<1x128xi32, #tpu.memory_space<vmem>>
        %dma_start3A_1221 = tpu.memref_squeeze %dma_start3A_1220 : memref<1x128xi32, #tpu.memory_space<vmem>> -> memref<128xi32, #tpu.memory_space<vmem>>
        %dma_start3A_1222 = arith.constant 0 : i32
        %dma_start3A_1223 = tpu.memref_slice %arg10[%dma_start3A_1222] : memref<6152xi32, #tpu.memory_space<hbm>> -> memref<6152xi32, #tpu.memory_space<hbm>>
        tpu.enqueue_indirect_dma source(%dma_start3A_1218 : memref<128xi32, #tpu.memory_space<vmem>>) target(%dma_start3A_1223 : memref<6152xi32, #tpu.memory_space<hbm>>) offsets(%dma_start3A_1221 : memref<128xi32, #tpu.memory_space<vmem>>) semaphore(%arg27 : memref<!tpu.dma_semaphore, #tpu.memory_space<semaphore_mem>>)
        %dma_start3A_1224 = arith.constant 13 : i32
        %dma_start3A_1225 = arith.constant 13 : i32
        %dma_start3A_1226 = arith.constant 0 : i32
        %dma_start3A_1227 = tpu.memref_slice %arg19[%dma_start3A_1224, %dma_start3A_1226] : memref<16x128xf32, #tpu.memory_space<vmem>> -> memref<1x128xf32, #tpu.memory_space<vmem>>
        %dma_start3A_1228 = tpu.memref_squeeze %dma_start3A_1227 : memref<1x128xf32, #tpu.memory_space<vmem>> -> memref<128xf32, #tpu.memory_space<vmem>>
        %dma_start3A_1229 = arith.constant 0 : i32
        %dma_start3A_1230 = tpu.memref_slice %arg17[%dma_start3A_1225, %dma_start3A_1229] : memref<16x128xi32, #tpu.memory_space<vmem>> -> memref<1x128xi32, #tpu.memory_space<vmem>>
        %dma_start3A_1231 = tpu.memref_squeeze %dma_start3A_1230 : memref<1x128xi32, #tpu.memory_space<vmem>> -> memref<128xi32, #tpu.memory_space<vmem>>
        %dma_start3A_1232 = arith.constant 0 : i32
        %dma_start3A_1233 = tpu.memref_slice %arg11[%dma_start3A_1232] : memref<6152xf32, #tpu.memory_space<hbm>> -> memref<6152xf32, #tpu.memory_space<hbm>>
        tpu.enqueue_indirect_dma source(%dma_start3A_1228 : memref<128xf32, #tpu.memory_space<vmem>>) target(%dma_start3A_1233 : memref<6152xf32, #tpu.memory_space<hbm>>) offsets(%dma_start3A_1231 : memref<128xi32, #tpu.memory_space<vmem>>) semaphore(%arg27 : memref<!tpu.dma_semaphore, #tpu.memory_space<semaphore_mem>>)
        %dma_start3A_1234 = arith.constant 13 : i32
        %dma_start3A_1235 = arith.constant 13 : i32
        %dma_start3A_1236 = arith.constant 0 : i32
        %dma_start3A_1237 = tpu.memref_slice %arg20[%dma_start3A_1234, %dma_start3A_1236] : memref<16x128xf32, #tpu.memory_space<vmem>> -> memref<1x128xf32, #tpu.memory_space<vmem>>
        %dma_start3A_1238 = tpu.memref_squeeze %dma_start3A_1237 : memref<1x128xf32, #tpu.memory_space<vmem>> -> memref<128xf32, #tpu.memory_space<vmem>>
        %dma_start3A_1239 = arith.constant 0 : i32
        %dma_start3A_1240 = tpu.memref_slice %arg17[%dma_start3A_1235, %dma_start3A_1239] : memref<16x128xi32, #tpu.memory_space<vmem>> -> memref<1x128xi32, #tpu.memory_space<vmem>>
        %dma_start3A_1241 = tpu.memref_squeeze %dma_start3A_1240 : memref<1x128xi32, #tpu.memory_space<vmem>> -> memref<128xi32, #tpu.memory_space<vmem>>
        %dma_start3A_1242 = arith.constant 0 : i32
        %dma_start3A_1243 = tpu.memref_slice %arg12[%dma_start3A_1242] : memref<6152xf32, #tpu.memory_space<hbm>> -> memref<6152xf32, #tpu.memory_space<hbm>>
        tpu.enqueue_indirect_dma source(%dma_start3A_1238 : memref<128xf32, #tpu.memory_space<vmem>>) target(%dma_start3A_1243 : memref<6152xf32, #tpu.memory_space<hbm>>) offsets(%dma_start3A_1241 : memref<128xi32, #tpu.memory_space<vmem>>) semaphore(%arg27 : memref<!tpu.dma_semaphore, #tpu.memory_space<semaphore_mem>>)
        %dma_start3A_1244 = arith.constant 13 : i32
        %dma_start3A_1245 = arith.constant 13 : i32
        %dma_start3A_1246 = arith.constant 0 : i32
        %dma_start3A_1247 = tpu.memref_slice %arg21[%dma_start3A_1244, %dma_start3A_1246] : memref<16x128xf32, #tpu.memory_space<vmem>> -> memref<1x128xf32, #tpu.memory_space<vmem>>
        %dma_start3A_1248 = tpu.memref_squeeze %dma_start3A_1247 : memref<1x128xf32, #tpu.memory_space<vmem>> -> memref<128xf32, #tpu.memory_space<vmem>>
        %dma_start3A_1249 = arith.constant 0 : i32
        %dma_start3A_1250 = tpu.memref_slice %arg17[%dma_start3A_1245, %dma_start3A_1249] : memref<16x128xi32, #tpu.memory_space<vmem>> -> memref<1x128xi32, #tpu.memory_space<vmem>>
        %dma_start3A_1251 = tpu.memref_squeeze %dma_start3A_1250 : memref<1x128xi32, #tpu.memory_space<vmem>> -> memref<128xi32, #tpu.memory_space<vmem>>
        %dma_start3A_1252 = arith.constant 0 : i32
        %dma_start3A_1253 = tpu.memref_slice %arg13[%dma_start3A_1252] : memref<6152xf32, #tpu.memory_space<hbm>> -> memref<6152xf32, #tpu.memory_space<hbm>>
        tpu.enqueue_indirect_dma source(%dma_start3A_1248 : memref<128xf32, #tpu.memory_space<vmem>>) target(%dma_start3A_1253 : memref<6152xf32, #tpu.memory_space<hbm>>) offsets(%dma_start3A_1251 : memref<128xi32, #tpu.memory_space<vmem>>) semaphore(%arg27 : memref<!tpu.dma_semaphore, #tpu.memory_space<semaphore_mem>>)
        %dma_start3A_1254 = arith.constant 13 : i32
        %dma_start3A_1255 = arith.constant 13 : i32
        %dma_start3A_1256 = arith.constant 0 : i32
        %dma_start3A_1257 = tpu.memref_slice %arg22[%dma_start3A_1254, %dma_start3A_1256] : memref<16x128xf32, #tpu.memory_space<vmem>> -> memref<1x128xf32, #tpu.memory_space<vmem>>
        %dma_start3A_1258 = tpu.memref_squeeze %dma_start3A_1257 : memref<1x128xf32, #tpu.memory_space<vmem>> -> memref<128xf32, #tpu.memory_space<vmem>>
        %dma_start3A_1259 = arith.constant 0 : i32
        %dma_start3A_1260 = tpu.memref_slice %arg17[%dma_start3A_1255, %dma_start3A_1259] : memref<16x128xi32, #tpu.memory_space<vmem>> -> memref<1x128xi32, #tpu.memory_space<vmem>>
        %dma_start3A_1261 = tpu.memref_squeeze %dma_start3A_1260 : memref<1x128xi32, #tpu.memory_space<vmem>> -> memref<128xi32, #tpu.memory_space<vmem>>
        %dma_start3A_1262 = arith.constant 0 : i32
        %dma_start3A_1263 = tpu.memref_slice %arg14[%dma_start3A_1262] : memref<6152xf32, #tpu.memory_space<hbm>> -> memref<6152xf32, #tpu.memory_space<hbm>>
        tpu.enqueue_indirect_dma source(%dma_start3A_1258 : memref<128xf32, #tpu.memory_space<vmem>>) target(%dma_start3A_1263 : memref<6152xf32, #tpu.memory_space<hbm>>) offsets(%dma_start3A_1261 : memref<128xi32, #tpu.memory_space<vmem>>) semaphore(%arg27 : memref<!tpu.dma_semaphore, #tpu.memory_space<semaphore_mem>>)
        %dma_start3A_1264 = arith.constant 13 : i32
        %dma_start3A_1265 = arith.constant 13 : i32
        %dma_start3A_1266 = arith.constant 0 : i32
        %dma_start3A_1267 = tpu.memref_slice %arg23[%dma_start3A_1264, %dma_start3A_1266] : memref<16x128xf32, #tpu.memory_space<vmem>> -> memref<1x128xf32, #tpu.memory_space<vmem>>
        %dma_start3A_1268 = tpu.memref_squeeze %dma_start3A_1267 : memref<1x128xf32, #tpu.memory_space<vmem>> -> memref<128xf32, #tpu.memory_space<vmem>>
        %dma_start3A_1269 = arith.constant 0 : i32
        %dma_start3A_1270 = tpu.memref_slice %arg17[%dma_start3A_1265, %dma_start3A_1269] : memref<16x128xi32, #tpu.memory_space<vmem>> -> memref<1x128xi32, #tpu.memory_space<vmem>>
        %dma_start3A_1271 = tpu.memref_squeeze %dma_start3A_1270 : memref<1x128xi32, #tpu.memory_space<vmem>> -> memref<128xi32, #tpu.memory_space<vmem>>
        %dma_start3A_1272 = arith.constant 0 : i32
        %dma_start3A_1273 = tpu.memref_slice %arg15[%dma_start3A_1272] : memref<6152xf32, #tpu.memory_space<hbm>> -> memref<6152xf32, #tpu.memory_space<hbm>>
        tpu.enqueue_indirect_dma source(%dma_start3A_1268 : memref<128xf32, #tpu.memory_space<vmem>>) target(%dma_start3A_1273 : memref<6152xf32, #tpu.memory_space<hbm>>) offsets(%dma_start3A_1271 : memref<128xi32, #tpu.memory_space<vmem>>) semaphore(%arg27 : memref<!tpu.dma_semaphore, #tpu.memory_space<semaphore_mem>>)
        %dma_start3A_1274 = arith.constant 13 : i32
        %dma_start3A_1275 = arith.constant 13 : i32
        %dma_start3A_1276 = arith.constant 0 : i32
        %dma_start3A_1277 = tpu.memref_slice %arg24[%dma_start3A_1274, %dma_start3A_1276] : memref<16x128xf32, #tpu.memory_space<vmem>> -> memref<1x128xf32, #tpu.memory_space<vmem>>
        %dma_start3A_1278 = tpu.memref_squeeze %dma_start3A_1277 : memref<1x128xf32, #tpu.memory_space<vmem>> -> memref<128xf32, #tpu.memory_space<vmem>>
        %dma_start3A_1279 = arith.constant 0 : i32
        %dma_start3A_1280 = tpu.memref_slice %arg17[%dma_start3A_1275, %dma_start3A_1279] : memref<16x128xi32, #tpu.memory_space<vmem>> -> memref<1x128xi32, #tpu.memory_space<vmem>>
        %dma_start3A_1281 = tpu.memref_squeeze %dma_start3A_1280 : memref<1x128xi32, #tpu.memory_space<vmem>> -> memref<128xi32, #tpu.memory_space<vmem>>
        %dma_start3A_1282 = arith.constant 0 : i32
        %dma_start3A_1283 = tpu.memref_slice %arg16[%dma_start3A_1282] : memref<6152xf32, #tpu.memory_space<hbm>> -> memref<6152xf32, #tpu.memory_space<hbm>>
        tpu.enqueue_indirect_dma source(%dma_start3A_1278 : memref<128xf32, #tpu.memory_space<vmem>>) target(%dma_start3A_1283 : memref<6152xf32, #tpu.memory_space<hbm>>) offsets(%dma_start3A_1281 : memref<128xi32, #tpu.memory_space<vmem>>) semaphore(%arg27 : memref<!tpu.dma_semaphore, #tpu.memory_space<semaphore_mem>>)
        %dma_start3A_1284 = arith.constant 14 : i32
        %dma_start3A_1285 = arith.constant 14 : i32
        %dma_start3A_1286 = arith.constant 0 : i32
        %dma_start3A_1287 = tpu.memref_slice %arg18[%dma_start3A_1284, %dma_start3A_1286] : memref<16x128xi32, #tpu.memory_space<vmem>> -> memref<1x128xi32, #tpu.memory_space<vmem>>
        %dma_start3A_1288 = tpu.memref_squeeze %dma_start3A_1287 : memref<1x128xi32, #tpu.memory_space<vmem>> -> memref<128xi32, #tpu.memory_space<vmem>>
        %dma_start3A_1289 = arith.constant 0 : i32
        %dma_start3A_1290 = tpu.memref_slice %arg17[%dma_start3A_1285, %dma_start3A_1289] : memref<16x128xi32, #tpu.memory_space<vmem>> -> memref<1x128xi32, #tpu.memory_space<vmem>>
        %dma_start3A_1291 = tpu.memref_squeeze %dma_start3A_1290 : memref<1x128xi32, #tpu.memory_space<vmem>> -> memref<128xi32, #tpu.memory_space<vmem>>
        %dma_start3A_1292 = arith.constant 0 : i32
        %dma_start3A_1293 = tpu.memref_slice %arg10[%dma_start3A_1292] : memref<6152xi32, #tpu.memory_space<hbm>> -> memref<6152xi32, #tpu.memory_space<hbm>>
        tpu.enqueue_indirect_dma source(%dma_start3A_1288 : memref<128xi32, #tpu.memory_space<vmem>>) target(%dma_start3A_1293 : memref<6152xi32, #tpu.memory_space<hbm>>) offsets(%dma_start3A_1291 : memref<128xi32, #tpu.memory_space<vmem>>) semaphore(%arg27 : memref<!tpu.dma_semaphore, #tpu.memory_space<semaphore_mem>>)
        %dma_start3A_1294 = arith.constant 14 : i32
        %dma_start3A_1295 = arith.constant 14 : i32
        %dma_start3A_1296 = arith.constant 0 : i32
        %dma_start3A_1297 = tpu.memref_slice %arg19[%dma_start3A_1294, %dma_start3A_1296] : memref<16x128xf32, #tpu.memory_space<vmem>> -> memref<1x128xf32, #tpu.memory_space<vmem>>
        %dma_start3A_1298 = tpu.memref_squeeze %dma_start3A_1297 : memref<1x128xf32, #tpu.memory_space<vmem>> -> memref<128xf32, #tpu.memory_space<vmem>>
        %dma_start3A_1299 = arith.constant 0 : i32
        %dma_start3A_1300 = tpu.memref_slice %arg17[%dma_start3A_1295, %dma_start3A_1299] : memref<16x128xi32, #tpu.memory_space<vmem>> -> memref<1x128xi32, #tpu.memory_space<vmem>>
        %dma_start3A_1301 = tpu.memref_squeeze %dma_start3A_1300 : memref<1x128xi32, #tpu.memory_space<vmem>> -> memref<128xi32, #tpu.memory_space<vmem>>
        %dma_start3A_1302 = arith.constant 0 : i32
        %dma_start3A_1303 = tpu.memref_slice %arg11[%dma_start3A_1302] : memref<6152xf32, #tpu.memory_space<hbm>> -> memref<6152xf32, #tpu.memory_space<hbm>>
        tpu.enqueue_indirect_dma source(%dma_start3A_1298 : memref<128xf32, #tpu.memory_space<vmem>>) target(%dma_start3A_1303 : memref<6152xf32, #tpu.memory_space<hbm>>) offsets(%dma_start3A_1301 : memref<128xi32, #tpu.memory_space<vmem>>) semaphore(%arg27 : memref<!tpu.dma_semaphore, #tpu.memory_space<semaphore_mem>>)
        %dma_start3A_1304 = arith.constant 14 : i32
        %dma_start3A_1305 = arith.constant 14 : i32
        %dma_start3A_1306 = arith.constant 0 : i32
        %dma_start3A_1307 = tpu.memref_slice %arg20[%dma_start3A_1304, %dma_start3A_1306] : memref<16x128xf32, #tpu.memory_space<vmem>> -> memref<1x128xf32, #tpu.memory_space<vmem>>
        %dma_start3A_1308 = tpu.memref_squeeze %dma_start3A_1307 : memref<1x128xf32, #tpu.memory_space<vmem>> -> memref<128xf32, #tpu.memory_space<vmem>>
        %dma_start3A_1309 = arith.constant 0 : i32
        %dma_start3A_1310 = tpu.memref_slice %arg17[%dma_start3A_1305, %dma_start3A_1309] : memref<16x128xi32, #tpu.memory_space<vmem>> -> memref<1x128xi32, #tpu.memory_space<vmem>>
        %dma_start3A_1311 = tpu.memref_squeeze %dma_start3A_1310 : memref<1x128xi32, #tpu.memory_space<vmem>> -> memref<128xi32, #tpu.memory_space<vmem>>
        %dma_start3A_1312 = arith.constant 0 : i32
        %dma_start3A_1313 = tpu.memref_slice %arg12[%dma_start3A_1312] : memref<6152xf32, #tpu.memory_space<hbm>> -> memref<6152xf32, #tpu.memory_space<hbm>>
        tpu.enqueue_indirect_dma source(%dma_start3A_1308 : memref<128xf32, #tpu.memory_space<vmem>>) target(%dma_start3A_1313 : memref<6152xf32, #tpu.memory_space<hbm>>) offsets(%dma_start3A_1311 : memref<128xi32, #tpu.memory_space<vmem>>) semaphore(%arg27 : memref<!tpu.dma_semaphore, #tpu.memory_space<semaphore_mem>>)
        %dma_start3A_1314 = arith.constant 14 : i32
        %dma_start3A_1315 = arith.constant 14 : i32
        %dma_start3A_1316 = arith.constant 0 : i32
        %dma_start3A_1317 = tpu.memref_slice %arg21[%dma_start3A_1314, %dma_start3A_1316] : memref<16x128xf32, #tpu.memory_space<vmem>> -> memref<1x128xf32, #tpu.memory_space<vmem>>
        %dma_start3A_1318 = tpu.memref_squeeze %dma_start3A_1317 : memref<1x128xf32, #tpu.memory_space<vmem>> -> memref<128xf32, #tpu.memory_space<vmem>>
        %dma_start3A_1319 = arith.constant 0 : i32
        %dma_start3A_1320 = tpu.memref_slice %arg17[%dma_start3A_1315, %dma_start3A_1319] : memref<16x128xi32, #tpu.memory_space<vmem>> -> memref<1x128xi32, #tpu.memory_space<vmem>>
        %dma_start3A_1321 = tpu.memref_squeeze %dma_start3A_1320 : memref<1x128xi32, #tpu.memory_space<vmem>> -> memref<128xi32, #tpu.memory_space<vmem>>
        %dma_start3A_1322 = arith.constant 0 : i32
        %dma_start3A_1323 = tpu.memref_slice %arg13[%dma_start3A_1322] : memref<6152xf32, #tpu.memory_space<hbm>> -> memref<6152xf32, #tpu.memory_space<hbm>>
        tpu.enqueue_indirect_dma source(%dma_start3A_1318 : memref<128xf32, #tpu.memory_space<vmem>>) target(%dma_start3A_1323 : memref<6152xf32, #tpu.memory_space<hbm>>) offsets(%dma_start3A_1321 : memref<128xi32, #tpu.memory_space<vmem>>) semaphore(%arg27 : memref<!tpu.dma_semaphore, #tpu.memory_space<semaphore_mem>>)
        %dma_start3A_1324 = arith.constant 14 : i32
        %dma_start3A_1325 = arith.constant 14 : i32
        %dma_start3A_1326 = arith.constant 0 : i32
        %dma_start3A_1327 = tpu.memref_slice %arg22[%dma_start3A_1324, %dma_start3A_1326] : memref<16x128xf32, #tpu.memory_space<vmem>> -> memref<1x128xf32, #tpu.memory_space<vmem>>
        %dma_start3A_1328 = tpu.memref_squeeze %dma_start3A_1327 : memref<1x128xf32, #tpu.memory_space<vmem>> -> memref<128xf32, #tpu.memory_space<vmem>>
        %dma_start3A_1329 = arith.constant 0 : i32
        %dma_start3A_1330 = tpu.memref_slice %arg17[%dma_start3A_1325, %dma_start3A_1329] : memref<16x128xi32, #tpu.memory_space<vmem>> -> memref<1x128xi32, #tpu.memory_space<vmem>>
        %dma_start3A_1331 = tpu.memref_squeeze %dma_start3A_1330 : memref<1x128xi32, #tpu.memory_space<vmem>> -> memref<128xi32, #tpu.memory_space<vmem>>
        %dma_start3A_1332 = arith.constant 0 : i32
        %dma_start3A_1333 = tpu.memref_slice %arg14[%dma_start3A_1332] : memref<6152xf32, #tpu.memory_space<hbm>> -> memref<6152xf32, #tpu.memory_space<hbm>>
        tpu.enqueue_indirect_dma source(%dma_start3A_1328 : memref<128xf32, #tpu.memory_space<vmem>>) target(%dma_start3A_1333 : memref<6152xf32, #tpu.memory_space<hbm>>) offsets(%dma_start3A_1331 : memref<128xi32, #tpu.memory_space<vmem>>) semaphore(%arg27 : memref<!tpu.dma_semaphore, #tpu.memory_space<semaphore_mem>>)
        %dma_start3A_1334 = arith.constant 14 : i32
        %dma_start3A_1335 = arith.constant 14 : i32
        %dma_start3A_1336 = arith.constant 0 : i32
        %dma_start3A_1337 = tpu.memref_slice %arg23[%dma_start3A_1334, %dma_start3A_1336] : memref<16x128xf32, #tpu.memory_space<vmem>> -> memref<1x128xf32, #tpu.memory_space<vmem>>
        %dma_start3A_1338 = tpu.memref_squeeze %dma_start3A_1337 : memref<1x128xf32, #tpu.memory_space<vmem>> -> memref<128xf32, #tpu.memory_space<vmem>>
        %dma_start3A_1339 = arith.constant 0 : i32
        %dma_start3A_1340 = tpu.memref_slice %arg17[%dma_start3A_1335, %dma_start3A_1339] : memref<16x128xi32, #tpu.memory_space<vmem>> -> memref<1x128xi32, #tpu.memory_space<vmem>>
        %dma_start3A_1341 = tpu.memref_squeeze %dma_start3A_1340 : memref<1x128xi32, #tpu.memory_space<vmem>> -> memref<128xi32, #tpu.memory_space<vmem>>
        %dma_start3A_1342 = arith.constant 0 : i32
        %dma_start3A_1343 = tpu.memref_slice %arg15[%dma_start3A_1342] : memref<6152xf32, #tpu.memory_space<hbm>> -> memref<6152xf32, #tpu.memory_space<hbm>>
        tpu.enqueue_indirect_dma source(%dma_start3A_1338 : memref<128xf32, #tpu.memory_space<vmem>>) target(%dma_start3A_1343 : memref<6152xf32, #tpu.memory_space<hbm>>) offsets(%dma_start3A_1341 : memref<128xi32, #tpu.memory_space<vmem>>) semaphore(%arg27 : memref<!tpu.dma_semaphore, #tpu.memory_space<semaphore_mem>>)
        %dma_start3A_1344 = arith.constant 14 : i32
        %dma_start3A_1345 = arith.constant 14 : i32
        %dma_start3A_1346 = arith.constant 0 : i32
        %dma_start3A_1347 = tpu.memref_slice %arg24[%dma_start3A_1344, %dma_start3A_1346] : memref<16x128xf32, #tpu.memory_space<vmem>> -> memref<1x128xf32, #tpu.memory_space<vmem>>
        %dma_start3A_1348 = tpu.memref_squeeze %dma_start3A_1347 : memref<1x128xf32, #tpu.memory_space<vmem>> -> memref<128xf32, #tpu.memory_space<vmem>>
        %dma_start3A_1349 = arith.constant 0 : i32
        %dma_start3A_1350 = tpu.memref_slice %arg17[%dma_start3A_1345, %dma_start3A_1349] : memref<16x128xi32, #tpu.memory_space<vmem>> -> memref<1x128xi32, #tpu.memory_space<vmem>>
        %dma_start3A_1351 = tpu.memref_squeeze %dma_start3A_1350 : memref<1x128xi32, #tpu.memory_space<vmem>> -> memref<128xi32, #tpu.memory_space<vmem>>
        %dma_start3A_1352 = arith.constant 0 : i32
        %dma_start3A_1353 = tpu.memref_slice %arg16[%dma_start3A_1352] : memref<6152xf32, #tpu.memory_space<hbm>> -> memref<6152xf32, #tpu.memory_space<hbm>>
        tpu.enqueue_indirect_dma source(%dma_start3A_1348 : memref<128xf32, #tpu.memory_space<vmem>>) target(%dma_start3A_1353 : memref<6152xf32, #tpu.memory_space<hbm>>) offsets(%dma_start3A_1351 : memref<128xi32, #tpu.memory_space<vmem>>) semaphore(%arg27 : memref<!tpu.dma_semaphore, #tpu.memory_space<semaphore_mem>>)
        %dma_start3A_1354 = arith.constant 15 : i32
        %dma_start3A_1355 = arith.constant 15 : i32
        %dma_start3A_1356 = arith.constant 0 : i32
        %dma_start3A_1357 = tpu.memref_slice %arg18[%dma_start3A_1354, %dma_start3A_1356] : memref<16x128xi32, #tpu.memory_space<vmem>> -> memref<1x128xi32, #tpu.memory_space<vmem>>
        %dma_start3A_1358 = tpu.memref_squeeze %dma_start3A_1357 : memref<1x128xi32, #tpu.memory_space<vmem>> -> memref<128xi32, #tpu.memory_space<vmem>>
        %dma_start3A_1359 = arith.constant 0 : i32
        %dma_start3A_1360 = tpu.memref_slice %arg17[%dma_start3A_1355, %dma_start3A_1359] : memref<16x128xi32, #tpu.memory_space<vmem>> -> memref<1x128xi32, #tpu.memory_space<vmem>>
        %dma_start3A_1361 = tpu.memref_squeeze %dma_start3A_1360 : memref<1x128xi32, #tpu.memory_space<vmem>> -> memref<128xi32, #tpu.memory_space<vmem>>
        %dma_start3A_1362 = arith.constant 0 : i32
        %dma_start3A_1363 = tpu.memref_slice %arg10[%dma_start3A_1362] : memref<6152xi32, #tpu.memory_space<hbm>> -> memref<6152xi32, #tpu.memory_space<hbm>>
        tpu.enqueue_indirect_dma source(%dma_start3A_1358 : memref<128xi32, #tpu.memory_space<vmem>>) target(%dma_start3A_1363 : memref<6152xi32, #tpu.memory_space<hbm>>) offsets(%dma_start3A_1361 : memref<128xi32, #tpu.memory_space<vmem>>) semaphore(%arg27 : memref<!tpu.dma_semaphore, #tpu.memory_space<semaphore_mem>>)
        %dma_start3A_1364 = arith.constant 15 : i32
        %dma_start3A_1365 = arith.constant 15 : i32
        %dma_start3A_1366 = arith.constant 0 : i32
        %dma_start3A_1367 = tpu.memref_slice %arg19[%dma_start3A_1364, %dma_start3A_1366] : memref<16x128xf32, #tpu.memory_space<vmem>> -> memref<1x128xf32, #tpu.memory_space<vmem>>
        %dma_start3A_1368 = tpu.memref_squeeze %dma_start3A_1367 : memref<1x128xf32, #tpu.memory_space<vmem>> -> memref<128xf32, #tpu.memory_space<vmem>>
        %dma_start3A_1369 = arith.constant 0 : i32
        %dma_start3A_1370 = tpu.memref_slice %arg17[%dma_start3A_1365, %dma_start3A_1369] : memref<16x128xi32, #tpu.memory_space<vmem>> -> memref<1x128xi32, #tpu.memory_space<vmem>>
        %dma_start3A_1371 = tpu.memref_squeeze %dma_start3A_1370 : memref<1x128xi32, #tpu.memory_space<vmem>> -> memref<128xi32, #tpu.memory_space<vmem>>
        %dma_start3A_1372 = arith.constant 0 : i32
        %dma_start3A_1373 = tpu.memref_slice %arg11[%dma_start3A_1372] : memref<6152xf32, #tpu.memory_space<hbm>> -> memref<6152xf32, #tpu.memory_space<hbm>>
        tpu.enqueue_indirect_dma source(%dma_start3A_1368 : memref<128xf32, #tpu.memory_space<vmem>>) target(%dma_start3A_1373 : memref<6152xf32, #tpu.memory_space<hbm>>) offsets(%dma_start3A_1371 : memref<128xi32, #tpu.memory_space<vmem>>) semaphore(%arg27 : memref<!tpu.dma_semaphore, #tpu.memory_space<semaphore_mem>>)
        %dma_start3A_1374 = arith.constant 15 : i32
        %dma_start3A_1375 = arith.constant 15 : i32
        %dma_start3A_1376 = arith.constant 0 : i32
        %dma_start3A_1377 = tpu.memref_slice %arg20[%dma_start3A_1374, %dma_start3A_1376] : memref<16x128xf32, #tpu.memory_space<vmem>> -> memref<1x128xf32, #tpu.memory_space<vmem>>
        %dma_start3A_1378 = tpu.memref_squeeze %dma_start3A_1377 : memref<1x128xf32, #tpu.memory_space<vmem>> -> memref<128xf32, #tpu.memory_space<vmem>>
        %dma_start3A_1379 = arith.constant 0 : i32
        %dma_start3A_1380 = tpu.memref_slice %arg17[%dma_start3A_1375, %dma_start3A_1379] : memref<16x128xi32, #tpu.memory_space<vmem>> -> memref<1x128xi32, #tpu.memory_space<vmem>>
        %dma_start3A_1381 = tpu.memref_squeeze %dma_start3A_1380 : memref<1x128xi32, #tpu.memory_space<vmem>> -> memref<128xi32, #tpu.memory_space<vmem>>
        %dma_start3A_1382 = arith.constant 0 : i32
        %dma_start3A_1383 = tpu.memref_slice %arg12[%dma_start3A_1382] : memref<6152xf32, #tpu.memory_space<hbm>> -> memref<6152xf32, #tpu.memory_space<hbm>>
        tpu.enqueue_indirect_dma source(%dma_start3A_1378 : memref<128xf32, #tpu.memory_space<vmem>>) target(%dma_start3A_1383 : memref<6152xf32, #tpu.memory_space<hbm>>) offsets(%dma_start3A_1381 : memref<128xi32, #tpu.memory_space<vmem>>) semaphore(%arg27 : memref<!tpu.dma_semaphore, #tpu.memory_space<semaphore_mem>>)
        %dma_start3A_1384 = arith.constant 15 : i32
        %dma_start3A_1385 = arith.constant 15 : i32
        %dma_start3A_1386 = arith.constant 0 : i32
        %dma_start3A_1387 = tpu.memref_slice %arg21[%dma_start3A_1384, %dma_start3A_1386] : memref<16x128xf32, #tpu.memory_space<vmem>> -> memref<1x128xf32, #tpu.memory_space<vmem>>
        %dma_start3A_1388 = tpu.memref_squeeze %dma_start3A_1387 : memref<1x128xf32, #tpu.memory_space<vmem>> -> memref<128xf32, #tpu.memory_space<vmem>>
        %dma_start3A_1389 = arith.constant 0 : i32
        %dma_start3A_1390 = tpu.memref_slice %arg17[%dma_start3A_1385, %dma_start3A_1389] : memref<16x128xi32, #tpu.memory_space<vmem>> -> memref<1x128xi32, #tpu.memory_space<vmem>>
        %dma_start3A_1391 = tpu.memref_squeeze %dma_start3A_1390 : memref<1x128xi32, #tpu.memory_space<vmem>> -> memref<128xi32, #tpu.memory_space<vmem>>
        %dma_start3A_1392 = arith.constant 0 : i32
        %dma_start3A_1393 = tpu.memref_slice %arg13[%dma_start3A_1392] : memref<6152xf32, #tpu.memory_space<hbm>> -> memref<6152xf32, #tpu.memory_space<hbm>>
        tpu.enqueue_indirect_dma source(%dma_start3A_1388 : memref<128xf32, #tpu.memory_space<vmem>>) target(%dma_start3A_1393 : memref<6152xf32, #tpu.memory_space<hbm>>) offsets(%dma_start3A_1391 : memref<128xi32, #tpu.memory_space<vmem>>) semaphore(%arg27 : memref<!tpu.dma_semaphore, #tpu.memory_space<semaphore_mem>>)
        %dma_start3A_1394 = arith.constant 15 : i32
        %dma_start3A_1395 = arith.constant 15 : i32
        %dma_start3A_1396 = arith.constant 0 : i32
        %dma_start3A_1397 = tpu.memref_slice %arg22[%dma_start3A_1394, %dma_start3A_1396] : memref<16x128xf32, #tpu.memory_space<vmem>> -> memref<1x128xf32, #tpu.memory_space<vmem>>
        %dma_start3A_1398 = tpu.memref_squeeze %dma_start3A_1397 : memref<1x128xf32, #tpu.memory_space<vmem>> -> memref<128xf32, #tpu.memory_space<vmem>>
        %dma_start3A_1399 = arith.constant 0 : i32
        %dma_start3A_1400 = tpu.memref_slice %arg17[%dma_start3A_1395, %dma_start3A_1399] : memref<16x128xi32, #tpu.memory_space<vmem>> -> memref<1x128xi32, #tpu.memory_space<vmem>>
        %dma_start3A_1401 = tpu.memref_squeeze %dma_start3A_1400 : memref<1x128xi32, #tpu.memory_space<vmem>> -> memref<128xi32, #tpu.memory_space<vmem>>
        %dma_start3A_1402 = arith.constant 0 : i32
        %dma_start3A_1403 = tpu.memref_slice %arg14[%dma_start3A_1402] : memref<6152xf32, #tpu.memory_space<hbm>> -> memref<6152xf32, #tpu.memory_space<hbm>>
        tpu.enqueue_indirect_dma source(%dma_start3A_1398 : memref<128xf32, #tpu.memory_space<vmem>>) target(%dma_start3A_1403 : memref<6152xf32, #tpu.memory_space<hbm>>) offsets(%dma_start3A_1401 : memref<128xi32, #tpu.memory_space<vmem>>) semaphore(%arg27 : memref<!tpu.dma_semaphore, #tpu.memory_space<semaphore_mem>>)
        %dma_start3A_1404 = arith.constant 15 : i32
        %dma_start3A_1405 = arith.constant 15 : i32
        %dma_start3A_1406 = arith.constant 0 : i32
        %dma_start3A_1407 = tpu.memref_slice %arg23[%dma_start3A_1404, %dma_start3A_1406] : memref<16x128xf32, #tpu.memory_space<vmem>> -> memref<1x128xf32, #tpu.memory_space<vmem>>
        %dma_start3A_1408 = tpu.memref_squeeze %dma_start3A_1407 : memref<1x128xf32, #tpu.memory_space<vmem>> -> memref<128xf32, #tpu.memory_space<vmem>>
        %dma_start3A_1409 = arith.constant 0 : i32
        %dma_start3A_1410 = tpu.memref_slice %arg17[%dma_start3A_1405, %dma_start3A_1409] : memref<16x128xi32, #tpu.memory_space<vmem>> -> memref<1x128xi32, #tpu.memory_space<vmem>>
        %dma_start3A_1411 = tpu.memref_squeeze %dma_start3A_1410 : memref<1x128xi32, #tpu.memory_space<vmem>> -> memref<128xi32, #tpu.memory_space<vmem>>
        %dma_start3A_1412 = arith.constant 0 : i32
        %dma_start3A_1413 = tpu.memref_slice %arg15[%dma_start3A_1412] : memref<6152xf32, #tpu.memory_space<hbm>> -> memref<6152xf32, #tpu.memory_space<hbm>>
        tpu.enqueue_indirect_dma source(%dma_start3A_1408 : memref<128xf32, #tpu.memory_space<vmem>>) target(%dma_start3A_1413 : memref<6152xf32, #tpu.memory_space<hbm>>) offsets(%dma_start3A_1411 : memref<128xi32, #tpu.memory_space<vmem>>) semaphore(%arg27 : memref<!tpu.dma_semaphore, #tpu.memory_space<semaphore_mem>>)
        %dma_start3A_1414 = arith.constant 15 : i32
        %dma_start3A_1415 = arith.constant 15 : i32
        %dma_start3A_1416 = arith.constant 0 : i32
        %dma_start3A_1417 = tpu.memref_slice %arg24[%dma_start3A_1414, %dma_start3A_1416] : memref<16x128xf32, #tpu.memory_space<vmem>> -> memref<1x128xf32, #tpu.memory_space<vmem>>
        %dma_start3A_1418 = tpu.memref_squeeze %dma_start3A_1417 : memref<1x128xf32, #tpu.memory_space<vmem>> -> memref<128xf32, #tpu.memory_space<vmem>>
        %dma_start3A_1419 = arith.constant 0 : i32
        %dma_start3A_1420 = tpu.memref_slice %arg17[%dma_start3A_1415, %dma_start3A_1419] : memref<16x128xi32, #tpu.memory_space<vmem>> -> memref<1x128xi32, #tpu.memory_space<vmem>>
        %dma_start3A_1421 = tpu.memref_squeeze %dma_start3A_1420 : memref<1x128xi32, #tpu.memory_space<vmem>> -> memref<128xi32, #tpu.memory_space<vmem>>
        %dma_start3A_1422 = arith.constant 0 : i32
        %dma_start3A_1423 = tpu.memref_slice %arg16[%dma_start3A_1422] : memref<6152xf32, #tpu.memory_space<hbm>> -> memref<6152xf32, #tpu.memory_space<hbm>>
        tpu.enqueue_indirect_dma source(%dma_start3A_1418 : memref<128xf32, #tpu.memory_space<vmem>>) target(%dma_start3A_1423 : memref<6152xf32, #tpu.memory_space<hbm>>) offsets(%dma_start3A_1421 : memref<128xi32, #tpu.memory_space<vmem>>) semaphore(%arg27 : memref<!tpu.dma_semaphore, #tpu.memory_space<semaphore_mem>>)
        %dma_wait3A_1424 = arith.constant 0 : i32
        %dma_wait3A_1425 = arith.constant 0 : i32
        %dma_wait3A_1426 = arith.constant 0 : i32
        %dma_wait3A_1427 = tpu.memref_slice %arg18[%dma_wait3A_1424, %dma_wait3A_1426] : memref<16x128xi32, #tpu.memory_space<vmem>> -> memref<1x128xi32, #tpu.memory_space<vmem>>
        %dma_wait3A_1428 = tpu.memref_squeeze %dma_wait3A_1427 : memref<1x128xi32, #tpu.memory_space<vmem>> -> memref<128xi32, #tpu.memory_space<vmem>>
        %dma_wait3A_1429 = arith.constant 0 : i32
        %dma_wait3A_1430 = tpu.memref_slice %arg17[%dma_wait3A_1425, %dma_wait3A_1429] : memref<16x128xi32, #tpu.memory_space<vmem>> -> memref<1x128xi32, #tpu.memory_space<vmem>>
        %dma_wait3A_1431 = tpu.memref_squeeze %dma_wait3A_1430 : memref<1x128xi32, #tpu.memory_space<vmem>> -> memref<128xi32, #tpu.memory_space<vmem>>
        %dma_wait3A_1432 = arith.constant 0 : i32
        %dma_wait3A_1433 = tpu.memref_slice %arg10[%dma_wait3A_1432] : memref<6152xi32, #tpu.memory_space<hbm>> -> memref<6152xi32, #tpu.memory_space<hbm>>
        tpu.wait_indirect_dma semaphore(%arg27 : memref<!tpu.dma_semaphore, #tpu.memory_space<semaphore_mem>>) src(%dma_wait3A_1428 : memref<128xi32, #tpu.memory_space<vmem>>) dst(%dma_wait3A_1433 : memref<6152xi32, #tpu.memory_space<hbm>>)
        %dma_wait3A_1434 = arith.constant 0 : i32
        %dma_wait3A_1435 = arith.constant 0 : i32
        %dma_wait3A_1436 = arith.constant 0 : i32
        %dma_wait3A_1437 = tpu.memref_slice %arg19[%dma_wait3A_1434, %dma_wait3A_1436] : memref<16x128xf32, #tpu.memory_space<vmem>> -> memref<1x128xf32, #tpu.memory_space<vmem>>
        %dma_wait3A_1438 = tpu.memref_squeeze %dma_wait3A_1437 : memref<1x128xf32, #tpu.memory_space<vmem>> -> memref<128xf32, #tpu.memory_space<vmem>>
        %dma_wait3A_1439 = arith.constant 0 : i32
        %dma_wait3A_1440 = tpu.memref_slice %arg17[%dma_wait3A_1435, %dma_wait3A_1439] : memref<16x128xi32, #tpu.memory_space<vmem>> -> memref<1x128xi32, #tpu.memory_space<vmem>>
        %dma_wait3A_1441 = tpu.memref_squeeze %dma_wait3A_1440 : memref<1x128xi32, #tpu.memory_space<vmem>> -> memref<128xi32, #tpu.memory_space<vmem>>
        %dma_wait3A_1442 = arith.constant 0 : i32
        %dma_wait3A_1443 = tpu.memref_slice %arg11[%dma_wait3A_1442] : memref<6152xf32, #tpu.memory_space<hbm>> -> memref<6152xf32, #tpu.memory_space<hbm>>
        tpu.wait_indirect_dma semaphore(%arg27 : memref<!tpu.dma_semaphore, #tpu.memory_space<semaphore_mem>>) src(%dma_wait3A_1438 : memref<128xf32, #tpu.memory_space<vmem>>) dst(%dma_wait3A_1443 : memref<6152xf32, #tpu.memory_space<hbm>>)
        %dma_wait3A_1444 = arith.constant 0 : i32
        %dma_wait3A_1445 = arith.constant 0 : i32
        %dma_wait3A_1446 = arith.constant 0 : i32
        %dma_wait3A_1447 = tpu.memref_slice %arg20[%dma_wait3A_1444, %dma_wait3A_1446] : memref<16x128xf32, #tpu.memory_space<vmem>> -> memref<1x128xf32, #tpu.memory_space<vmem>>
        %dma_wait3A_1448 = tpu.memref_squeeze %dma_wait3A_1447 : memref<1x128xf32, #tpu.memory_space<vmem>> -> memref<128xf32, #tpu.memory_space<vmem>>
        %dma_wait3A_1449 = arith.constant 0 : i32
        %dma_wait3A_1450 = tpu.memref_slice %arg17[%dma_wait3A_1445, %dma_wait3A_1449] : memref<16x128xi32, #tpu.memory_space<vmem>> -> memref<1x128xi32, #tpu.memory_space<vmem>>
        %dma_wait3A_1451 = tpu.memref_squeeze %dma_wait3A_1450 : memref<1x128xi32, #tpu.memory_space<vmem>> -> memref<128xi32, #tpu.memory_space<vmem>>
        %dma_wait3A_1452 = arith.constant 0 : i32
        %dma_wait3A_1453 = tpu.memref_slice %arg12[%dma_wait3A_1452] : memref<6152xf32, #tpu.memory_space<hbm>> -> memref<6152xf32, #tpu.memory_space<hbm>>
        tpu.wait_indirect_dma semaphore(%arg27 : memref<!tpu.dma_semaphore, #tpu.memory_space<semaphore_mem>>) src(%dma_wait3A_1448 : memref<128xf32, #tpu.memory_space<vmem>>) dst(%dma_wait3A_1453 : memref<6152xf32, #tpu.memory_space<hbm>>)
        %dma_wait3A_1454 = arith.constant 0 : i32
        %dma_wait3A_1455 = arith.constant 0 : i32
        %dma_wait3A_1456 = arith.constant 0 : i32
        %dma_wait3A_1457 = tpu.memref_slice %arg21[%dma_wait3A_1454, %dma_wait3A_1456] : memref<16x128xf32, #tpu.memory_space<vmem>> -> memref<1x128xf32, #tpu.memory_space<vmem>>
        %dma_wait3A_1458 = tpu.memref_squeeze %dma_wait3A_1457 : memref<1x128xf32, #tpu.memory_space<vmem>> -> memref<128xf32, #tpu.memory_space<vmem>>
        %dma_wait3A_1459 = arith.constant 0 : i32
        %dma_wait3A_1460 = tpu.memref_slice %arg17[%dma_wait3A_1455, %dma_wait3A_1459] : memref<16x128xi32, #tpu.memory_space<vmem>> -> memref<1x128xi32, #tpu.memory_space<vmem>>
        %dma_wait3A_1461 = tpu.memref_squeeze %dma_wait3A_1460 : memref<1x128xi32, #tpu.memory_space<vmem>> -> memref<128xi32, #tpu.memory_space<vmem>>
        %dma_wait3A_1462 = arith.constant 0 : i32
        %dma_wait3A_1463 = tpu.memref_slice %arg13[%dma_wait3A_1462] : memref<6152xf32, #tpu.memory_space<hbm>> -> memref<6152xf32, #tpu.memory_space<hbm>>
        tpu.wait_indirect_dma semaphore(%arg27 : memref<!tpu.dma_semaphore, #tpu.memory_space<semaphore_mem>>) src(%dma_wait3A_1458 : memref<128xf32, #tpu.memory_space<vmem>>) dst(%dma_wait3A_1463 : memref<6152xf32, #tpu.memory_space<hbm>>)
        %dma_wait3A_1464 = arith.constant 0 : i32
        %dma_wait3A_1465 = arith.constant 0 : i32
        %dma_wait3A_1466 = arith.constant 0 : i32
        %dma_wait3A_1467 = tpu.memref_slice %arg22[%dma_wait3A_1464, %dma_wait3A_1466] : memref<16x128xf32, #tpu.memory_space<vmem>> -> memref<1x128xf32, #tpu.memory_space<vmem>>
        %dma_wait3A_1468 = tpu.memref_squeeze %dma_wait3A_1467 : memref<1x128xf32, #tpu.memory_space<vmem>> -> memref<128xf32, #tpu.memory_space<vmem>>
        %dma_wait3A_1469 = arith.constant 0 : i32
        %dma_wait3A_1470 = tpu.memref_slice %arg17[%dma_wait3A_1465, %dma_wait3A_1469] : memref<16x128xi32, #tpu.memory_space<vmem>> -> memref<1x128xi32, #tpu.memory_space<vmem>>
        %dma_wait3A_1471 = tpu.memref_squeeze %dma_wait3A_1470 : memref<1x128xi32, #tpu.memory_space<vmem>> -> memref<128xi32, #tpu.memory_space<vmem>>
        %dma_wait3A_1472 = arith.constant 0 : i32
        %dma_wait3A_1473 = tpu.memref_slice %arg14[%dma_wait3A_1472] : memref<6152xf32, #tpu.memory_space<hbm>> -> memref<6152xf32, #tpu.memory_space<hbm>>
        tpu.wait_indirect_dma semaphore(%arg27 : memref<!tpu.dma_semaphore, #tpu.memory_space<semaphore_mem>>) src(%dma_wait3A_1468 : memref<128xf32, #tpu.memory_space<vmem>>) dst(%dma_wait3A_1473 : memref<6152xf32, #tpu.memory_space<hbm>>)
        %dma_wait3A_1474 = arith.constant 0 : i32
        %dma_wait3A_1475 = arith.constant 0 : i32
        %dma_wait3A_1476 = arith.constant 0 : i32
        %dma_wait3A_1477 = tpu.memref_slice %arg23[%dma_wait3A_1474, %dma_wait3A_1476] : memref<16x128xf32, #tpu.memory_space<vmem>> -> memref<1x128xf32, #tpu.memory_space<vmem>>
        %dma_wait3A_1478 = tpu.memref_squeeze %dma_wait3A_1477 : memref<1x128xf32, #tpu.memory_space<vmem>> -> memref<128xf32, #tpu.memory_space<vmem>>
        %dma_wait3A_1479 = arith.constant 0 : i32
        %dma_wait3A_1480 = tpu.memref_slice %arg17[%dma_wait3A_1475, %dma_wait3A_1479] : memref<16x128xi32, #tpu.memory_space<vmem>> -> memref<1x128xi32, #tpu.memory_space<vmem>>
        %dma_wait3A_1481 = tpu.memref_squeeze %dma_wait3A_1480 : memref<1x128xi32, #tpu.memory_space<vmem>> -> memref<128xi32, #tpu.memory_space<vmem>>
        %dma_wait3A_1482 = arith.constant 0 : i32
        %dma_wait3A_1483 = tpu.memref_slice %arg15[%dma_wait3A_1482] : memref<6152xf32, #tpu.memory_space<hbm>> -> memref<6152xf32, #tpu.memory_space<hbm>>
        tpu.wait_indirect_dma semaphore(%arg27 : memref<!tpu.dma_semaphore, #tpu.memory_space<semaphore_mem>>) src(%dma_wait3A_1478 : memref<128xf32, #tpu.memory_space<vmem>>) dst(%dma_wait3A_1483 : memref<6152xf32, #tpu.memory_space<hbm>>)
        %dma_wait3A_1484 = arith.constant 0 : i32
        %dma_wait3A_1485 = arith.constant 0 : i32
        %dma_wait3A_1486 = arith.constant 0 : i32
        %dma_wait3A_1487 = tpu.memref_slice %arg24[%dma_wait3A_1484, %dma_wait3A_1486] : memref<16x128xf32, #tpu.memory_space<vmem>> -> memref<1x128xf32, #tpu.memory_space<vmem>>
        %dma_wait3A_1488 = tpu.memref_squeeze %dma_wait3A_1487 : memref<1x128xf32, #tpu.memory_space<vmem>> -> memref<128xf32, #tpu.memory_space<vmem>>
        %dma_wait3A_1489 = arith.constant 0 : i32
        %dma_wait3A_1490 = tpu.memref_slice %arg17[%dma_wait3A_1485, %dma_wait3A_1489] : memref<16x128xi32, #tpu.memory_space<vmem>> -> memref<1x128xi32, #tpu.memory_space<vmem>>
        %dma_wait3A_1491 = tpu.memref_squeeze %dma_wait3A_1490 : memref<1x128xi32, #tpu.memory_space<vmem>> -> memref<128xi32, #tpu.memory_space<vmem>>
        %dma_wait3A_1492 = arith.constant 0 : i32
        %dma_wait3A_1493 = tpu.memref_slice %arg16[%dma_wait3A_1492] : memref<6152xf32, #tpu.memory_space<hbm>> -> memref<6152xf32, #tpu.memory_space<hbm>>
        tpu.wait_indirect_dma semaphore(%arg27 : memref<!tpu.dma_semaphore, #tpu.memory_space<semaphore_mem>>) src(%dma_wait3A_1488 : memref<128xf32, #tpu.memory_space<vmem>>) dst(%dma_wait3A_1493 : memref<6152xf32, #tpu.memory_space<hbm>>)
        %dma_wait3A_1494 = arith.constant 1 : i32
        %dma_wait3A_1495 = arith.constant 1 : i32
        %dma_wait3A_1496 = arith.constant 0 : i32
        %dma_wait3A_1497 = tpu.memref_slice %arg18[%dma_wait3A_1494, %dma_wait3A_1496] : memref<16x128xi32, #tpu.memory_space<vmem>> -> memref<1x128xi32, #tpu.memory_space<vmem>>
        %dma_wait3A_1498 = tpu.memref_squeeze %dma_wait3A_1497 : memref<1x128xi32, #tpu.memory_space<vmem>> -> memref<128xi32, #tpu.memory_space<vmem>>
        %dma_wait3A_1499 = arith.constant 0 : i32
        %dma_wait3A_1500 = tpu.memref_slice %arg17[%dma_wait3A_1495, %dma_wait3A_1499] : memref<16x128xi32, #tpu.memory_space<vmem>> -> memref<1x128xi32, #tpu.memory_space<vmem>>
        %dma_wait3A_1501 = tpu.memref_squeeze %dma_wait3A_1500 : memref<1x128xi32, #tpu.memory_space<vmem>> -> memref<128xi32, #tpu.memory_space<vmem>>
        %dma_wait3A_1502 = arith.constant 0 : i32
        %dma_wait3A_1503 = tpu.memref_slice %arg10[%dma_wait3A_1502] : memref<6152xi32, #tpu.memory_space<hbm>> -> memref<6152xi32, #tpu.memory_space<hbm>>
        tpu.wait_indirect_dma semaphore(%arg27 : memref<!tpu.dma_semaphore, #tpu.memory_space<semaphore_mem>>) src(%dma_wait3A_1498 : memref<128xi32, #tpu.memory_space<vmem>>) dst(%dma_wait3A_1503 : memref<6152xi32, #tpu.memory_space<hbm>>)
        %dma_wait3A_1504 = arith.constant 1 : i32
        %dma_wait3A_1505 = arith.constant 1 : i32
        %dma_wait3A_1506 = arith.constant 0 : i32
        %dma_wait3A_1507 = tpu.memref_slice %arg19[%dma_wait3A_1504, %dma_wait3A_1506] : memref<16x128xf32, #tpu.memory_space<vmem>> -> memref<1x128xf32, #tpu.memory_space<vmem>>
        %dma_wait3A_1508 = tpu.memref_squeeze %dma_wait3A_1507 : memref<1x128xf32, #tpu.memory_space<vmem>> -> memref<128xf32, #tpu.memory_space<vmem>>
        %dma_wait3A_1509 = arith.constant 0 : i32
        %dma_wait3A_1510 = tpu.memref_slice %arg17[%dma_wait3A_1505, %dma_wait3A_1509] : memref<16x128xi32, #tpu.memory_space<vmem>> -> memref<1x128xi32, #tpu.memory_space<vmem>>
        %dma_wait3A_1511 = tpu.memref_squeeze %dma_wait3A_1510 : memref<1x128xi32, #tpu.memory_space<vmem>> -> memref<128xi32, #tpu.memory_space<vmem>>
        %dma_wait3A_1512 = arith.constant 0 : i32
        %dma_wait3A_1513 = tpu.memref_slice %arg11[%dma_wait3A_1512] : memref<6152xf32, #tpu.memory_space<hbm>> -> memref<6152xf32, #tpu.memory_space<hbm>>
        tpu.wait_indirect_dma semaphore(%arg27 : memref<!tpu.dma_semaphore, #tpu.memory_space<semaphore_mem>>) src(%dma_wait3A_1508 : memref<128xf32, #tpu.memory_space<vmem>>) dst(%dma_wait3A_1513 : memref<6152xf32, #tpu.memory_space<hbm>>)
        %dma_wait3A_1514 = arith.constant 1 : i32
        %dma_wait3A_1515 = arith.constant 1 : i32
        %dma_wait3A_1516 = arith.constant 0 : i32
        %dma_wait3A_1517 = tpu.memref_slice %arg20[%dma_wait3A_1514, %dma_wait3A_1516] : memref<16x128xf32, #tpu.memory_space<vmem>> -> memref<1x128xf32, #tpu.memory_space<vmem>>
        %dma_wait3A_1518 = tpu.memref_squeeze %dma_wait3A_1517 : memref<1x128xf32, #tpu.memory_space<vmem>> -> memref<128xf32, #tpu.memory_space<vmem>>
        %dma_wait3A_1519 = arith.constant 0 : i32
        %dma_wait3A_1520 = tpu.memref_slice %arg17[%dma_wait3A_1515, %dma_wait3A_1519] : memref<16x128xi32, #tpu.memory_space<vmem>> -> memref<1x128xi32, #tpu.memory_space<vmem>>
        %dma_wait3A_1521 = tpu.memref_squeeze %dma_wait3A_1520 : memref<1x128xi32, #tpu.memory_space<vmem>> -> memref<128xi32, #tpu.memory_space<vmem>>
        %dma_wait3A_1522 = arith.constant 0 : i32
        %dma_wait3A_1523 = tpu.memref_slice %arg12[%dma_wait3A_1522] : memref<6152xf32, #tpu.memory_space<hbm>> -> memref<6152xf32, #tpu.memory_space<hbm>>
        tpu.wait_indirect_dma semaphore(%arg27 : memref<!tpu.dma_semaphore, #tpu.memory_space<semaphore_mem>>) src(%dma_wait3A_1518 : memref<128xf32, #tpu.memory_space<vmem>>) dst(%dma_wait3A_1523 : memref<6152xf32, #tpu.memory_space<hbm>>)
        %dma_wait3A_1524 = arith.constant 1 : i32
        %dma_wait3A_1525 = arith.constant 1 : i32
        %dma_wait3A_1526 = arith.constant 0 : i32
        %dma_wait3A_1527 = tpu.memref_slice %arg21[%dma_wait3A_1524, %dma_wait3A_1526] : memref<16x128xf32, #tpu.memory_space<vmem>> -> memref<1x128xf32, #tpu.memory_space<vmem>>
        %dma_wait3A_1528 = tpu.memref_squeeze %dma_wait3A_1527 : memref<1x128xf32, #tpu.memory_space<vmem>> -> memref<128xf32, #tpu.memory_space<vmem>>
        %dma_wait3A_1529 = arith.constant 0 : i32
        %dma_wait3A_1530 = tpu.memref_slice %arg17[%dma_wait3A_1525, %dma_wait3A_1529] : memref<16x128xi32, #tpu.memory_space<vmem>> -> memref<1x128xi32, #tpu.memory_space<vmem>>
        %dma_wait3A_1531 = tpu.memref_squeeze %dma_wait3A_1530 : memref<1x128xi32, #tpu.memory_space<vmem>> -> memref<128xi32, #tpu.memory_space<vmem>>
        %dma_wait3A_1532 = arith.constant 0 : i32
        %dma_wait3A_1533 = tpu.memref_slice %arg13[%dma_wait3A_1532] : memref<6152xf32, #tpu.memory_space<hbm>> -> memref<6152xf32, #tpu.memory_space<hbm>>
        tpu.wait_indirect_dma semaphore(%arg27 : memref<!tpu.dma_semaphore, #tpu.memory_space<semaphore_mem>>) src(%dma_wait3A_1528 : memref<128xf32, #tpu.memory_space<vmem>>) dst(%dma_wait3A_1533 : memref<6152xf32, #tpu.memory_space<hbm>>)
        %dma_wait3A_1534 = arith.constant 1 : i32
        %dma_wait3A_1535 = arith.constant 1 : i32
        %dma_wait3A_1536 = arith.constant 0 : i32
        %dma_wait3A_1537 = tpu.memref_slice %arg22[%dma_wait3A_1534, %dma_wait3A_1536] : memref<16x128xf32, #tpu.memory_space<vmem>> -> memref<1x128xf32, #tpu.memory_space<vmem>>
        %dma_wait3A_1538 = tpu.memref_squeeze %dma_wait3A_1537 : memref<1x128xf32, #tpu.memory_space<vmem>> -> memref<128xf32, #tpu.memory_space<vmem>>
        %dma_wait3A_1539 = arith.constant 0 : i32
        %dma_wait3A_1540 = tpu.memref_slice %arg17[%dma_wait3A_1535, %dma_wait3A_1539] : memref<16x128xi32, #tpu.memory_space<vmem>> -> memref<1x128xi32, #tpu.memory_space<vmem>>
        %dma_wait3A_1541 = tpu.memref_squeeze %dma_wait3A_1540 : memref<1x128xi32, #tpu.memory_space<vmem>> -> memref<128xi32, #tpu.memory_space<vmem>>
        %dma_wait3A_1542 = arith.constant 0 : i32
        %dma_wait3A_1543 = tpu.memref_slice %arg14[%dma_wait3A_1542] : memref<6152xf32, #tpu.memory_space<hbm>> -> memref<6152xf32, #tpu.memory_space<hbm>>
        tpu.wait_indirect_dma semaphore(%arg27 : memref<!tpu.dma_semaphore, #tpu.memory_space<semaphore_mem>>) src(%dma_wait3A_1538 : memref<128xf32, #tpu.memory_space<vmem>>) dst(%dma_wait3A_1543 : memref<6152xf32, #tpu.memory_space<hbm>>)
        %dma_wait3A_1544 = arith.constant 1 : i32
        %dma_wait3A_1545 = arith.constant 1 : i32
        %dma_wait3A_1546 = arith.constant 0 : i32
        %dma_wait3A_1547 = tpu.memref_slice %arg23[%dma_wait3A_1544, %dma_wait3A_1546] : memref<16x128xf32, #tpu.memory_space<vmem>> -> memref<1x128xf32, #tpu.memory_space<vmem>>
        %dma_wait3A_1548 = tpu.memref_squeeze %dma_wait3A_1547 : memref<1x128xf32, #tpu.memory_space<vmem>> -> memref<128xf32, #tpu.memory_space<vmem>>
        %dma_wait3A_1549 = arith.constant 0 : i32
        %dma_wait3A_1550 = tpu.memref_slice %arg17[%dma_wait3A_1545, %dma_wait3A_1549] : memref<16x128xi32, #tpu.memory_space<vmem>> -> memref<1x128xi32, #tpu.memory_space<vmem>>
        %dma_wait3A_1551 = tpu.memref_squeeze %dma_wait3A_1550 : memref<1x128xi32, #tpu.memory_space<vmem>> -> memref<128xi32, #tpu.memory_space<vmem>>
        %dma_wait3A_1552 = arith.constant 0 : i32
        %dma_wait3A_1553 = tpu.memref_slice %arg15[%dma_wait3A_1552] : memref<6152xf32, #tpu.memory_space<hbm>> -> memref<6152xf32, #tpu.memory_space<hbm>>
        tpu.wait_indirect_dma semaphore(%arg27 : memref<!tpu.dma_semaphore, #tpu.memory_space<semaphore_mem>>) src(%dma_wait3A_1548 : memref<128xf32, #tpu.memory_space<vmem>>) dst(%dma_wait3A_1553 : memref<6152xf32, #tpu.memory_space<hbm>>)
        %dma_wait3A_1554 = arith.constant 1 : i32
        %dma_wait3A_1555 = arith.constant 1 : i32
        %dma_wait3A_1556 = arith.constant 0 : i32
        %dma_wait3A_1557 = tpu.memref_slice %arg24[%dma_wait3A_1554, %dma_wait3A_1556] : memref<16x128xf32, #tpu.memory_space<vmem>> -> memref<1x128xf32, #tpu.memory_space<vmem>>
        %dma_wait3A_1558 = tpu.memref_squeeze %dma_wait3A_1557 : memref<1x128xf32, #tpu.memory_space<vmem>> -> memref<128xf32, #tpu.memory_space<vmem>>
        %dma_wait3A_1559 = arith.constant 0 : i32
        %dma_wait3A_1560 = tpu.memref_slice %arg17[%dma_wait3A_1555, %dma_wait3A_1559] : memref<16x128xi32, #tpu.memory_space<vmem>> -> memref<1x128xi32, #tpu.memory_space<vmem>>
        %dma_wait3A_1561 = tpu.memref_squeeze %dma_wait3A_1560 : memref<1x128xi32, #tpu.memory_space<vmem>> -> memref<128xi32, #tpu.memory_space<vmem>>
        %dma_wait3A_1562 = arith.constant 0 : i32
        %dma_wait3A_1563 = tpu.memref_slice %arg16[%dma_wait3A_1562] : memref<6152xf32, #tpu.memory_space<hbm>> -> memref<6152xf32, #tpu.memory_space<hbm>>
        tpu.wait_indirect_dma semaphore(%arg27 : memref<!tpu.dma_semaphore, #tpu.memory_space<semaphore_mem>>) src(%dma_wait3A_1558 : memref<128xf32, #tpu.memory_space<vmem>>) dst(%dma_wait3A_1563 : memref<6152xf32, #tpu.memory_space<hbm>>)
        %dma_wait3A_1564 = arith.constant 2 : i32
        %dma_wait3A_1565 = arith.constant 2 : i32
        %dma_wait3A_1566 = arith.constant 0 : i32
        %dma_wait3A_1567 = tpu.memref_slice %arg18[%dma_wait3A_1564, %dma_wait3A_1566] : memref<16x128xi32, #tpu.memory_space<vmem>> -> memref<1x128xi32, #tpu.memory_space<vmem>>
        %dma_wait3A_1568 = tpu.memref_squeeze %dma_wait3A_1567 : memref<1x128xi32, #tpu.memory_space<vmem>> -> memref<128xi32, #tpu.memory_space<vmem>>
        %dma_wait3A_1569 = arith.constant 0 : i32
        %dma_wait3A_1570 = tpu.memref_slice %arg17[%dma_wait3A_1565, %dma_wait3A_1569] : memref<16x128xi32, #tpu.memory_space<vmem>> -> memref<1x128xi32, #tpu.memory_space<vmem>>
        %dma_wait3A_1571 = tpu.memref_squeeze %dma_wait3A_1570 : memref<1x128xi32, #tpu.memory_space<vmem>> -> memref<128xi32, #tpu.memory_space<vmem>>
        %dma_wait3A_1572 = arith.constant 0 : i32
        %dma_wait3A_1573 = tpu.memref_slice %arg10[%dma_wait3A_1572] : memref<6152xi32, #tpu.memory_space<hbm>> -> memref<6152xi32, #tpu.memory_space<hbm>>
        tpu.wait_indirect_dma semaphore(%arg27 : memref<!tpu.dma_semaphore, #tpu.memory_space<semaphore_mem>>) src(%dma_wait3A_1568 : memref<128xi32, #tpu.memory_space<vmem>>) dst(%dma_wait3A_1573 : memref<6152xi32, #tpu.memory_space<hbm>>)
        %dma_wait3A_1574 = arith.constant 2 : i32
        %dma_wait3A_1575 = arith.constant 2 : i32
        %dma_wait3A_1576 = arith.constant 0 : i32
        %dma_wait3A_1577 = tpu.memref_slice %arg19[%dma_wait3A_1574, %dma_wait3A_1576] : memref<16x128xf32, #tpu.memory_space<vmem>> -> memref<1x128xf32, #tpu.memory_space<vmem>>
        %dma_wait3A_1578 = tpu.memref_squeeze %dma_wait3A_1577 : memref<1x128xf32, #tpu.memory_space<vmem>> -> memref<128xf32, #tpu.memory_space<vmem>>
        %dma_wait3A_1579 = arith.constant 0 : i32
        %dma_wait3A_1580 = tpu.memref_slice %arg17[%dma_wait3A_1575, %dma_wait3A_1579] : memref<16x128xi32, #tpu.memory_space<vmem>> -> memref<1x128xi32, #tpu.memory_space<vmem>>
        %dma_wait3A_1581 = tpu.memref_squeeze %dma_wait3A_1580 : memref<1x128xi32, #tpu.memory_space<vmem>> -> memref<128xi32, #tpu.memory_space<vmem>>
        %dma_wait3A_1582 = arith.constant 0 : i32
        %dma_wait3A_1583 = tpu.memref_slice %arg11[%dma_wait3A_1582] : memref<6152xf32, #tpu.memory_space<hbm>> -> memref<6152xf32, #tpu.memory_space<hbm>>
        tpu.wait_indirect_dma semaphore(%arg27 : memref<!tpu.dma_semaphore, #tpu.memory_space<semaphore_mem>>) src(%dma_wait3A_1578 : memref<128xf32, #tpu.memory_space<vmem>>) dst(%dma_wait3A_1583 : memref<6152xf32, #tpu.memory_space<hbm>>)
        %dma_wait3A_1584 = arith.constant 2 : i32
        %dma_wait3A_1585 = arith.constant 2 : i32
        %dma_wait3A_1586 = arith.constant 0 : i32
        %dma_wait3A_1587 = tpu.memref_slice %arg20[%dma_wait3A_1584, %dma_wait3A_1586] : memref<16x128xf32, #tpu.memory_space<vmem>> -> memref<1x128xf32, #tpu.memory_space<vmem>>
        %dma_wait3A_1588 = tpu.memref_squeeze %dma_wait3A_1587 : memref<1x128xf32, #tpu.memory_space<vmem>> -> memref<128xf32, #tpu.memory_space<vmem>>
        %dma_wait3A_1589 = arith.constant 0 : i32
        %dma_wait3A_1590 = tpu.memref_slice %arg17[%dma_wait3A_1585, %dma_wait3A_1589] : memref<16x128xi32, #tpu.memory_space<vmem>> -> memref<1x128xi32, #tpu.memory_space<vmem>>
        %dma_wait3A_1591 = tpu.memref_squeeze %dma_wait3A_1590 : memref<1x128xi32, #tpu.memory_space<vmem>> -> memref<128xi32, #tpu.memory_space<vmem>>
        %dma_wait3A_1592 = arith.constant 0 : i32
        %dma_wait3A_1593 = tpu.memref_slice %arg12[%dma_wait3A_1592] : memref<6152xf32, #tpu.memory_space<hbm>> -> memref<6152xf32, #tpu.memory_space<hbm>>
        tpu.wait_indirect_dma semaphore(%arg27 : memref<!tpu.dma_semaphore, #tpu.memory_space<semaphore_mem>>) src(%dma_wait3A_1588 : memref<128xf32, #tpu.memory_space<vmem>>) dst(%dma_wait3A_1593 : memref<6152xf32, #tpu.memory_space<hbm>>)
        %dma_wait3A_1594 = arith.constant 2 : i32
        %dma_wait3A_1595 = arith.constant 2 : i32
        %dma_wait3A_1596 = arith.constant 0 : i32
        %dma_wait3A_1597 = tpu.memref_slice %arg21[%dma_wait3A_1594, %dma_wait3A_1596] : memref<16x128xf32, #tpu.memory_space<vmem>> -> memref<1x128xf32, #tpu.memory_space<vmem>>
        %dma_wait3A_1598 = tpu.memref_squeeze %dma_wait3A_1597 : memref<1x128xf32, #tpu.memory_space<vmem>> -> memref<128xf32, #tpu.memory_space<vmem>>
        %dma_wait3A_1599 = arith.constant 0 : i32
        %dma_wait3A_1600 = tpu.memref_slice %arg17[%dma_wait3A_1595, %dma_wait3A_1599] : memref<16x128xi32, #tpu.memory_space<vmem>> -> memref<1x128xi32, #tpu.memory_space<vmem>>
        %dma_wait3A_1601 = tpu.memref_squeeze %dma_wait3A_1600 : memref<1x128xi32, #tpu.memory_space<vmem>> -> memref<128xi32, #tpu.memory_space<vmem>>
        %dma_wait3A_1602 = arith.constant 0 : i32
        %dma_wait3A_1603 = tpu.memref_slice %arg13[%dma_wait3A_1602] : memref<6152xf32, #tpu.memory_space<hbm>> -> memref<6152xf32, #tpu.memory_space<hbm>>
        tpu.wait_indirect_dma semaphore(%arg27 : memref<!tpu.dma_semaphore, #tpu.memory_space<semaphore_mem>>) src(%dma_wait3A_1598 : memref<128xf32, #tpu.memory_space<vmem>>) dst(%dma_wait3A_1603 : memref<6152xf32, #tpu.memory_space<hbm>>)
        %dma_wait3A_1604 = arith.constant 2 : i32
        %dma_wait3A_1605 = arith.constant 2 : i32
        %dma_wait3A_1606 = arith.constant 0 : i32
        %dma_wait3A_1607 = tpu.memref_slice %arg22[%dma_wait3A_1604, %dma_wait3A_1606] : memref<16x128xf32, #tpu.memory_space<vmem>> -> memref<1x128xf32, #tpu.memory_space<vmem>>
        %dma_wait3A_1608 = tpu.memref_squeeze %dma_wait3A_1607 : memref<1x128xf32, #tpu.memory_space<vmem>> -> memref<128xf32, #tpu.memory_space<vmem>>
        %dma_wait3A_1609 = arith.constant 0 : i32
        %dma_wait3A_1610 = tpu.memref_slice %arg17[%dma_wait3A_1605, %dma_wait3A_1609] : memref<16x128xi32, #tpu.memory_space<vmem>> -> memref<1x128xi32, #tpu.memory_space<vmem>>
        %dma_wait3A_1611 = tpu.memref_squeeze %dma_wait3A_1610 : memref<1x128xi32, #tpu.memory_space<vmem>> -> memref<128xi32, #tpu.memory_space<vmem>>
        %dma_wait3A_1612 = arith.constant 0 : i32
        %dma_wait3A_1613 = tpu.memref_slice %arg14[%dma_wait3A_1612] : memref<6152xf32, #tpu.memory_space<hbm>> -> memref<6152xf32, #tpu.memory_space<hbm>>
        tpu.wait_indirect_dma semaphore(%arg27 : memref<!tpu.dma_semaphore, #tpu.memory_space<semaphore_mem>>) src(%dma_wait3A_1608 : memref<128xf32, #tpu.memory_space<vmem>>) dst(%dma_wait3A_1613 : memref<6152xf32, #tpu.memory_space<hbm>>)
        %dma_wait3A_1614 = arith.constant 2 : i32
        %dma_wait3A_1615 = arith.constant 2 : i32
        %dma_wait3A_1616 = arith.constant 0 : i32
        %dma_wait3A_1617 = tpu.memref_slice %arg23[%dma_wait3A_1614, %dma_wait3A_1616] : memref<16x128xf32, #tpu.memory_space<vmem>> -> memref<1x128xf32, #tpu.memory_space<vmem>>
        %dma_wait3A_1618 = tpu.memref_squeeze %dma_wait3A_1617 : memref<1x128xf32, #tpu.memory_space<vmem>> -> memref<128xf32, #tpu.memory_space<vmem>>
        %dma_wait3A_1619 = arith.constant 0 : i32
        %dma_wait3A_1620 = tpu.memref_slice %arg17[%dma_wait3A_1615, %dma_wait3A_1619] : memref<16x128xi32, #tpu.memory_space<vmem>> -> memref<1x128xi32, #tpu.memory_space<vmem>>
        %dma_wait3A_1621 = tpu.memref_squeeze %dma_wait3A_1620 : memref<1x128xi32, #tpu.memory_space<vmem>> -> memref<128xi32, #tpu.memory_space<vmem>>
        %dma_wait3A_1622 = arith.constant 0 : i32
        %dma_wait3A_1623 = tpu.memref_slice %arg15[%dma_wait3A_1622] : memref<6152xf32, #tpu.memory_space<hbm>> -> memref<6152xf32, #tpu.memory_space<hbm>>
        tpu.wait_indirect_dma semaphore(%arg27 : memref<!tpu.dma_semaphore, #tpu.memory_space<semaphore_mem>>) src(%dma_wait3A_1618 : memref<128xf32, #tpu.memory_space<vmem>>) dst(%dma_wait3A_1623 : memref<6152xf32, #tpu.memory_space<hbm>>)
        %dma_wait3A_1624 = arith.constant 2 : i32
        %dma_wait3A_1625 = arith.constant 2 : i32
        %dma_wait3A_1626 = arith.constant 0 : i32
        %dma_wait3A_1627 = tpu.memref_slice %arg24[%dma_wait3A_1624, %dma_wait3A_1626] : memref<16x128xf32, #tpu.memory_space<vmem>> -> memref<1x128xf32, #tpu.memory_space<vmem>>
        %dma_wait3A_1628 = tpu.memref_squeeze %dma_wait3A_1627 : memref<1x128xf32, #tpu.memory_space<vmem>> -> memref<128xf32, #tpu.memory_space<vmem>>
        %dma_wait3A_1629 = arith.constant 0 : i32
        %dma_wait3A_1630 = tpu.memref_slice %arg17[%dma_wait3A_1625, %dma_wait3A_1629] : memref<16x128xi32, #tpu.memory_space<vmem>> -> memref<1x128xi32, #tpu.memory_space<vmem>>
        %dma_wait3A_1631 = tpu.memref_squeeze %dma_wait3A_1630 : memref<1x128xi32, #tpu.memory_space<vmem>> -> memref<128xi32, #tpu.memory_space<vmem>>
        %dma_wait3A_1632 = arith.constant 0 : i32
        %dma_wait3A_1633 = tpu.memref_slice %arg16[%dma_wait3A_1632] : memref<6152xf32, #tpu.memory_space<hbm>> -> memref<6152xf32, #tpu.memory_space<hbm>>
        tpu.wait_indirect_dma semaphore(%arg27 : memref<!tpu.dma_semaphore, #tpu.memory_space<semaphore_mem>>) src(%dma_wait3A_1628 : memref<128xf32, #tpu.memory_space<vmem>>) dst(%dma_wait3A_1633 : memref<6152xf32, #tpu.memory_space<hbm>>)
        %dma_wait3A_1634 = arith.constant 3 : i32
        %dma_wait3A_1635 = arith.constant 3 : i32
        %dma_wait3A_1636 = arith.constant 0 : i32
        %dma_wait3A_1637 = tpu.memref_slice %arg18[%dma_wait3A_1634, %dma_wait3A_1636] : memref<16x128xi32, #tpu.memory_space<vmem>> -> memref<1x128xi32, #tpu.memory_space<vmem>>
        %dma_wait3A_1638 = tpu.memref_squeeze %dma_wait3A_1637 : memref<1x128xi32, #tpu.memory_space<vmem>> -> memref<128xi32, #tpu.memory_space<vmem>>
        %dma_wait3A_1639 = arith.constant 0 : i32
        %dma_wait3A_1640 = tpu.memref_slice %arg17[%dma_wait3A_1635, %dma_wait3A_1639] : memref<16x128xi32, #tpu.memory_space<vmem>> -> memref<1x128xi32, #tpu.memory_space<vmem>>
        %dma_wait3A_1641 = tpu.memref_squeeze %dma_wait3A_1640 : memref<1x128xi32, #tpu.memory_space<vmem>> -> memref<128xi32, #tpu.memory_space<vmem>>
        %dma_wait3A_1642 = arith.constant 0 : i32
        %dma_wait3A_1643 = tpu.memref_slice %arg10[%dma_wait3A_1642] : memref<6152xi32, #tpu.memory_space<hbm>> -> memref<6152xi32, #tpu.memory_space<hbm>>
        tpu.wait_indirect_dma semaphore(%arg27 : memref<!tpu.dma_semaphore, #tpu.memory_space<semaphore_mem>>) src(%dma_wait3A_1638 : memref<128xi32, #tpu.memory_space<vmem>>) dst(%dma_wait3A_1643 : memref<6152xi32, #tpu.memory_space<hbm>>)
        %dma_wait3A_1644 = arith.constant 3 : i32
        %dma_wait3A_1645 = arith.constant 3 : i32
        %dma_wait3A_1646 = arith.constant 0 : i32
        %dma_wait3A_1647 = tpu.memref_slice %arg19[%dma_wait3A_1644, %dma_wait3A_1646] : memref<16x128xf32, #tpu.memory_space<vmem>> -> memref<1x128xf32, #tpu.memory_space<vmem>>
        %dma_wait3A_1648 = tpu.memref_squeeze %dma_wait3A_1647 : memref<1x128xf32, #tpu.memory_space<vmem>> -> memref<128xf32, #tpu.memory_space<vmem>>
        %dma_wait3A_1649 = arith.constant 0 : i32
        %dma_wait3A_1650 = tpu.memref_slice %arg17[%dma_wait3A_1645, %dma_wait3A_1649] : memref<16x128xi32, #tpu.memory_space<vmem>> -> memref<1x128xi32, #tpu.memory_space<vmem>>
        %dma_wait3A_1651 = tpu.memref_squeeze %dma_wait3A_1650 : memref<1x128xi32, #tpu.memory_space<vmem>> -> memref<128xi32, #tpu.memory_space<vmem>>
        %dma_wait3A_1652 = arith.constant 0 : i32
        %dma_wait3A_1653 = tpu.memref_slice %arg11[%dma_wait3A_1652] : memref<6152xf32, #tpu.memory_space<hbm>> -> memref<6152xf32, #tpu.memory_space<hbm>>
        tpu.wait_indirect_dma semaphore(%arg27 : memref<!tpu.dma_semaphore, #tpu.memory_space<semaphore_mem>>) src(%dma_wait3A_1648 : memref<128xf32, #tpu.memory_space<vmem>>) dst(%dma_wait3A_1653 : memref<6152xf32, #tpu.memory_space<hbm>>)
        %dma_wait3A_1654 = arith.constant 3 : i32
        %dma_wait3A_1655 = arith.constant 3 : i32
        %dma_wait3A_1656 = arith.constant 0 : i32
        %dma_wait3A_1657 = tpu.memref_slice %arg20[%dma_wait3A_1654, %dma_wait3A_1656] : memref<16x128xf32, #tpu.memory_space<vmem>> -> memref<1x128xf32, #tpu.memory_space<vmem>>
        %dma_wait3A_1658 = tpu.memref_squeeze %dma_wait3A_1657 : memref<1x128xf32, #tpu.memory_space<vmem>> -> memref<128xf32, #tpu.memory_space<vmem>>
        %dma_wait3A_1659 = arith.constant 0 : i32
        %dma_wait3A_1660 = tpu.memref_slice %arg17[%dma_wait3A_1655, %dma_wait3A_1659] : memref<16x128xi32, #tpu.memory_space<vmem>> -> memref<1x128xi32, #tpu.memory_space<vmem>>
        %dma_wait3A_1661 = tpu.memref_squeeze %dma_wait3A_1660 : memref<1x128xi32, #tpu.memory_space<vmem>> -> memref<128xi32, #tpu.memory_space<vmem>>
        %dma_wait3A_1662 = arith.constant 0 : i32
        %dma_wait3A_1663 = tpu.memref_slice %arg12[%dma_wait3A_1662] : memref<6152xf32, #tpu.memory_space<hbm>> -> memref<6152xf32, #tpu.memory_space<hbm>>
        tpu.wait_indirect_dma semaphore(%arg27 : memref<!tpu.dma_semaphore, #tpu.memory_space<semaphore_mem>>) src(%dma_wait3A_1658 : memref<128xf32, #tpu.memory_space<vmem>>) dst(%dma_wait3A_1663 : memref<6152xf32, #tpu.memory_space<hbm>>)
        %dma_wait3A_1664 = arith.constant 3 : i32
        %dma_wait3A_1665 = arith.constant 3 : i32
        %dma_wait3A_1666 = arith.constant 0 : i32
        %dma_wait3A_1667 = tpu.memref_slice %arg21[%dma_wait3A_1664, %dma_wait3A_1666] : memref<16x128xf32, #tpu.memory_space<vmem>> -> memref<1x128xf32, #tpu.memory_space<vmem>>
        %dma_wait3A_1668 = tpu.memref_squeeze %dma_wait3A_1667 : memref<1x128xf32, #tpu.memory_space<vmem>> -> memref<128xf32, #tpu.memory_space<vmem>>
        %dma_wait3A_1669 = arith.constant 0 : i32
        %dma_wait3A_1670 = tpu.memref_slice %arg17[%dma_wait3A_1665, %dma_wait3A_1669] : memref<16x128xi32, #tpu.memory_space<vmem>> -> memref<1x128xi32, #tpu.memory_space<vmem>>
        %dma_wait3A_1671 = tpu.memref_squeeze %dma_wait3A_1670 : memref<1x128xi32, #tpu.memory_space<vmem>> -> memref<128xi32, #tpu.memory_space<vmem>>
        %dma_wait3A_1672 = arith.constant 0 : i32
        %dma_wait3A_1673 = tpu.memref_slice %arg13[%dma_wait3A_1672] : memref<6152xf32, #tpu.memory_space<hbm>> -> memref<6152xf32, #tpu.memory_space<hbm>>
        tpu.wait_indirect_dma semaphore(%arg27 : memref<!tpu.dma_semaphore, #tpu.memory_space<semaphore_mem>>) src(%dma_wait3A_1668 : memref<128xf32, #tpu.memory_space<vmem>>) dst(%dma_wait3A_1673 : memref<6152xf32, #tpu.memory_space<hbm>>)
        %dma_wait3A_1674 = arith.constant 3 : i32
        %dma_wait3A_1675 = arith.constant 3 : i32
        %dma_wait3A_1676 = arith.constant 0 : i32
        %dma_wait3A_1677 = tpu.memref_slice %arg22[%dma_wait3A_1674, %dma_wait3A_1676] : memref<16x128xf32, #tpu.memory_space<vmem>> -> memref<1x128xf32, #tpu.memory_space<vmem>>
        %dma_wait3A_1678 = tpu.memref_squeeze %dma_wait3A_1677 : memref<1x128xf32, #tpu.memory_space<vmem>> -> memref<128xf32, #tpu.memory_space<vmem>>
        %dma_wait3A_1679 = arith.constant 0 : i32
        %dma_wait3A_1680 = tpu.memref_slice %arg17[%dma_wait3A_1675, %dma_wait3A_1679] : memref<16x128xi32, #tpu.memory_space<vmem>> -> memref<1x128xi32, #tpu.memory_space<vmem>>
        %dma_wait3A_1681 = tpu.memref_squeeze %dma_wait3A_1680 : memref<1x128xi32, #tpu.memory_space<vmem>> -> memref<128xi32, #tpu.memory_space<vmem>>
        %dma_wait3A_1682 = arith.constant 0 : i32
        %dma_wait3A_1683 = tpu.memref_slice %arg14[%dma_wait3A_1682] : memref<6152xf32, #tpu.memory_space<hbm>> -> memref<6152xf32, #tpu.memory_space<hbm>>
        tpu.wait_indirect_dma semaphore(%arg27 : memref<!tpu.dma_semaphore, #tpu.memory_space<semaphore_mem>>) src(%dma_wait3A_1678 : memref<128xf32, #tpu.memory_space<vmem>>) dst(%dma_wait3A_1683 : memref<6152xf32, #tpu.memory_space<hbm>>)
        %dma_wait3A_1684 = arith.constant 3 : i32
        %dma_wait3A_1685 = arith.constant 3 : i32
        %dma_wait3A_1686 = arith.constant 0 : i32
        %dma_wait3A_1687 = tpu.memref_slice %arg23[%dma_wait3A_1684, %dma_wait3A_1686] : memref<16x128xf32, #tpu.memory_space<vmem>> -> memref<1x128xf32, #tpu.memory_space<vmem>>
        %dma_wait3A_1688 = tpu.memref_squeeze %dma_wait3A_1687 : memref<1x128xf32, #tpu.memory_space<vmem>> -> memref<128xf32, #tpu.memory_space<vmem>>
        %dma_wait3A_1689 = arith.constant 0 : i32
        %dma_wait3A_1690 = tpu.memref_slice %arg17[%dma_wait3A_1685, %dma_wait3A_1689] : memref<16x128xi32, #tpu.memory_space<vmem>> -> memref<1x128xi32, #tpu.memory_space<vmem>>
        %dma_wait3A_1691 = tpu.memref_squeeze %dma_wait3A_1690 : memref<1x128xi32, #tpu.memory_space<vmem>> -> memref<128xi32, #tpu.memory_space<vmem>>
        %dma_wait3A_1692 = arith.constant 0 : i32
        %dma_wait3A_1693 = tpu.memref_slice %arg15[%dma_wait3A_1692] : memref<6152xf32, #tpu.memory_space<hbm>> -> memref<6152xf32, #tpu.memory_space<hbm>>
        tpu.wait_indirect_dma semaphore(%arg27 : memref<!tpu.dma_semaphore, #tpu.memory_space<semaphore_mem>>) src(%dma_wait3A_1688 : memref<128xf32, #tpu.memory_space<vmem>>) dst(%dma_wait3A_1693 : memref<6152xf32, #tpu.memory_space<hbm>>)
        %dma_wait3A_1694 = arith.constant 3 : i32
        %dma_wait3A_1695 = arith.constant 3 : i32
        %dma_wait3A_1696 = arith.constant 0 : i32
        %dma_wait3A_1697 = tpu.memref_slice %arg24[%dma_wait3A_1694, %dma_wait3A_1696] : memref<16x128xf32, #tpu.memory_space<vmem>> -> memref<1x128xf32, #tpu.memory_space<vmem>>
        %dma_wait3A_1698 = tpu.memref_squeeze %dma_wait3A_1697 : memref<1x128xf32, #tpu.memory_space<vmem>> -> memref<128xf32, #tpu.memory_space<vmem>>
        %dma_wait3A_1699 = arith.constant 0 : i32
        %dma_wait3A_1700 = tpu.memref_slice %arg17[%dma_wait3A_1695, %dma_wait3A_1699] : memref<16x128xi32, #tpu.memory_space<vmem>> -> memref<1x128xi32, #tpu.memory_space<vmem>>
        %dma_wait3A_1701 = tpu.memref_squeeze %dma_wait3A_1700 : memref<1x128xi32, #tpu.memory_space<vmem>> -> memref<128xi32, #tpu.memory_space<vmem>>
        %dma_wait3A_1702 = arith.constant 0 : i32
        %dma_wait3A_1703 = tpu.memref_slice %arg16[%dma_wait3A_1702] : memref<6152xf32, #tpu.memory_space<hbm>> -> memref<6152xf32, #tpu.memory_space<hbm>>
        tpu.wait_indirect_dma semaphore(%arg27 : memref<!tpu.dma_semaphore, #tpu.memory_space<semaphore_mem>>) src(%dma_wait3A_1698 : memref<128xf32, #tpu.memory_space<vmem>>) dst(%dma_wait3A_1703 : memref<6152xf32, #tpu.memory_space<hbm>>)
        %dma_wait3A_1704 = arith.constant 4 : i32
        %dma_wait3A_1705 = arith.constant 4 : i32
        %dma_wait3A_1706 = arith.constant 0 : i32
        %dma_wait3A_1707 = tpu.memref_slice %arg18[%dma_wait3A_1704, %dma_wait3A_1706] : memref<16x128xi32, #tpu.memory_space<vmem>> -> memref<1x128xi32, #tpu.memory_space<vmem>>
        %dma_wait3A_1708 = tpu.memref_squeeze %dma_wait3A_1707 : memref<1x128xi32, #tpu.memory_space<vmem>> -> memref<128xi32, #tpu.memory_space<vmem>>
        %dma_wait3A_1709 = arith.constant 0 : i32
        %dma_wait3A_1710 = tpu.memref_slice %arg17[%dma_wait3A_1705, %dma_wait3A_1709] : memref<16x128xi32, #tpu.memory_space<vmem>> -> memref<1x128xi32, #tpu.memory_space<vmem>>
        %dma_wait3A_1711 = tpu.memref_squeeze %dma_wait3A_1710 : memref<1x128xi32, #tpu.memory_space<vmem>> -> memref<128xi32, #tpu.memory_space<vmem>>
        %dma_wait3A_1712 = arith.constant 0 : i32
        %dma_wait3A_1713 = tpu.memref_slice %arg10[%dma_wait3A_1712] : memref<6152xi32, #tpu.memory_space<hbm>> -> memref<6152xi32, #tpu.memory_space<hbm>>
        tpu.wait_indirect_dma semaphore(%arg27 : memref<!tpu.dma_semaphore, #tpu.memory_space<semaphore_mem>>) src(%dma_wait3A_1708 : memref<128xi32, #tpu.memory_space<vmem>>) dst(%dma_wait3A_1713 : memref<6152xi32, #tpu.memory_space<hbm>>)
        %dma_wait3A_1714 = arith.constant 4 : i32
        %dma_wait3A_1715 = arith.constant 4 : i32
        %dma_wait3A_1716 = arith.constant 0 : i32
        %dma_wait3A_1717 = tpu.memref_slice %arg19[%dma_wait3A_1714, %dma_wait3A_1716] : memref<16x128xf32, #tpu.memory_space<vmem>> -> memref<1x128xf32, #tpu.memory_space<vmem>>
        %dma_wait3A_1718 = tpu.memref_squeeze %dma_wait3A_1717 : memref<1x128xf32, #tpu.memory_space<vmem>> -> memref<128xf32, #tpu.memory_space<vmem>>
        %dma_wait3A_1719 = arith.constant 0 : i32
        %dma_wait3A_1720 = tpu.memref_slice %arg17[%dma_wait3A_1715, %dma_wait3A_1719] : memref<16x128xi32, #tpu.memory_space<vmem>> -> memref<1x128xi32, #tpu.memory_space<vmem>>
        %dma_wait3A_1721 = tpu.memref_squeeze %dma_wait3A_1720 : memref<1x128xi32, #tpu.memory_space<vmem>> -> memref<128xi32, #tpu.memory_space<vmem>>
        %dma_wait3A_1722 = arith.constant 0 : i32
        %dma_wait3A_1723 = tpu.memref_slice %arg11[%dma_wait3A_1722] : memref<6152xf32, #tpu.memory_space<hbm>> -> memref<6152xf32, #tpu.memory_space<hbm>>
        tpu.wait_indirect_dma semaphore(%arg27 : memref<!tpu.dma_semaphore, #tpu.memory_space<semaphore_mem>>) src(%dma_wait3A_1718 : memref<128xf32, #tpu.memory_space<vmem>>) dst(%dma_wait3A_1723 : memref<6152xf32, #tpu.memory_space<hbm>>)
        %dma_wait3A_1724 = arith.constant 4 : i32
        %dma_wait3A_1725 = arith.constant 4 : i32
        %dma_wait3A_1726 = arith.constant 0 : i32
        %dma_wait3A_1727 = tpu.memref_slice %arg20[%dma_wait3A_1724, %dma_wait3A_1726] : memref<16x128xf32, #tpu.memory_space<vmem>> -> memref<1x128xf32, #tpu.memory_space<vmem>>
        %dma_wait3A_1728 = tpu.memref_squeeze %dma_wait3A_1727 : memref<1x128xf32, #tpu.memory_space<vmem>> -> memref<128xf32, #tpu.memory_space<vmem>>
        %dma_wait3A_1729 = arith.constant 0 : i32
        %dma_wait3A_1730 = tpu.memref_slice %arg17[%dma_wait3A_1725, %dma_wait3A_1729] : memref<16x128xi32, #tpu.memory_space<vmem>> -> memref<1x128xi32, #tpu.memory_space<vmem>>
        %dma_wait3A_1731 = tpu.memref_squeeze %dma_wait3A_1730 : memref<1x128xi32, #tpu.memory_space<vmem>> -> memref<128xi32, #tpu.memory_space<vmem>>
        %dma_wait3A_1732 = arith.constant 0 : i32
        %dma_wait3A_1733 = tpu.memref_slice %arg12[%dma_wait3A_1732] : memref<6152xf32, #tpu.memory_space<hbm>> -> memref<6152xf32, #tpu.memory_space<hbm>>
        tpu.wait_indirect_dma semaphore(%arg27 : memref<!tpu.dma_semaphore, #tpu.memory_space<semaphore_mem>>) src(%dma_wait3A_1728 : memref<128xf32, #tpu.memory_space<vmem>>) dst(%dma_wait3A_1733 : memref<6152xf32, #tpu.memory_space<hbm>>)
        %dma_wait3A_1734 = arith.constant 4 : i32
        %dma_wait3A_1735 = arith.constant 4 : i32
        %dma_wait3A_1736 = arith.constant 0 : i32
        %dma_wait3A_1737 = tpu.memref_slice %arg21[%dma_wait3A_1734, %dma_wait3A_1736] : memref<16x128xf32, #tpu.memory_space<vmem>> -> memref<1x128xf32, #tpu.memory_space<vmem>>
        %dma_wait3A_1738 = tpu.memref_squeeze %dma_wait3A_1737 : memref<1x128xf32, #tpu.memory_space<vmem>> -> memref<128xf32, #tpu.memory_space<vmem>>
        %dma_wait3A_1739 = arith.constant 0 : i32
        %dma_wait3A_1740 = tpu.memref_slice %arg17[%dma_wait3A_1735, %dma_wait3A_1739] : memref<16x128xi32, #tpu.memory_space<vmem>> -> memref<1x128xi32, #tpu.memory_space<vmem>>
        %dma_wait3A_1741 = tpu.memref_squeeze %dma_wait3A_1740 : memref<1x128xi32, #tpu.memory_space<vmem>> -> memref<128xi32, #tpu.memory_space<vmem>>
        %dma_wait3A_1742 = arith.constant 0 : i32
        %dma_wait3A_1743 = tpu.memref_slice %arg13[%dma_wait3A_1742] : memref<6152xf32, #tpu.memory_space<hbm>> -> memref<6152xf32, #tpu.memory_space<hbm>>
        tpu.wait_indirect_dma semaphore(%arg27 : memref<!tpu.dma_semaphore, #tpu.memory_space<semaphore_mem>>) src(%dma_wait3A_1738 : memref<128xf32, #tpu.memory_space<vmem>>) dst(%dma_wait3A_1743 : memref<6152xf32, #tpu.memory_space<hbm>>)
        %dma_wait3A_1744 = arith.constant 4 : i32
        %dma_wait3A_1745 = arith.constant 4 : i32
        %dma_wait3A_1746 = arith.constant 0 : i32
        %dma_wait3A_1747 = tpu.memref_slice %arg22[%dma_wait3A_1744, %dma_wait3A_1746] : memref<16x128xf32, #tpu.memory_space<vmem>> -> memref<1x128xf32, #tpu.memory_space<vmem>>
        %dma_wait3A_1748 = tpu.memref_squeeze %dma_wait3A_1747 : memref<1x128xf32, #tpu.memory_space<vmem>> -> memref<128xf32, #tpu.memory_space<vmem>>
        %dma_wait3A_1749 = arith.constant 0 : i32
        %dma_wait3A_1750 = tpu.memref_slice %arg17[%dma_wait3A_1745, %dma_wait3A_1749] : memref<16x128xi32, #tpu.memory_space<vmem>> -> memref<1x128xi32, #tpu.memory_space<vmem>>
        %dma_wait3A_1751 = tpu.memref_squeeze %dma_wait3A_1750 : memref<1x128xi32, #tpu.memory_space<vmem>> -> memref<128xi32, #tpu.memory_space<vmem>>
        %dma_wait3A_1752 = arith.constant 0 : i32
        %dma_wait3A_1753 = tpu.memref_slice %arg14[%dma_wait3A_1752] : memref<6152xf32, #tpu.memory_space<hbm>> -> memref<6152xf32, #tpu.memory_space<hbm>>
        tpu.wait_indirect_dma semaphore(%arg27 : memref<!tpu.dma_semaphore, #tpu.memory_space<semaphore_mem>>) src(%dma_wait3A_1748 : memref<128xf32, #tpu.memory_space<vmem>>) dst(%dma_wait3A_1753 : memref<6152xf32, #tpu.memory_space<hbm>>)
        %dma_wait3A_1754 = arith.constant 4 : i32
        %dma_wait3A_1755 = arith.constant 4 : i32
        %dma_wait3A_1756 = arith.constant 0 : i32
        %dma_wait3A_1757 = tpu.memref_slice %arg23[%dma_wait3A_1754, %dma_wait3A_1756] : memref<16x128xf32, #tpu.memory_space<vmem>> -> memref<1x128xf32, #tpu.memory_space<vmem>>
        %dma_wait3A_1758 = tpu.memref_squeeze %dma_wait3A_1757 : memref<1x128xf32, #tpu.memory_space<vmem>> -> memref<128xf32, #tpu.memory_space<vmem>>
        %dma_wait3A_1759 = arith.constant 0 : i32
        %dma_wait3A_1760 = tpu.memref_slice %arg17[%dma_wait3A_1755, %dma_wait3A_1759] : memref<16x128xi32, #tpu.memory_space<vmem>> -> memref<1x128xi32, #tpu.memory_space<vmem>>
        %dma_wait3A_1761 = tpu.memref_squeeze %dma_wait3A_1760 : memref<1x128xi32, #tpu.memory_space<vmem>> -> memref<128xi32, #tpu.memory_space<vmem>>
        %dma_wait3A_1762 = arith.constant 0 : i32
        %dma_wait3A_1763 = tpu.memref_slice %arg15[%dma_wait3A_1762] : memref<6152xf32, #tpu.memory_space<hbm>> -> memref<6152xf32, #tpu.memory_space<hbm>>
        tpu.wait_indirect_dma semaphore(%arg27 : memref<!tpu.dma_semaphore, #tpu.memory_space<semaphore_mem>>) src(%dma_wait3A_1758 : memref<128xf32, #tpu.memory_space<vmem>>) dst(%dma_wait3A_1763 : memref<6152xf32, #tpu.memory_space<hbm>>)
        %dma_wait3A_1764 = arith.constant 4 : i32
        %dma_wait3A_1765 = arith.constant 4 : i32
        %dma_wait3A_1766 = arith.constant 0 : i32
        %dma_wait3A_1767 = tpu.memref_slice %arg24[%dma_wait3A_1764, %dma_wait3A_1766] : memref<16x128xf32, #tpu.memory_space<vmem>> -> memref<1x128xf32, #tpu.memory_space<vmem>>
        %dma_wait3A_1768 = tpu.memref_squeeze %dma_wait3A_1767 : memref<1x128xf32, #tpu.memory_space<vmem>> -> memref<128xf32, #tpu.memory_space<vmem>>
        %dma_wait3A_1769 = arith.constant 0 : i32
        %dma_wait3A_1770 = tpu.memref_slice %arg17[%dma_wait3A_1765, %dma_wait3A_1769] : memref<16x128xi32, #tpu.memory_space<vmem>> -> memref<1x128xi32, #tpu.memory_space<vmem>>
        %dma_wait3A_1771 = tpu.memref_squeeze %dma_wait3A_1770 : memref<1x128xi32, #tpu.memory_space<vmem>> -> memref<128xi32, #tpu.memory_space<vmem>>
        %dma_wait3A_1772 = arith.constant 0 : i32
        %dma_wait3A_1773 = tpu.memref_slice %arg16[%dma_wait3A_1772] : memref<6152xf32, #tpu.memory_space<hbm>> -> memref<6152xf32, #tpu.memory_space<hbm>>
        tpu.wait_indirect_dma semaphore(%arg27 : memref<!tpu.dma_semaphore, #tpu.memory_space<semaphore_mem>>) src(%dma_wait3A_1768 : memref<128xf32, #tpu.memory_space<vmem>>) dst(%dma_wait3A_1773 : memref<6152xf32, #tpu.memory_space<hbm>>)
        %dma_wait3A_1774 = arith.constant 5 : i32
        %dma_wait3A_1775 = arith.constant 5 : i32
        %dma_wait3A_1776 = arith.constant 0 : i32
        %dma_wait3A_1777 = tpu.memref_slice %arg18[%dma_wait3A_1774, %dma_wait3A_1776] : memref<16x128xi32, #tpu.memory_space<vmem>> -> memref<1x128xi32, #tpu.memory_space<vmem>>
        %dma_wait3A_1778 = tpu.memref_squeeze %dma_wait3A_1777 : memref<1x128xi32, #tpu.memory_space<vmem>> -> memref<128xi32, #tpu.memory_space<vmem>>
        %dma_wait3A_1779 = arith.constant 0 : i32
        %dma_wait3A_1780 = tpu.memref_slice %arg17[%dma_wait3A_1775, %dma_wait3A_1779] : memref<16x128xi32, #tpu.memory_space<vmem>> -> memref<1x128xi32, #tpu.memory_space<vmem>>
        %dma_wait3A_1781 = tpu.memref_squeeze %dma_wait3A_1780 : memref<1x128xi32, #tpu.memory_space<vmem>> -> memref<128xi32, #tpu.memory_space<vmem>>
        %dma_wait3A_1782 = arith.constant 0 : i32
        %dma_wait3A_1783 = tpu.memref_slice %arg10[%dma_wait3A_1782] : memref<6152xi32, #tpu.memory_space<hbm>> -> memref<6152xi32, #tpu.memory_space<hbm>>
        tpu.wait_indirect_dma semaphore(%arg27 : memref<!tpu.dma_semaphore, #tpu.memory_space<semaphore_mem>>) src(%dma_wait3A_1778 : memref<128xi32, #tpu.memory_space<vmem>>) dst(%dma_wait3A_1783 : memref<6152xi32, #tpu.memory_space<hbm>>)
        %dma_wait3A_1784 = arith.constant 5 : i32
        %dma_wait3A_1785 = arith.constant 5 : i32
        %dma_wait3A_1786 = arith.constant 0 : i32
        %dma_wait3A_1787 = tpu.memref_slice %arg19[%dma_wait3A_1784, %dma_wait3A_1786] : memref<16x128xf32, #tpu.memory_space<vmem>> -> memref<1x128xf32, #tpu.memory_space<vmem>>
        %dma_wait3A_1788 = tpu.memref_squeeze %dma_wait3A_1787 : memref<1x128xf32, #tpu.memory_space<vmem>> -> memref<128xf32, #tpu.memory_space<vmem>>
        %dma_wait3A_1789 = arith.constant 0 : i32
        %dma_wait3A_1790 = tpu.memref_slice %arg17[%dma_wait3A_1785, %dma_wait3A_1789] : memref<16x128xi32, #tpu.memory_space<vmem>> -> memref<1x128xi32, #tpu.memory_space<vmem>>
        %dma_wait3A_1791 = tpu.memref_squeeze %dma_wait3A_1790 : memref<1x128xi32, #tpu.memory_space<vmem>> -> memref<128xi32, #tpu.memory_space<vmem>>
        %dma_wait3A_1792 = arith.constant 0 : i32
        %dma_wait3A_1793 = tpu.memref_slice %arg11[%dma_wait3A_1792] : memref<6152xf32, #tpu.memory_space<hbm>> -> memref<6152xf32, #tpu.memory_space<hbm>>
        tpu.wait_indirect_dma semaphore(%arg27 : memref<!tpu.dma_semaphore, #tpu.memory_space<semaphore_mem>>) src(%dma_wait3A_1788 : memref<128xf32, #tpu.memory_space<vmem>>) dst(%dma_wait3A_1793 : memref<6152xf32, #tpu.memory_space<hbm>>)
        %dma_wait3A_1794 = arith.constant 5 : i32
        %dma_wait3A_1795 = arith.constant 5 : i32
        %dma_wait3A_1796 = arith.constant 0 : i32
        %dma_wait3A_1797 = tpu.memref_slice %arg20[%dma_wait3A_1794, %dma_wait3A_1796] : memref<16x128xf32, #tpu.memory_space<vmem>> -> memref<1x128xf32, #tpu.memory_space<vmem>>
        %dma_wait3A_1798 = tpu.memref_squeeze %dma_wait3A_1797 : memref<1x128xf32, #tpu.memory_space<vmem>> -> memref<128xf32, #tpu.memory_space<vmem>>
        %dma_wait3A_1799 = arith.constant 0 : i32
        %dma_wait3A_1800 = tpu.memref_slice %arg17[%dma_wait3A_1795, %dma_wait3A_1799] : memref<16x128xi32, #tpu.memory_space<vmem>> -> memref<1x128xi32, #tpu.memory_space<vmem>>
        %dma_wait3A_1801 = tpu.memref_squeeze %dma_wait3A_1800 : memref<1x128xi32, #tpu.memory_space<vmem>> -> memref<128xi32, #tpu.memory_space<vmem>>
        %dma_wait3A_1802 = arith.constant 0 : i32
        %dma_wait3A_1803 = tpu.memref_slice %arg12[%dma_wait3A_1802] : memref<6152xf32, #tpu.memory_space<hbm>> -> memref<6152xf32, #tpu.memory_space<hbm>>
        tpu.wait_indirect_dma semaphore(%arg27 : memref<!tpu.dma_semaphore, #tpu.memory_space<semaphore_mem>>) src(%dma_wait3A_1798 : memref<128xf32, #tpu.memory_space<vmem>>) dst(%dma_wait3A_1803 : memref<6152xf32, #tpu.memory_space<hbm>>)
        %dma_wait3A_1804 = arith.constant 5 : i32
        %dma_wait3A_1805 = arith.constant 5 : i32
        %dma_wait3A_1806 = arith.constant 0 : i32
        %dma_wait3A_1807 = tpu.memref_slice %arg21[%dma_wait3A_1804, %dma_wait3A_1806] : memref<16x128xf32, #tpu.memory_space<vmem>> -> memref<1x128xf32, #tpu.memory_space<vmem>>
        %dma_wait3A_1808 = tpu.memref_squeeze %dma_wait3A_1807 : memref<1x128xf32, #tpu.memory_space<vmem>> -> memref<128xf32, #tpu.memory_space<vmem>>
        %dma_wait3A_1809 = arith.constant 0 : i32
        %dma_wait3A_1810 = tpu.memref_slice %arg17[%dma_wait3A_1805, %dma_wait3A_1809] : memref<16x128xi32, #tpu.memory_space<vmem>> -> memref<1x128xi32, #tpu.memory_space<vmem>>
        %dma_wait3A_1811 = tpu.memref_squeeze %dma_wait3A_1810 : memref<1x128xi32, #tpu.memory_space<vmem>> -> memref<128xi32, #tpu.memory_space<vmem>>
        %dma_wait3A_1812 = arith.constant 0 : i32
        %dma_wait3A_1813 = tpu.memref_slice %arg13[%dma_wait3A_1812] : memref<6152xf32, #tpu.memory_space<hbm>> -> memref<6152xf32, #tpu.memory_space<hbm>>
        tpu.wait_indirect_dma semaphore(%arg27 : memref<!tpu.dma_semaphore, #tpu.memory_space<semaphore_mem>>) src(%dma_wait3A_1808 : memref<128xf32, #tpu.memory_space<vmem>>) dst(%dma_wait3A_1813 : memref<6152xf32, #tpu.memory_space<hbm>>)
        %dma_wait3A_1814 = arith.constant 5 : i32
        %dma_wait3A_1815 = arith.constant 5 : i32
        %dma_wait3A_1816 = arith.constant 0 : i32
        %dma_wait3A_1817 = tpu.memref_slice %arg22[%dma_wait3A_1814, %dma_wait3A_1816] : memref<16x128xf32, #tpu.memory_space<vmem>> -> memref<1x128xf32, #tpu.memory_space<vmem>>
        %dma_wait3A_1818 = tpu.memref_squeeze %dma_wait3A_1817 : memref<1x128xf32, #tpu.memory_space<vmem>> -> memref<128xf32, #tpu.memory_space<vmem>>
        %dma_wait3A_1819 = arith.constant 0 : i32
        %dma_wait3A_1820 = tpu.memref_slice %arg17[%dma_wait3A_1815, %dma_wait3A_1819] : memref<16x128xi32, #tpu.memory_space<vmem>> -> memref<1x128xi32, #tpu.memory_space<vmem>>
        %dma_wait3A_1821 = tpu.memref_squeeze %dma_wait3A_1820 : memref<1x128xi32, #tpu.memory_space<vmem>> -> memref<128xi32, #tpu.memory_space<vmem>>
        %dma_wait3A_1822 = arith.constant 0 : i32
        %dma_wait3A_1823 = tpu.memref_slice %arg14[%dma_wait3A_1822] : memref<6152xf32, #tpu.memory_space<hbm>> -> memref<6152xf32, #tpu.memory_space<hbm>>
        tpu.wait_indirect_dma semaphore(%arg27 : memref<!tpu.dma_semaphore, #tpu.memory_space<semaphore_mem>>) src(%dma_wait3A_1818 : memref<128xf32, #tpu.memory_space<vmem>>) dst(%dma_wait3A_1823 : memref<6152xf32, #tpu.memory_space<hbm>>)
        %dma_wait3A_1824 = arith.constant 5 : i32
        %dma_wait3A_1825 = arith.constant 5 : i32
        %dma_wait3A_1826 = arith.constant 0 : i32
        %dma_wait3A_1827 = tpu.memref_slice %arg23[%dma_wait3A_1824, %dma_wait3A_1826] : memref<16x128xf32, #tpu.memory_space<vmem>> -> memref<1x128xf32, #tpu.memory_space<vmem>>
        %dma_wait3A_1828 = tpu.memref_squeeze %dma_wait3A_1827 : memref<1x128xf32, #tpu.memory_space<vmem>> -> memref<128xf32, #tpu.memory_space<vmem>>
        %dma_wait3A_1829 = arith.constant 0 : i32
        %dma_wait3A_1830 = tpu.memref_slice %arg17[%dma_wait3A_1825, %dma_wait3A_1829] : memref<16x128xi32, #tpu.memory_space<vmem>> -> memref<1x128xi32, #tpu.memory_space<vmem>>
        %dma_wait3A_1831 = tpu.memref_squeeze %dma_wait3A_1830 : memref<1x128xi32, #tpu.memory_space<vmem>> -> memref<128xi32, #tpu.memory_space<vmem>>
        %dma_wait3A_1832 = arith.constant 0 : i32
        %dma_wait3A_1833 = tpu.memref_slice %arg15[%dma_wait3A_1832] : memref<6152xf32, #tpu.memory_space<hbm>> -> memref<6152xf32, #tpu.memory_space<hbm>>
        tpu.wait_indirect_dma semaphore(%arg27 : memref<!tpu.dma_semaphore, #tpu.memory_space<semaphore_mem>>) src(%dma_wait3A_1828 : memref<128xf32, #tpu.memory_space<vmem>>) dst(%dma_wait3A_1833 : memref<6152xf32, #tpu.memory_space<hbm>>)
        %dma_wait3A_1834 = arith.constant 5 : i32
        %dma_wait3A_1835 = arith.constant 5 : i32
        %dma_wait3A_1836 = arith.constant 0 : i32
        %dma_wait3A_1837 = tpu.memref_slice %arg24[%dma_wait3A_1834, %dma_wait3A_1836] : memref<16x128xf32, #tpu.memory_space<vmem>> -> memref<1x128xf32, #tpu.memory_space<vmem>>
        %dma_wait3A_1838 = tpu.memref_squeeze %dma_wait3A_1837 : memref<1x128xf32, #tpu.memory_space<vmem>> -> memref<128xf32, #tpu.memory_space<vmem>>
        %dma_wait3A_1839 = arith.constant 0 : i32
        %dma_wait3A_1840 = tpu.memref_slice %arg17[%dma_wait3A_1835, %dma_wait3A_1839] : memref<16x128xi32, #tpu.memory_space<vmem>> -> memref<1x128xi32, #tpu.memory_space<vmem>>
        %dma_wait3A_1841 = tpu.memref_squeeze %dma_wait3A_1840 : memref<1x128xi32, #tpu.memory_space<vmem>> -> memref<128xi32, #tpu.memory_space<vmem>>
        %dma_wait3A_1842 = arith.constant 0 : i32
        %dma_wait3A_1843 = tpu.memref_slice %arg16[%dma_wait3A_1842] : memref<6152xf32, #tpu.memory_space<hbm>> -> memref<6152xf32, #tpu.memory_space<hbm>>
        tpu.wait_indirect_dma semaphore(%arg27 : memref<!tpu.dma_semaphore, #tpu.memory_space<semaphore_mem>>) src(%dma_wait3A_1838 : memref<128xf32, #tpu.memory_space<vmem>>) dst(%dma_wait3A_1843 : memref<6152xf32, #tpu.memory_space<hbm>>)
        %dma_wait3A_1844 = arith.constant 6 : i32
        %dma_wait3A_1845 = arith.constant 6 : i32
        %dma_wait3A_1846 = arith.constant 0 : i32
        %dma_wait3A_1847 = tpu.memref_slice %arg18[%dma_wait3A_1844, %dma_wait3A_1846] : memref<16x128xi32, #tpu.memory_space<vmem>> -> memref<1x128xi32, #tpu.memory_space<vmem>>
        %dma_wait3A_1848 = tpu.memref_squeeze %dma_wait3A_1847 : memref<1x128xi32, #tpu.memory_space<vmem>> -> memref<128xi32, #tpu.memory_space<vmem>>
        %dma_wait3A_1849 = arith.constant 0 : i32
        %dma_wait3A_1850 = tpu.memref_slice %arg17[%dma_wait3A_1845, %dma_wait3A_1849] : memref<16x128xi32, #tpu.memory_space<vmem>> -> memref<1x128xi32, #tpu.memory_space<vmem>>
        %dma_wait3A_1851 = tpu.memref_squeeze %dma_wait3A_1850 : memref<1x128xi32, #tpu.memory_space<vmem>> -> memref<128xi32, #tpu.memory_space<vmem>>
        %dma_wait3A_1852 = arith.constant 0 : i32
        %dma_wait3A_1853 = tpu.memref_slice %arg10[%dma_wait3A_1852] : memref<6152xi32, #tpu.memory_space<hbm>> -> memref<6152xi32, #tpu.memory_space<hbm>>
        tpu.wait_indirect_dma semaphore(%arg27 : memref<!tpu.dma_semaphore, #tpu.memory_space<semaphore_mem>>) src(%dma_wait3A_1848 : memref<128xi32, #tpu.memory_space<vmem>>) dst(%dma_wait3A_1853 : memref<6152xi32, #tpu.memory_space<hbm>>)
        %dma_wait3A_1854 = arith.constant 6 : i32
        %dma_wait3A_1855 = arith.constant 6 : i32
        %dma_wait3A_1856 = arith.constant 0 : i32
        %dma_wait3A_1857 = tpu.memref_slice %arg19[%dma_wait3A_1854, %dma_wait3A_1856] : memref<16x128xf32, #tpu.memory_space<vmem>> -> memref<1x128xf32, #tpu.memory_space<vmem>>
        %dma_wait3A_1858 = tpu.memref_squeeze %dma_wait3A_1857 : memref<1x128xf32, #tpu.memory_space<vmem>> -> memref<128xf32, #tpu.memory_space<vmem>>
        %dma_wait3A_1859 = arith.constant 0 : i32
        %dma_wait3A_1860 = tpu.memref_slice %arg17[%dma_wait3A_1855, %dma_wait3A_1859] : memref<16x128xi32, #tpu.memory_space<vmem>> -> memref<1x128xi32, #tpu.memory_space<vmem>>
        %dma_wait3A_1861 = tpu.memref_squeeze %dma_wait3A_1860 : memref<1x128xi32, #tpu.memory_space<vmem>> -> memref<128xi32, #tpu.memory_space<vmem>>
        %dma_wait3A_1862 = arith.constant 0 : i32
        %dma_wait3A_1863 = tpu.memref_slice %arg11[%dma_wait3A_1862] : memref<6152xf32, #tpu.memory_space<hbm>> -> memref<6152xf32, #tpu.memory_space<hbm>>
        tpu.wait_indirect_dma semaphore(%arg27 : memref<!tpu.dma_semaphore, #tpu.memory_space<semaphore_mem>>) src(%dma_wait3A_1858 : memref<128xf32, #tpu.memory_space<vmem>>) dst(%dma_wait3A_1863 : memref<6152xf32, #tpu.memory_space<hbm>>)
        %dma_wait3A_1864 = arith.constant 6 : i32
        %dma_wait3A_1865 = arith.constant 6 : i32
        %dma_wait3A_1866 = arith.constant 0 : i32
        %dma_wait3A_1867 = tpu.memref_slice %arg20[%dma_wait3A_1864, %dma_wait3A_1866] : memref<16x128xf32, #tpu.memory_space<vmem>> -> memref<1x128xf32, #tpu.memory_space<vmem>>
        %dma_wait3A_1868 = tpu.memref_squeeze %dma_wait3A_1867 : memref<1x128xf32, #tpu.memory_space<vmem>> -> memref<128xf32, #tpu.memory_space<vmem>>
        %dma_wait3A_1869 = arith.constant 0 : i32
        %dma_wait3A_1870 = tpu.memref_slice %arg17[%dma_wait3A_1865, %dma_wait3A_1869] : memref<16x128xi32, #tpu.memory_space<vmem>> -> memref<1x128xi32, #tpu.memory_space<vmem>>
        %dma_wait3A_1871 = tpu.memref_squeeze %dma_wait3A_1870 : memref<1x128xi32, #tpu.memory_space<vmem>> -> memref<128xi32, #tpu.memory_space<vmem>>
        %dma_wait3A_1872 = arith.constant 0 : i32
        %dma_wait3A_1873 = tpu.memref_slice %arg12[%dma_wait3A_1872] : memref<6152xf32, #tpu.memory_space<hbm>> -> memref<6152xf32, #tpu.memory_space<hbm>>
        tpu.wait_indirect_dma semaphore(%arg27 : memref<!tpu.dma_semaphore, #tpu.memory_space<semaphore_mem>>) src(%dma_wait3A_1868 : memref<128xf32, #tpu.memory_space<vmem>>) dst(%dma_wait3A_1873 : memref<6152xf32, #tpu.memory_space<hbm>>)
        %dma_wait3A_1874 = arith.constant 6 : i32
        %dma_wait3A_1875 = arith.constant 6 : i32
        %dma_wait3A_1876 = arith.constant 0 : i32
        %dma_wait3A_1877 = tpu.memref_slice %arg21[%dma_wait3A_1874, %dma_wait3A_1876] : memref<16x128xf32, #tpu.memory_space<vmem>> -> memref<1x128xf32, #tpu.memory_space<vmem>>
        %dma_wait3A_1878 = tpu.memref_squeeze %dma_wait3A_1877 : memref<1x128xf32, #tpu.memory_space<vmem>> -> memref<128xf32, #tpu.memory_space<vmem>>
        %dma_wait3A_1879 = arith.constant 0 : i32
        %dma_wait3A_1880 = tpu.memref_slice %arg17[%dma_wait3A_1875, %dma_wait3A_1879] : memref<16x128xi32, #tpu.memory_space<vmem>> -> memref<1x128xi32, #tpu.memory_space<vmem>>
        %dma_wait3A_1881 = tpu.memref_squeeze %dma_wait3A_1880 : memref<1x128xi32, #tpu.memory_space<vmem>> -> memref<128xi32, #tpu.memory_space<vmem>>
        %dma_wait3A_1882 = arith.constant 0 : i32
        %dma_wait3A_1883 = tpu.memref_slice %arg13[%dma_wait3A_1882] : memref<6152xf32, #tpu.memory_space<hbm>> -> memref<6152xf32, #tpu.memory_space<hbm>>
        tpu.wait_indirect_dma semaphore(%arg27 : memref<!tpu.dma_semaphore, #tpu.memory_space<semaphore_mem>>) src(%dma_wait3A_1878 : memref<128xf32, #tpu.memory_space<vmem>>) dst(%dma_wait3A_1883 : memref<6152xf32, #tpu.memory_space<hbm>>)
        %dma_wait3A_1884 = arith.constant 6 : i32
        %dma_wait3A_1885 = arith.constant 6 : i32
        %dma_wait3A_1886 = arith.constant 0 : i32
        %dma_wait3A_1887 = tpu.memref_slice %arg22[%dma_wait3A_1884, %dma_wait3A_1886] : memref<16x128xf32, #tpu.memory_space<vmem>> -> memref<1x128xf32, #tpu.memory_space<vmem>>
        %dma_wait3A_1888 = tpu.memref_squeeze %dma_wait3A_1887 : memref<1x128xf32, #tpu.memory_space<vmem>> -> memref<128xf32, #tpu.memory_space<vmem>>
        %dma_wait3A_1889 = arith.constant 0 : i32
        %dma_wait3A_1890 = tpu.memref_slice %arg17[%dma_wait3A_1885, %dma_wait3A_1889] : memref<16x128xi32, #tpu.memory_space<vmem>> -> memref<1x128xi32, #tpu.memory_space<vmem>>
        %dma_wait3A_1891 = tpu.memref_squeeze %dma_wait3A_1890 : memref<1x128xi32, #tpu.memory_space<vmem>> -> memref<128xi32, #tpu.memory_space<vmem>>
        %dma_wait3A_1892 = arith.constant 0 : i32
        %dma_wait3A_1893 = tpu.memref_slice %arg14[%dma_wait3A_1892] : memref<6152xf32, #tpu.memory_space<hbm>> -> memref<6152xf32, #tpu.memory_space<hbm>>
        tpu.wait_indirect_dma semaphore(%arg27 : memref<!tpu.dma_semaphore, #tpu.memory_space<semaphore_mem>>) src(%dma_wait3A_1888 : memref<128xf32, #tpu.memory_space<vmem>>) dst(%dma_wait3A_1893 : memref<6152xf32, #tpu.memory_space<hbm>>)
        %dma_wait3A_1894 = arith.constant 6 : i32
        %dma_wait3A_1895 = arith.constant 6 : i32
        %dma_wait3A_1896 = arith.constant 0 : i32
        %dma_wait3A_1897 = tpu.memref_slice %arg23[%dma_wait3A_1894, %dma_wait3A_1896] : memref<16x128xf32, #tpu.memory_space<vmem>> -> memref<1x128xf32, #tpu.memory_space<vmem>>
        %dma_wait3A_1898 = tpu.memref_squeeze %dma_wait3A_1897 : memref<1x128xf32, #tpu.memory_space<vmem>> -> memref<128xf32, #tpu.memory_space<vmem>>
        %dma_wait3A_1899 = arith.constant 0 : i32
        %dma_wait3A_1900 = tpu.memref_slice %arg17[%dma_wait3A_1895, %dma_wait3A_1899] : memref<16x128xi32, #tpu.memory_space<vmem>> -> memref<1x128xi32, #tpu.memory_space<vmem>>
        %dma_wait3A_1901 = tpu.memref_squeeze %dma_wait3A_1900 : memref<1x128xi32, #tpu.memory_space<vmem>> -> memref<128xi32, #tpu.memory_space<vmem>>
        %dma_wait3A_1902 = arith.constant 0 : i32
        %dma_wait3A_1903 = tpu.memref_slice %arg15[%dma_wait3A_1902] : memref<6152xf32, #tpu.memory_space<hbm>> -> memref<6152xf32, #tpu.memory_space<hbm>>
        tpu.wait_indirect_dma semaphore(%arg27 : memref<!tpu.dma_semaphore, #tpu.memory_space<semaphore_mem>>) src(%dma_wait3A_1898 : memref<128xf32, #tpu.memory_space<vmem>>) dst(%dma_wait3A_1903 : memref<6152xf32, #tpu.memory_space<hbm>>)
        %dma_wait3A_1904 = arith.constant 6 : i32
        %dma_wait3A_1905 = arith.constant 6 : i32
        %dma_wait3A_1906 = arith.constant 0 : i32
        %dma_wait3A_1907 = tpu.memref_slice %arg24[%dma_wait3A_1904, %dma_wait3A_1906] : memref<16x128xf32, #tpu.memory_space<vmem>> -> memref<1x128xf32, #tpu.memory_space<vmem>>
        %dma_wait3A_1908 = tpu.memref_squeeze %dma_wait3A_1907 : memref<1x128xf32, #tpu.memory_space<vmem>> -> memref<128xf32, #tpu.memory_space<vmem>>
        %dma_wait3A_1909 = arith.constant 0 : i32
        %dma_wait3A_1910 = tpu.memref_slice %arg17[%dma_wait3A_1905, %dma_wait3A_1909] : memref<16x128xi32, #tpu.memory_space<vmem>> -> memref<1x128xi32, #tpu.memory_space<vmem>>
        %dma_wait3A_1911 = tpu.memref_squeeze %dma_wait3A_1910 : memref<1x128xi32, #tpu.memory_space<vmem>> -> memref<128xi32, #tpu.memory_space<vmem>>
        %dma_wait3A_1912 = arith.constant 0 : i32
        %dma_wait3A_1913 = tpu.memref_slice %arg16[%dma_wait3A_1912] : memref<6152xf32, #tpu.memory_space<hbm>> -> memref<6152xf32, #tpu.memory_space<hbm>>
        tpu.wait_indirect_dma semaphore(%arg27 : memref<!tpu.dma_semaphore, #tpu.memory_space<semaphore_mem>>) src(%dma_wait3A_1908 : memref<128xf32, #tpu.memory_space<vmem>>) dst(%dma_wait3A_1913 : memref<6152xf32, #tpu.memory_space<hbm>>)
        %dma_wait3A_1914 = arith.constant 7 : i32
        %dma_wait3A_1915 = arith.constant 7 : i32
        %dma_wait3A_1916 = arith.constant 0 : i32
        %dma_wait3A_1917 = tpu.memref_slice %arg18[%dma_wait3A_1914, %dma_wait3A_1916] : memref<16x128xi32, #tpu.memory_space<vmem>> -> memref<1x128xi32, #tpu.memory_space<vmem>>
        %dma_wait3A_1918 = tpu.memref_squeeze %dma_wait3A_1917 : memref<1x128xi32, #tpu.memory_space<vmem>> -> memref<128xi32, #tpu.memory_space<vmem>>
        %dma_wait3A_1919 = arith.constant 0 : i32
        %dma_wait3A_1920 = tpu.memref_slice %arg17[%dma_wait3A_1915, %dma_wait3A_1919] : memref<16x128xi32, #tpu.memory_space<vmem>> -> memref<1x128xi32, #tpu.memory_space<vmem>>
        %dma_wait3A_1921 = tpu.memref_squeeze %dma_wait3A_1920 : memref<1x128xi32, #tpu.memory_space<vmem>> -> memref<128xi32, #tpu.memory_space<vmem>>
        %dma_wait3A_1922 = arith.constant 0 : i32
        %dma_wait3A_1923 = tpu.memref_slice %arg10[%dma_wait3A_1922] : memref<6152xi32, #tpu.memory_space<hbm>> -> memref<6152xi32, #tpu.memory_space<hbm>>
        tpu.wait_indirect_dma semaphore(%arg27 : memref<!tpu.dma_semaphore, #tpu.memory_space<semaphore_mem>>) src(%dma_wait3A_1918 : memref<128xi32, #tpu.memory_space<vmem>>) dst(%dma_wait3A_1923 : memref<6152xi32, #tpu.memory_space<hbm>>)
        %dma_wait3A_1924 = arith.constant 7 : i32
        %dma_wait3A_1925 = arith.constant 7 : i32
        %dma_wait3A_1926 = arith.constant 0 : i32
        %dma_wait3A_1927 = tpu.memref_slice %arg19[%dma_wait3A_1924, %dma_wait3A_1926] : memref<16x128xf32, #tpu.memory_space<vmem>> -> memref<1x128xf32, #tpu.memory_space<vmem>>
        %dma_wait3A_1928 = tpu.memref_squeeze %dma_wait3A_1927 : memref<1x128xf32, #tpu.memory_space<vmem>> -> memref<128xf32, #tpu.memory_space<vmem>>
        %dma_wait3A_1929 = arith.constant 0 : i32
        %dma_wait3A_1930 = tpu.memref_slice %arg17[%dma_wait3A_1925, %dma_wait3A_1929] : memref<16x128xi32, #tpu.memory_space<vmem>> -> memref<1x128xi32, #tpu.memory_space<vmem>>
        %dma_wait3A_1931 = tpu.memref_squeeze %dma_wait3A_1930 : memref<1x128xi32, #tpu.memory_space<vmem>> -> memref<128xi32, #tpu.memory_space<vmem>>
        %dma_wait3A_1932 = arith.constant 0 : i32
        %dma_wait3A_1933 = tpu.memref_slice %arg11[%dma_wait3A_1932] : memref<6152xf32, #tpu.memory_space<hbm>> -> memref<6152xf32, #tpu.memory_space<hbm>>
        tpu.wait_indirect_dma semaphore(%arg27 : memref<!tpu.dma_semaphore, #tpu.memory_space<semaphore_mem>>) src(%dma_wait3A_1928 : memref<128xf32, #tpu.memory_space<vmem>>) dst(%dma_wait3A_1933 : memref<6152xf32, #tpu.memory_space<hbm>>)
        %dma_wait3A_1934 = arith.constant 7 : i32
        %dma_wait3A_1935 = arith.constant 7 : i32
        %dma_wait3A_1936 = arith.constant 0 : i32
        %dma_wait3A_1937 = tpu.memref_slice %arg20[%dma_wait3A_1934, %dma_wait3A_1936] : memref<16x128xf32, #tpu.memory_space<vmem>> -> memref<1x128xf32, #tpu.memory_space<vmem>>
        %dma_wait3A_1938 = tpu.memref_squeeze %dma_wait3A_1937 : memref<1x128xf32, #tpu.memory_space<vmem>> -> memref<128xf32, #tpu.memory_space<vmem>>
        %dma_wait3A_1939 = arith.constant 0 : i32
        %dma_wait3A_1940 = tpu.memref_slice %arg17[%dma_wait3A_1935, %dma_wait3A_1939] : memref<16x128xi32, #tpu.memory_space<vmem>> -> memref<1x128xi32, #tpu.memory_space<vmem>>
        %dma_wait3A_1941 = tpu.memref_squeeze %dma_wait3A_1940 : memref<1x128xi32, #tpu.memory_space<vmem>> -> memref<128xi32, #tpu.memory_space<vmem>>
        %dma_wait3A_1942 = arith.constant 0 : i32
        %dma_wait3A_1943 = tpu.memref_slice %arg12[%dma_wait3A_1942] : memref<6152xf32, #tpu.memory_space<hbm>> -> memref<6152xf32, #tpu.memory_space<hbm>>
        tpu.wait_indirect_dma semaphore(%arg27 : memref<!tpu.dma_semaphore, #tpu.memory_space<semaphore_mem>>) src(%dma_wait3A_1938 : memref<128xf32, #tpu.memory_space<vmem>>) dst(%dma_wait3A_1943 : memref<6152xf32, #tpu.memory_space<hbm>>)
        %dma_wait3A_1944 = arith.constant 7 : i32
        %dma_wait3A_1945 = arith.constant 7 : i32
        %dma_wait3A_1946 = arith.constant 0 : i32
        %dma_wait3A_1947 = tpu.memref_slice %arg21[%dma_wait3A_1944, %dma_wait3A_1946] : memref<16x128xf32, #tpu.memory_space<vmem>> -> memref<1x128xf32, #tpu.memory_space<vmem>>
        %dma_wait3A_1948 = tpu.memref_squeeze %dma_wait3A_1947 : memref<1x128xf32, #tpu.memory_space<vmem>> -> memref<128xf32, #tpu.memory_space<vmem>>
        %dma_wait3A_1949 = arith.constant 0 : i32
        %dma_wait3A_1950 = tpu.memref_slice %arg17[%dma_wait3A_1945, %dma_wait3A_1949] : memref<16x128xi32, #tpu.memory_space<vmem>> -> memref<1x128xi32, #tpu.memory_space<vmem>>
        %dma_wait3A_1951 = tpu.memref_squeeze %dma_wait3A_1950 : memref<1x128xi32, #tpu.memory_space<vmem>> -> memref<128xi32, #tpu.memory_space<vmem>>
        %dma_wait3A_1952 = arith.constant 0 : i32
        %dma_wait3A_1953 = tpu.memref_slice %arg13[%dma_wait3A_1952] : memref<6152xf32, #tpu.memory_space<hbm>> -> memref<6152xf32, #tpu.memory_space<hbm>>
        tpu.wait_indirect_dma semaphore(%arg27 : memref<!tpu.dma_semaphore, #tpu.memory_space<semaphore_mem>>) src(%dma_wait3A_1948 : memref<128xf32, #tpu.memory_space<vmem>>) dst(%dma_wait3A_1953 : memref<6152xf32, #tpu.memory_space<hbm>>)
        %dma_wait3A_1954 = arith.constant 7 : i32
        %dma_wait3A_1955 = arith.constant 7 : i32
        %dma_wait3A_1956 = arith.constant 0 : i32
        %dma_wait3A_1957 = tpu.memref_slice %arg22[%dma_wait3A_1954, %dma_wait3A_1956] : memref<16x128xf32, #tpu.memory_space<vmem>> -> memref<1x128xf32, #tpu.memory_space<vmem>>
        %dma_wait3A_1958 = tpu.memref_squeeze %dma_wait3A_1957 : memref<1x128xf32, #tpu.memory_space<vmem>> -> memref<128xf32, #tpu.memory_space<vmem>>
        %dma_wait3A_1959 = arith.constant 0 : i32
        %dma_wait3A_1960 = tpu.memref_slice %arg17[%dma_wait3A_1955, %dma_wait3A_1959] : memref<16x128xi32, #tpu.memory_space<vmem>> -> memref<1x128xi32, #tpu.memory_space<vmem>>
        %dma_wait3A_1961 = tpu.memref_squeeze %dma_wait3A_1960 : memref<1x128xi32, #tpu.memory_space<vmem>> -> memref<128xi32, #tpu.memory_space<vmem>>
        %dma_wait3A_1962 = arith.constant 0 : i32
        %dma_wait3A_1963 = tpu.memref_slice %arg14[%dma_wait3A_1962] : memref<6152xf32, #tpu.memory_space<hbm>> -> memref<6152xf32, #tpu.memory_space<hbm>>
        tpu.wait_indirect_dma semaphore(%arg27 : memref<!tpu.dma_semaphore, #tpu.memory_space<semaphore_mem>>) src(%dma_wait3A_1958 : memref<128xf32, #tpu.memory_space<vmem>>) dst(%dma_wait3A_1963 : memref<6152xf32, #tpu.memory_space<hbm>>)
        %dma_wait3A_1964 = arith.constant 7 : i32
        %dma_wait3A_1965 = arith.constant 7 : i32
        %dma_wait3A_1966 = arith.constant 0 : i32
        %dma_wait3A_1967 = tpu.memref_slice %arg23[%dma_wait3A_1964, %dma_wait3A_1966] : memref<16x128xf32, #tpu.memory_space<vmem>> -> memref<1x128xf32, #tpu.memory_space<vmem>>
        %dma_wait3A_1968 = tpu.memref_squeeze %dma_wait3A_1967 : memref<1x128xf32, #tpu.memory_space<vmem>> -> memref<128xf32, #tpu.memory_space<vmem>>
        %dma_wait3A_1969 = arith.constant 0 : i32
        %dma_wait3A_1970 = tpu.memref_slice %arg17[%dma_wait3A_1965, %dma_wait3A_1969] : memref<16x128xi32, #tpu.memory_space<vmem>> -> memref<1x128xi32, #tpu.memory_space<vmem>>
        %dma_wait3A_1971 = tpu.memref_squeeze %dma_wait3A_1970 : memref<1x128xi32, #tpu.memory_space<vmem>> -> memref<128xi32, #tpu.memory_space<vmem>>
        %dma_wait3A_1972 = arith.constant 0 : i32
        %dma_wait3A_1973 = tpu.memref_slice %arg15[%dma_wait3A_1972] : memref<6152xf32, #tpu.memory_space<hbm>> -> memref<6152xf32, #tpu.memory_space<hbm>>
        tpu.wait_indirect_dma semaphore(%arg27 : memref<!tpu.dma_semaphore, #tpu.memory_space<semaphore_mem>>) src(%dma_wait3A_1968 : memref<128xf32, #tpu.memory_space<vmem>>) dst(%dma_wait3A_1973 : memref<6152xf32, #tpu.memory_space<hbm>>)
        %dma_wait3A_1974 = arith.constant 7 : i32
        %dma_wait3A_1975 = arith.constant 7 : i32
        %dma_wait3A_1976 = arith.constant 0 : i32
        %dma_wait3A_1977 = tpu.memref_slice %arg24[%dma_wait3A_1974, %dma_wait3A_1976] : memref<16x128xf32, #tpu.memory_space<vmem>> -> memref<1x128xf32, #tpu.memory_space<vmem>>
        %dma_wait3A_1978 = tpu.memref_squeeze %dma_wait3A_1977 : memref<1x128xf32, #tpu.memory_space<vmem>> -> memref<128xf32, #tpu.memory_space<vmem>>
        %dma_wait3A_1979 = arith.constant 0 : i32
        %dma_wait3A_1980 = tpu.memref_slice %arg17[%dma_wait3A_1975, %dma_wait3A_1979] : memref<16x128xi32, #tpu.memory_space<vmem>> -> memref<1x128xi32, #tpu.memory_space<vmem>>
        %dma_wait3A_1981 = tpu.memref_squeeze %dma_wait3A_1980 : memref<1x128xi32, #tpu.memory_space<vmem>> -> memref<128xi32, #tpu.memory_space<vmem>>
        %dma_wait3A_1982 = arith.constant 0 : i32
        %dma_wait3A_1983 = tpu.memref_slice %arg16[%dma_wait3A_1982] : memref<6152xf32, #tpu.memory_space<hbm>> -> memref<6152xf32, #tpu.memory_space<hbm>>
        tpu.wait_indirect_dma semaphore(%arg27 : memref<!tpu.dma_semaphore, #tpu.memory_space<semaphore_mem>>) src(%dma_wait3A_1978 : memref<128xf32, #tpu.memory_space<vmem>>) dst(%dma_wait3A_1983 : memref<6152xf32, #tpu.memory_space<hbm>>)
        %dma_wait3A_1984 = arith.constant 8 : i32
        %dma_wait3A_1985 = arith.constant 8 : i32
        %dma_wait3A_1986 = arith.constant 0 : i32
        %dma_wait3A_1987 = tpu.memref_slice %arg18[%dma_wait3A_1984, %dma_wait3A_1986] : memref<16x128xi32, #tpu.memory_space<vmem>> -> memref<1x128xi32, #tpu.memory_space<vmem>>
        %dma_wait3A_1988 = tpu.memref_squeeze %dma_wait3A_1987 : memref<1x128xi32, #tpu.memory_space<vmem>> -> memref<128xi32, #tpu.memory_space<vmem>>
        %dma_wait3A_1989 = arith.constant 0 : i32
        %dma_wait3A_1990 = tpu.memref_slice %arg17[%dma_wait3A_1985, %dma_wait3A_1989] : memref<16x128xi32, #tpu.memory_space<vmem>> -> memref<1x128xi32, #tpu.memory_space<vmem>>
        %dma_wait3A_1991 = tpu.memref_squeeze %dma_wait3A_1990 : memref<1x128xi32, #tpu.memory_space<vmem>> -> memref<128xi32, #tpu.memory_space<vmem>>
        %dma_wait3A_1992 = arith.constant 0 : i32
        %dma_wait3A_1993 = tpu.memref_slice %arg10[%dma_wait3A_1992] : memref<6152xi32, #tpu.memory_space<hbm>> -> memref<6152xi32, #tpu.memory_space<hbm>>
        tpu.wait_indirect_dma semaphore(%arg27 : memref<!tpu.dma_semaphore, #tpu.memory_space<semaphore_mem>>) src(%dma_wait3A_1988 : memref<128xi32, #tpu.memory_space<vmem>>) dst(%dma_wait3A_1993 : memref<6152xi32, #tpu.memory_space<hbm>>)
        %dma_wait3A_1994 = arith.constant 8 : i32
        %dma_wait3A_1995 = arith.constant 8 : i32
        %dma_wait3A_1996 = arith.constant 0 : i32
        %dma_wait3A_1997 = tpu.memref_slice %arg19[%dma_wait3A_1994, %dma_wait3A_1996] : memref<16x128xf32, #tpu.memory_space<vmem>> -> memref<1x128xf32, #tpu.memory_space<vmem>>
        %dma_wait3A_1998 = tpu.memref_squeeze %dma_wait3A_1997 : memref<1x128xf32, #tpu.memory_space<vmem>> -> memref<128xf32, #tpu.memory_space<vmem>>
        %dma_wait3A_1999 = arith.constant 0 : i32
        %dma_wait3A_2000 = tpu.memref_slice %arg17[%dma_wait3A_1995, %dma_wait3A_1999] : memref<16x128xi32, #tpu.memory_space<vmem>> -> memref<1x128xi32, #tpu.memory_space<vmem>>
        %dma_wait3A_2001 = tpu.memref_squeeze %dma_wait3A_2000 : memref<1x128xi32, #tpu.memory_space<vmem>> -> memref<128xi32, #tpu.memory_space<vmem>>
        %dma_wait3A_2002 = arith.constant 0 : i32
        %dma_wait3A_2003 = tpu.memref_slice %arg11[%dma_wait3A_2002] : memref<6152xf32, #tpu.memory_space<hbm>> -> memref<6152xf32, #tpu.memory_space<hbm>>
        tpu.wait_indirect_dma semaphore(%arg27 : memref<!tpu.dma_semaphore, #tpu.memory_space<semaphore_mem>>) src(%dma_wait3A_1998 : memref<128xf32, #tpu.memory_space<vmem>>) dst(%dma_wait3A_2003 : memref<6152xf32, #tpu.memory_space<hbm>>)
        %dma_wait3A_2004 = arith.constant 8 : i32
        %dma_wait3A_2005 = arith.constant 8 : i32
        %dma_wait3A_2006 = arith.constant 0 : i32
        %dma_wait3A_2007 = tpu.memref_slice %arg20[%dma_wait3A_2004, %dma_wait3A_2006] : memref<16x128xf32, #tpu.memory_space<vmem>> -> memref<1x128xf32, #tpu.memory_space<vmem>>
        %dma_wait3A_2008 = tpu.memref_squeeze %dma_wait3A_2007 : memref<1x128xf32, #tpu.memory_space<vmem>> -> memref<128xf32, #tpu.memory_space<vmem>>
        %dma_wait3A_2009 = arith.constant 0 : i32
        %dma_wait3A_2010 = tpu.memref_slice %arg17[%dma_wait3A_2005, %dma_wait3A_2009] : memref<16x128xi32, #tpu.memory_space<vmem>> -> memref<1x128xi32, #tpu.memory_space<vmem>>
        %dma_wait3A_2011 = tpu.memref_squeeze %dma_wait3A_2010 : memref<1x128xi32, #tpu.memory_space<vmem>> -> memref<128xi32, #tpu.memory_space<vmem>>
        %dma_wait3A_2012 = arith.constant 0 : i32
        %dma_wait3A_2013 = tpu.memref_slice %arg12[%dma_wait3A_2012] : memref<6152xf32, #tpu.memory_space<hbm>> -> memref<6152xf32, #tpu.memory_space<hbm>>
        tpu.wait_indirect_dma semaphore(%arg27 : memref<!tpu.dma_semaphore, #tpu.memory_space<semaphore_mem>>) src(%dma_wait3A_2008 : memref<128xf32, #tpu.memory_space<vmem>>) dst(%dma_wait3A_2013 : memref<6152xf32, #tpu.memory_space<hbm>>)
        %dma_wait3A_2014 = arith.constant 8 : i32
        %dma_wait3A_2015 = arith.constant 8 : i32
        %dma_wait3A_2016 = arith.constant 0 : i32
        %dma_wait3A_2017 = tpu.memref_slice %arg21[%dma_wait3A_2014, %dma_wait3A_2016] : memref<16x128xf32, #tpu.memory_space<vmem>> -> memref<1x128xf32, #tpu.memory_space<vmem>>
        %dma_wait3A_2018 = tpu.memref_squeeze %dma_wait3A_2017 : memref<1x128xf32, #tpu.memory_space<vmem>> -> memref<128xf32, #tpu.memory_space<vmem>>
        %dma_wait3A_2019 = arith.constant 0 : i32
        %dma_wait3A_2020 = tpu.memref_slice %arg17[%dma_wait3A_2015, %dma_wait3A_2019] : memref<16x128xi32, #tpu.memory_space<vmem>> -> memref<1x128xi32, #tpu.memory_space<vmem>>
        %dma_wait3A_2021 = tpu.memref_squeeze %dma_wait3A_2020 : memref<1x128xi32, #tpu.memory_space<vmem>> -> memref<128xi32, #tpu.memory_space<vmem>>
        %dma_wait3A_2022 = arith.constant 0 : i32
        %dma_wait3A_2023 = tpu.memref_slice %arg13[%dma_wait3A_2022] : memref<6152xf32, #tpu.memory_space<hbm>> -> memref<6152xf32, #tpu.memory_space<hbm>>
        tpu.wait_indirect_dma semaphore(%arg27 : memref<!tpu.dma_semaphore, #tpu.memory_space<semaphore_mem>>) src(%dma_wait3A_2018 : memref<128xf32, #tpu.memory_space<vmem>>) dst(%dma_wait3A_2023 : memref<6152xf32, #tpu.memory_space<hbm>>)
        %dma_wait3A_2024 = arith.constant 8 : i32
        %dma_wait3A_2025 = arith.constant 8 : i32
        %dma_wait3A_2026 = arith.constant 0 : i32
        %dma_wait3A_2027 = tpu.memref_slice %arg22[%dma_wait3A_2024, %dma_wait3A_2026] : memref<16x128xf32, #tpu.memory_space<vmem>> -> memref<1x128xf32, #tpu.memory_space<vmem>>
        %dma_wait3A_2028 = tpu.memref_squeeze %dma_wait3A_2027 : memref<1x128xf32, #tpu.memory_space<vmem>> -> memref<128xf32, #tpu.memory_space<vmem>>
        %dma_wait3A_2029 = arith.constant 0 : i32
        %dma_wait3A_2030 = tpu.memref_slice %arg17[%dma_wait3A_2025, %dma_wait3A_2029] : memref<16x128xi32, #tpu.memory_space<vmem>> -> memref<1x128xi32, #tpu.memory_space<vmem>>
        %dma_wait3A_2031 = tpu.memref_squeeze %dma_wait3A_2030 : memref<1x128xi32, #tpu.memory_space<vmem>> -> memref<128xi32, #tpu.memory_space<vmem>>
        %dma_wait3A_2032 = arith.constant 0 : i32
        %dma_wait3A_2033 = tpu.memref_slice %arg14[%dma_wait3A_2032] : memref<6152xf32, #tpu.memory_space<hbm>> -> memref<6152xf32, #tpu.memory_space<hbm>>
        tpu.wait_indirect_dma semaphore(%arg27 : memref<!tpu.dma_semaphore, #tpu.memory_space<semaphore_mem>>) src(%dma_wait3A_2028 : memref<128xf32, #tpu.memory_space<vmem>>) dst(%dma_wait3A_2033 : memref<6152xf32, #tpu.memory_space<hbm>>)
        %dma_wait3A_2034 = arith.constant 8 : i32
        %dma_wait3A_2035 = arith.constant 8 : i32
        %dma_wait3A_2036 = arith.constant 0 : i32
        %dma_wait3A_2037 = tpu.memref_slice %arg23[%dma_wait3A_2034, %dma_wait3A_2036] : memref<16x128xf32, #tpu.memory_space<vmem>> -> memref<1x128xf32, #tpu.memory_space<vmem>>
        %dma_wait3A_2038 = tpu.memref_squeeze %dma_wait3A_2037 : memref<1x128xf32, #tpu.memory_space<vmem>> -> memref<128xf32, #tpu.memory_space<vmem>>
        %dma_wait3A_2039 = arith.constant 0 : i32
        %dma_wait3A_2040 = tpu.memref_slice %arg17[%dma_wait3A_2035, %dma_wait3A_2039] : memref<16x128xi32, #tpu.memory_space<vmem>> -> memref<1x128xi32, #tpu.memory_space<vmem>>
        %dma_wait3A_2041 = tpu.memref_squeeze %dma_wait3A_2040 : memref<1x128xi32, #tpu.memory_space<vmem>> -> memref<128xi32, #tpu.memory_space<vmem>>
        %dma_wait3A_2042 = arith.constant 0 : i32
        %dma_wait3A_2043 = tpu.memref_slice %arg15[%dma_wait3A_2042] : memref<6152xf32, #tpu.memory_space<hbm>> -> memref<6152xf32, #tpu.memory_space<hbm>>
        tpu.wait_indirect_dma semaphore(%arg27 : memref<!tpu.dma_semaphore, #tpu.memory_space<semaphore_mem>>) src(%dma_wait3A_2038 : memref<128xf32, #tpu.memory_space<vmem>>) dst(%dma_wait3A_2043 : memref<6152xf32, #tpu.memory_space<hbm>>)
        %dma_wait3A_2044 = arith.constant 8 : i32
        %dma_wait3A_2045 = arith.constant 8 : i32
        %dma_wait3A_2046 = arith.constant 0 : i32
        %dma_wait3A_2047 = tpu.memref_slice %arg24[%dma_wait3A_2044, %dma_wait3A_2046] : memref<16x128xf32, #tpu.memory_space<vmem>> -> memref<1x128xf32, #tpu.memory_space<vmem>>
        %dma_wait3A_2048 = tpu.memref_squeeze %dma_wait3A_2047 : memref<1x128xf32, #tpu.memory_space<vmem>> -> memref<128xf32, #tpu.memory_space<vmem>>
        %dma_wait3A_2049 = arith.constant 0 : i32
        %dma_wait3A_2050 = tpu.memref_slice %arg17[%dma_wait3A_2045, %dma_wait3A_2049] : memref<16x128xi32, #tpu.memory_space<vmem>> -> memref<1x128xi32, #tpu.memory_space<vmem>>
        %dma_wait3A_2051 = tpu.memref_squeeze %dma_wait3A_2050 : memref<1x128xi32, #tpu.memory_space<vmem>> -> memref<128xi32, #tpu.memory_space<vmem>>
        %dma_wait3A_2052 = arith.constant 0 : i32
        %dma_wait3A_2053 = tpu.memref_slice %arg16[%dma_wait3A_2052] : memref<6152xf32, #tpu.memory_space<hbm>> -> memref<6152xf32, #tpu.memory_space<hbm>>
        tpu.wait_indirect_dma semaphore(%arg27 : memref<!tpu.dma_semaphore, #tpu.memory_space<semaphore_mem>>) src(%dma_wait3A_2048 : memref<128xf32, #tpu.memory_space<vmem>>) dst(%dma_wait3A_2053 : memref<6152xf32, #tpu.memory_space<hbm>>)
        %dma_wait3A_2054 = arith.constant 9 : i32
        %dma_wait3A_2055 = arith.constant 9 : i32
        %dma_wait3A_2056 = arith.constant 0 : i32
        %dma_wait3A_2057 = tpu.memref_slice %arg18[%dma_wait3A_2054, %dma_wait3A_2056] : memref<16x128xi32, #tpu.memory_space<vmem>> -> memref<1x128xi32, #tpu.memory_space<vmem>>
        %dma_wait3A_2058 = tpu.memref_squeeze %dma_wait3A_2057 : memref<1x128xi32, #tpu.memory_space<vmem>> -> memref<128xi32, #tpu.memory_space<vmem>>
        %dma_wait3A_2059 = arith.constant 0 : i32
        %dma_wait3A_2060 = tpu.memref_slice %arg17[%dma_wait3A_2055, %dma_wait3A_2059] : memref<16x128xi32, #tpu.memory_space<vmem>> -> memref<1x128xi32, #tpu.memory_space<vmem>>
        %dma_wait3A_2061 = tpu.memref_squeeze %dma_wait3A_2060 : memref<1x128xi32, #tpu.memory_space<vmem>> -> memref<128xi32, #tpu.memory_space<vmem>>
        %dma_wait3A_2062 = arith.constant 0 : i32
        %dma_wait3A_2063 = tpu.memref_slice %arg10[%dma_wait3A_2062] : memref<6152xi32, #tpu.memory_space<hbm>> -> memref<6152xi32, #tpu.memory_space<hbm>>
        tpu.wait_indirect_dma semaphore(%arg27 : memref<!tpu.dma_semaphore, #tpu.memory_space<semaphore_mem>>) src(%dma_wait3A_2058 : memref<128xi32, #tpu.memory_space<vmem>>) dst(%dma_wait3A_2063 : memref<6152xi32, #tpu.memory_space<hbm>>)
        %dma_wait3A_2064 = arith.constant 9 : i32
        %dma_wait3A_2065 = arith.constant 9 : i32
        %dma_wait3A_2066 = arith.constant 0 : i32
        %dma_wait3A_2067 = tpu.memref_slice %arg19[%dma_wait3A_2064, %dma_wait3A_2066] : memref<16x128xf32, #tpu.memory_space<vmem>> -> memref<1x128xf32, #tpu.memory_space<vmem>>
        %dma_wait3A_2068 = tpu.memref_squeeze %dma_wait3A_2067 : memref<1x128xf32, #tpu.memory_space<vmem>> -> memref<128xf32, #tpu.memory_space<vmem>>
        %dma_wait3A_2069 = arith.constant 0 : i32
        %dma_wait3A_2070 = tpu.memref_slice %arg17[%dma_wait3A_2065, %dma_wait3A_2069] : memref<16x128xi32, #tpu.memory_space<vmem>> -> memref<1x128xi32, #tpu.memory_space<vmem>>
        %dma_wait3A_2071 = tpu.memref_squeeze %dma_wait3A_2070 : memref<1x128xi32, #tpu.memory_space<vmem>> -> memref<128xi32, #tpu.memory_space<vmem>>
        %dma_wait3A_2072 = arith.constant 0 : i32
        %dma_wait3A_2073 = tpu.memref_slice %arg11[%dma_wait3A_2072] : memref<6152xf32, #tpu.memory_space<hbm>> -> memref<6152xf32, #tpu.memory_space<hbm>>
        tpu.wait_indirect_dma semaphore(%arg27 : memref<!tpu.dma_semaphore, #tpu.memory_space<semaphore_mem>>) src(%dma_wait3A_2068 : memref<128xf32, #tpu.memory_space<vmem>>) dst(%dma_wait3A_2073 : memref<6152xf32, #tpu.memory_space<hbm>>)
        %dma_wait3A_2074 = arith.constant 9 : i32
        %dma_wait3A_2075 = arith.constant 9 : i32
        %dma_wait3A_2076 = arith.constant 0 : i32
        %dma_wait3A_2077 = tpu.memref_slice %arg20[%dma_wait3A_2074, %dma_wait3A_2076] : memref<16x128xf32, #tpu.memory_space<vmem>> -> memref<1x128xf32, #tpu.memory_space<vmem>>
        %dma_wait3A_2078 = tpu.memref_squeeze %dma_wait3A_2077 : memref<1x128xf32, #tpu.memory_space<vmem>> -> memref<128xf32, #tpu.memory_space<vmem>>
        %dma_wait3A_2079 = arith.constant 0 : i32
        %dma_wait3A_2080 = tpu.memref_slice %arg17[%dma_wait3A_2075, %dma_wait3A_2079] : memref<16x128xi32, #tpu.memory_space<vmem>> -> memref<1x128xi32, #tpu.memory_space<vmem>>
        %dma_wait3A_2081 = tpu.memref_squeeze %dma_wait3A_2080 : memref<1x128xi32, #tpu.memory_space<vmem>> -> memref<128xi32, #tpu.memory_space<vmem>>
        %dma_wait3A_2082 = arith.constant 0 : i32
        %dma_wait3A_2083 = tpu.memref_slice %arg12[%dma_wait3A_2082] : memref<6152xf32, #tpu.memory_space<hbm>> -> memref<6152xf32, #tpu.memory_space<hbm>>
        tpu.wait_indirect_dma semaphore(%arg27 : memref<!tpu.dma_semaphore, #tpu.memory_space<semaphore_mem>>) src(%dma_wait3A_2078 : memref<128xf32, #tpu.memory_space<vmem>>) dst(%dma_wait3A_2083 : memref<6152xf32, #tpu.memory_space<hbm>>)
        %dma_wait3A_2084 = arith.constant 9 : i32
        %dma_wait3A_2085 = arith.constant 9 : i32
        %dma_wait3A_2086 = arith.constant 0 : i32
        %dma_wait3A_2087 = tpu.memref_slice %arg21[%dma_wait3A_2084, %dma_wait3A_2086] : memref<16x128xf32, #tpu.memory_space<vmem>> -> memref<1x128xf32, #tpu.memory_space<vmem>>
        %dma_wait3A_2088 = tpu.memref_squeeze %dma_wait3A_2087 : memref<1x128xf32, #tpu.memory_space<vmem>> -> memref<128xf32, #tpu.memory_space<vmem>>
        %dma_wait3A_2089 = arith.constant 0 : i32
        %dma_wait3A_2090 = tpu.memref_slice %arg17[%dma_wait3A_2085, %dma_wait3A_2089] : memref<16x128xi32, #tpu.memory_space<vmem>> -> memref<1x128xi32, #tpu.memory_space<vmem>>
        %dma_wait3A_2091 = tpu.memref_squeeze %dma_wait3A_2090 : memref<1x128xi32, #tpu.memory_space<vmem>> -> memref<128xi32, #tpu.memory_space<vmem>>
        %dma_wait3A_2092 = arith.constant 0 : i32
        %dma_wait3A_2093 = tpu.memref_slice %arg13[%dma_wait3A_2092] : memref<6152xf32, #tpu.memory_space<hbm>> -> memref<6152xf32, #tpu.memory_space<hbm>>
        tpu.wait_indirect_dma semaphore(%arg27 : memref<!tpu.dma_semaphore, #tpu.memory_space<semaphore_mem>>) src(%dma_wait3A_2088 : memref<128xf32, #tpu.memory_space<vmem>>) dst(%dma_wait3A_2093 : memref<6152xf32, #tpu.memory_space<hbm>>)
        %dma_wait3A_2094 = arith.constant 9 : i32
        %dma_wait3A_2095 = arith.constant 9 : i32
        %dma_wait3A_2096 = arith.constant 0 : i32
        %dma_wait3A_2097 = tpu.memref_slice %arg22[%dma_wait3A_2094, %dma_wait3A_2096] : memref<16x128xf32, #tpu.memory_space<vmem>> -> memref<1x128xf32, #tpu.memory_space<vmem>>
        %dma_wait3A_2098 = tpu.memref_squeeze %dma_wait3A_2097 : memref<1x128xf32, #tpu.memory_space<vmem>> -> memref<128xf32, #tpu.memory_space<vmem>>
        %dma_wait3A_2099 = arith.constant 0 : i32
        %dma_wait3A_2100 = tpu.memref_slice %arg17[%dma_wait3A_2095, %dma_wait3A_2099] : memref<16x128xi32, #tpu.memory_space<vmem>> -> memref<1x128xi32, #tpu.memory_space<vmem>>
        %dma_wait3A_2101 = tpu.memref_squeeze %dma_wait3A_2100 : memref<1x128xi32, #tpu.memory_space<vmem>> -> memref<128xi32, #tpu.memory_space<vmem>>
        %dma_wait3A_2102 = arith.constant 0 : i32
        %dma_wait3A_2103 = tpu.memref_slice %arg14[%dma_wait3A_2102] : memref<6152xf32, #tpu.memory_space<hbm>> -> memref<6152xf32, #tpu.memory_space<hbm>>
        tpu.wait_indirect_dma semaphore(%arg27 : memref<!tpu.dma_semaphore, #tpu.memory_space<semaphore_mem>>) src(%dma_wait3A_2098 : memref<128xf32, #tpu.memory_space<vmem>>) dst(%dma_wait3A_2103 : memref<6152xf32, #tpu.memory_space<hbm>>)
        %dma_wait3A_2104 = arith.constant 9 : i32
        %dma_wait3A_2105 = arith.constant 9 : i32
        %dma_wait3A_2106 = arith.constant 0 : i32
        %dma_wait3A_2107 = tpu.memref_slice %arg23[%dma_wait3A_2104, %dma_wait3A_2106] : memref<16x128xf32, #tpu.memory_space<vmem>> -> memref<1x128xf32, #tpu.memory_space<vmem>>
        %dma_wait3A_2108 = tpu.memref_squeeze %dma_wait3A_2107 : memref<1x128xf32, #tpu.memory_space<vmem>> -> memref<128xf32, #tpu.memory_space<vmem>>
        %dma_wait3A_2109 = arith.constant 0 : i32
        %dma_wait3A_2110 = tpu.memref_slice %arg17[%dma_wait3A_2105, %dma_wait3A_2109] : memref<16x128xi32, #tpu.memory_space<vmem>> -> memref<1x128xi32, #tpu.memory_space<vmem>>
        %dma_wait3A_2111 = tpu.memref_squeeze %dma_wait3A_2110 : memref<1x128xi32, #tpu.memory_space<vmem>> -> memref<128xi32, #tpu.memory_space<vmem>>
        %dma_wait3A_2112 = arith.constant 0 : i32
        %dma_wait3A_2113 = tpu.memref_slice %arg15[%dma_wait3A_2112] : memref<6152xf32, #tpu.memory_space<hbm>> -> memref<6152xf32, #tpu.memory_space<hbm>>
        tpu.wait_indirect_dma semaphore(%arg27 : memref<!tpu.dma_semaphore, #tpu.memory_space<semaphore_mem>>) src(%dma_wait3A_2108 : memref<128xf32, #tpu.memory_space<vmem>>) dst(%dma_wait3A_2113 : memref<6152xf32, #tpu.memory_space<hbm>>)
        %dma_wait3A_2114 = arith.constant 9 : i32
        %dma_wait3A_2115 = arith.constant 9 : i32
        %dma_wait3A_2116 = arith.constant 0 : i32
        %dma_wait3A_2117 = tpu.memref_slice %arg24[%dma_wait3A_2114, %dma_wait3A_2116] : memref<16x128xf32, #tpu.memory_space<vmem>> -> memref<1x128xf32, #tpu.memory_space<vmem>>
        %dma_wait3A_2118 = tpu.memref_squeeze %dma_wait3A_2117 : memref<1x128xf32, #tpu.memory_space<vmem>> -> memref<128xf32, #tpu.memory_space<vmem>>
        %dma_wait3A_2119 = arith.constant 0 : i32
        %dma_wait3A_2120 = tpu.memref_slice %arg17[%dma_wait3A_2115, %dma_wait3A_2119] : memref<16x128xi32, #tpu.memory_space<vmem>> -> memref<1x128xi32, #tpu.memory_space<vmem>>
        %dma_wait3A_2121 = tpu.memref_squeeze %dma_wait3A_2120 : memref<1x128xi32, #tpu.memory_space<vmem>> -> memref<128xi32, #tpu.memory_space<vmem>>
        %dma_wait3A_2122 = arith.constant 0 : i32
        %dma_wait3A_2123 = tpu.memref_slice %arg16[%dma_wait3A_2122] : memref<6152xf32, #tpu.memory_space<hbm>> -> memref<6152xf32, #tpu.memory_space<hbm>>
        tpu.wait_indirect_dma semaphore(%arg27 : memref<!tpu.dma_semaphore, #tpu.memory_space<semaphore_mem>>) src(%dma_wait3A_2118 : memref<128xf32, #tpu.memory_space<vmem>>) dst(%dma_wait3A_2123 : memref<6152xf32, #tpu.memory_space<hbm>>)
        %dma_wait3A_2124 = arith.constant 10 : i32
        %dma_wait3A_2125 = arith.constant 10 : i32
        %dma_wait3A_2126 = arith.constant 0 : i32
        %dma_wait3A_2127 = tpu.memref_slice %arg18[%dma_wait3A_2124, %dma_wait3A_2126] : memref<16x128xi32, #tpu.memory_space<vmem>> -> memref<1x128xi32, #tpu.memory_space<vmem>>
        %dma_wait3A_2128 = tpu.memref_squeeze %dma_wait3A_2127 : memref<1x128xi32, #tpu.memory_space<vmem>> -> memref<128xi32, #tpu.memory_space<vmem>>
        %dma_wait3A_2129 = arith.constant 0 : i32
        %dma_wait3A_2130 = tpu.memref_slice %arg17[%dma_wait3A_2125, %dma_wait3A_2129] : memref<16x128xi32, #tpu.memory_space<vmem>> -> memref<1x128xi32, #tpu.memory_space<vmem>>
        %dma_wait3A_2131 = tpu.memref_squeeze %dma_wait3A_2130 : memref<1x128xi32, #tpu.memory_space<vmem>> -> memref<128xi32, #tpu.memory_space<vmem>>
        %dma_wait3A_2132 = arith.constant 0 : i32
        %dma_wait3A_2133 = tpu.memref_slice %arg10[%dma_wait3A_2132] : memref<6152xi32, #tpu.memory_space<hbm>> -> memref<6152xi32, #tpu.memory_space<hbm>>
        tpu.wait_indirect_dma semaphore(%arg27 : memref<!tpu.dma_semaphore, #tpu.memory_space<semaphore_mem>>) src(%dma_wait3A_2128 : memref<128xi32, #tpu.memory_space<vmem>>) dst(%dma_wait3A_2133 : memref<6152xi32, #tpu.memory_space<hbm>>)
        %dma_wait3A_2134 = arith.constant 10 : i32
        %dma_wait3A_2135 = arith.constant 10 : i32
        %dma_wait3A_2136 = arith.constant 0 : i32
        %dma_wait3A_2137 = tpu.memref_slice %arg19[%dma_wait3A_2134, %dma_wait3A_2136] : memref<16x128xf32, #tpu.memory_space<vmem>> -> memref<1x128xf32, #tpu.memory_space<vmem>>
        %dma_wait3A_2138 = tpu.memref_squeeze %dma_wait3A_2137 : memref<1x128xf32, #tpu.memory_space<vmem>> -> memref<128xf32, #tpu.memory_space<vmem>>
        %dma_wait3A_2139 = arith.constant 0 : i32
        %dma_wait3A_2140 = tpu.memref_slice %arg17[%dma_wait3A_2135, %dma_wait3A_2139] : memref<16x128xi32, #tpu.memory_space<vmem>> -> memref<1x128xi32, #tpu.memory_space<vmem>>
        %dma_wait3A_2141 = tpu.memref_squeeze %dma_wait3A_2140 : memref<1x128xi32, #tpu.memory_space<vmem>> -> memref<128xi32, #tpu.memory_space<vmem>>
        %dma_wait3A_2142 = arith.constant 0 : i32
        %dma_wait3A_2143 = tpu.memref_slice %arg11[%dma_wait3A_2142] : memref<6152xf32, #tpu.memory_space<hbm>> -> memref<6152xf32, #tpu.memory_space<hbm>>
        tpu.wait_indirect_dma semaphore(%arg27 : memref<!tpu.dma_semaphore, #tpu.memory_space<semaphore_mem>>) src(%dma_wait3A_2138 : memref<128xf32, #tpu.memory_space<vmem>>) dst(%dma_wait3A_2143 : memref<6152xf32, #tpu.memory_space<hbm>>)
        %dma_wait3A_2144 = arith.constant 10 : i32
        %dma_wait3A_2145 = arith.constant 10 : i32
        %dma_wait3A_2146 = arith.constant 0 : i32
        %dma_wait3A_2147 = tpu.memref_slice %arg20[%dma_wait3A_2144, %dma_wait3A_2146] : memref<16x128xf32, #tpu.memory_space<vmem>> -> memref<1x128xf32, #tpu.memory_space<vmem>>
        %dma_wait3A_2148 = tpu.memref_squeeze %dma_wait3A_2147 : memref<1x128xf32, #tpu.memory_space<vmem>> -> memref<128xf32, #tpu.memory_space<vmem>>
        %dma_wait3A_2149 = arith.constant 0 : i32
        %dma_wait3A_2150 = tpu.memref_slice %arg17[%dma_wait3A_2145, %dma_wait3A_2149] : memref<16x128xi32, #tpu.memory_space<vmem>> -> memref<1x128xi32, #tpu.memory_space<vmem>>
        %dma_wait3A_2151 = tpu.memref_squeeze %dma_wait3A_2150 : memref<1x128xi32, #tpu.memory_space<vmem>> -> memref<128xi32, #tpu.memory_space<vmem>>
        %dma_wait3A_2152 = arith.constant 0 : i32
        %dma_wait3A_2153 = tpu.memref_slice %arg12[%dma_wait3A_2152] : memref<6152xf32, #tpu.memory_space<hbm>> -> memref<6152xf32, #tpu.memory_space<hbm>>
        tpu.wait_indirect_dma semaphore(%arg27 : memref<!tpu.dma_semaphore, #tpu.memory_space<semaphore_mem>>) src(%dma_wait3A_2148 : memref<128xf32, #tpu.memory_space<vmem>>) dst(%dma_wait3A_2153 : memref<6152xf32, #tpu.memory_space<hbm>>)
        %dma_wait3A_2154 = arith.constant 10 : i32
        %dma_wait3A_2155 = arith.constant 10 : i32
        %dma_wait3A_2156 = arith.constant 0 : i32
        %dma_wait3A_2157 = tpu.memref_slice %arg21[%dma_wait3A_2154, %dma_wait3A_2156] : memref<16x128xf32, #tpu.memory_space<vmem>> -> memref<1x128xf32, #tpu.memory_space<vmem>>
        %dma_wait3A_2158 = tpu.memref_squeeze %dma_wait3A_2157 : memref<1x128xf32, #tpu.memory_space<vmem>> -> memref<128xf32, #tpu.memory_space<vmem>>
        %dma_wait3A_2159 = arith.constant 0 : i32
        %dma_wait3A_2160 = tpu.memref_slice %arg17[%dma_wait3A_2155, %dma_wait3A_2159] : memref<16x128xi32, #tpu.memory_space<vmem>> -> memref<1x128xi32, #tpu.memory_space<vmem>>
        %dma_wait3A_2161 = tpu.memref_squeeze %dma_wait3A_2160 : memref<1x128xi32, #tpu.memory_space<vmem>> -> memref<128xi32, #tpu.memory_space<vmem>>
        %dma_wait3A_2162 = arith.constant 0 : i32
        %dma_wait3A_2163 = tpu.memref_slice %arg13[%dma_wait3A_2162] : memref<6152xf32, #tpu.memory_space<hbm>> -> memref<6152xf32, #tpu.memory_space<hbm>>
        tpu.wait_indirect_dma semaphore(%arg27 : memref<!tpu.dma_semaphore, #tpu.memory_space<semaphore_mem>>) src(%dma_wait3A_2158 : memref<128xf32, #tpu.memory_space<vmem>>) dst(%dma_wait3A_2163 : memref<6152xf32, #tpu.memory_space<hbm>>)
        %dma_wait3A_2164 = arith.constant 10 : i32
        %dma_wait3A_2165 = arith.constant 10 : i32
        %dma_wait3A_2166 = arith.constant 0 : i32
        %dma_wait3A_2167 = tpu.memref_slice %arg22[%dma_wait3A_2164, %dma_wait3A_2166] : memref<16x128xf32, #tpu.memory_space<vmem>> -> memref<1x128xf32, #tpu.memory_space<vmem>>
        %dma_wait3A_2168 = tpu.memref_squeeze %dma_wait3A_2167 : memref<1x128xf32, #tpu.memory_space<vmem>> -> memref<128xf32, #tpu.memory_space<vmem>>
        %dma_wait3A_2169 = arith.constant 0 : i32
        %dma_wait3A_2170 = tpu.memref_slice %arg17[%dma_wait3A_2165, %dma_wait3A_2169] : memref<16x128xi32, #tpu.memory_space<vmem>> -> memref<1x128xi32, #tpu.memory_space<vmem>>
        %dma_wait3A_2171 = tpu.memref_squeeze %dma_wait3A_2170 : memref<1x128xi32, #tpu.memory_space<vmem>> -> memref<128xi32, #tpu.memory_space<vmem>>
        %dma_wait3A_2172 = arith.constant 0 : i32
        %dma_wait3A_2173 = tpu.memref_slice %arg14[%dma_wait3A_2172] : memref<6152xf32, #tpu.memory_space<hbm>> -> memref<6152xf32, #tpu.memory_space<hbm>>
        tpu.wait_indirect_dma semaphore(%arg27 : memref<!tpu.dma_semaphore, #tpu.memory_space<semaphore_mem>>) src(%dma_wait3A_2168 : memref<128xf32, #tpu.memory_space<vmem>>) dst(%dma_wait3A_2173 : memref<6152xf32, #tpu.memory_space<hbm>>)
        %dma_wait3A_2174 = arith.constant 10 : i32
        %dma_wait3A_2175 = arith.constant 10 : i32
        %dma_wait3A_2176 = arith.constant 0 : i32
        %dma_wait3A_2177 = tpu.memref_slice %arg23[%dma_wait3A_2174, %dma_wait3A_2176] : memref<16x128xf32, #tpu.memory_space<vmem>> -> memref<1x128xf32, #tpu.memory_space<vmem>>
        %dma_wait3A_2178 = tpu.memref_squeeze %dma_wait3A_2177 : memref<1x128xf32, #tpu.memory_space<vmem>> -> memref<128xf32, #tpu.memory_space<vmem>>
        %dma_wait3A_2179 = arith.constant 0 : i32
        %dma_wait3A_2180 = tpu.memref_slice %arg17[%dma_wait3A_2175, %dma_wait3A_2179] : memref<16x128xi32, #tpu.memory_space<vmem>> -> memref<1x128xi32, #tpu.memory_space<vmem>>
        %dma_wait3A_2181 = tpu.memref_squeeze %dma_wait3A_2180 : memref<1x128xi32, #tpu.memory_space<vmem>> -> memref<128xi32, #tpu.memory_space<vmem>>
        %dma_wait3A_2182 = arith.constant 0 : i32
        %dma_wait3A_2183 = tpu.memref_slice %arg15[%dma_wait3A_2182] : memref<6152xf32, #tpu.memory_space<hbm>> -> memref<6152xf32, #tpu.memory_space<hbm>>
        tpu.wait_indirect_dma semaphore(%arg27 : memref<!tpu.dma_semaphore, #tpu.memory_space<semaphore_mem>>) src(%dma_wait3A_2178 : memref<128xf32, #tpu.memory_space<vmem>>) dst(%dma_wait3A_2183 : memref<6152xf32, #tpu.memory_space<hbm>>)
        %dma_wait3A_2184 = arith.constant 10 : i32
        %dma_wait3A_2185 = arith.constant 10 : i32
        %dma_wait3A_2186 = arith.constant 0 : i32
        %dma_wait3A_2187 = tpu.memref_slice %arg24[%dma_wait3A_2184, %dma_wait3A_2186] : memref<16x128xf32, #tpu.memory_space<vmem>> -> memref<1x128xf32, #tpu.memory_space<vmem>>
        %dma_wait3A_2188 = tpu.memref_squeeze %dma_wait3A_2187 : memref<1x128xf32, #tpu.memory_space<vmem>> -> memref<128xf32, #tpu.memory_space<vmem>>
        %dma_wait3A_2189 = arith.constant 0 : i32
        %dma_wait3A_2190 = tpu.memref_slice %arg17[%dma_wait3A_2185, %dma_wait3A_2189] : memref<16x128xi32, #tpu.memory_space<vmem>> -> memref<1x128xi32, #tpu.memory_space<vmem>>
        %dma_wait3A_2191 = tpu.memref_squeeze %dma_wait3A_2190 : memref<1x128xi32, #tpu.memory_space<vmem>> -> memref<128xi32, #tpu.memory_space<vmem>>
        %dma_wait3A_2192 = arith.constant 0 : i32
        %dma_wait3A_2193 = tpu.memref_slice %arg16[%dma_wait3A_2192] : memref<6152xf32, #tpu.memory_space<hbm>> -> memref<6152xf32, #tpu.memory_space<hbm>>
        tpu.wait_indirect_dma semaphore(%arg27 : memref<!tpu.dma_semaphore, #tpu.memory_space<semaphore_mem>>) src(%dma_wait3A_2188 : memref<128xf32, #tpu.memory_space<vmem>>) dst(%dma_wait3A_2193 : memref<6152xf32, #tpu.memory_space<hbm>>)
        %dma_wait3A_2194 = arith.constant 11 : i32
        %dma_wait3A_2195 = arith.constant 11 : i32
        %dma_wait3A_2196 = arith.constant 0 : i32
        %dma_wait3A_2197 = tpu.memref_slice %arg18[%dma_wait3A_2194, %dma_wait3A_2196] : memref<16x128xi32, #tpu.memory_space<vmem>> -> memref<1x128xi32, #tpu.memory_space<vmem>>
        %dma_wait3A_2198 = tpu.memref_squeeze %dma_wait3A_2197 : memref<1x128xi32, #tpu.memory_space<vmem>> -> memref<128xi32, #tpu.memory_space<vmem>>
        %dma_wait3A_2199 = arith.constant 0 : i32
        %dma_wait3A_2200 = tpu.memref_slice %arg17[%dma_wait3A_2195, %dma_wait3A_2199] : memref<16x128xi32, #tpu.memory_space<vmem>> -> memref<1x128xi32, #tpu.memory_space<vmem>>
        %dma_wait3A_2201 = tpu.memref_squeeze %dma_wait3A_2200 : memref<1x128xi32, #tpu.memory_space<vmem>> -> memref<128xi32, #tpu.memory_space<vmem>>
        %dma_wait3A_2202 = arith.constant 0 : i32
        %dma_wait3A_2203 = tpu.memref_slice %arg10[%dma_wait3A_2202] : memref<6152xi32, #tpu.memory_space<hbm>> -> memref<6152xi32, #tpu.memory_space<hbm>>
        tpu.wait_indirect_dma semaphore(%arg27 : memref<!tpu.dma_semaphore, #tpu.memory_space<semaphore_mem>>) src(%dma_wait3A_2198 : memref<128xi32, #tpu.memory_space<vmem>>) dst(%dma_wait3A_2203 : memref<6152xi32, #tpu.memory_space<hbm>>)
        %dma_wait3A_2204 = arith.constant 11 : i32
        %dma_wait3A_2205 = arith.constant 11 : i32
        %dma_wait3A_2206 = arith.constant 0 : i32
        %dma_wait3A_2207 = tpu.memref_slice %arg19[%dma_wait3A_2204, %dma_wait3A_2206] : memref<16x128xf32, #tpu.memory_space<vmem>> -> memref<1x128xf32, #tpu.memory_space<vmem>>
        %dma_wait3A_2208 = tpu.memref_squeeze %dma_wait3A_2207 : memref<1x128xf32, #tpu.memory_space<vmem>> -> memref<128xf32, #tpu.memory_space<vmem>>
        %dma_wait3A_2209 = arith.constant 0 : i32
        %dma_wait3A_2210 = tpu.memref_slice %arg17[%dma_wait3A_2205, %dma_wait3A_2209] : memref<16x128xi32, #tpu.memory_space<vmem>> -> memref<1x128xi32, #tpu.memory_space<vmem>>
        %dma_wait3A_2211 = tpu.memref_squeeze %dma_wait3A_2210 : memref<1x128xi32, #tpu.memory_space<vmem>> -> memref<128xi32, #tpu.memory_space<vmem>>
        %dma_wait3A_2212 = arith.constant 0 : i32
        %dma_wait3A_2213 = tpu.memref_slice %arg11[%dma_wait3A_2212] : memref<6152xf32, #tpu.memory_space<hbm>> -> memref<6152xf32, #tpu.memory_space<hbm>>
        tpu.wait_indirect_dma semaphore(%arg27 : memref<!tpu.dma_semaphore, #tpu.memory_space<semaphore_mem>>) src(%dma_wait3A_2208 : memref<128xf32, #tpu.memory_space<vmem>>) dst(%dma_wait3A_2213 : memref<6152xf32, #tpu.memory_space<hbm>>)
        %dma_wait3A_2214 = arith.constant 11 : i32
        %dma_wait3A_2215 = arith.constant 11 : i32
        %dma_wait3A_2216 = arith.constant 0 : i32
        %dma_wait3A_2217 = tpu.memref_slice %arg20[%dma_wait3A_2214, %dma_wait3A_2216] : memref<16x128xf32, #tpu.memory_space<vmem>> -> memref<1x128xf32, #tpu.memory_space<vmem>>
        %dma_wait3A_2218 = tpu.memref_squeeze %dma_wait3A_2217 : memref<1x128xf32, #tpu.memory_space<vmem>> -> memref<128xf32, #tpu.memory_space<vmem>>
        %dma_wait3A_2219 = arith.constant 0 : i32
        %dma_wait3A_2220 = tpu.memref_slice %arg17[%dma_wait3A_2215, %dma_wait3A_2219] : memref<16x128xi32, #tpu.memory_space<vmem>> -> memref<1x128xi32, #tpu.memory_space<vmem>>
        %dma_wait3A_2221 = tpu.memref_squeeze %dma_wait3A_2220 : memref<1x128xi32, #tpu.memory_space<vmem>> -> memref<128xi32, #tpu.memory_space<vmem>>
        %dma_wait3A_2222 = arith.constant 0 : i32
        %dma_wait3A_2223 = tpu.memref_slice %arg12[%dma_wait3A_2222] : memref<6152xf32, #tpu.memory_space<hbm>> -> memref<6152xf32, #tpu.memory_space<hbm>>
        tpu.wait_indirect_dma semaphore(%arg27 : memref<!tpu.dma_semaphore, #tpu.memory_space<semaphore_mem>>) src(%dma_wait3A_2218 : memref<128xf32, #tpu.memory_space<vmem>>) dst(%dma_wait3A_2223 : memref<6152xf32, #tpu.memory_space<hbm>>)
        %dma_wait3A_2224 = arith.constant 11 : i32
        %dma_wait3A_2225 = arith.constant 11 : i32
        %dma_wait3A_2226 = arith.constant 0 : i32
        %dma_wait3A_2227 = tpu.memref_slice %arg21[%dma_wait3A_2224, %dma_wait3A_2226] : memref<16x128xf32, #tpu.memory_space<vmem>> -> memref<1x128xf32, #tpu.memory_space<vmem>>
        %dma_wait3A_2228 = tpu.memref_squeeze %dma_wait3A_2227 : memref<1x128xf32, #tpu.memory_space<vmem>> -> memref<128xf32, #tpu.memory_space<vmem>>
        %dma_wait3A_2229 = arith.constant 0 : i32
        %dma_wait3A_2230 = tpu.memref_slice %arg17[%dma_wait3A_2225, %dma_wait3A_2229] : memref<16x128xi32, #tpu.memory_space<vmem>> -> memref<1x128xi32, #tpu.memory_space<vmem>>
        %dma_wait3A_2231 = tpu.memref_squeeze %dma_wait3A_2230 : memref<1x128xi32, #tpu.memory_space<vmem>> -> memref<128xi32, #tpu.memory_space<vmem>>
        %dma_wait3A_2232 = arith.constant 0 : i32
        %dma_wait3A_2233 = tpu.memref_slice %arg13[%dma_wait3A_2232] : memref<6152xf32, #tpu.memory_space<hbm>> -> memref<6152xf32, #tpu.memory_space<hbm>>
        tpu.wait_indirect_dma semaphore(%arg27 : memref<!tpu.dma_semaphore, #tpu.memory_space<semaphore_mem>>) src(%dma_wait3A_2228 : memref<128xf32, #tpu.memory_space<vmem>>) dst(%dma_wait3A_2233 : memref<6152xf32, #tpu.memory_space<hbm>>)
        %dma_wait3A_2234 = arith.constant 11 : i32
        %dma_wait3A_2235 = arith.constant 11 : i32
        %dma_wait3A_2236 = arith.constant 0 : i32
        %dma_wait3A_2237 = tpu.memref_slice %arg22[%dma_wait3A_2234, %dma_wait3A_2236] : memref<16x128xf32, #tpu.memory_space<vmem>> -> memref<1x128xf32, #tpu.memory_space<vmem>>
        %dma_wait3A_2238 = tpu.memref_squeeze %dma_wait3A_2237 : memref<1x128xf32, #tpu.memory_space<vmem>> -> memref<128xf32, #tpu.memory_space<vmem>>
        %dma_wait3A_2239 = arith.constant 0 : i32
        %dma_wait3A_2240 = tpu.memref_slice %arg17[%dma_wait3A_2235, %dma_wait3A_2239] : memref<16x128xi32, #tpu.memory_space<vmem>> -> memref<1x128xi32, #tpu.memory_space<vmem>>
        %dma_wait3A_2241 = tpu.memref_squeeze %dma_wait3A_2240 : memref<1x128xi32, #tpu.memory_space<vmem>> -> memref<128xi32, #tpu.memory_space<vmem>>
        %dma_wait3A_2242 = arith.constant 0 : i32
        %dma_wait3A_2243 = tpu.memref_slice %arg14[%dma_wait3A_2242] : memref<6152xf32, #tpu.memory_space<hbm>> -> memref<6152xf32, #tpu.memory_space<hbm>>
        tpu.wait_indirect_dma semaphore(%arg27 : memref<!tpu.dma_semaphore, #tpu.memory_space<semaphore_mem>>) src(%dma_wait3A_2238 : memref<128xf32, #tpu.memory_space<vmem>>) dst(%dma_wait3A_2243 : memref<6152xf32, #tpu.memory_space<hbm>>)
        %dma_wait3A_2244 = arith.constant 11 : i32
        %dma_wait3A_2245 = arith.constant 11 : i32
        %dma_wait3A_2246 = arith.constant 0 : i32
        %dma_wait3A_2247 = tpu.memref_slice %arg23[%dma_wait3A_2244, %dma_wait3A_2246] : memref<16x128xf32, #tpu.memory_space<vmem>> -> memref<1x128xf32, #tpu.memory_space<vmem>>
        %dma_wait3A_2248 = tpu.memref_squeeze %dma_wait3A_2247 : memref<1x128xf32, #tpu.memory_space<vmem>> -> memref<128xf32, #tpu.memory_space<vmem>>
        %dma_wait3A_2249 = arith.constant 0 : i32
        %dma_wait3A_2250 = tpu.memref_slice %arg17[%dma_wait3A_2245, %dma_wait3A_2249] : memref<16x128xi32, #tpu.memory_space<vmem>> -> memref<1x128xi32, #tpu.memory_space<vmem>>
        %dma_wait3A_2251 = tpu.memref_squeeze %dma_wait3A_2250 : memref<1x128xi32, #tpu.memory_space<vmem>> -> memref<128xi32, #tpu.memory_space<vmem>>
        %dma_wait3A_2252 = arith.constant 0 : i32
        %dma_wait3A_2253 = tpu.memref_slice %arg15[%dma_wait3A_2252] : memref<6152xf32, #tpu.memory_space<hbm>> -> memref<6152xf32, #tpu.memory_space<hbm>>
        tpu.wait_indirect_dma semaphore(%arg27 : memref<!tpu.dma_semaphore, #tpu.memory_space<semaphore_mem>>) src(%dma_wait3A_2248 : memref<128xf32, #tpu.memory_space<vmem>>) dst(%dma_wait3A_2253 : memref<6152xf32, #tpu.memory_space<hbm>>)
        %dma_wait3A_2254 = arith.constant 11 : i32
        %dma_wait3A_2255 = arith.constant 11 : i32
        %dma_wait3A_2256 = arith.constant 0 : i32
        %dma_wait3A_2257 = tpu.memref_slice %arg24[%dma_wait3A_2254, %dma_wait3A_2256] : memref<16x128xf32, #tpu.memory_space<vmem>> -> memref<1x128xf32, #tpu.memory_space<vmem>>
        %dma_wait3A_2258 = tpu.memref_squeeze %dma_wait3A_2257 : memref<1x128xf32, #tpu.memory_space<vmem>> -> memref<128xf32, #tpu.memory_space<vmem>>
        %dma_wait3A_2259 = arith.constant 0 : i32
        %dma_wait3A_2260 = tpu.memref_slice %arg17[%dma_wait3A_2255, %dma_wait3A_2259] : memref<16x128xi32, #tpu.memory_space<vmem>> -> memref<1x128xi32, #tpu.memory_space<vmem>>
        %dma_wait3A_2261 = tpu.memref_squeeze %dma_wait3A_2260 : memref<1x128xi32, #tpu.memory_space<vmem>> -> memref<128xi32, #tpu.memory_space<vmem>>
        %dma_wait3A_2262 = arith.constant 0 : i32
        %dma_wait3A_2263 = tpu.memref_slice %arg16[%dma_wait3A_2262] : memref<6152xf32, #tpu.memory_space<hbm>> -> memref<6152xf32, #tpu.memory_space<hbm>>
        tpu.wait_indirect_dma semaphore(%arg27 : memref<!tpu.dma_semaphore, #tpu.memory_space<semaphore_mem>>) src(%dma_wait3A_2258 : memref<128xf32, #tpu.memory_space<vmem>>) dst(%dma_wait3A_2263 : memref<6152xf32, #tpu.memory_space<hbm>>)
        %dma_wait3A_2264 = arith.constant 12 : i32
        %dma_wait3A_2265 = arith.constant 12 : i32
        %dma_wait3A_2266 = arith.constant 0 : i32
        %dma_wait3A_2267 = tpu.memref_slice %arg18[%dma_wait3A_2264, %dma_wait3A_2266] : memref<16x128xi32, #tpu.memory_space<vmem>> -> memref<1x128xi32, #tpu.memory_space<vmem>>
        %dma_wait3A_2268 = tpu.memref_squeeze %dma_wait3A_2267 : memref<1x128xi32, #tpu.memory_space<vmem>> -> memref<128xi32, #tpu.memory_space<vmem>>
        %dma_wait3A_2269 = arith.constant 0 : i32
        %dma_wait3A_2270 = tpu.memref_slice %arg17[%dma_wait3A_2265, %dma_wait3A_2269] : memref<16x128xi32, #tpu.memory_space<vmem>> -> memref<1x128xi32, #tpu.memory_space<vmem>>
        %dma_wait3A_2271 = tpu.memref_squeeze %dma_wait3A_2270 : memref<1x128xi32, #tpu.memory_space<vmem>> -> memref<128xi32, #tpu.memory_space<vmem>>
        %dma_wait3A_2272 = arith.constant 0 : i32
        %dma_wait3A_2273 = tpu.memref_slice %arg10[%dma_wait3A_2272] : memref<6152xi32, #tpu.memory_space<hbm>> -> memref<6152xi32, #tpu.memory_space<hbm>>
        tpu.wait_indirect_dma semaphore(%arg27 : memref<!tpu.dma_semaphore, #tpu.memory_space<semaphore_mem>>) src(%dma_wait3A_2268 : memref<128xi32, #tpu.memory_space<vmem>>) dst(%dma_wait3A_2273 : memref<6152xi32, #tpu.memory_space<hbm>>)
        %dma_wait3A_2274 = arith.constant 12 : i32
        %dma_wait3A_2275 = arith.constant 12 : i32
        %dma_wait3A_2276 = arith.constant 0 : i32
        %dma_wait3A_2277 = tpu.memref_slice %arg19[%dma_wait3A_2274, %dma_wait3A_2276] : memref<16x128xf32, #tpu.memory_space<vmem>> -> memref<1x128xf32, #tpu.memory_space<vmem>>
        %dma_wait3A_2278 = tpu.memref_squeeze %dma_wait3A_2277 : memref<1x128xf32, #tpu.memory_space<vmem>> -> memref<128xf32, #tpu.memory_space<vmem>>
        %dma_wait3A_2279 = arith.constant 0 : i32
        %dma_wait3A_2280 = tpu.memref_slice %arg17[%dma_wait3A_2275, %dma_wait3A_2279] : memref<16x128xi32, #tpu.memory_space<vmem>> -> memref<1x128xi32, #tpu.memory_space<vmem>>
        %dma_wait3A_2281 = tpu.memref_squeeze %dma_wait3A_2280 : memref<1x128xi32, #tpu.memory_space<vmem>> -> memref<128xi32, #tpu.memory_space<vmem>>
        %dma_wait3A_2282 = arith.constant 0 : i32
        %dma_wait3A_2283 = tpu.memref_slice %arg11[%dma_wait3A_2282] : memref<6152xf32, #tpu.memory_space<hbm>> -> memref<6152xf32, #tpu.memory_space<hbm>>
        tpu.wait_indirect_dma semaphore(%arg27 : memref<!tpu.dma_semaphore, #tpu.memory_space<semaphore_mem>>) src(%dma_wait3A_2278 : memref<128xf32, #tpu.memory_space<vmem>>) dst(%dma_wait3A_2283 : memref<6152xf32, #tpu.memory_space<hbm>>)
        %dma_wait3A_2284 = arith.constant 12 : i32
        %dma_wait3A_2285 = arith.constant 12 : i32
        %dma_wait3A_2286 = arith.constant 0 : i32
        %dma_wait3A_2287 = tpu.memref_slice %arg20[%dma_wait3A_2284, %dma_wait3A_2286] : memref<16x128xf32, #tpu.memory_space<vmem>> -> memref<1x128xf32, #tpu.memory_space<vmem>>
        %dma_wait3A_2288 = tpu.memref_squeeze %dma_wait3A_2287 : memref<1x128xf32, #tpu.memory_space<vmem>> -> memref<128xf32, #tpu.memory_space<vmem>>
        %dma_wait3A_2289 = arith.constant 0 : i32
        %dma_wait3A_2290 = tpu.memref_slice %arg17[%dma_wait3A_2285, %dma_wait3A_2289] : memref<16x128xi32, #tpu.memory_space<vmem>> -> memref<1x128xi32, #tpu.memory_space<vmem>>
        %dma_wait3A_2291 = tpu.memref_squeeze %dma_wait3A_2290 : memref<1x128xi32, #tpu.memory_space<vmem>> -> memref<128xi32, #tpu.memory_space<vmem>>
        %dma_wait3A_2292 = arith.constant 0 : i32
        %dma_wait3A_2293 = tpu.memref_slice %arg12[%dma_wait3A_2292] : memref<6152xf32, #tpu.memory_space<hbm>> -> memref<6152xf32, #tpu.memory_space<hbm>>
        tpu.wait_indirect_dma semaphore(%arg27 : memref<!tpu.dma_semaphore, #tpu.memory_space<semaphore_mem>>) src(%dma_wait3A_2288 : memref<128xf32, #tpu.memory_space<vmem>>) dst(%dma_wait3A_2293 : memref<6152xf32, #tpu.memory_space<hbm>>)
        %dma_wait3A_2294 = arith.constant 12 : i32
        %dma_wait3A_2295 = arith.constant 12 : i32
        %dma_wait3A_2296 = arith.constant 0 : i32
        %dma_wait3A_2297 = tpu.memref_slice %arg21[%dma_wait3A_2294, %dma_wait3A_2296] : memref<16x128xf32, #tpu.memory_space<vmem>> -> memref<1x128xf32, #tpu.memory_space<vmem>>
        %dma_wait3A_2298 = tpu.memref_squeeze %dma_wait3A_2297 : memref<1x128xf32, #tpu.memory_space<vmem>> -> memref<128xf32, #tpu.memory_space<vmem>>
        %dma_wait3A_2299 = arith.constant 0 : i32
        %dma_wait3A_2300 = tpu.memref_slice %arg17[%dma_wait3A_2295, %dma_wait3A_2299] : memref<16x128xi32, #tpu.memory_space<vmem>> -> memref<1x128xi32, #tpu.memory_space<vmem>>
        %dma_wait3A_2301 = tpu.memref_squeeze %dma_wait3A_2300 : memref<1x128xi32, #tpu.memory_space<vmem>> -> memref<128xi32, #tpu.memory_space<vmem>>
        %dma_wait3A_2302 = arith.constant 0 : i32
        %dma_wait3A_2303 = tpu.memref_slice %arg13[%dma_wait3A_2302] : memref<6152xf32, #tpu.memory_space<hbm>> -> memref<6152xf32, #tpu.memory_space<hbm>>
        tpu.wait_indirect_dma semaphore(%arg27 : memref<!tpu.dma_semaphore, #tpu.memory_space<semaphore_mem>>) src(%dma_wait3A_2298 : memref<128xf32, #tpu.memory_space<vmem>>) dst(%dma_wait3A_2303 : memref<6152xf32, #tpu.memory_space<hbm>>)
        %dma_wait3A_2304 = arith.constant 12 : i32
        %dma_wait3A_2305 = arith.constant 12 : i32
        %dma_wait3A_2306 = arith.constant 0 : i32
        %dma_wait3A_2307 = tpu.memref_slice %arg22[%dma_wait3A_2304, %dma_wait3A_2306] : memref<16x128xf32, #tpu.memory_space<vmem>> -> memref<1x128xf32, #tpu.memory_space<vmem>>
        %dma_wait3A_2308 = tpu.memref_squeeze %dma_wait3A_2307 : memref<1x128xf32, #tpu.memory_space<vmem>> -> memref<128xf32, #tpu.memory_space<vmem>>
        %dma_wait3A_2309 = arith.constant 0 : i32
        %dma_wait3A_2310 = tpu.memref_slice %arg17[%dma_wait3A_2305, %dma_wait3A_2309] : memref<16x128xi32, #tpu.memory_space<vmem>> -> memref<1x128xi32, #tpu.memory_space<vmem>>
        %dma_wait3A_2311 = tpu.memref_squeeze %dma_wait3A_2310 : memref<1x128xi32, #tpu.memory_space<vmem>> -> memref<128xi32, #tpu.memory_space<vmem>>
        %dma_wait3A_2312 = arith.constant 0 : i32
        %dma_wait3A_2313 = tpu.memref_slice %arg14[%dma_wait3A_2312] : memref<6152xf32, #tpu.memory_space<hbm>> -> memref<6152xf32, #tpu.memory_space<hbm>>
        tpu.wait_indirect_dma semaphore(%arg27 : memref<!tpu.dma_semaphore, #tpu.memory_space<semaphore_mem>>) src(%dma_wait3A_2308 : memref<128xf32, #tpu.memory_space<vmem>>) dst(%dma_wait3A_2313 : memref<6152xf32, #tpu.memory_space<hbm>>)
        %dma_wait3A_2314 = arith.constant 12 : i32
        %dma_wait3A_2315 = arith.constant 12 : i32
        %dma_wait3A_2316 = arith.constant 0 : i32
        %dma_wait3A_2317 = tpu.memref_slice %arg23[%dma_wait3A_2314, %dma_wait3A_2316] : memref<16x128xf32, #tpu.memory_space<vmem>> -> memref<1x128xf32, #tpu.memory_space<vmem>>
        %dma_wait3A_2318 = tpu.memref_squeeze %dma_wait3A_2317 : memref<1x128xf32, #tpu.memory_space<vmem>> -> memref<128xf32, #tpu.memory_space<vmem>>
        %dma_wait3A_2319 = arith.constant 0 : i32
        %dma_wait3A_2320 = tpu.memref_slice %arg17[%dma_wait3A_2315, %dma_wait3A_2319] : memref<16x128xi32, #tpu.memory_space<vmem>> -> memref<1x128xi32, #tpu.memory_space<vmem>>
        %dma_wait3A_2321 = tpu.memref_squeeze %dma_wait3A_2320 : memref<1x128xi32, #tpu.memory_space<vmem>> -> memref<128xi32, #tpu.memory_space<vmem>>
        %dma_wait3A_2322 = arith.constant 0 : i32
        %dma_wait3A_2323 = tpu.memref_slice %arg15[%dma_wait3A_2322] : memref<6152xf32, #tpu.memory_space<hbm>> -> memref<6152xf32, #tpu.memory_space<hbm>>
        tpu.wait_indirect_dma semaphore(%arg27 : memref<!tpu.dma_semaphore, #tpu.memory_space<semaphore_mem>>) src(%dma_wait3A_2318 : memref<128xf32, #tpu.memory_space<vmem>>) dst(%dma_wait3A_2323 : memref<6152xf32, #tpu.memory_space<hbm>>)
        %dma_wait3A_2324 = arith.constant 12 : i32
        %dma_wait3A_2325 = arith.constant 12 : i32
        %dma_wait3A_2326 = arith.constant 0 : i32
        %dma_wait3A_2327 = tpu.memref_slice %arg24[%dma_wait3A_2324, %dma_wait3A_2326] : memref<16x128xf32, #tpu.memory_space<vmem>> -> memref<1x128xf32, #tpu.memory_space<vmem>>
        %dma_wait3A_2328 = tpu.memref_squeeze %dma_wait3A_2327 : memref<1x128xf32, #tpu.memory_space<vmem>> -> memref<128xf32, #tpu.memory_space<vmem>>
        %dma_wait3A_2329 = arith.constant 0 : i32
        %dma_wait3A_2330 = tpu.memref_slice %arg17[%dma_wait3A_2325, %dma_wait3A_2329] : memref<16x128xi32, #tpu.memory_space<vmem>> -> memref<1x128xi32, #tpu.memory_space<vmem>>
        %dma_wait3A_2331 = tpu.memref_squeeze %dma_wait3A_2330 : memref<1x128xi32, #tpu.memory_space<vmem>> -> memref<128xi32, #tpu.memory_space<vmem>>
        %dma_wait3A_2332 = arith.constant 0 : i32
        %dma_wait3A_2333 = tpu.memref_slice %arg16[%dma_wait3A_2332] : memref<6152xf32, #tpu.memory_space<hbm>> -> memref<6152xf32, #tpu.memory_space<hbm>>
        tpu.wait_indirect_dma semaphore(%arg27 : memref<!tpu.dma_semaphore, #tpu.memory_space<semaphore_mem>>) src(%dma_wait3A_2328 : memref<128xf32, #tpu.memory_space<vmem>>) dst(%dma_wait3A_2333 : memref<6152xf32, #tpu.memory_space<hbm>>)
        %dma_wait3A_2334 = arith.constant 13 : i32
        %dma_wait3A_2335 = arith.constant 13 : i32
        %dma_wait3A_2336 = arith.constant 0 : i32
        %dma_wait3A_2337 = tpu.memref_slice %arg18[%dma_wait3A_2334, %dma_wait3A_2336] : memref<16x128xi32, #tpu.memory_space<vmem>> -> memref<1x128xi32, #tpu.memory_space<vmem>>
        %dma_wait3A_2338 = tpu.memref_squeeze %dma_wait3A_2337 : memref<1x128xi32, #tpu.memory_space<vmem>> -> memref<128xi32, #tpu.memory_space<vmem>>
        %dma_wait3A_2339 = arith.constant 0 : i32
        %dma_wait3A_2340 = tpu.memref_slice %arg17[%dma_wait3A_2335, %dma_wait3A_2339] : memref<16x128xi32, #tpu.memory_space<vmem>> -> memref<1x128xi32, #tpu.memory_space<vmem>>
        %dma_wait3A_2341 = tpu.memref_squeeze %dma_wait3A_2340 : memref<1x128xi32, #tpu.memory_space<vmem>> -> memref<128xi32, #tpu.memory_space<vmem>>
        %dma_wait3A_2342 = arith.constant 0 : i32
        %dma_wait3A_2343 = tpu.memref_slice %arg10[%dma_wait3A_2342] : memref<6152xi32, #tpu.memory_space<hbm>> -> memref<6152xi32, #tpu.memory_space<hbm>>
        tpu.wait_indirect_dma semaphore(%arg27 : memref<!tpu.dma_semaphore, #tpu.memory_space<semaphore_mem>>) src(%dma_wait3A_2338 : memref<128xi32, #tpu.memory_space<vmem>>) dst(%dma_wait3A_2343 : memref<6152xi32, #tpu.memory_space<hbm>>)
        %dma_wait3A_2344 = arith.constant 13 : i32
        %dma_wait3A_2345 = arith.constant 13 : i32
        %dma_wait3A_2346 = arith.constant 0 : i32
        %dma_wait3A_2347 = tpu.memref_slice %arg19[%dma_wait3A_2344, %dma_wait3A_2346] : memref<16x128xf32, #tpu.memory_space<vmem>> -> memref<1x128xf32, #tpu.memory_space<vmem>>
        %dma_wait3A_2348 = tpu.memref_squeeze %dma_wait3A_2347 : memref<1x128xf32, #tpu.memory_space<vmem>> -> memref<128xf32, #tpu.memory_space<vmem>>
        %dma_wait3A_2349 = arith.constant 0 : i32
        %dma_wait3A_2350 = tpu.memref_slice %arg17[%dma_wait3A_2345, %dma_wait3A_2349] : memref<16x128xi32, #tpu.memory_space<vmem>> -> memref<1x128xi32, #tpu.memory_space<vmem>>
        %dma_wait3A_2351 = tpu.memref_squeeze %dma_wait3A_2350 : memref<1x128xi32, #tpu.memory_space<vmem>> -> memref<128xi32, #tpu.memory_space<vmem>>
        %dma_wait3A_2352 = arith.constant 0 : i32
        %dma_wait3A_2353 = tpu.memref_slice %arg11[%dma_wait3A_2352] : memref<6152xf32, #tpu.memory_space<hbm>> -> memref<6152xf32, #tpu.memory_space<hbm>>
        tpu.wait_indirect_dma semaphore(%arg27 : memref<!tpu.dma_semaphore, #tpu.memory_space<semaphore_mem>>) src(%dma_wait3A_2348 : memref<128xf32, #tpu.memory_space<vmem>>) dst(%dma_wait3A_2353 : memref<6152xf32, #tpu.memory_space<hbm>>)
        %dma_wait3A_2354 = arith.constant 13 : i32
        %dma_wait3A_2355 = arith.constant 13 : i32
        %dma_wait3A_2356 = arith.constant 0 : i32
        %dma_wait3A_2357 = tpu.memref_slice %arg20[%dma_wait3A_2354, %dma_wait3A_2356] : memref<16x128xf32, #tpu.memory_space<vmem>> -> memref<1x128xf32, #tpu.memory_space<vmem>>
        %dma_wait3A_2358 = tpu.memref_squeeze %dma_wait3A_2357 : memref<1x128xf32, #tpu.memory_space<vmem>> -> memref<128xf32, #tpu.memory_space<vmem>>
        %dma_wait3A_2359 = arith.constant 0 : i32
        %dma_wait3A_2360 = tpu.memref_slice %arg17[%dma_wait3A_2355, %dma_wait3A_2359] : memref<16x128xi32, #tpu.memory_space<vmem>> -> memref<1x128xi32, #tpu.memory_space<vmem>>
        %dma_wait3A_2361 = tpu.memref_squeeze %dma_wait3A_2360 : memref<1x128xi32, #tpu.memory_space<vmem>> -> memref<128xi32, #tpu.memory_space<vmem>>
        %dma_wait3A_2362 = arith.constant 0 : i32
        %dma_wait3A_2363 = tpu.memref_slice %arg12[%dma_wait3A_2362] : memref<6152xf32, #tpu.memory_space<hbm>> -> memref<6152xf32, #tpu.memory_space<hbm>>
        tpu.wait_indirect_dma semaphore(%arg27 : memref<!tpu.dma_semaphore, #tpu.memory_space<semaphore_mem>>) src(%dma_wait3A_2358 : memref<128xf32, #tpu.memory_space<vmem>>) dst(%dma_wait3A_2363 : memref<6152xf32, #tpu.memory_space<hbm>>)
        %dma_wait3A_2364 = arith.constant 13 : i32
        %dma_wait3A_2365 = arith.constant 13 : i32
        %dma_wait3A_2366 = arith.constant 0 : i32
        %dma_wait3A_2367 = tpu.memref_slice %arg21[%dma_wait3A_2364, %dma_wait3A_2366] : memref<16x128xf32, #tpu.memory_space<vmem>> -> memref<1x128xf32, #tpu.memory_space<vmem>>
        %dma_wait3A_2368 = tpu.memref_squeeze %dma_wait3A_2367 : memref<1x128xf32, #tpu.memory_space<vmem>> -> memref<128xf32, #tpu.memory_space<vmem>>
        %dma_wait3A_2369 = arith.constant 0 : i32
        %dma_wait3A_2370 = tpu.memref_slice %arg17[%dma_wait3A_2365, %dma_wait3A_2369] : memref<16x128xi32, #tpu.memory_space<vmem>> -> memref<1x128xi32, #tpu.memory_space<vmem>>
        %dma_wait3A_2371 = tpu.memref_squeeze %dma_wait3A_2370 : memref<1x128xi32, #tpu.memory_space<vmem>> -> memref<128xi32, #tpu.memory_space<vmem>>
        %dma_wait3A_2372 = arith.constant 0 : i32
        %dma_wait3A_2373 = tpu.memref_slice %arg13[%dma_wait3A_2372] : memref<6152xf32, #tpu.memory_space<hbm>> -> memref<6152xf32, #tpu.memory_space<hbm>>
        tpu.wait_indirect_dma semaphore(%arg27 : memref<!tpu.dma_semaphore, #tpu.memory_space<semaphore_mem>>) src(%dma_wait3A_2368 : memref<128xf32, #tpu.memory_space<vmem>>) dst(%dma_wait3A_2373 : memref<6152xf32, #tpu.memory_space<hbm>>)
        %dma_wait3A_2374 = arith.constant 13 : i32
        %dma_wait3A_2375 = arith.constant 13 : i32
        %dma_wait3A_2376 = arith.constant 0 : i32
        %dma_wait3A_2377 = tpu.memref_slice %arg22[%dma_wait3A_2374, %dma_wait3A_2376] : memref<16x128xf32, #tpu.memory_space<vmem>> -> memref<1x128xf32, #tpu.memory_space<vmem>>
        %dma_wait3A_2378 = tpu.memref_squeeze %dma_wait3A_2377 : memref<1x128xf32, #tpu.memory_space<vmem>> -> memref<128xf32, #tpu.memory_space<vmem>>
        %dma_wait3A_2379 = arith.constant 0 : i32
        %dma_wait3A_2380 = tpu.memref_slice %arg17[%dma_wait3A_2375, %dma_wait3A_2379] : memref<16x128xi32, #tpu.memory_space<vmem>> -> memref<1x128xi32, #tpu.memory_space<vmem>>
        %dma_wait3A_2381 = tpu.memref_squeeze %dma_wait3A_2380 : memref<1x128xi32, #tpu.memory_space<vmem>> -> memref<128xi32, #tpu.memory_space<vmem>>
        %dma_wait3A_2382 = arith.constant 0 : i32
        %dma_wait3A_2383 = tpu.memref_slice %arg14[%dma_wait3A_2382] : memref<6152xf32, #tpu.memory_space<hbm>> -> memref<6152xf32, #tpu.memory_space<hbm>>
        tpu.wait_indirect_dma semaphore(%arg27 : memref<!tpu.dma_semaphore, #tpu.memory_space<semaphore_mem>>) src(%dma_wait3A_2378 : memref<128xf32, #tpu.memory_space<vmem>>) dst(%dma_wait3A_2383 : memref<6152xf32, #tpu.memory_space<hbm>>)
        %dma_wait3A_2384 = arith.constant 13 : i32
        %dma_wait3A_2385 = arith.constant 13 : i32
        %dma_wait3A_2386 = arith.constant 0 : i32
        %dma_wait3A_2387 = tpu.memref_slice %arg23[%dma_wait3A_2384, %dma_wait3A_2386] : memref<16x128xf32, #tpu.memory_space<vmem>> -> memref<1x128xf32, #tpu.memory_space<vmem>>
        %dma_wait3A_2388 = tpu.memref_squeeze %dma_wait3A_2387 : memref<1x128xf32, #tpu.memory_space<vmem>> -> memref<128xf32, #tpu.memory_space<vmem>>
        %dma_wait3A_2389 = arith.constant 0 : i32
        %dma_wait3A_2390 = tpu.memref_slice %arg17[%dma_wait3A_2385, %dma_wait3A_2389] : memref<16x128xi32, #tpu.memory_space<vmem>> -> memref<1x128xi32, #tpu.memory_space<vmem>>
        %dma_wait3A_2391 = tpu.memref_squeeze %dma_wait3A_2390 : memref<1x128xi32, #tpu.memory_space<vmem>> -> memref<128xi32, #tpu.memory_space<vmem>>
        %dma_wait3A_2392 = arith.constant 0 : i32
        %dma_wait3A_2393 = tpu.memref_slice %arg15[%dma_wait3A_2392] : memref<6152xf32, #tpu.memory_space<hbm>> -> memref<6152xf32, #tpu.memory_space<hbm>>
        tpu.wait_indirect_dma semaphore(%arg27 : memref<!tpu.dma_semaphore, #tpu.memory_space<semaphore_mem>>) src(%dma_wait3A_2388 : memref<128xf32, #tpu.memory_space<vmem>>) dst(%dma_wait3A_2393 : memref<6152xf32, #tpu.memory_space<hbm>>)
        %dma_wait3A_2394 = arith.constant 13 : i32
        %dma_wait3A_2395 = arith.constant 13 : i32
        %dma_wait3A_2396 = arith.constant 0 : i32
        %dma_wait3A_2397 = tpu.memref_slice %arg24[%dma_wait3A_2394, %dma_wait3A_2396] : memref<16x128xf32, #tpu.memory_space<vmem>> -> memref<1x128xf32, #tpu.memory_space<vmem>>
        %dma_wait3A_2398 = tpu.memref_squeeze %dma_wait3A_2397 : memref<1x128xf32, #tpu.memory_space<vmem>> -> memref<128xf32, #tpu.memory_space<vmem>>
        %dma_wait3A_2399 = arith.constant 0 : i32
        %dma_wait3A_2400 = tpu.memref_slice %arg17[%dma_wait3A_2395, %dma_wait3A_2399] : memref<16x128xi32, #tpu.memory_space<vmem>> -> memref<1x128xi32, #tpu.memory_space<vmem>>
        %dma_wait3A_2401 = tpu.memref_squeeze %dma_wait3A_2400 : memref<1x128xi32, #tpu.memory_space<vmem>> -> memref<128xi32, #tpu.memory_space<vmem>>
        %dma_wait3A_2402 = arith.constant 0 : i32
        %dma_wait3A_2403 = tpu.memref_slice %arg16[%dma_wait3A_2402] : memref<6152xf32, #tpu.memory_space<hbm>> -> memref<6152xf32, #tpu.memory_space<hbm>>
        tpu.wait_indirect_dma semaphore(%arg27 : memref<!tpu.dma_semaphore, #tpu.memory_space<semaphore_mem>>) src(%dma_wait3A_2398 : memref<128xf32, #tpu.memory_space<vmem>>) dst(%dma_wait3A_2403 : memref<6152xf32, #tpu.memory_space<hbm>>)
        %dma_wait3A_2404 = arith.constant 14 : i32
        %dma_wait3A_2405 = arith.constant 14 : i32
        %dma_wait3A_2406 = arith.constant 0 : i32
        %dma_wait3A_2407 = tpu.memref_slice %arg18[%dma_wait3A_2404, %dma_wait3A_2406] : memref<16x128xi32, #tpu.memory_space<vmem>> -> memref<1x128xi32, #tpu.memory_space<vmem>>
        %dma_wait3A_2408 = tpu.memref_squeeze %dma_wait3A_2407 : memref<1x128xi32, #tpu.memory_space<vmem>> -> memref<128xi32, #tpu.memory_space<vmem>>
        %dma_wait3A_2409 = arith.constant 0 : i32
        %dma_wait3A_2410 = tpu.memref_slice %arg17[%dma_wait3A_2405, %dma_wait3A_2409] : memref<16x128xi32, #tpu.memory_space<vmem>> -> memref<1x128xi32, #tpu.memory_space<vmem>>
        %dma_wait3A_2411 = tpu.memref_squeeze %dma_wait3A_2410 : memref<1x128xi32, #tpu.memory_space<vmem>> -> memref<128xi32, #tpu.memory_space<vmem>>
        %dma_wait3A_2412 = arith.constant 0 : i32
        %dma_wait3A_2413 = tpu.memref_slice %arg10[%dma_wait3A_2412] : memref<6152xi32, #tpu.memory_space<hbm>> -> memref<6152xi32, #tpu.memory_space<hbm>>
        tpu.wait_indirect_dma semaphore(%arg27 : memref<!tpu.dma_semaphore, #tpu.memory_space<semaphore_mem>>) src(%dma_wait3A_2408 : memref<128xi32, #tpu.memory_space<vmem>>) dst(%dma_wait3A_2413 : memref<6152xi32, #tpu.memory_space<hbm>>)
        %dma_wait3A_2414 = arith.constant 14 : i32
        %dma_wait3A_2415 = arith.constant 14 : i32
        %dma_wait3A_2416 = arith.constant 0 : i32
        %dma_wait3A_2417 = tpu.memref_slice %arg19[%dma_wait3A_2414, %dma_wait3A_2416] : memref<16x128xf32, #tpu.memory_space<vmem>> -> memref<1x128xf32, #tpu.memory_space<vmem>>
        %dma_wait3A_2418 = tpu.memref_squeeze %dma_wait3A_2417 : memref<1x128xf32, #tpu.memory_space<vmem>> -> memref<128xf32, #tpu.memory_space<vmem>>
        %dma_wait3A_2419 = arith.constant 0 : i32
        %dma_wait3A_2420 = tpu.memref_slice %arg17[%dma_wait3A_2415, %dma_wait3A_2419] : memref<16x128xi32, #tpu.memory_space<vmem>> -> memref<1x128xi32, #tpu.memory_space<vmem>>
        %dma_wait3A_2421 = tpu.memref_squeeze %dma_wait3A_2420 : memref<1x128xi32, #tpu.memory_space<vmem>> -> memref<128xi32, #tpu.memory_space<vmem>>
        %dma_wait3A_2422 = arith.constant 0 : i32
        %dma_wait3A_2423 = tpu.memref_slice %arg11[%dma_wait3A_2422] : memref<6152xf32, #tpu.memory_space<hbm>> -> memref<6152xf32, #tpu.memory_space<hbm>>
        tpu.wait_indirect_dma semaphore(%arg27 : memref<!tpu.dma_semaphore, #tpu.memory_space<semaphore_mem>>) src(%dma_wait3A_2418 : memref<128xf32, #tpu.memory_space<vmem>>) dst(%dma_wait3A_2423 : memref<6152xf32, #tpu.memory_space<hbm>>)
        %dma_wait3A_2424 = arith.constant 14 : i32
        %dma_wait3A_2425 = arith.constant 14 : i32
        %dma_wait3A_2426 = arith.constant 0 : i32
        %dma_wait3A_2427 = tpu.memref_slice %arg20[%dma_wait3A_2424, %dma_wait3A_2426] : memref<16x128xf32, #tpu.memory_space<vmem>> -> memref<1x128xf32, #tpu.memory_space<vmem>>
        %dma_wait3A_2428 = tpu.memref_squeeze %dma_wait3A_2427 : memref<1x128xf32, #tpu.memory_space<vmem>> -> memref<128xf32, #tpu.memory_space<vmem>>
        %dma_wait3A_2429 = arith.constant 0 : i32
        %dma_wait3A_2430 = tpu.memref_slice %arg17[%dma_wait3A_2425, %dma_wait3A_2429] : memref<16x128xi32, #tpu.memory_space<vmem>> -> memref<1x128xi32, #tpu.memory_space<vmem>>
        %dma_wait3A_2431 = tpu.memref_squeeze %dma_wait3A_2430 : memref<1x128xi32, #tpu.memory_space<vmem>> -> memref<128xi32, #tpu.memory_space<vmem>>
        %dma_wait3A_2432 = arith.constant 0 : i32
        %dma_wait3A_2433 = tpu.memref_slice %arg12[%dma_wait3A_2432] : memref<6152xf32, #tpu.memory_space<hbm>> -> memref<6152xf32, #tpu.memory_space<hbm>>
        tpu.wait_indirect_dma semaphore(%arg27 : memref<!tpu.dma_semaphore, #tpu.memory_space<semaphore_mem>>) src(%dma_wait3A_2428 : memref<128xf32, #tpu.memory_space<vmem>>) dst(%dma_wait3A_2433 : memref<6152xf32, #tpu.memory_space<hbm>>)
        %dma_wait3A_2434 = arith.constant 14 : i32
        %dma_wait3A_2435 = arith.constant 14 : i32
        %dma_wait3A_2436 = arith.constant 0 : i32
        %dma_wait3A_2437 = tpu.memref_slice %arg21[%dma_wait3A_2434, %dma_wait3A_2436] : memref<16x128xf32, #tpu.memory_space<vmem>> -> memref<1x128xf32, #tpu.memory_space<vmem>>
        %dma_wait3A_2438 = tpu.memref_squeeze %dma_wait3A_2437 : memref<1x128xf32, #tpu.memory_space<vmem>> -> memref<128xf32, #tpu.memory_space<vmem>>
        %dma_wait3A_2439 = arith.constant 0 : i32
        %dma_wait3A_2440 = tpu.memref_slice %arg17[%dma_wait3A_2435, %dma_wait3A_2439] : memref<16x128xi32, #tpu.memory_space<vmem>> -> memref<1x128xi32, #tpu.memory_space<vmem>>
        %dma_wait3A_2441 = tpu.memref_squeeze %dma_wait3A_2440 : memref<1x128xi32, #tpu.memory_space<vmem>> -> memref<128xi32, #tpu.memory_space<vmem>>
        %dma_wait3A_2442 = arith.constant 0 : i32
        %dma_wait3A_2443 = tpu.memref_slice %arg13[%dma_wait3A_2442] : memref<6152xf32, #tpu.memory_space<hbm>> -> memref<6152xf32, #tpu.memory_space<hbm>>
        tpu.wait_indirect_dma semaphore(%arg27 : memref<!tpu.dma_semaphore, #tpu.memory_space<semaphore_mem>>) src(%dma_wait3A_2438 : memref<128xf32, #tpu.memory_space<vmem>>) dst(%dma_wait3A_2443 : memref<6152xf32, #tpu.memory_space<hbm>>)
        %dma_wait3A_2444 = arith.constant 14 : i32
        %dma_wait3A_2445 = arith.constant 14 : i32
        %dma_wait3A_2446 = arith.constant 0 : i32
        %dma_wait3A_2447 = tpu.memref_slice %arg22[%dma_wait3A_2444, %dma_wait3A_2446] : memref<16x128xf32, #tpu.memory_space<vmem>> -> memref<1x128xf32, #tpu.memory_space<vmem>>
        %dma_wait3A_2448 = tpu.memref_squeeze %dma_wait3A_2447 : memref<1x128xf32, #tpu.memory_space<vmem>> -> memref<128xf32, #tpu.memory_space<vmem>>
        %dma_wait3A_2449 = arith.constant 0 : i32
        %dma_wait3A_2450 = tpu.memref_slice %arg17[%dma_wait3A_2445, %dma_wait3A_2449] : memref<16x128xi32, #tpu.memory_space<vmem>> -> memref<1x128xi32, #tpu.memory_space<vmem>>
        %dma_wait3A_2451 = tpu.memref_squeeze %dma_wait3A_2450 : memref<1x128xi32, #tpu.memory_space<vmem>> -> memref<128xi32, #tpu.memory_space<vmem>>
        %dma_wait3A_2452 = arith.constant 0 : i32
        %dma_wait3A_2453 = tpu.memref_slice %arg14[%dma_wait3A_2452] : memref<6152xf32, #tpu.memory_space<hbm>> -> memref<6152xf32, #tpu.memory_space<hbm>>
        tpu.wait_indirect_dma semaphore(%arg27 : memref<!tpu.dma_semaphore, #tpu.memory_space<semaphore_mem>>) src(%dma_wait3A_2448 : memref<128xf32, #tpu.memory_space<vmem>>) dst(%dma_wait3A_2453 : memref<6152xf32, #tpu.memory_space<hbm>>)
        %dma_wait3A_2454 = arith.constant 14 : i32
        %dma_wait3A_2455 = arith.constant 14 : i32
        %dma_wait3A_2456 = arith.constant 0 : i32
        %dma_wait3A_2457 = tpu.memref_slice %arg23[%dma_wait3A_2454, %dma_wait3A_2456] : memref<16x128xf32, #tpu.memory_space<vmem>> -> memref<1x128xf32, #tpu.memory_space<vmem>>
        %dma_wait3A_2458 = tpu.memref_squeeze %dma_wait3A_2457 : memref<1x128xf32, #tpu.memory_space<vmem>> -> memref<128xf32, #tpu.memory_space<vmem>>
        %dma_wait3A_2459 = arith.constant 0 : i32
        %dma_wait3A_2460 = tpu.memref_slice %arg17[%dma_wait3A_2455, %dma_wait3A_2459] : memref<16x128xi32, #tpu.memory_space<vmem>> -> memref<1x128xi32, #tpu.memory_space<vmem>>
        %dma_wait3A_2461 = tpu.memref_squeeze %dma_wait3A_2460 : memref<1x128xi32, #tpu.memory_space<vmem>> -> memref<128xi32, #tpu.memory_space<vmem>>
        %dma_wait3A_2462 = arith.constant 0 : i32
        %dma_wait3A_2463 = tpu.memref_slice %arg15[%dma_wait3A_2462] : memref<6152xf32, #tpu.memory_space<hbm>> -> memref<6152xf32, #tpu.memory_space<hbm>>
        tpu.wait_indirect_dma semaphore(%arg27 : memref<!tpu.dma_semaphore, #tpu.memory_space<semaphore_mem>>) src(%dma_wait3A_2458 : memref<128xf32, #tpu.memory_space<vmem>>) dst(%dma_wait3A_2463 : memref<6152xf32, #tpu.memory_space<hbm>>)
        %dma_wait3A_2464 = arith.constant 14 : i32
        %dma_wait3A_2465 = arith.constant 14 : i32
        %dma_wait3A_2466 = arith.constant 0 : i32
        %dma_wait3A_2467 = tpu.memref_slice %arg24[%dma_wait3A_2464, %dma_wait3A_2466] : memref<16x128xf32, #tpu.memory_space<vmem>> -> memref<1x128xf32, #tpu.memory_space<vmem>>
        %dma_wait3A_2468 = tpu.memref_squeeze %dma_wait3A_2467 : memref<1x128xf32, #tpu.memory_space<vmem>> -> memref<128xf32, #tpu.memory_space<vmem>>
        %dma_wait3A_2469 = arith.constant 0 : i32
        %dma_wait3A_2470 = tpu.memref_slice %arg17[%dma_wait3A_2465, %dma_wait3A_2469] : memref<16x128xi32, #tpu.memory_space<vmem>> -> memref<1x128xi32, #tpu.memory_space<vmem>>
        %dma_wait3A_2471 = tpu.memref_squeeze %dma_wait3A_2470 : memref<1x128xi32, #tpu.memory_space<vmem>> -> memref<128xi32, #tpu.memory_space<vmem>>
        %dma_wait3A_2472 = arith.constant 0 : i32
        %dma_wait3A_2473 = tpu.memref_slice %arg16[%dma_wait3A_2472] : memref<6152xf32, #tpu.memory_space<hbm>> -> memref<6152xf32, #tpu.memory_space<hbm>>
        tpu.wait_indirect_dma semaphore(%arg27 : memref<!tpu.dma_semaphore, #tpu.memory_space<semaphore_mem>>) src(%dma_wait3A_2468 : memref<128xf32, #tpu.memory_space<vmem>>) dst(%dma_wait3A_2473 : memref<6152xf32, #tpu.memory_space<hbm>>)
        %dma_wait3A_2474 = arith.constant 15 : i32
        %dma_wait3A_2475 = arith.constant 15 : i32
        %dma_wait3A_2476 = arith.constant 0 : i32
        %dma_wait3A_2477 = tpu.memref_slice %arg18[%dma_wait3A_2474, %dma_wait3A_2476] : memref<16x128xi32, #tpu.memory_space<vmem>> -> memref<1x128xi32, #tpu.memory_space<vmem>>
        %dma_wait3A_2478 = tpu.memref_squeeze %dma_wait3A_2477 : memref<1x128xi32, #tpu.memory_space<vmem>> -> memref<128xi32, #tpu.memory_space<vmem>>
        %dma_wait3A_2479 = arith.constant 0 : i32
        %dma_wait3A_2480 = tpu.memref_slice %arg17[%dma_wait3A_2475, %dma_wait3A_2479] : memref<16x128xi32, #tpu.memory_space<vmem>> -> memref<1x128xi32, #tpu.memory_space<vmem>>
        %dma_wait3A_2481 = tpu.memref_squeeze %dma_wait3A_2480 : memref<1x128xi32, #tpu.memory_space<vmem>> -> memref<128xi32, #tpu.memory_space<vmem>>
        %dma_wait3A_2482 = arith.constant 0 : i32
        %dma_wait3A_2483 = tpu.memref_slice %arg10[%dma_wait3A_2482] : memref<6152xi32, #tpu.memory_space<hbm>> -> memref<6152xi32, #tpu.memory_space<hbm>>
        tpu.wait_indirect_dma semaphore(%arg27 : memref<!tpu.dma_semaphore, #tpu.memory_space<semaphore_mem>>) src(%dma_wait3A_2478 : memref<128xi32, #tpu.memory_space<vmem>>) dst(%dma_wait3A_2483 : memref<6152xi32, #tpu.memory_space<hbm>>)
        %dma_wait3A_2484 = arith.constant 15 : i32
        %dma_wait3A_2485 = arith.constant 15 : i32
        %dma_wait3A_2486 = arith.constant 0 : i32
        %dma_wait3A_2487 = tpu.memref_slice %arg19[%dma_wait3A_2484, %dma_wait3A_2486] : memref<16x128xf32, #tpu.memory_space<vmem>> -> memref<1x128xf32, #tpu.memory_space<vmem>>
        %dma_wait3A_2488 = tpu.memref_squeeze %dma_wait3A_2487 : memref<1x128xf32, #tpu.memory_space<vmem>> -> memref<128xf32, #tpu.memory_space<vmem>>
        %dma_wait3A_2489 = arith.constant 0 : i32
        %dma_wait3A_2490 = tpu.memref_slice %arg17[%dma_wait3A_2485, %dma_wait3A_2489] : memref<16x128xi32, #tpu.memory_space<vmem>> -> memref<1x128xi32, #tpu.memory_space<vmem>>
        %dma_wait3A_2491 = tpu.memref_squeeze %dma_wait3A_2490 : memref<1x128xi32, #tpu.memory_space<vmem>> -> memref<128xi32, #tpu.memory_space<vmem>>
        %dma_wait3A_2492 = arith.constant 0 : i32
        %dma_wait3A_2493 = tpu.memref_slice %arg11[%dma_wait3A_2492] : memref<6152xf32, #tpu.memory_space<hbm>> -> memref<6152xf32, #tpu.memory_space<hbm>>
        tpu.wait_indirect_dma semaphore(%arg27 : memref<!tpu.dma_semaphore, #tpu.memory_space<semaphore_mem>>) src(%dma_wait3A_2488 : memref<128xf32, #tpu.memory_space<vmem>>) dst(%dma_wait3A_2493 : memref<6152xf32, #tpu.memory_space<hbm>>)
        %dma_wait3A_2494 = arith.constant 15 : i32
        %dma_wait3A_2495 = arith.constant 15 : i32
        %dma_wait3A_2496 = arith.constant 0 : i32
        %dma_wait3A_2497 = tpu.memref_slice %arg20[%dma_wait3A_2494, %dma_wait3A_2496] : memref<16x128xf32, #tpu.memory_space<vmem>> -> memref<1x128xf32, #tpu.memory_space<vmem>>
        %dma_wait3A_2498 = tpu.memref_squeeze %dma_wait3A_2497 : memref<1x128xf32, #tpu.memory_space<vmem>> -> memref<128xf32, #tpu.memory_space<vmem>>
        %dma_wait3A_2499 = arith.constant 0 : i32
        %dma_wait3A_2500 = tpu.memref_slice %arg17[%dma_wait3A_2495, %dma_wait3A_2499] : memref<16x128xi32, #tpu.memory_space<vmem>> -> memref<1x128xi32, #tpu.memory_space<vmem>>
        %dma_wait3A_2501 = tpu.memref_squeeze %dma_wait3A_2500 : memref<1x128xi32, #tpu.memory_space<vmem>> -> memref<128xi32, #tpu.memory_space<vmem>>
        %dma_wait3A_2502 = arith.constant 0 : i32
        %dma_wait3A_2503 = tpu.memref_slice %arg12[%dma_wait3A_2502] : memref<6152xf32, #tpu.memory_space<hbm>> -> memref<6152xf32, #tpu.memory_space<hbm>>
        tpu.wait_indirect_dma semaphore(%arg27 : memref<!tpu.dma_semaphore, #tpu.memory_space<semaphore_mem>>) src(%dma_wait3A_2498 : memref<128xf32, #tpu.memory_space<vmem>>) dst(%dma_wait3A_2503 : memref<6152xf32, #tpu.memory_space<hbm>>)
        %dma_wait3A_2504 = arith.constant 15 : i32
        %dma_wait3A_2505 = arith.constant 15 : i32
        %dma_wait3A_2506 = arith.constant 0 : i32
        %dma_wait3A_2507 = tpu.memref_slice %arg21[%dma_wait3A_2504, %dma_wait3A_2506] : memref<16x128xf32, #tpu.memory_space<vmem>> -> memref<1x128xf32, #tpu.memory_space<vmem>>
        %dma_wait3A_2508 = tpu.memref_squeeze %dma_wait3A_2507 : memref<1x128xf32, #tpu.memory_space<vmem>> -> memref<128xf32, #tpu.memory_space<vmem>>
        %dma_wait3A_2509 = arith.constant 0 : i32
        %dma_wait3A_2510 = tpu.memref_slice %arg17[%dma_wait3A_2505, %dma_wait3A_2509] : memref<16x128xi32, #tpu.memory_space<vmem>> -> memref<1x128xi32, #tpu.memory_space<vmem>>
        %dma_wait3A_2511 = tpu.memref_squeeze %dma_wait3A_2510 : memref<1x128xi32, #tpu.memory_space<vmem>> -> memref<128xi32, #tpu.memory_space<vmem>>
        %dma_wait3A_2512 = arith.constant 0 : i32
        %dma_wait3A_2513 = tpu.memref_slice %arg13[%dma_wait3A_2512] : memref<6152xf32, #tpu.memory_space<hbm>> -> memref<6152xf32, #tpu.memory_space<hbm>>
        tpu.wait_indirect_dma semaphore(%arg27 : memref<!tpu.dma_semaphore, #tpu.memory_space<semaphore_mem>>) src(%dma_wait3A_2508 : memref<128xf32, #tpu.memory_space<vmem>>) dst(%dma_wait3A_2513 : memref<6152xf32, #tpu.memory_space<hbm>>)
        %dma_wait3A_2514 = arith.constant 15 : i32
        %dma_wait3A_2515 = arith.constant 15 : i32
        %dma_wait3A_2516 = arith.constant 0 : i32
        %dma_wait3A_2517 = tpu.memref_slice %arg22[%dma_wait3A_2514, %dma_wait3A_2516] : memref<16x128xf32, #tpu.memory_space<vmem>> -> memref<1x128xf32, #tpu.memory_space<vmem>>
        %dma_wait3A_2518 = tpu.memref_squeeze %dma_wait3A_2517 : memref<1x128xf32, #tpu.memory_space<vmem>> -> memref<128xf32, #tpu.memory_space<vmem>>
        %dma_wait3A_2519 = arith.constant 0 : i32
        %dma_wait3A_2520 = tpu.memref_slice %arg17[%dma_wait3A_2515, %dma_wait3A_2519] : memref<16x128xi32, #tpu.memory_space<vmem>> -> memref<1x128xi32, #tpu.memory_space<vmem>>
        %dma_wait3A_2521 = tpu.memref_squeeze %dma_wait3A_2520 : memref<1x128xi32, #tpu.memory_space<vmem>> -> memref<128xi32, #tpu.memory_space<vmem>>
        %dma_wait3A_2522 = arith.constant 0 : i32
        %dma_wait3A_2523 = tpu.memref_slice %arg14[%dma_wait3A_2522] : memref<6152xf32, #tpu.memory_space<hbm>> -> memref<6152xf32, #tpu.memory_space<hbm>>
        tpu.wait_indirect_dma semaphore(%arg27 : memref<!tpu.dma_semaphore, #tpu.memory_space<semaphore_mem>>) src(%dma_wait3A_2518 : memref<128xf32, #tpu.memory_space<vmem>>) dst(%dma_wait3A_2523 : memref<6152xf32, #tpu.memory_space<hbm>>)
        %dma_wait3A_2524 = arith.constant 15 : i32
        %dma_wait3A_2525 = arith.constant 15 : i32
        %dma_wait3A_2526 = arith.constant 0 : i32
        %dma_wait3A_2527 = tpu.memref_slice %arg23[%dma_wait3A_2524, %dma_wait3A_2526] : memref<16x128xf32, #tpu.memory_space<vmem>> -> memref<1x128xf32, #tpu.memory_space<vmem>>
        %dma_wait3A_2528 = tpu.memref_squeeze %dma_wait3A_2527 : memref<1x128xf32, #tpu.memory_space<vmem>> -> memref<128xf32, #tpu.memory_space<vmem>>
        %dma_wait3A_2529 = arith.constant 0 : i32
        %dma_wait3A_2530 = tpu.memref_slice %arg17[%dma_wait3A_2525, %dma_wait3A_2529] : memref<16x128xi32, #tpu.memory_space<vmem>> -> memref<1x128xi32, #tpu.memory_space<vmem>>
        %dma_wait3A_2531 = tpu.memref_squeeze %dma_wait3A_2530 : memref<1x128xi32, #tpu.memory_space<vmem>> -> memref<128xi32, #tpu.memory_space<vmem>>
        %dma_wait3A_2532 = arith.constant 0 : i32
        %dma_wait3A_2533 = tpu.memref_slice %arg15[%dma_wait3A_2532] : memref<6152xf32, #tpu.memory_space<hbm>> -> memref<6152xf32, #tpu.memory_space<hbm>>
        tpu.wait_indirect_dma semaphore(%arg27 : memref<!tpu.dma_semaphore, #tpu.memory_space<semaphore_mem>>) src(%dma_wait3A_2528 : memref<128xf32, #tpu.memory_space<vmem>>) dst(%dma_wait3A_2533 : memref<6152xf32, #tpu.memory_space<hbm>>)
        %dma_wait3A_2534 = arith.constant 15 : i32
        %dma_wait3A_2535 = arith.constant 15 : i32
        %dma_wait3A_2536 = arith.constant 0 : i32
        %dma_wait3A_2537 = tpu.memref_slice %arg24[%dma_wait3A_2534, %dma_wait3A_2536] : memref<16x128xf32, #tpu.memory_space<vmem>> -> memref<1x128xf32, #tpu.memory_space<vmem>>
        %dma_wait3A_2538 = tpu.memref_squeeze %dma_wait3A_2537 : memref<1x128xf32, #tpu.memory_space<vmem>> -> memref<128xf32, #tpu.memory_space<vmem>>
        %dma_wait3A_2539 = arith.constant 0 : i32
        %dma_wait3A_2540 = tpu.memref_slice %arg17[%dma_wait3A_2535, %dma_wait3A_2539] : memref<16x128xi32, #tpu.memory_space<vmem>> -> memref<1x128xi32, #tpu.memory_space<vmem>>
        %dma_wait3A_2541 = tpu.memref_squeeze %dma_wait3A_2540 : memref<1x128xi32, #tpu.memory_space<vmem>> -> memref<128xi32, #tpu.memory_space<vmem>>
        %dma_wait3A_2542 = arith.constant 0 : i32
        %dma_wait3A_2543 = tpu.memref_slice %arg16[%dma_wait3A_2542] : memref<6152xf32, #tpu.memory_space<hbm>> -> memref<6152xf32, #tpu.memory_space<hbm>>
        tpu.wait_indirect_dma semaphore(%arg27 : memref<!tpu.dma_semaphore, #tpu.memory_space<semaphore_mem>>) src(%dma_wait3A_2538 : memref<128xf32, #tpu.memory_space<vmem>>) dst(%dma_wait3A_2543 : memref<6152xf32, #tpu.memory_space<hbm>>)
      } else {
      }
    } else {
    }
    return
  }
}

module attributes {stable_mosaic.version = 14 : i64} {
  func.func @_nms_body(%arg0: memref<48x128xi32, #tpu.memory_space<vmem>>, %arg1: memref<48x128xf32, #tpu.memory_space<vmem>>, %arg2: memref<48x128xf32, #tpu.memory_space<vmem>>, %arg3: memref<48x128xf32, #tpu.memory_space<vmem>>, %arg4: memref<48x128xf32, #tpu.memory_space<vmem>>, %arg5: memref<48x128xf32, #tpu.memory_space<vmem>>, %arg6: memref<48x128xf32, #tpu.memory_space<vmem>>, %arg7: memref<8x128xf32, #tpu.memory_space<vmem>>, %arg8: memref<304x128xf32, #tpu.memory_space<vmem>>, %arg9: memref<48x128xf32, #tpu.memory_space<vmem>>) attributes {dimension_semantics = [], scalar_prefetch = 0 : i64, scratch_operands = 1 : i64, tpu.core_type = #tpu.core_type<tc>} {
    %get3A = arith.constant 0 : index
    %get3A_0 = arith.constant 0 : index
    %get3A_1 = vector.load %arg6[%get3A, %get3A_0] : memref<48x128xf32, #tpu.memory_space<vmem>>, vector<48x128xf32>
    %swap3A = arith.constant 0 : index
    %swap3A_2 = arith.constant 0 : index
    %swap3A_3 = vector.load %arg9[%swap3A, %swap3A_2] : memref<48x128xf32, #tpu.memory_space<vmem>>, vector<48x128xf32>
    tpu.vector_store %arg9[%swap3A, %swap3A_2], %get3A_1 {strides = array<i32>} : memref<48x128xf32, #tpu.memory_space<vmem>>, vector<48x128xf32>,
    %get3A_4 = arith.constant 0 : index
    %get3A_5 = arith.constant 0 : index
    %get3A_6 = vector.load %arg0[%get3A_4, %get3A_5] : memref<48x128xi32, #tpu.memory_space<vmem>>, vector<48x128xi32>
    %get3A_7 = arith.constant 0 : index
    %get3A_8 = arith.constant 0 : index
    %get3A_9 = vector.load %arg7[%get3A_7, %get3A_8] : memref<8x128xf32, #tpu.memory_space<vmem>>, vector<1x128xf32>
    %iota3A = tpu.iota {dimensions = array<i32: 1>} : vector<1x128xi32>
    %scan3A = arith.constant 0 : i32
    %scan3A_10 = arith.constant 300 : i32
    %scan3A_11 = arith.addi %scan3A, %scan3A_10 : i32
    %scan3A_12 = arith.constant 1 : i32
    scf.for %scan3A_14 = %scan3A to %scan3A_11 step %scan3A_12  : i32 {
      %get3A_15 = arith.constant 0 : index
      %get3A_16 = arith.constant 0 : index
      %get3A_17 = vector.load %arg9[%get3A_15, %get3A_16] : memref<48x128xf32, #tpu.memory_space<vmem>>, vector<48x128xf32>
      %reduce_max3A = arith.constant dense<0xFF800000> : vector<128xf32>
      %reduce_max3A_18 = vector.multi_reduction <maximumf>, %get3A_17, %reduce_max3A [0] : vector<48x128xf32> to vector<128xf32>
      %broadcast_in_dim3A = vector.shape_cast %reduce_max3A_18 : vector<128xf32> to vector<1x128xf32>
      %reduce_max3A_19 = arith.constant dense<0xFF800000> : vector<1xf32>
      %reduce_max3A_20 = vector.multi_reduction <maximumf>, %broadcast_in_dim3A, %reduce_max3A_19 [1] : vector<1x128xf32> to vector<1xf32>
      %broadcast_in_dim3A_21 = vector.shape_cast %reduce_max3A_20 : vector<1xf32> to vector<1x1xf32>
      %gt3A = arith.constant -1.000000e+20 : f32
      %gt3A_22 = vector.broadcast %gt3A : f32 to vector<1x1xf32>
      %gt3A_23 = arith.cmpf ogt, %broadcast_in_dim3A_21, %gt3A_22 : vector<1x1xf32>
      %broadcast_in_dim3A_24 = vector.shape_cast %broadcast_in_dim3A_21 : vector<1x1xf32> to vector<1x1xf32>
      %broadcast_in_dim3A_25 = vector.broadcast %broadcast_in_dim3A_24 : vector<1x1xf32> to vector<48x128xf32>
      %eq3A = arith.cmpf oeq, %get3A_17, %broadcast_in_dim3A_25 : vector<48x128xf32>
      %jit3A = arith.constant 1073741824 : i32
      %broadcast_in_dim3A_26 = vector.broadcast %jit3A : i32 to vector<48x128xi32>
      %select_n3A = arith.select %eq3A, %get3A_6, %broadcast_in_dim3A_26 : vector<48x128xi1>, vector<48x128xi32>
      %reduce_min3A = arith.constant dense<2147483647> : vector<128xi32>
      %reduce_min3A_27 = vector.multi_reduction <minsi>, %select_n3A, %reduce_min3A [0] : vector<48x128xi32> to vector<128xi32>
      %broadcast_in_dim3A_28 = vector.shape_cast %reduce_min3A_27 : vector<128xi32> to vector<1x128xi32>
      %reduce_min3A_29 = arith.constant dense<2147483647> : vector<1xi32>
      %reduce_min3A_30 = vector.multi_reduction <minsi>, %broadcast_in_dim3A_28, %reduce_min3A_29 [1] : vector<1x128xi32> to vector<1xi32>
      %broadcast_in_dim3A_31 = vector.shape_cast %reduce_min3A_30 : vector<1xi32> to vector<1x1xi32>
      %broadcast_in_dim3A_32 = vector.shape_cast %broadcast_in_dim3A_31 : vector<1x1xi32> to vector<1x1xi32>
      %broadcast_in_dim3A_33 = vector.broadcast %broadcast_in_dim3A_32 : vector<1x1xi32> to vector<48x128xi32>
      %eq3A_34 = arith.cmpi eq, %get3A_6, %broadcast_in_dim3A_33 : vector<48x128xi32>
      %get3A_35 = arith.constant 0 : index
      %get3A_36 = arith.constant 0 : index
      %get3A_37 = vector.load %arg1[%get3A_35, %get3A_36] : memref<48x128xf32, #tpu.memory_space<vmem>>, vector<48x128xf32>
      %jit3A_38 = arith.constant 0.000000e+00 : f32
      %broadcast_in_dim3A_39 = vector.broadcast %jit3A_38 : f32 to vector<48x128xf32>
      %select_n3A_40 = arith.select %eq3A_34, %get3A_37, %broadcast_in_dim3A_39 : vector<48x128xi1>, vector<48x128xf32>
      %reduce_sum3A = arith.constant dense<0.000000e+00> : vector<128xf32>
      %reduce_sum3A_41 = vector.multi_reduction <add>, %select_n3A_40, %reduce_sum3A [0] : vector<48x128xf32> to vector<128xf32>
      %broadcast_in_dim3A_42 = vector.shape_cast %reduce_sum3A_41 : vector<128xf32> to vector<1x128xf32>
      %reduce_sum3A_43 = arith.constant dense<0.000000e+00> : vector<1xf32>
      %reduce_sum3A_44 = vector.multi_reduction <add>, %broadcast_in_dim3A_42, %reduce_sum3A_43 [1] : vector<1x128xf32> to vector<1xf32>
      %broadcast_in_dim3A_45 = vector.shape_cast %reduce_sum3A_44 : vector<1xf32> to vector<1x1xf32>
      %get3A_46 = arith.constant 0 : index
      %get3A_47 = arith.constant 0 : index
      %get3A_48 = vector.load %arg2[%get3A_46, %get3A_47] : memref<48x128xf32, #tpu.memory_space<vmem>>, vector<48x128xf32>
      %jit3A_49 = arith.constant 0.000000e+00 : f32
      %broadcast_in_dim3A_50 = vector.broadcast %jit3A_49 : f32 to vector<48x128xf32>
      %select_n3A_51 = arith.select %eq3A_34, %get3A_48, %broadcast_in_dim3A_50 : vector<48x128xi1>, vector<48x128xf32>
      %reduce_sum3A_52 = arith.constant dense<0.000000e+00> : vector<128xf32>
      %reduce_sum3A_53 = vector.multi_reduction <add>, %select_n3A_51, %reduce_sum3A_52 [0] : vector<48x128xf32> to vector<128xf32>
      %broadcast_in_dim3A_54 = vector.shape_cast %reduce_sum3A_53 : vector<128xf32> to vector<1x128xf32>
      %reduce_sum3A_55 = arith.constant dense<0.000000e+00> : vector<1xf32>
      %reduce_sum3A_56 = vector.multi_reduction <add>, %broadcast_in_dim3A_54, %reduce_sum3A_55 [1] : vector<1x128xf32> to vector<1xf32>
      %broadcast_in_dim3A_57 = vector.shape_cast %reduce_sum3A_56 : vector<1xf32> to vector<1x1xf32>
      %get3A_58 = arith.constant 0 : index
      %get3A_59 = arith.constant 0 : index
      %get3A_60 = vector.load %arg3[%get3A_58, %get3A_59] : memref<48x128xf32, #tpu.memory_space<vmem>>, vector<48x128xf32>
      %jit3A_61 = arith.constant 0.000000e+00 : f32
      %broadcast_in_dim3A_62 = vector.broadcast %jit3A_61 : f32 to vector<48x128xf32>
      %select_n3A_63 = arith.select %eq3A_34, %get3A_60, %broadcast_in_dim3A_62 : vector<48x128xi1>, vector<48x128xf32>
      %reduce_sum3A_64 = arith.constant dense<0.000000e+00> : vector<128xf32>
      %reduce_sum3A_65 = vector.multi_reduction <add>, %select_n3A_63, %reduce_sum3A_64 [0] : vector<48x128xf32> to vector<128xf32>
      %broadcast_in_dim3A_66 = vector.shape_cast %reduce_sum3A_65 : vector<128xf32> to vector<1x128xf32>
      %reduce_sum3A_67 = arith.constant dense<0.000000e+00> : vector<1xf32>
      %reduce_sum3A_68 = vector.multi_reduction <add>, %broadcast_in_dim3A_66, %reduce_sum3A_67 [1] : vector<1x128xf32> to vector<1xf32>
      %broadcast_in_dim3A_69 = vector.shape_cast %reduce_sum3A_68 : vector<1xf32> to vector<1x1xf32>
      %get3A_70 = arith.constant 0 : index
      %get3A_71 = arith.constant 0 : index
      %get3A_72 = vector.load %arg4[%get3A_70, %get3A_71] : memref<48x128xf32, #tpu.memory_space<vmem>>, vector<48x128xf32>
      %jit3A_73 = arith.constant 0.000000e+00 : f32
      %broadcast_in_dim3A_74 = vector.broadcast %jit3A_73 : f32 to vector<48x128xf32>
      %select_n3A_75 = arith.select %eq3A_34, %get3A_72, %broadcast_in_dim3A_74 : vector<48x128xi1>, vector<48x128xf32>
      %reduce_sum3A_76 = arith.constant dense<0.000000e+00> : vector<128xf32>
      %reduce_sum3A_77 = vector.multi_reduction <add>, %select_n3A_75, %reduce_sum3A_76 [0] : vector<48x128xf32> to vector<128xf32>
      %broadcast_in_dim3A_78 = vector.shape_cast %reduce_sum3A_77 : vector<128xf32> to vector<1x128xf32>
      %reduce_sum3A_79 = arith.constant dense<0.000000e+00> : vector<1xf32>
      %reduce_sum3A_80 = vector.multi_reduction <add>, %broadcast_in_dim3A_78, %reduce_sum3A_79 [1] : vector<1x128xf32> to vector<1xf32>
      %broadcast_in_dim3A_81 = vector.shape_cast %reduce_sum3A_80 : vector<1xf32> to vector<1x1xf32>
      %get3A_82 = arith.constant 0 : index
      %get3A_83 = arith.constant 0 : index
      %get3A_84 = vector.load %arg5[%get3A_82, %get3A_83] : memref<48x128xf32, #tpu.memory_space<vmem>>, vector<48x128xf32>
      %jit3A_85 = arith.constant 0.000000e+00 : f32
      %broadcast_in_dim3A_86 = vector.broadcast %jit3A_85 : f32 to vector<48x128xf32>
      %select_n3A_87 = arith.select %eq3A_34, %get3A_84, %broadcast_in_dim3A_86 : vector<48x128xi1>, vector<48x128xf32>
      %reduce_sum3A_88 = arith.constant dense<0.000000e+00> : vector<128xf32>
      %reduce_sum3A_89 = vector.multi_reduction <add>, %select_n3A_87, %reduce_sum3A_88 [0] : vector<48x128xf32> to vector<128xf32>
      %broadcast_in_dim3A_90 = vector.shape_cast %reduce_sum3A_89 : vector<128xf32> to vector<1x128xf32>
      %reduce_sum3A_91 = arith.constant dense<0.000000e+00> : vector<1xf32>
      %reduce_sum3A_92 = vector.multi_reduction <add>, %broadcast_in_dim3A_90, %reduce_sum3A_91 [1] : vector<1x128xf32> to vector<1xf32>
      %broadcast_in_dim3A_93 = vector.shape_cast %reduce_sum3A_92 : vector<1xf32> to vector<1x1xf32>
      %eq3A_94 = arith.constant 0 : i32
      %eq3A_95 = vector.broadcast %eq3A_94 : i32 to vector<1x128xi32>
      %eq3A_96 = arith.cmpi eq, %iota3A, %eq3A_95 : vector<1x128xi32>
      %broadcast_in_dim3A_97 = vector.shape_cast %broadcast_in_dim3A_45 : vector<1x1xf32> to vector<1x1xf32>
      %broadcast_in_dim3A_98 = vector.broadcast %broadcast_in_dim3A_97 : vector<1x1xf32> to vector<1x128xf32>
      %eq3A_99 = arith.constant 1 : i32
      %eq3A_100 = vector.broadcast %eq3A_99 : i32 to vector<1x128xi32>
      %eq3A_101 = arith.cmpi eq, %iota3A, %eq3A_100 : vector<1x128xi32>
      %broadcast_in_dim3A_102 = vector.shape_cast %broadcast_in_dim3A_57 : vector<1x1xf32> to vector<1x1xf32>
      %broadcast_in_dim3A_103 = vector.broadcast %broadcast_in_dim3A_102 : vector<1x1xf32> to vector<1x128xf32>
      %eq3A_104 = arith.constant 2 : i32
      %eq3A_105 = vector.broadcast %eq3A_104 : i32 to vector<1x128xi32>
      %eq3A_106 = arith.cmpi eq, %iota3A, %eq3A_105 : vector<1x128xi32>
      %broadcast_in_dim3A_107 = vector.shape_cast %broadcast_in_dim3A_69 : vector<1x1xf32> to vector<1x1xf32>
      %broadcast_in_dim3A_108 = vector.broadcast %broadcast_in_dim3A_107 : vector<1x1xf32> to vector<1x128xf32>
      %broadcast_in_dim3A_109 = vector.shape_cast %broadcast_in_dim3A_81 : vector<1x1xf32> to vector<1x1xf32>
      %broadcast_in_dim3A_110 = vector.broadcast %broadcast_in_dim3A_109 : vector<1x1xf32> to vector<1x128xf32>
      %select_n3A_111 = arith.select %eq3A_106, %broadcast_in_dim3A_108, %broadcast_in_dim3A_110 : vector<1x128xi1>, vector<1x128xf32>
      %select_n3A_112 = arith.select %eq3A_101, %broadcast_in_dim3A_103, %select_n3A_111 : vector<1x128xi1>, vector<1x128xf32>
      %select_n3A_113 = arith.select %eq3A_96, %broadcast_in_dim3A_98, %select_n3A_112 : vector<1x128xi1>, vector<1x128xf32>
      %broadcast_in_dim3A_114 = vector.shape_cast %gt3A_23 : vector<1x1xi1> to vector<1x1xi1>
      %broadcast_in_dim3A_115 = vector.broadcast %broadcast_in_dim3A_114 : vector<1x1xi1> to vector<1x128xi1>
      %select_n3A_116 = arith.select %broadcast_in_dim3A_115, %select_n3A_113, %get3A_9 : vector<1x128xi1>, vector<1x128xf32>
      %swap3A_117 = arith.index_cast %scan3A_14 : i32 to index
      %swap3A_118 = arith.constant 0 : index
      %swap3A_119 = vector.load %arg8[%swap3A_117, %swap3A_118] : memref<304x128xf32, #tpu.memory_space<vmem>>, vector<1x128xf32>
      tpu.vector_store %arg8[%swap3A_117, %swap3A_118], %select_n3A_116 {strides = array<i32>} : memref<304x128xf32, #tpu.memory_space<vmem>>, vector<1x128xf32>,
      %broadcast_in_dim3A_120 = vector.shape_cast %broadcast_in_dim3A_57 : vector<1x1xf32> to vector<1x1xf32>
      %broadcast_in_dim3A_121 = vector.broadcast %broadcast_in_dim3A_120 : vector<1x1xf32> to vector<48x128xf32>
      %get3A_122 = arith.constant 0 : index
      %get3A_123 = arith.constant 0 : index
      %get3A_124 = vector.load %arg2[%get3A_122, %get3A_123] : memref<48x128xf32, #tpu.memory_space<vmem>>, vector<48x128xf32>
      %max3A = arith.maximumf %broadcast_in_dim3A_121, %get3A_124 : vector<48x128xf32>
      %broadcast_in_dim3A_125 = vector.shape_cast %broadcast_in_dim3A_45 : vector<1x1xf32> to vector<1x1xf32>
      %broadcast_in_dim3A_126 = vector.broadcast %broadcast_in_dim3A_125 : vector<1x1xf32> to vector<48x128xf32>
      %get3A_127 = arith.constant 0 : index
      %get3A_128 = arith.constant 0 : index
      %get3A_129 = vector.load %arg1[%get3A_127, %get3A_128] : memref<48x128xf32, #tpu.memory_space<vmem>>, vector<48x128xf32>
      %max3A_130 = arith.maximumf %broadcast_in_dim3A_126, %get3A_129 : vector<48x128xf32>
      %broadcast_in_dim3A_131 = vector.shape_cast %broadcast_in_dim3A_81 : vector<1x1xf32> to vector<1x1xf32>
      %broadcast_in_dim3A_132 = vector.broadcast %broadcast_in_dim3A_131 : vector<1x1xf32> to vector<48x128xf32>
      %get3A_133 = arith.constant 0 : index
      %get3A_134 = arith.constant 0 : index
      %get3A_135 = vector.load %arg4[%get3A_133, %get3A_134] : memref<48x128xf32, #tpu.memory_space<vmem>>, vector<48x128xf32>
      %min3A = arith.minimumf %broadcast_in_dim3A_132, %get3A_135 : vector<48x128xf32>
      %broadcast_in_dim3A_136 = vector.shape_cast %broadcast_in_dim3A_69 : vector<1x1xf32> to vector<1x1xf32>
      %broadcast_in_dim3A_137 = vector.broadcast %broadcast_in_dim3A_136 : vector<1x1xf32> to vector<48x128xf32>
      %get3A_138 = arith.constant 0 : index
      %get3A_139 = arith.constant 0 : index
      %get3A_140 = vector.load %arg3[%get3A_138, %get3A_139] : memref<48x128xf32, #tpu.memory_space<vmem>>, vector<48x128xf32>
      %min3A_141 = arith.minimumf %broadcast_in_dim3A_137, %get3A_140 : vector<48x128xf32>
      %sub3A = arith.subf %min3A, %max3A : vector<48x128xf32>
      %max3A_142 = arith.constant 0.000000e+00 : f32
      %max3A_143 = vector.broadcast %max3A_142 : f32 to vector<48x128xf32>
      %max3A_144 = arith.maximumf %sub3A, %max3A_143 : vector<48x128xf32>
      %sub3A_145 = arith.subf %min3A_141, %max3A_130 : vector<48x128xf32>
      %max3A_146 = arith.constant 0.000000e+00 : f32
      %max3A_147 = vector.broadcast %max3A_146 : f32 to vector<48x128xf32>
      %max3A_148 = arith.maximumf %sub3A_145, %max3A_147 : vector<48x128xf32>
      %mul3A = arith.mulf %max3A_144, %max3A_148 : vector<48x128xf32>
      %broadcast_in_dim3A_149 = vector.shape_cast %broadcast_in_dim3A_93 : vector<1x1xf32> to vector<1x1xf32>
      %broadcast_in_dim3A_150 = vector.broadcast %broadcast_in_dim3A_149 : vector<1x1xf32> to vector<48x128xf32>
      %get3A_151 = arith.constant 0 : index
      %get3A_152 = arith.constant 0 : index
      %get3A_153 = vector.load %arg5[%get3A_151, %get3A_152] : memref<48x128xf32, #tpu.memory_space<vmem>>, vector<48x128xf32>
      %add3A = arith.addf %broadcast_in_dim3A_150, %get3A_153 : vector<48x128xf32>
      %sub3A_154 = arith.subf %add3A, %mul3A : vector<48x128xf32>
      %add3A_155 = arith.constant 9.99999971E-10 : f32
      %add3A_156 = vector.broadcast %add3A_155 : f32 to vector<48x128xf32>
      %add3A_157 = arith.addf %sub3A_154, %add3A_156 : vector<48x128xf32>
      %div3A = arith.divf %mul3A, %add3A_157 : vector<48x128xf32>
      %gt3A_158 = arith.constant 0.699999988 : f32
      %gt3A_159 = vector.broadcast %gt3A_158 : f32 to vector<48x128xf32>
      %gt3A_160 = arith.cmpf ogt, %div3A, %gt3A_159 : vector<48x128xf32>
      %or3A = arith.ori %gt3A_160, %eq3A_34 : vector<48x128xi1>
      %broadcast_in_dim3A_161 = vector.shape_cast %gt3A_23 : vector<1x1xi1> to vector<1x1xi1>
      %broadcast_in_dim3A_162 = vector.broadcast %broadcast_in_dim3A_161 : vector<1x1xi1> to vector<48x128xi1>
      %and3A = arith.andi %broadcast_in_dim3A_162, %or3A : vector<48x128xi1>
      %jit3A_163 = arith.constant -1.000000e+30 : f32
      %broadcast_in_dim3A_164 = vector.broadcast %jit3A_163 : f32 to vector<48x128xf32>
      %select_n3A_165 = arith.select %and3A, %broadcast_in_dim3A_164, %get3A_17 : vector<48x128xi1>, vector<48x128xf32>
      %swap3A_166 = arith.constant 0 : index
      %swap3A_167 = arith.constant 0 : index
      %swap3A_168 = vector.load %arg9[%swap3A_166, %swap3A_167] : memref<48x128xf32, #tpu.memory_space<vmem>>, vector<48x128xf32>
      tpu.vector_store %arg9[%swap3A_166, %swap3A_167], %select_n3A_165 {strides = array<i32>} : memref<48x128xf32, #tpu.memory_space<vmem>>, vector<48x128xf32>,
    }
    %scan3A_13 = arith.constant 300 : i32
    return
  }
}

module attributes {stable_mosaic.version = 14 : i64} {
  func.func @_select_body(%arg0: memref<4x160x128xf32, #tpu.memory_space<vmem>>, %arg1: memref<4x160x128xf32, #tpu.memory_space<vmem>>, %arg2: memref<160x128xf32, #tpu.memory_space<vmem>>, %arg3: memref<2xi32, #tpu.memory_space<smem>>, %arg4: memref<160x128xi32, #tpu.memory_space<vmem>>, %arg5: memref<160x128xi32, #tpu.memory_space<vmem>>, %arg6: memref<160x128xf32, #tpu.memory_space<vmem>>, %arg7: memref<160x128xf32, #tpu.memory_space<vmem>>, %arg8: memref<160x128xf32, #tpu.memory_space<vmem>>, %arg9: memref<160x128xf32, #tpu.memory_space<vmem>>, %arg10: memref<160x128xf32, #tpu.memory_space<vmem>>, %arg11: memref<160x128xf32, #tpu.memory_space<vmem>>, %arg12: memref<8x128xf32, #tpu.memory_space<vmem>>) attributes {dimension_semantics = [], scalar_prefetch = 0 : i64, scratch_operands = 0 : i64, tpu.core_type = #tpu.core_type<tc>} {
    %get3A = arith.constant 0 : index
    %get3A_0 = memref.load %arg3[%get3A] : memref<2xi32, #tpu.memory_space<smem>>
    %convert_element_type3A = arith.sitofp %get3A_0 : i32 to f32
    %get3A_1 = arith.constant 1 : index
    %get3A_2 = memref.load %arg3[%get3A_1] : memref<2xi32, #tpu.memory_space<smem>>
    %convert_element_type3A_3 = arith.sitofp %get3A_2 : i32 to f32
    %get3A_4 = arith.constant 0 : index
    %get3A_5 = arith.constant 0 : index
    %get3A_6 = arith.constant 0 : index
    %get3A_7 = vector.load %arg0[%get3A_4, %get3A_5, %get3A_6] : memref<4x160x128xf32, #tpu.memory_space<vmem>>, vector<1x160x128xf32>
    %get3A_8 = vector.shape_cast %get3A_7 : vector<1x160x128xf32> to vector<160x128xf32>
    %get3A_9 = arith.constant 1 : index
    %get3A_10 = arith.constant 0 : index
    %get3A_11 = arith.constant 0 : index
    %get3A_12 = vector.load %arg0[%get3A_9, %get3A_10, %get3A_11] : memref<4x160x128xf32, #tpu.memory_space<vmem>>, vector<1x160x128xf32>
    %get3A_13 = vector.shape_cast %get3A_12 : vector<1x160x128xf32> to vector<160x128xf32>
    %get3A_14 = arith.constant 2 : index
    %get3A_15 = arith.constant 0 : index
    %get3A_16 = arith.constant 0 : index
    %get3A_17 = vector.load %arg0[%get3A_14, %get3A_15, %get3A_16] : memref<4x160x128xf32, #tpu.memory_space<vmem>>, vector<1x160x128xf32>
    %get3A_18 = vector.shape_cast %get3A_17 : vector<1x160x128xf32> to vector<160x128xf32>
    %get3A_19 = arith.constant 3 : index
    %get3A_20 = arith.constant 0 : index
    %get3A_21 = arith.constant 0 : index
    %get3A_22 = vector.load %arg0[%get3A_19, %get3A_20, %get3A_21] : memref<4x160x128xf32, #tpu.memory_space<vmem>>, vector<1x160x128xf32>
    %get3A_23 = vector.shape_cast %get3A_22 : vector<1x160x128xf32> to vector<160x128xf32>
    %get3A_24 = arith.constant 0 : index
    %get3A_25 = arith.constant 0 : index
    %get3A_26 = arith.constant 0 : index
    %get3A_27 = vector.load %arg1[%get3A_24, %get3A_25, %get3A_26] : memref<4x160x128xf32, #tpu.memory_space<vmem>>, vector<1x160x128xf32>
    %get3A_28 = vector.shape_cast %get3A_27 : vector<1x160x128xf32> to vector<160x128xf32>
    %get3A_29 = arith.constant 1 : index
    %get3A_30 = arith.constant 0 : index
    %get3A_31 = arith.constant 0 : index
    %get3A_32 = vector.load %arg1[%get3A_29, %get3A_30, %get3A_31] : memref<4x160x128xf32, #tpu.memory_space<vmem>>, vector<1x160x128xf32>
    %get3A_33 = vector.shape_cast %get3A_32 : vector<1x160x128xf32> to vector<160x128xf32>
    %get3A_34 = arith.constant 2 : index
    %get3A_35 = arith.constant 0 : index
    %get3A_36 = arith.constant 0 : index
    %get3A_37 = vector.load %arg1[%get3A_34, %get3A_35, %get3A_36] : memref<4x160x128xf32, #tpu.memory_space<vmem>>, vector<1x160x128xf32>
    %get3A_38 = vector.shape_cast %get3A_37 : vector<1x160x128xf32> to vector<160x128xf32>
    %get3A_39 = arith.constant 3 : index
    %get3A_40 = arith.constant 0 : index
    %get3A_41 = arith.constant 0 : index
    %get3A_42 = vector.load %arg1[%get3A_39, %get3A_40, %get3A_41] : memref<4x160x128xf32, #tpu.memory_space<vmem>>, vector<1x160x128xf32>
    %get3A_43 = vector.shape_cast %get3A_42 : vector<1x160x128xf32> to vector<160x128xf32>
    %sub3A = arith.subf %get3A_18, %get3A_8 : vector<160x128xf32>
    %sub3A_44 = arith.subf %get3A_23, %get3A_13 : vector<160x128xf32>
    %mul3A = arith.constant 5.000000e-01 : f32
    %mul3A_45 = vector.broadcast %mul3A : f32 to vector<160x128xf32>
    %mul3A_46 = arith.mulf %mul3A_45, %sub3A : vector<160x128xf32>
    %add3A = arith.addf %get3A_8, %mul3A_46 : vector<160x128xf32>
    %mul3A_47 = arith.constant 5.000000e-01 : f32
    %mul3A_48 = vector.broadcast %mul3A_47 : f32 to vector<160x128xf32>
    %mul3A_49 = arith.mulf %mul3A_48, %sub3A_44 : vector<160x128xf32>
    %add3A_50 = arith.addf %get3A_13, %mul3A_49 : vector<160x128xf32>
    %mul3A_51 = arith.mulf %get3A_28, %sub3A : vector<160x128xf32>
    %add3A_52 = arith.addf %mul3A_51, %add3A : vector<160x128xf32>
    %mul3A_53 = arith.mulf %get3A_33, %sub3A_44 : vector<160x128xf32>
    %add3A_54 = arith.addf %mul3A_53, %add3A_50 : vector<160x128xf32>
    %exp3A = math.exp %get3A_38 : vector<160x128xf32>
    %mul3A_55 = arith.mulf %exp3A, %sub3A : vector<160x128xf32>
    %exp3A_56 = math.exp %get3A_43 : vector<160x128xf32>
    %mul3A_57 = arith.mulf %exp3A_56, %sub3A_44 : vector<160x128xf32>
    %mul3A_58 = arith.constant 5.000000e-01 : f32
    %mul3A_59 = vector.broadcast %mul3A_58 : f32 to vector<160x128xf32>
    %mul3A_60 = arith.mulf %mul3A_59, %mul3A_55 : vector<160x128xf32>
    %sub3A_61 = arith.subf %add3A_52, %mul3A_60 : vector<160x128xf32>
    %jit3A = arith.constant 0.000000e+00 : f32
    %max3A = vector.broadcast %jit3A : f32 to vector<160x128xf32>
    %max3A_62 = arith.maximumf %max3A, %sub3A_61 : vector<160x128xf32>
    %min3A = vector.broadcast %convert_element_type3A : f32 to vector<160x128xf32>
    %min3A_63 = arith.minimumf %min3A, %max3A_62 : vector<160x128xf32>
    %mul3A_64 = arith.constant 5.000000e-01 : f32
    %mul3A_65 = vector.broadcast %mul3A_64 : f32 to vector<160x128xf32>
    %mul3A_66 = arith.mulf %mul3A_65, %mul3A_57 : vector<160x128xf32>
    %sub3A_67 = arith.subf %add3A_54, %mul3A_66 : vector<160x128xf32>
    %jit3A_68 = arith.constant 0.000000e+00 : f32
    %max3A_69 = vector.broadcast %jit3A_68 : f32 to vector<160x128xf32>
    %max3A_70 = arith.maximumf %max3A_69, %sub3A_67 : vector<160x128xf32>
    %min3A_71 = vector.broadcast %convert_element_type3A_3 : f32 to vector<160x128xf32>
    %min3A_72 = arith.minimumf %min3A_71, %max3A_70 : vector<160x128xf32>
    %mul3A_73 = arith.constant 5.000000e-01 : f32
    %mul3A_74 = vector.broadcast %mul3A_73 : f32 to vector<160x128xf32>
    %mul3A_75 = arith.mulf %mul3A_74, %mul3A_55 : vector<160x128xf32>
    %add3A_76 = arith.addf %add3A_52, %mul3A_75 : vector<160x128xf32>
    %jit3A_77 = arith.constant 0.000000e+00 : f32
    %max3A_78 = vector.broadcast %jit3A_77 : f32 to vector<160x128xf32>
    %max3A_79 = arith.maximumf %max3A_78, %add3A_76 : vector<160x128xf32>
    %min3A_80 = vector.broadcast %convert_element_type3A : f32 to vector<160x128xf32>
    %min3A_81 = arith.minimumf %min3A_80, %max3A_79 : vector<160x128xf32>
    %mul3A_82 = arith.constant 5.000000e-01 : f32
    %mul3A_83 = vector.broadcast %mul3A_82 : f32 to vector<160x128xf32>
    %mul3A_84 = arith.mulf %mul3A_83, %mul3A_57 : vector<160x128xf32>
    %add3A_85 = arith.addf %add3A_54, %mul3A_84 : vector<160x128xf32>
    %jit3A_86 = arith.constant 0.000000e+00 : f32
    %max3A_87 = vector.broadcast %jit3A_86 : f32 to vector<160x128xf32>
    %max3A_88 = arith.maximumf %max3A_87, %add3A_85 : vector<160x128xf32>
    %min3A_89 = vector.broadcast %convert_element_type3A_3 : f32 to vector<160x128xf32>
    %min3A_90 = arith.minimumf %min3A_89, %max3A_88 : vector<160x128xf32>
    %sub3A_91 = arith.subf %min3A_81, %min3A_63 : vector<160x128xf32>
    %sub3A_92 = arith.subf %min3A_90, %min3A_72 : vector<160x128xf32>
    %ge3A = arith.constant 1.600000e+01 : f32
    %ge3A_93 = vector.broadcast %ge3A : f32 to vector<160x128xf32>
    %ge3A_94 = arith.cmpf oge, %sub3A_91, %ge3A_93 : vector<160x128xf32>
    %ge3A_95 = arith.constant 1.600000e+01 : f32
    %ge3A_96 = vector.broadcast %ge3A_95 : f32 to vector<160x128xf32>
    %ge3A_97 = arith.cmpf oge, %sub3A_92, %ge3A_96 : vector<160x128xf32>
    %and3A = arith.andi %ge3A_94, %ge3A_97 : vector<160x128xi1>
    %get3A_98 = arith.constant 0 : index
    %get3A_99 = arith.constant 0 : index
    %get3A_100 = vector.load %arg2[%get3A_98, %get3A_99] : memref<160x128xf32, #tpu.memory_space<vmem>>, vector<160x128xf32>
    %jit3A_101 = arith.constant -1.000000e+09 : f32
    %broadcast_in_dim3A = vector.broadcast %jit3A_101 : f32 to vector<160x128xf32>
    %select_n3A = arith.select %and3A, %get3A_100, %broadcast_in_dim3A : vector<160x128xi1>, vector<160x128xf32>
    %iota3A = tpu.iota {dimensions = array<i32: 0>} : vector<160x128xi32>
    %mul3A_102 = arith.constant 128 : i32
    %mul3A_103 = vector.broadcast %mul3A_102 : i32 to vector<160x128xi32>
    %mul3A_104 = arith.muli %iota3A, %mul3A_103 : vector<160x128xi32>
    %iota3A_105 = tpu.iota {dimensions = array<i32: 1>} : vector<160x128xi32>
    %add3A_106 = arith.addi %mul3A_104, %iota3A_105 : vector<160x128xi32>
    %lt3A = arith.constant 20000 : i32
    %lt3A_107 = vector.broadcast %lt3A : i32 to vector<160x128xi32>
    %lt3A_108 = arith.cmpi slt, %add3A_106, %lt3A_107 : vector<160x128xi32>
    %bitcast_convert_type3A = tpu.bitcast %select_n3A : vector<160x128xf32> -> vector<160x128xi32>
    %ge3A_109 = arith.constant 0 : i32
    %ge3A_110 = vector.broadcast %ge3A_109 : i32 to vector<160x128xi32>
    %ge3A_111 = arith.cmpi sge, %bitcast_convert_type3A, %ge3A_110 : vector<160x128xi32>
    %xor3A = arith.constant 2147483647 : i32
    %xor3A_112 = vector.broadcast %xor3A : i32 to vector<160x128xi32>
    %xor3A_113 = arith.xori %bitcast_convert_type3A, %xor3A_112 : vector<160x128xi32>
    %select_n3A_114 = arith.select %ge3A_111, %bitcast_convert_type3A, %xor3A_113 : vector<160x128xi1>, vector<160x128xi32>
    %jit3A_115 = arith.constant -2147483648 : i32
    %broadcast_in_dim3A_116 = vector.broadcast %jit3A_115 : i32 to vector<160x128xi32>
    %select_n3A_117 = arith.select %lt3A_108, %select_n3A_114, %broadcast_in_dim3A_116 : vector<160x128xi1>, vector<160x128xi32>
    %ge3A_118 = arith.constant 0 : i32
    %ge3A_119 = vector.broadcast %ge3A_118 : i32 to vector<160x128xi32>
    %ge3A_120 = arith.cmpi sge, %select_n3A_117, %ge3A_119 : vector<160x128xi32>
    %convert_element_type3A_121 = arith.extui %ge3A_120 : vector<160x128xi1> to vector<160x128xi32>
    %reduce_sum3A = arith.constant dense<0> : vector<128xi32>
    %reduce_sum3A_122 = vector.multi_reduction <add>, %convert_element_type3A_121, %reduce_sum3A [0] : vector<160x128xi32> to vector<128xi32>
    %broadcast_in_dim3A_123 = vector.shape_cast %reduce_sum3A_122 : vector<128xi32> to vector<1x128xi32>
    %reduce_sum3A_124 = arith.constant dense<0> : vector<1xi32>
    %reduce_sum3A_125 = vector.multi_reduction <add>, %broadcast_in_dim3A_123, %reduce_sum3A_124 [1] : vector<1x128xi32> to vector<1xi32>
    %broadcast_in_dim3A_126 = vector.shape_cast %reduce_sum3A_125 : vector<1xi32> to vector<1x1xi32>
    %ge3A_127 = arith.constant 6000 : i32
    %ge3A_128 = vector.broadcast %ge3A_127 : i32 to vector<1x1xi32>
    %ge3A_129 = arith.cmpi sge, %broadcast_in_dim3A_126, %ge3A_128 : vector<1x1xi32>
    %jit3A_130 = arith.constant 0 : i32
    %jit3A_131 = arith.constant -2147483648 : i32
    %broadcast_in_dim3A_132 = vector.broadcast %jit3A_130 : i32 to vector<1x1xi32>
    %broadcast_in_dim3A_133 = vector.broadcast %jit3A_131 : i32 to vector<1x1xi32>
    %select_n3A_134 = arith.select %ge3A_129, %broadcast_in_dim3A_132, %broadcast_in_dim3A_133 : vector<1x1xi1>, vector<1x1xi32>
    %or3A = arith.constant 1073741824 : i32
    %or3A_135 = vector.broadcast %or3A : i32 to vector<1x1xi32>
    %or3A_136 = arith.ori %select_n3A_134, %or3A_135 : vector<1x1xi32>
    %broadcast_in_dim3A_137 = vector.shape_cast %or3A_136 : vector<1x1xi32> to vector<1x1xi32>
    %broadcast_in_dim3A_138 = vector.broadcast %broadcast_in_dim3A_137 : vector<1x1xi32> to vector<160x128xi32>
    %ge3A_139 = arith.cmpi sge, %select_n3A_117, %broadcast_in_dim3A_138 : vector<160x128xi32>
    %convert_element_type3A_140 = arith.extui %ge3A_139 : vector<160x128xi1> to vector<160x128xi32>
    %reduce_sum3A_141 = arith.constant dense<0> : vector<128xi32>
    %reduce_sum3A_142 = vector.multi_reduction <add>, %convert_element_type3A_140, %reduce_sum3A_141 [0] : vector<160x128xi32> to vector<128xi32>
    %broadcast_in_dim3A_143 = vector.shape_cast %reduce_sum3A_142 : vector<128xi32> to vector<1x128xi32>
    %reduce_sum3A_144 = arith.constant dense<0> : vector<1xi32>
    %reduce_sum3A_145 = vector.multi_reduction <add>, %broadcast_in_dim3A_143, %reduce_sum3A_144 [1] : vector<1x128xi32> to vector<1xi32>
    %broadcast_in_dim3A_146 = vector.shape_cast %reduce_sum3A_145 : vector<1xi32> to vector<1x1xi32>
    %ge3A_147 = arith.constant 6000 : i32
    %ge3A_148 = vector.broadcast %ge3A_147 : i32 to vector<1x1xi32>
    %ge3A_149 = arith.cmpi sge, %broadcast_in_dim3A_146, %ge3A_148 : vector<1x1xi32>
    %select_n3A_150 = arith.select %ge3A_149, %or3A_136, %select_n3A_134 : vector<1x1xi1>, vector<1x1xi32>
    %or3A_151 = arith.constant 536870912 : i32
    %or3A_152 = vector.broadcast %or3A_151 : i32 to vector<1x1xi32>
    %or3A_153 = arith.ori %select_n3A_150, %or3A_152 : vector<1x1xi32>
    %broadcast_in_dim3A_154 = vector.shape_cast %or3A_153 : vector<1x1xi32> to vector<1x1xi32>
    %broadcast_in_dim3A_155 = vector.broadcast %broadcast_in_dim3A_154 : vector<1x1xi32> to vector<160x128xi32>
    %ge3A_156 = arith.cmpi sge, %select_n3A_117, %broadcast_in_dim3A_155 : vector<160x128xi32>
    %convert_element_type3A_157 = arith.extui %ge3A_156 : vector<160x128xi1> to vector<160x128xi32>
    %reduce_sum3A_158 = arith.constant dense<0> : vector<128xi32>
    %reduce_sum3A_159 = vector.multi_reduction <add>, %convert_element_type3A_157, %reduce_sum3A_158 [0] : vector<160x128xi32> to vector<128xi32>
    %broadcast_in_dim3A_160 = vector.shape_cast %reduce_sum3A_159 : vector<128xi32> to vector<1x128xi32>
    %reduce_sum3A_161 = arith.constant dense<0> : vector<1xi32>
    %reduce_sum3A_162 = vector.multi_reduction <add>, %broadcast_in_dim3A_160, %reduce_sum3A_161 [1] : vector<1x128xi32> to vector<1xi32>
    %broadcast_in_dim3A_163 = vector.shape_cast %reduce_sum3A_162 : vector<1xi32> to vector<1x1xi32>
    %ge3A_164 = arith.constant 6000 : i32
    %ge3A_165 = vector.broadcast %ge3A_164 : i32 to vector<1x1xi32>
    %ge3A_166 = arith.cmpi sge, %broadcast_in_dim3A_163, %ge3A_165 : vector<1x1xi32>
    %select_n3A_167 = arith.select %ge3A_166, %or3A_153, %select_n3A_150 : vector<1x1xi1>, vector<1x1xi32>
    %or3A_168 = arith.constant 268435456 : i32
    %or3A_169 = vector.broadcast %or3A_168 : i32 to vector<1x1xi32>
    %or3A_170 = arith.ori %select_n3A_167, %or3A_169 : vector<1x1xi32>
    %broadcast_in_dim3A_171 = vector.shape_cast %or3A_170 : vector<1x1xi32> to vector<1x1xi32>
    %broadcast_in_dim3A_172 = vector.broadcast %broadcast_in_dim3A_171 : vector<1x1xi32> to vector<160x128xi32>
    %ge3A_173 = arith.cmpi sge, %select_n3A_117, %broadcast_in_dim3A_172 : vector<160x128xi32>
    %convert_element_type3A_174 = arith.extui %ge3A_173 : vector<160x128xi1> to vector<160x128xi32>
    %reduce_sum3A_175 = arith.constant dense<0> : vector<128xi32>
    %reduce_sum3A_176 = vector.multi_reduction <add>, %convert_element_type3A_174, %reduce_sum3A_175 [0] : vector<160x128xi32> to vector<128xi32>
    %broadcast_in_dim3A_177 = vector.shape_cast %reduce_sum3A_176 : vector<128xi32> to vector<1x128xi32>
    %reduce_sum3A_178 = arith.constant dense<0> : vector<1xi32>
    %reduce_sum3A_179 = vector.multi_reduction <add>, %broadcast_in_dim3A_177, %reduce_sum3A_178 [1] : vector<1x128xi32> to vector<1xi32>
    %broadcast_in_dim3A_180 = vector.shape_cast %reduce_sum3A_179 : vector<1xi32> to vector<1x1xi32>
    %ge3A_181 = arith.constant 6000 : i32
    %ge3A_182 = vector.broadcast %ge3A_181 : i32 to vector<1x1xi32>
    %ge3A_183 = arith.cmpi sge, %broadcast_in_dim3A_180, %ge3A_182 : vector<1x1xi32>
    %select_n3A_184 = arith.select %ge3A_183, %or3A_170, %select_n3A_167 : vector<1x1xi1>, vector<1x1xi32>
    %or3A_185 = arith.constant 134217728 : i32
    %or3A_186 = vector.broadcast %or3A_185 : i32 to vector<1x1xi32>
    %or3A_187 = arith.ori %select_n3A_184, %or3A_186 : vector<1x1xi32>
    %broadcast_in_dim3A_188 = vector.shape_cast %or3A_187 : vector<1x1xi32> to vector<1x1xi32>
    %broadcast_in_dim3A_189 = vector.broadcast %broadcast_in_dim3A_188 : vector<1x1xi32> to vector<160x128xi32>
    %ge3A_190 = arith.cmpi sge, %select_n3A_117, %broadcast_in_dim3A_189 : vector<160x128xi32>
    %convert_element_type3A_191 = arith.extui %ge3A_190 : vector<160x128xi1> to vector<160x128xi32>
    %reduce_sum3A_192 = arith.constant dense<0> : vector<128xi32>
    %reduce_sum3A_193 = vector.multi_reduction <add>, %convert_element_type3A_191, %reduce_sum3A_192 [0] : vector<160x128xi32> to vector<128xi32>
    %broadcast_in_dim3A_194 = vector.shape_cast %reduce_sum3A_193 : vector<128xi32> to vector<1x128xi32>
    %reduce_sum3A_195 = arith.constant dense<0> : vector<1xi32>
    %reduce_sum3A_196 = vector.multi_reduction <add>, %broadcast_in_dim3A_194, %reduce_sum3A_195 [1] : vector<1x128xi32> to vector<1xi32>
    %broadcast_in_dim3A_197 = vector.shape_cast %reduce_sum3A_196 : vector<1xi32> to vector<1x1xi32>
    %ge3A_198 = arith.constant 6000 : i32
    %ge3A_199 = vector.broadcast %ge3A_198 : i32 to vector<1x1xi32>
    %ge3A_200 = arith.cmpi sge, %broadcast_in_dim3A_197, %ge3A_199 : vector<1x1xi32>
    %select_n3A_201 = arith.select %ge3A_200, %or3A_187, %select_n3A_184 : vector<1x1xi1>, vector<1x1xi32>
    %or3A_202 = arith.constant 67108864 : i32
    %or3A_203 = vector.broadcast %or3A_202 : i32 to vector<1x1xi32>
    %or3A_204 = arith.ori %select_n3A_201, %or3A_203 : vector<1x1xi32>
    %broadcast_in_dim3A_205 = vector.shape_cast %or3A_204 : vector<1x1xi32> to vector<1x1xi32>
    %broadcast_in_dim3A_206 = vector.broadcast %broadcast_in_dim3A_205 : vector<1x1xi32> to vector<160x128xi32>
    %ge3A_207 = arith.cmpi sge, %select_n3A_117, %broadcast_in_dim3A_206 : vector<160x128xi32>
    %convert_element_type3A_208 = arith.extui %ge3A_207 : vector<160x128xi1> to vector<160x128xi32>
    %reduce_sum3A_209 = arith.constant dense<0> : vector<128xi32>
    %reduce_sum3A_210 = vector.multi_reduction <add>, %convert_element_type3A_208, %reduce_sum3A_209 [0] : vector<160x128xi32> to vector<128xi32>
    %broadcast_in_dim3A_211 = vector.shape_cast %reduce_sum3A_210 : vector<128xi32> to vector<1x128xi32>
    %reduce_sum3A_212 = arith.constant dense<0> : vector<1xi32>
    %reduce_sum3A_213 = vector.multi_reduction <add>, %broadcast_in_dim3A_211, %reduce_sum3A_212 [1] : vector<1x128xi32> to vector<1xi32>
    %broadcast_in_dim3A_214 = vector.shape_cast %reduce_sum3A_213 : vector<1xi32> to vector<1x1xi32>
    %ge3A_215 = arith.constant 6000 : i32
    %ge3A_216 = vector.broadcast %ge3A_215 : i32 to vector<1x1xi32>
    %ge3A_217 = arith.cmpi sge, %broadcast_in_dim3A_214, %ge3A_216 : vector<1x1xi32>
    %select_n3A_218 = arith.select %ge3A_217, %or3A_204, %select_n3A_201 : vector<1x1xi1>, vector<1x1xi32>
    %or3A_219 = arith.constant 33554432 : i32
    %or3A_220 = vector.broadcast %or3A_219 : i32 to vector<1x1xi32>
    %or3A_221 = arith.ori %select_n3A_218, %or3A_220 : vector<1x1xi32>
    %broadcast_in_dim3A_222 = vector.shape_cast %or3A_221 : vector<1x1xi32> to vector<1x1xi32>
    %broadcast_in_dim3A_223 = vector.broadcast %broadcast_in_dim3A_222 : vector<1x1xi32> to vector<160x128xi32>
    %ge3A_224 = arith.cmpi sge, %select_n3A_117, %broadcast_in_dim3A_223 : vector<160x128xi32>
    %convert_element_type3A_225 = arith.extui %ge3A_224 : vector<160x128xi1> to vector<160x128xi32>
    %reduce_sum3A_226 = arith.constant dense<0> : vector<128xi32>
    %reduce_sum3A_227 = vector.multi_reduction <add>, %convert_element_type3A_225, %reduce_sum3A_226 [0] : vector<160x128xi32> to vector<128xi32>
    %broadcast_in_dim3A_228 = vector.shape_cast %reduce_sum3A_227 : vector<128xi32> to vector<1x128xi32>
    %reduce_sum3A_229 = arith.constant dense<0> : vector<1xi32>
    %reduce_sum3A_230 = vector.multi_reduction <add>, %broadcast_in_dim3A_228, %reduce_sum3A_229 [1] : vector<1x128xi32> to vector<1xi32>
    %broadcast_in_dim3A_231 = vector.shape_cast %reduce_sum3A_230 : vector<1xi32> to vector<1x1xi32>
    %ge3A_232 = arith.constant 6000 : i32
    %ge3A_233 = vector.broadcast %ge3A_232 : i32 to vector<1x1xi32>
    %ge3A_234 = arith.cmpi sge, %broadcast_in_dim3A_231, %ge3A_233 : vector<1x1xi32>
    %select_n3A_235 = arith.select %ge3A_234, %or3A_221, %select_n3A_218 : vector<1x1xi1>, vector<1x1xi32>
    %or3A_236 = arith.constant 16777216 : i32
    %or3A_237 = vector.broadcast %or3A_236 : i32 to vector<1x1xi32>
    %or3A_238 = arith.ori %select_n3A_235, %or3A_237 : vector<1x1xi32>
    %broadcast_in_dim3A_239 = vector.shape_cast %or3A_238 : vector<1x1xi32> to vector<1x1xi32>
    %broadcast_in_dim3A_240 = vector.broadcast %broadcast_in_dim3A_239 : vector<1x1xi32> to vector<160x128xi32>
    %ge3A_241 = arith.cmpi sge, %select_n3A_117, %broadcast_in_dim3A_240 : vector<160x128xi32>
    %convert_element_type3A_242 = arith.extui %ge3A_241 : vector<160x128xi1> to vector<160x128xi32>
    %reduce_sum3A_243 = arith.constant dense<0> : vector<128xi32>
    %reduce_sum3A_244 = vector.multi_reduction <add>, %convert_element_type3A_242, %reduce_sum3A_243 [0] : vector<160x128xi32> to vector<128xi32>
    %broadcast_in_dim3A_245 = vector.shape_cast %reduce_sum3A_244 : vector<128xi32> to vector<1x128xi32>
    %reduce_sum3A_246 = arith.constant dense<0> : vector<1xi32>
    %reduce_sum3A_247 = vector.multi_reduction <add>, %broadcast_in_dim3A_245, %reduce_sum3A_246 [1] : vector<1x128xi32> to vector<1xi32>
    %broadcast_in_dim3A_248 = vector.shape_cast %reduce_sum3A_247 : vector<1xi32> to vector<1x1xi32>
    %ge3A_249 = arith.constant 6000 : i32
    %ge3A_250 = vector.broadcast %ge3A_249 : i32 to vector<1x1xi32>
    %ge3A_251 = arith.cmpi sge, %broadcast_in_dim3A_248, %ge3A_250 : vector<1x1xi32>
    %select_n3A_252 = arith.select %ge3A_251, %or3A_238, %select_n3A_235 : vector<1x1xi1>, vector<1x1xi32>
    %or3A_253 = arith.constant 8388608 : i32
    %or3A_254 = vector.broadcast %or3A_253 : i32 to vector<1x1xi32>
    %or3A_255 = arith.ori %select_n3A_252, %or3A_254 : vector<1x1xi32>
    %broadcast_in_dim3A_256 = vector.shape_cast %or3A_255 : vector<1x1xi32> to vector<1x1xi32>
    %broadcast_in_dim3A_257 = vector.broadcast %broadcast_in_dim3A_256 : vector<1x1xi32> to vector<160x128xi32>
    %ge3A_258 = arith.cmpi sge, %select_n3A_117, %broadcast_in_dim3A_257 : vector<160x128xi32>
    %convert_element_type3A_259 = arith.extui %ge3A_258 : vector<160x128xi1> to vector<160x128xi32>
    %reduce_sum3A_260 = arith.constant dense<0> : vector<128xi32>
    %reduce_sum3A_261 = vector.multi_reduction <add>, %convert_element_type3A_259, %reduce_sum3A_260 [0] : vector<160x128xi32> to vector<128xi32>
    %broadcast_in_dim3A_262 = vector.shape_cast %reduce_sum3A_261 : vector<128xi32> to vector<1x128xi32>
    %reduce_sum3A_263 = arith.constant dense<0> : vector<1xi32>
    %reduce_sum3A_264 = vector.multi_reduction <add>, %broadcast_in_dim3A_262, %reduce_sum3A_263 [1] : vector<1x128xi32> to vector<1xi32>
    %broadcast_in_dim3A_265 = vector.shape_cast %reduce_sum3A_264 : vector<1xi32> to vector<1x1xi32>
    %ge3A_266 = arith.constant 6000 : i32
    %ge3A_267 = vector.broadcast %ge3A_266 : i32 to vector<1x1xi32>
    %ge3A_268 = arith.cmpi sge, %broadcast_in_dim3A_265, %ge3A_267 : vector<1x1xi32>
    %select_n3A_269 = arith.select %ge3A_268, %or3A_255, %select_n3A_252 : vector<1x1xi1>, vector<1x1xi32>
    %or3A_270 = arith.constant 4194304 : i32
    %or3A_271 = vector.broadcast %or3A_270 : i32 to vector<1x1xi32>
    %or3A_272 = arith.ori %select_n3A_269, %or3A_271 : vector<1x1xi32>
    %broadcast_in_dim3A_273 = vector.shape_cast %or3A_272 : vector<1x1xi32> to vector<1x1xi32>
    %broadcast_in_dim3A_274 = vector.broadcast %broadcast_in_dim3A_273 : vector<1x1xi32> to vector<160x128xi32>
    %ge3A_275 = arith.cmpi sge, %select_n3A_117, %broadcast_in_dim3A_274 : vector<160x128xi32>
    %convert_element_type3A_276 = arith.extui %ge3A_275 : vector<160x128xi1> to vector<160x128xi32>
    %reduce_sum3A_277 = arith.constant dense<0> : vector<128xi32>
    %reduce_sum3A_278 = vector.multi_reduction <add>, %convert_element_type3A_276, %reduce_sum3A_277 [0] : vector<160x128xi32> to vector<128xi32>
    %broadcast_in_dim3A_279 = vector.shape_cast %reduce_sum3A_278 : vector<128xi32> to vector<1x128xi32>
    %reduce_sum3A_280 = arith.constant dense<0> : vector<1xi32>
    %reduce_sum3A_281 = vector.multi_reduction <add>, %broadcast_in_dim3A_279, %reduce_sum3A_280 [1] : vector<1x128xi32> to vector<1xi32>
    %broadcast_in_dim3A_282 = vector.shape_cast %reduce_sum3A_281 : vector<1xi32> to vector<1x1xi32>
    %ge3A_283 = arith.constant 6000 : i32
    %ge3A_284 = vector.broadcast %ge3A_283 : i32 to vector<1x1xi32>
    %ge3A_285 = arith.cmpi sge, %broadcast_in_dim3A_282, %ge3A_284 : vector<1x1xi32>
    %select_n3A_286 = arith.select %ge3A_285, %or3A_272, %select_n3A_269 : vector<1x1xi1>, vector<1x1xi32>
    %or3A_287 = arith.constant 2097152 : i32
    %or3A_288 = vector.broadcast %or3A_287 : i32 to vector<1x1xi32>
    %or3A_289 = arith.ori %select_n3A_286, %or3A_288 : vector<1x1xi32>
    %broadcast_in_dim3A_290 = vector.shape_cast %or3A_289 : vector<1x1xi32> to vector<1x1xi32>
    %broadcast_in_dim3A_291 = vector.broadcast %broadcast_in_dim3A_290 : vector<1x1xi32> to vector<160x128xi32>
    %ge3A_292 = arith.cmpi sge, %select_n3A_117, %broadcast_in_dim3A_291 : vector<160x128xi32>
    %convert_element_type3A_293 = arith.extui %ge3A_292 : vector<160x128xi1> to vector<160x128xi32>
    %reduce_sum3A_294 = arith.constant dense<0> : vector<128xi32>
    %reduce_sum3A_295 = vector.multi_reduction <add>, %convert_element_type3A_293, %reduce_sum3A_294 [0] : vector<160x128xi32> to vector<128xi32>
    %broadcast_in_dim3A_296 = vector.shape_cast %reduce_sum3A_295 : vector<128xi32> to vector<1x128xi32>
    %reduce_sum3A_297 = arith.constant dense<0> : vector<1xi32>
    %reduce_sum3A_298 = vector.multi_reduction <add>, %broadcast_in_dim3A_296, %reduce_sum3A_297 [1] : vector<1x128xi32> to vector<1xi32>
    %broadcast_in_dim3A_299 = vector.shape_cast %reduce_sum3A_298 : vector<1xi32> to vector<1x1xi32>
    %ge3A_300 = arith.constant 6000 : i32
    %ge3A_301 = vector.broadcast %ge3A_300 : i32 to vector<1x1xi32>
    %ge3A_302 = arith.cmpi sge, %broadcast_in_dim3A_299, %ge3A_301 : vector<1x1xi32>
    %select_n3A_303 = arith.select %ge3A_302, %or3A_289, %select_n3A_286 : vector<1x1xi1>, vector<1x1xi32>
    %or3A_304 = arith.constant 1048576 : i32
    %or3A_305 = vector.broadcast %or3A_304 : i32 to vector<1x1xi32>
    %or3A_306 = arith.ori %select_n3A_303, %or3A_305 : vector<1x1xi32>
    %broadcast_in_dim3A_307 = vector.shape_cast %or3A_306 : vector<1x1xi32> to vector<1x1xi32>
    %broadcast_in_dim3A_308 = vector.broadcast %broadcast_in_dim3A_307 : vector<1x1xi32> to vector<160x128xi32>
    %ge3A_309 = arith.cmpi sge, %select_n3A_117, %broadcast_in_dim3A_308 : vector<160x128xi32>
    %convert_element_type3A_310 = arith.extui %ge3A_309 : vector<160x128xi1> to vector<160x128xi32>
    %reduce_sum3A_311 = arith.constant dense<0> : vector<128xi32>
    %reduce_sum3A_312 = vector.multi_reduction <add>, %convert_element_type3A_310, %reduce_sum3A_311 [0] : vector<160x128xi32> to vector<128xi32>
    %broadcast_in_dim3A_313 = vector.shape_cast %reduce_sum3A_312 : vector<128xi32> to vector<1x128xi32>
    %reduce_sum3A_314 = arith.constant dense<0> : vector<1xi32>
    %reduce_sum3A_315 = vector.multi_reduction <add>, %broadcast_in_dim3A_313, %reduce_sum3A_314 [1] : vector<1x128xi32> to vector<1xi32>
    %broadcast_in_dim3A_316 = vector.shape_cast %reduce_sum3A_315 : vector<1xi32> to vector<1x1xi32>
    %ge3A_317 = arith.constant 6000 : i32
    %ge3A_318 = vector.broadcast %ge3A_317 : i32 to vector<1x1xi32>
    %ge3A_319 = arith.cmpi sge, %broadcast_in_dim3A_316, %ge3A_318 : vector<1x1xi32>
    %select_n3A_320 = arith.select %ge3A_319, %or3A_306, %select_n3A_303 : vector<1x1xi1>, vector<1x1xi32>
    %or3A_321 = arith.constant 524288 : i32
    %or3A_322 = vector.broadcast %or3A_321 : i32 to vector<1x1xi32>
    %or3A_323 = arith.ori %select_n3A_320, %or3A_322 : vector<1x1xi32>
    %broadcast_in_dim3A_324 = vector.shape_cast %or3A_323 : vector<1x1xi32> to vector<1x1xi32>
    %broadcast_in_dim3A_325 = vector.broadcast %broadcast_in_dim3A_324 : vector<1x1xi32> to vector<160x128xi32>
    %ge3A_326 = arith.cmpi sge, %select_n3A_117, %broadcast_in_dim3A_325 : vector<160x128xi32>
    %convert_element_type3A_327 = arith.extui %ge3A_326 : vector<160x128xi1> to vector<160x128xi32>
    %reduce_sum3A_328 = arith.constant dense<0> : vector<128xi32>
    %reduce_sum3A_329 = vector.multi_reduction <add>, %convert_element_type3A_327, %reduce_sum3A_328 [0] : vector<160x128xi32> to vector<128xi32>
    %broadcast_in_dim3A_330 = vector.shape_cast %reduce_sum3A_329 : vector<128xi32> to vector<1x128xi32>
    %reduce_sum3A_331 = arith.constant dense<0> : vector<1xi32>
    %reduce_sum3A_332 = vector.multi_reduction <add>, %broadcast_in_dim3A_330, %reduce_sum3A_331 [1] : vector<1x128xi32> to vector<1xi32>
    %broadcast_in_dim3A_333 = vector.shape_cast %reduce_sum3A_332 : vector<1xi32> to vector<1x1xi32>
    %ge3A_334 = arith.constant 6000 : i32
    %ge3A_335 = vector.broadcast %ge3A_334 : i32 to vector<1x1xi32>
    %ge3A_336 = arith.cmpi sge, %broadcast_in_dim3A_333, %ge3A_335 : vector<1x1xi32>
    %select_n3A_337 = arith.select %ge3A_336, %or3A_323, %select_n3A_320 : vector<1x1xi1>, vector<1x1xi32>
    %or3A_338 = arith.constant 262144 : i32
    %or3A_339 = vector.broadcast %or3A_338 : i32 to vector<1x1xi32>
    %or3A_340 = arith.ori %select_n3A_337, %or3A_339 : vector<1x1xi32>
    %broadcast_in_dim3A_341 = vector.shape_cast %or3A_340 : vector<1x1xi32> to vector<1x1xi32>
    %broadcast_in_dim3A_342 = vector.broadcast %broadcast_in_dim3A_341 : vector<1x1xi32> to vector<160x128xi32>
    %ge3A_343 = arith.cmpi sge, %select_n3A_117, %broadcast_in_dim3A_342 : vector<160x128xi32>
    %convert_element_type3A_344 = arith.extui %ge3A_343 : vector<160x128xi1> to vector<160x128xi32>
    %reduce_sum3A_345 = arith.constant dense<0> : vector<128xi32>
    %reduce_sum3A_346 = vector.multi_reduction <add>, %convert_element_type3A_344, %reduce_sum3A_345 [0] : vector<160x128xi32> to vector<128xi32>
    %broadcast_in_dim3A_347 = vector.shape_cast %reduce_sum3A_346 : vector<128xi32> to vector<1x128xi32>
    %reduce_sum3A_348 = arith.constant dense<0> : vector<1xi32>
    %reduce_sum3A_349 = vector.multi_reduction <add>, %broadcast_in_dim3A_347, %reduce_sum3A_348 [1] : vector<1x128xi32> to vector<1xi32>
    %broadcast_in_dim3A_350 = vector.shape_cast %reduce_sum3A_349 : vector<1xi32> to vector<1x1xi32>
    %ge3A_351 = arith.constant 6000 : i32
    %ge3A_352 = vector.broadcast %ge3A_351 : i32 to vector<1x1xi32>
    %ge3A_353 = arith.cmpi sge, %broadcast_in_dim3A_350, %ge3A_352 : vector<1x1xi32>
    %select_n3A_354 = arith.select %ge3A_353, %or3A_340, %select_n3A_337 : vector<1x1xi1>, vector<1x1xi32>
    %or3A_355 = arith.constant 131072 : i32
    %or3A_356 = vector.broadcast %or3A_355 : i32 to vector<1x1xi32>
    %or3A_357 = arith.ori %select_n3A_354, %or3A_356 : vector<1x1xi32>
    %broadcast_in_dim3A_358 = vector.shape_cast %or3A_357 : vector<1x1xi32> to vector<1x1xi32>
    %broadcast_in_dim3A_359 = vector.broadcast %broadcast_in_dim3A_358 : vector<1x1xi32> to vector<160x128xi32>
    %ge3A_360 = arith.cmpi sge, %select_n3A_117, %broadcast_in_dim3A_359 : vector<160x128xi32>
    %convert_element_type3A_361 = arith.extui %ge3A_360 : vector<160x128xi1> to vector<160x128xi32>
    %reduce_sum3A_362 = arith.constant dense<0> : vector<128xi32>
    %reduce_sum3A_363 = vector.multi_reduction <add>, %convert_element_type3A_361, %reduce_sum3A_362 [0] : vector<160x128xi32> to vector<128xi32>
    %broadcast_in_dim3A_364 = vector.shape_cast %reduce_sum3A_363 : vector<128xi32> to vector<1x128xi32>
    %reduce_sum3A_365 = arith.constant dense<0> : vector<1xi32>
    %reduce_sum3A_366 = vector.multi_reduction <add>, %broadcast_in_dim3A_364, %reduce_sum3A_365 [1] : vector<1x128xi32> to vector<1xi32>
    %broadcast_in_dim3A_367 = vector.shape_cast %reduce_sum3A_366 : vector<1xi32> to vector<1x1xi32>
    %ge3A_368 = arith.constant 6000 : i32
    %ge3A_369 = vector.broadcast %ge3A_368 : i32 to vector<1x1xi32>
    %ge3A_370 = arith.cmpi sge, %broadcast_in_dim3A_367, %ge3A_369 : vector<1x1xi32>
    %select_n3A_371 = arith.select %ge3A_370, %or3A_357, %select_n3A_354 : vector<1x1xi1>, vector<1x1xi32>
    %or3A_372 = arith.constant 65536 : i32
    %or3A_373 = vector.broadcast %or3A_372 : i32 to vector<1x1xi32>
    %or3A_374 = arith.ori %select_n3A_371, %or3A_373 : vector<1x1xi32>
    %broadcast_in_dim3A_375 = vector.shape_cast %or3A_374 : vector<1x1xi32> to vector<1x1xi32>
    %broadcast_in_dim3A_376 = vector.broadcast %broadcast_in_dim3A_375 : vector<1x1xi32> to vector<160x128xi32>
    %ge3A_377 = arith.cmpi sge, %select_n3A_117, %broadcast_in_dim3A_376 : vector<160x128xi32>
    %convert_element_type3A_378 = arith.extui %ge3A_377 : vector<160x128xi1> to vector<160x128xi32>
    %reduce_sum3A_379 = arith.constant dense<0> : vector<128xi32>
    %reduce_sum3A_380 = vector.multi_reduction <add>, %convert_element_type3A_378, %reduce_sum3A_379 [0] : vector<160x128xi32> to vector<128xi32>
    %broadcast_in_dim3A_381 = vector.shape_cast %reduce_sum3A_380 : vector<128xi32> to vector<1x128xi32>
    %reduce_sum3A_382 = arith.constant dense<0> : vector<1xi32>
    %reduce_sum3A_383 = vector.multi_reduction <add>, %broadcast_in_dim3A_381, %reduce_sum3A_382 [1] : vector<1x128xi32> to vector<1xi32>
    %broadcast_in_dim3A_384 = vector.shape_cast %reduce_sum3A_383 : vector<1xi32> to vector<1x1xi32>
    %ge3A_385 = arith.constant 6000 : i32
    %ge3A_386 = vector.broadcast %ge3A_385 : i32 to vector<1x1xi32>
    %ge3A_387 = arith.cmpi sge, %broadcast_in_dim3A_384, %ge3A_386 : vector<1x1xi32>
    %select_n3A_388 = arith.select %ge3A_387, %or3A_374, %select_n3A_371 : vector<1x1xi1>, vector<1x1xi32>
    %or3A_389 = arith.constant 32768 : i32
    %or3A_390 = vector.broadcast %or3A_389 : i32 to vector<1x1xi32>
    %or3A_391 = arith.ori %select_n3A_388, %or3A_390 : vector<1x1xi32>
    %broadcast_in_dim3A_392 = vector.shape_cast %or3A_391 : vector<1x1xi32> to vector<1x1xi32>
    %broadcast_in_dim3A_393 = vector.broadcast %broadcast_in_dim3A_392 : vector<1x1xi32> to vector<160x128xi32>
    %ge3A_394 = arith.cmpi sge, %select_n3A_117, %broadcast_in_dim3A_393 : vector<160x128xi32>
    %convert_element_type3A_395 = arith.extui %ge3A_394 : vector<160x128xi1> to vector<160x128xi32>
    %reduce_sum3A_396 = arith.constant dense<0> : vector<128xi32>
    %reduce_sum3A_397 = vector.multi_reduction <add>, %convert_element_type3A_395, %reduce_sum3A_396 [0] : vector<160x128xi32> to vector<128xi32>
    %broadcast_in_dim3A_398 = vector.shape_cast %reduce_sum3A_397 : vector<128xi32> to vector<1x128xi32>
    %reduce_sum3A_399 = arith.constant dense<0> : vector<1xi32>
    %reduce_sum3A_400 = vector.multi_reduction <add>, %broadcast_in_dim3A_398, %reduce_sum3A_399 [1] : vector<1x128xi32> to vector<1xi32>
    %broadcast_in_dim3A_401 = vector.shape_cast %reduce_sum3A_400 : vector<1xi32> to vector<1x1xi32>
    %ge3A_402 = arith.constant 6000 : i32
    %ge3A_403 = vector.broadcast %ge3A_402 : i32 to vector<1x1xi32>
    %ge3A_404 = arith.cmpi sge, %broadcast_in_dim3A_401, %ge3A_403 : vector<1x1xi32>
    %select_n3A_405 = arith.select %ge3A_404, %or3A_391, %select_n3A_388 : vector<1x1xi1>, vector<1x1xi32>
    %or3A_406 = arith.constant 16384 : i32
    %or3A_407 = vector.broadcast %or3A_406 : i32 to vector<1x1xi32>
    %or3A_408 = arith.ori %select_n3A_405, %or3A_407 : vector<1x1xi32>
    %broadcast_in_dim3A_409 = vector.shape_cast %or3A_408 : vector<1x1xi32> to vector<1x1xi32>
    %broadcast_in_dim3A_410 = vector.broadcast %broadcast_in_dim3A_409 : vector<1x1xi32> to vector<160x128xi32>
    %ge3A_411 = arith.cmpi sge, %select_n3A_117, %broadcast_in_dim3A_410 : vector<160x128xi32>
    %convert_element_type3A_412 = arith.extui %ge3A_411 : vector<160x128xi1> to vector<160x128xi32>
    %reduce_sum3A_413 = arith.constant dense<0> : vector<128xi32>
    %reduce_sum3A_414 = vector.multi_reduction <add>, %convert_element_type3A_412, %reduce_sum3A_413 [0] : vector<160x128xi32> to vector<128xi32>
    %broadcast_in_dim3A_415 = vector.shape_cast %reduce_sum3A_414 : vector<128xi32> to vector<1x128xi32>
    %reduce_sum3A_416 = arith.constant dense<0> : vector<1xi32>
    %reduce_sum3A_417 = vector.multi_reduction <add>, %broadcast_in_dim3A_415, %reduce_sum3A_416 [1] : vector<1x128xi32> to vector<1xi32>
    %broadcast_in_dim3A_418 = vector.shape_cast %reduce_sum3A_417 : vector<1xi32> to vector<1x1xi32>
    %ge3A_419 = arith.constant 6000 : i32
    %ge3A_420 = vector.broadcast %ge3A_419 : i32 to vector<1x1xi32>
    %ge3A_421 = arith.cmpi sge, %broadcast_in_dim3A_418, %ge3A_420 : vector<1x1xi32>
    %select_n3A_422 = arith.select %ge3A_421, %or3A_408, %select_n3A_405 : vector<1x1xi1>, vector<1x1xi32>
    %or3A_423 = arith.constant 8192 : i32
    %or3A_424 = vector.broadcast %or3A_423 : i32 to vector<1x1xi32>
    %or3A_425 = arith.ori %select_n3A_422, %or3A_424 : vector<1x1xi32>
    %broadcast_in_dim3A_426 = vector.shape_cast %or3A_425 : vector<1x1xi32> to vector<1x1xi32>
    %broadcast_in_dim3A_427 = vector.broadcast %broadcast_in_dim3A_426 : vector<1x1xi32> to vector<160x128xi32>
    %ge3A_428 = arith.cmpi sge, %select_n3A_117, %broadcast_in_dim3A_427 : vector<160x128xi32>
    %convert_element_type3A_429 = arith.extui %ge3A_428 : vector<160x128xi1> to vector<160x128xi32>
    %reduce_sum3A_430 = arith.constant dense<0> : vector<128xi32>
    %reduce_sum3A_431 = vector.multi_reduction <add>, %convert_element_type3A_429, %reduce_sum3A_430 [0] : vector<160x128xi32> to vector<128xi32>
    %broadcast_in_dim3A_432 = vector.shape_cast %reduce_sum3A_431 : vector<128xi32> to vector<1x128xi32>
    %reduce_sum3A_433 = arith.constant dense<0> : vector<1xi32>
    %reduce_sum3A_434 = vector.multi_reduction <add>, %broadcast_in_dim3A_432, %reduce_sum3A_433 [1] : vector<1x128xi32> to vector<1xi32>
    %broadcast_in_dim3A_435 = vector.shape_cast %reduce_sum3A_434 : vector<1xi32> to vector<1x1xi32>
    %ge3A_436 = arith.constant 6000 : i32
    %ge3A_437 = vector.broadcast %ge3A_436 : i32 to vector<1x1xi32>
    %ge3A_438 = arith.cmpi sge, %broadcast_in_dim3A_435, %ge3A_437 : vector<1x1xi32>
    %select_n3A_439 = arith.select %ge3A_438, %or3A_425, %select_n3A_422 : vector<1x1xi1>, vector<1x1xi32>
    %or3A_440 = arith.constant 4096 : i32
    %or3A_441 = vector.broadcast %or3A_440 : i32 to vector<1x1xi32>
    %or3A_442 = arith.ori %select_n3A_439, %or3A_441 : vector<1x1xi32>
    %broadcast_in_dim3A_443 = vector.shape_cast %or3A_442 : vector<1x1xi32> to vector<1x1xi32>
    %broadcast_in_dim3A_444 = vector.broadcast %broadcast_in_dim3A_443 : vector<1x1xi32> to vector<160x128xi32>
    %ge3A_445 = arith.cmpi sge, %select_n3A_117, %broadcast_in_dim3A_444 : vector<160x128xi32>
    %convert_element_type3A_446 = arith.extui %ge3A_445 : vector<160x128xi1> to vector<160x128xi32>
    %reduce_sum3A_447 = arith.constant dense<0> : vector<128xi32>
    %reduce_sum3A_448 = vector.multi_reduction <add>, %convert_element_type3A_446, %reduce_sum3A_447 [0] : vector<160x128xi32> to vector<128xi32>
    %broadcast_in_dim3A_449 = vector.shape_cast %reduce_sum3A_448 : vector<128xi32> to vector<1x128xi32>
    %reduce_sum3A_450 = arith.constant dense<0> : vector<1xi32>
    %reduce_sum3A_451 = vector.multi_reduction <add>, %broadcast_in_dim3A_449, %reduce_sum3A_450 [1] : vector<1x128xi32> to vector<1xi32>
    %broadcast_in_dim3A_452 = vector.shape_cast %reduce_sum3A_451 : vector<1xi32> to vector<1x1xi32>
    %ge3A_453 = arith.constant 6000 : i32
    %ge3A_454 = vector.broadcast %ge3A_453 : i32 to vector<1x1xi32>
    %ge3A_455 = arith.cmpi sge, %broadcast_in_dim3A_452, %ge3A_454 : vector<1x1xi32>
    %select_n3A_456 = arith.select %ge3A_455, %or3A_442, %select_n3A_439 : vector<1x1xi1>, vector<1x1xi32>
    %or3A_457 = arith.constant 2048 : i32
    %or3A_458 = vector.broadcast %or3A_457 : i32 to vector<1x1xi32>
    %or3A_459 = arith.ori %select_n3A_456, %or3A_458 : vector<1x1xi32>
    %broadcast_in_dim3A_460 = vector.shape_cast %or3A_459 : vector<1x1xi32> to vector<1x1xi32>
    %broadcast_in_dim3A_461 = vector.broadcast %broadcast_in_dim3A_460 : vector<1x1xi32> to vector<160x128xi32>
    %ge3A_462 = arith.cmpi sge, %select_n3A_117, %broadcast_in_dim3A_461 : vector<160x128xi32>
    %convert_element_type3A_463 = arith.extui %ge3A_462 : vector<160x128xi1> to vector<160x128xi32>
    %reduce_sum3A_464 = arith.constant dense<0> : vector<128xi32>
    %reduce_sum3A_465 = vector.multi_reduction <add>, %convert_element_type3A_463, %reduce_sum3A_464 [0] : vector<160x128xi32> to vector<128xi32>
    %broadcast_in_dim3A_466 = vector.shape_cast %reduce_sum3A_465 : vector<128xi32> to vector<1x128xi32>
    %reduce_sum3A_467 = arith.constant dense<0> : vector<1xi32>
    %reduce_sum3A_468 = vector.multi_reduction <add>, %broadcast_in_dim3A_466, %reduce_sum3A_467 [1] : vector<1x128xi32> to vector<1xi32>
    %broadcast_in_dim3A_469 = vector.shape_cast %reduce_sum3A_468 : vector<1xi32> to vector<1x1xi32>
    %ge3A_470 = arith.constant 6000 : i32
    %ge3A_471 = vector.broadcast %ge3A_470 : i32 to vector<1x1xi32>
    %ge3A_472 = arith.cmpi sge, %broadcast_in_dim3A_469, %ge3A_471 : vector<1x1xi32>
    %select_n3A_473 = arith.select %ge3A_472, %or3A_459, %select_n3A_456 : vector<1x1xi1>, vector<1x1xi32>
    %or3A_474 = arith.constant 1024 : i32
    %or3A_475 = vector.broadcast %or3A_474 : i32 to vector<1x1xi32>
    %or3A_476 = arith.ori %select_n3A_473, %or3A_475 : vector<1x1xi32>
    %broadcast_in_dim3A_477 = vector.shape_cast %or3A_476 : vector<1x1xi32> to vector<1x1xi32>
    %broadcast_in_dim3A_478 = vector.broadcast %broadcast_in_dim3A_477 : vector<1x1xi32> to vector<160x128xi32>
    %ge3A_479 = arith.cmpi sge, %select_n3A_117, %broadcast_in_dim3A_478 : vector<160x128xi32>
    %convert_element_type3A_480 = arith.extui %ge3A_479 : vector<160x128xi1> to vector<160x128xi32>
    %reduce_sum3A_481 = arith.constant dense<0> : vector<128xi32>
    %reduce_sum3A_482 = vector.multi_reduction <add>, %convert_element_type3A_480, %reduce_sum3A_481 [0] : vector<160x128xi32> to vector<128xi32>
    %broadcast_in_dim3A_483 = vector.shape_cast %reduce_sum3A_482 : vector<128xi32> to vector<1x128xi32>
    %reduce_sum3A_484 = arith.constant dense<0> : vector<1xi32>
    %reduce_sum3A_485 = vector.multi_reduction <add>, %broadcast_in_dim3A_483, %reduce_sum3A_484 [1] : vector<1x128xi32> to vector<1xi32>
    %broadcast_in_dim3A_486 = vector.shape_cast %reduce_sum3A_485 : vector<1xi32> to vector<1x1xi32>
    %ge3A_487 = arith.constant 6000 : i32
    %ge3A_488 = vector.broadcast %ge3A_487 : i32 to vector<1x1xi32>
    %ge3A_489 = arith.cmpi sge, %broadcast_in_dim3A_486, %ge3A_488 : vector<1x1xi32>
    %select_n3A_490 = arith.select %ge3A_489, %or3A_476, %select_n3A_473 : vector<1x1xi1>, vector<1x1xi32>
    %or3A_491 = arith.constant 512 : i32
    %or3A_492 = vector.broadcast %or3A_491 : i32 to vector<1x1xi32>
    %or3A_493 = arith.ori %select_n3A_490, %or3A_492 : vector<1x1xi32>
    %broadcast_in_dim3A_494 = vector.shape_cast %or3A_493 : vector<1x1xi32> to vector<1x1xi32>
    %broadcast_in_dim3A_495 = vector.broadcast %broadcast_in_dim3A_494 : vector<1x1xi32> to vector<160x128xi32>
    %ge3A_496 = arith.cmpi sge, %select_n3A_117, %broadcast_in_dim3A_495 : vector<160x128xi32>
    %convert_element_type3A_497 = arith.extui %ge3A_496 : vector<160x128xi1> to vector<160x128xi32>
    %reduce_sum3A_498 = arith.constant dense<0> : vector<128xi32>
    %reduce_sum3A_499 = vector.multi_reduction <add>, %convert_element_type3A_497, %reduce_sum3A_498 [0] : vector<160x128xi32> to vector<128xi32>
    %broadcast_in_dim3A_500 = vector.shape_cast %reduce_sum3A_499 : vector<128xi32> to vector<1x128xi32>
    %reduce_sum3A_501 = arith.constant dense<0> : vector<1xi32>
    %reduce_sum3A_502 = vector.multi_reduction <add>, %broadcast_in_dim3A_500, %reduce_sum3A_501 [1] : vector<1x128xi32> to vector<1xi32>
    %broadcast_in_dim3A_503 = vector.shape_cast %reduce_sum3A_502 : vector<1xi32> to vector<1x1xi32>
    %ge3A_504 = arith.constant 6000 : i32
    %ge3A_505 = vector.broadcast %ge3A_504 : i32 to vector<1x1xi32>
    %ge3A_506 = arith.cmpi sge, %broadcast_in_dim3A_503, %ge3A_505 : vector<1x1xi32>
    %select_n3A_507 = arith.select %ge3A_506, %or3A_493, %select_n3A_490 : vector<1x1xi1>, vector<1x1xi32>
    %or3A_508 = arith.constant 256 : i32
    %or3A_509 = vector.broadcast %or3A_508 : i32 to vector<1x1xi32>
    %or3A_510 = arith.ori %select_n3A_507, %or3A_509 : vector<1x1xi32>
    %broadcast_in_dim3A_511 = vector.shape_cast %or3A_510 : vector<1x1xi32> to vector<1x1xi32>
    %broadcast_in_dim3A_512 = vector.broadcast %broadcast_in_dim3A_511 : vector<1x1xi32> to vector<160x128xi32>
    %ge3A_513 = arith.cmpi sge, %select_n3A_117, %broadcast_in_dim3A_512 : vector<160x128xi32>
    %convert_element_type3A_514 = arith.extui %ge3A_513 : vector<160x128xi1> to vector<160x128xi32>
    %reduce_sum3A_515 = arith.constant dense<0> : vector<128xi32>
    %reduce_sum3A_516 = vector.multi_reduction <add>, %convert_element_type3A_514, %reduce_sum3A_515 [0] : vector<160x128xi32> to vector<128xi32>
    %broadcast_in_dim3A_517 = vector.shape_cast %reduce_sum3A_516 : vector<128xi32> to vector<1x128xi32>
    %reduce_sum3A_518 = arith.constant dense<0> : vector<1xi32>
    %reduce_sum3A_519 = vector.multi_reduction <add>, %broadcast_in_dim3A_517, %reduce_sum3A_518 [1] : vector<1x128xi32> to vector<1xi32>
    %broadcast_in_dim3A_520 = vector.shape_cast %reduce_sum3A_519 : vector<1xi32> to vector<1x1xi32>
    %ge3A_521 = arith.constant 6000 : i32
    %ge3A_522 = vector.broadcast %ge3A_521 : i32 to vector<1x1xi32>
    %ge3A_523 = arith.cmpi sge, %broadcast_in_dim3A_520, %ge3A_522 : vector<1x1xi32>
    %select_n3A_524 = arith.select %ge3A_523, %or3A_510, %select_n3A_507 : vector<1x1xi1>, vector<1x1xi32>
    %or3A_525 = arith.constant 128 : i32
    %or3A_526 = vector.broadcast %or3A_525 : i32 to vector<1x1xi32>
    %or3A_527 = arith.ori %select_n3A_524, %or3A_526 : vector<1x1xi32>
    %broadcast_in_dim3A_528 = vector.shape_cast %or3A_527 : vector<1x1xi32> to vector<1x1xi32>
    %broadcast_in_dim3A_529 = vector.broadcast %broadcast_in_dim3A_528 : vector<1x1xi32> to vector<160x128xi32>
    %ge3A_530 = arith.cmpi sge, %select_n3A_117, %broadcast_in_dim3A_529 : vector<160x128xi32>
    %convert_element_type3A_531 = arith.extui %ge3A_530 : vector<160x128xi1> to vector<160x128xi32>
    %reduce_sum3A_532 = arith.constant dense<0> : vector<128xi32>
    %reduce_sum3A_533 = vector.multi_reduction <add>, %convert_element_type3A_531, %reduce_sum3A_532 [0] : vector<160x128xi32> to vector<128xi32>
    %broadcast_in_dim3A_534 = vector.shape_cast %reduce_sum3A_533 : vector<128xi32> to vector<1x128xi32>
    %reduce_sum3A_535 = arith.constant dense<0> : vector<1xi32>
    %reduce_sum3A_536 = vector.multi_reduction <add>, %broadcast_in_dim3A_534, %reduce_sum3A_535 [1] : vector<1x128xi32> to vector<1xi32>
    %broadcast_in_dim3A_537 = vector.shape_cast %reduce_sum3A_536 : vector<1xi32> to vector<1x1xi32>
    %ge3A_538 = arith.constant 6000 : i32
    %ge3A_539 = vector.broadcast %ge3A_538 : i32 to vector<1x1xi32>
    %ge3A_540 = arith.cmpi sge, %broadcast_in_dim3A_537, %ge3A_539 : vector<1x1xi32>
    %select_n3A_541 = arith.select %ge3A_540, %or3A_527, %select_n3A_524 : vector<1x1xi1>, vector<1x1xi32>
    %or3A_542 = arith.constant 64 : i32
    %or3A_543 = vector.broadcast %or3A_542 : i32 to vector<1x1xi32>
    %or3A_544 = arith.ori %select_n3A_541, %or3A_543 : vector<1x1xi32>
    %broadcast_in_dim3A_545 = vector.shape_cast %or3A_544 : vector<1x1xi32> to vector<1x1xi32>
    %broadcast_in_dim3A_546 = vector.broadcast %broadcast_in_dim3A_545 : vector<1x1xi32> to vector<160x128xi32>
    %ge3A_547 = arith.cmpi sge, %select_n3A_117, %broadcast_in_dim3A_546 : vector<160x128xi32>
    %convert_element_type3A_548 = arith.extui %ge3A_547 : vector<160x128xi1> to vector<160x128xi32>
    %reduce_sum3A_549 = arith.constant dense<0> : vector<128xi32>
    %reduce_sum3A_550 = vector.multi_reduction <add>, %convert_element_type3A_548, %reduce_sum3A_549 [0] : vector<160x128xi32> to vector<128xi32>
    %broadcast_in_dim3A_551 = vector.shape_cast %reduce_sum3A_550 : vector<128xi32> to vector<1x128xi32>
    %reduce_sum3A_552 = arith.constant dense<0> : vector<1xi32>
    %reduce_sum3A_553 = vector.multi_reduction <add>, %broadcast_in_dim3A_551, %reduce_sum3A_552 [1] : vector<1x128xi32> to vector<1xi32>
    %broadcast_in_dim3A_554 = vector.shape_cast %reduce_sum3A_553 : vector<1xi32> to vector<1x1xi32>
    %ge3A_555 = arith.constant 6000 : i32
    %ge3A_556 = vector.broadcast %ge3A_555 : i32 to vector<1x1xi32>
    %ge3A_557 = arith.cmpi sge, %broadcast_in_dim3A_554, %ge3A_556 : vector<1x1xi32>
    %select_n3A_558 = arith.select %ge3A_557, %or3A_544, %select_n3A_541 : vector<1x1xi1>, vector<1x1xi32>
    %or3A_559 = arith.constant 32 : i32
    %or3A_560 = vector.broadcast %or3A_559 : i32 to vector<1x1xi32>
    %or3A_561 = arith.ori %select_n3A_558, %or3A_560 : vector<1x1xi32>
    %broadcast_in_dim3A_562 = vector.shape_cast %or3A_561 : vector<1x1xi32> to vector<1x1xi32>
    %broadcast_in_dim3A_563 = vector.broadcast %broadcast_in_dim3A_562 : vector<1x1xi32> to vector<160x128xi32>
    %ge3A_564 = arith.cmpi sge, %select_n3A_117, %broadcast_in_dim3A_563 : vector<160x128xi32>
    %convert_element_type3A_565 = arith.extui %ge3A_564 : vector<160x128xi1> to vector<160x128xi32>
    %reduce_sum3A_566 = arith.constant dense<0> : vector<128xi32>
    %reduce_sum3A_567 = vector.multi_reduction <add>, %convert_element_type3A_565, %reduce_sum3A_566 [0] : vector<160x128xi32> to vector<128xi32>
    %broadcast_in_dim3A_568 = vector.shape_cast %reduce_sum3A_567 : vector<128xi32> to vector<1x128xi32>
    %reduce_sum3A_569 = arith.constant dense<0> : vector<1xi32>
    %reduce_sum3A_570 = vector.multi_reduction <add>, %broadcast_in_dim3A_568, %reduce_sum3A_569 [1] : vector<1x128xi32> to vector<1xi32>
    %broadcast_in_dim3A_571 = vector.shape_cast %reduce_sum3A_570 : vector<1xi32> to vector<1x1xi32>
    %ge3A_572 = arith.constant 6000 : i32
    %ge3A_573 = vector.broadcast %ge3A_572 : i32 to vector<1x1xi32>
    %ge3A_574 = arith.cmpi sge, %broadcast_in_dim3A_571, %ge3A_573 : vector<1x1xi32>
    %select_n3A_575 = arith.select %ge3A_574, %or3A_561, %select_n3A_558 : vector<1x1xi1>, vector<1x1xi32>
    %or3A_576 = arith.constant 16 : i32
    %or3A_577 = vector.broadcast %or3A_576 : i32 to vector<1x1xi32>
    %or3A_578 = arith.ori %select_n3A_575, %or3A_577 : vector<1x1xi32>
    %broadcast_in_dim3A_579 = vector.shape_cast %or3A_578 : vector<1x1xi32> to vector<1x1xi32>
    %broadcast_in_dim3A_580 = vector.broadcast %broadcast_in_dim3A_579 : vector<1x1xi32> to vector<160x128xi32>
    %ge3A_581 = arith.cmpi sge, %select_n3A_117, %broadcast_in_dim3A_580 : vector<160x128xi32>
    %convert_element_type3A_582 = arith.extui %ge3A_581 : vector<160x128xi1> to vector<160x128xi32>
    %reduce_sum3A_583 = arith.constant dense<0> : vector<128xi32>
    %reduce_sum3A_584 = vector.multi_reduction <add>, %convert_element_type3A_582, %reduce_sum3A_583 [0] : vector<160x128xi32> to vector<128xi32>
    %broadcast_in_dim3A_585 = vector.shape_cast %reduce_sum3A_584 : vector<128xi32> to vector<1x128xi32>
    %reduce_sum3A_586 = arith.constant dense<0> : vector<1xi32>
    %reduce_sum3A_587 = vector.multi_reduction <add>, %broadcast_in_dim3A_585, %reduce_sum3A_586 [1] : vector<1x128xi32> to vector<1xi32>
    %broadcast_in_dim3A_588 = vector.shape_cast %reduce_sum3A_587 : vector<1xi32> to vector<1x1xi32>
    %ge3A_589 = arith.constant 6000 : i32
    %ge3A_590 = vector.broadcast %ge3A_589 : i32 to vector<1x1xi32>
    %ge3A_591 = arith.cmpi sge, %broadcast_in_dim3A_588, %ge3A_590 : vector<1x1xi32>
    %select_n3A_592 = arith.select %ge3A_591, %or3A_578, %select_n3A_575 : vector<1x1xi1>, vector<1x1xi32>
    %or3A_593 = arith.constant 8 : i32
    %or3A_594 = vector.broadcast %or3A_593 : i32 to vector<1x1xi32>
    %or3A_595 = arith.ori %select_n3A_592, %or3A_594 : vector<1x1xi32>
    %broadcast_in_dim3A_596 = vector.shape_cast %or3A_595 : vector<1x1xi32> to vector<1x1xi32>
    %broadcast_in_dim3A_597 = vector.broadcast %broadcast_in_dim3A_596 : vector<1x1xi32> to vector<160x128xi32>
    %ge3A_598 = arith.cmpi sge, %select_n3A_117, %broadcast_in_dim3A_597 : vector<160x128xi32>
    %convert_element_type3A_599 = arith.extui %ge3A_598 : vector<160x128xi1> to vector<160x128xi32>
    %reduce_sum3A_600 = arith.constant dense<0> : vector<128xi32>
    %reduce_sum3A_601 = vector.multi_reduction <add>, %convert_element_type3A_599, %reduce_sum3A_600 [0] : vector<160x128xi32> to vector<128xi32>
    %broadcast_in_dim3A_602 = vector.shape_cast %reduce_sum3A_601 : vector<128xi32> to vector<1x128xi32>
    %reduce_sum3A_603 = arith.constant dense<0> : vector<1xi32>
    %reduce_sum3A_604 = vector.multi_reduction <add>, %broadcast_in_dim3A_602, %reduce_sum3A_603 [1] : vector<1x128xi32> to vector<1xi32>
    %broadcast_in_dim3A_605 = vector.shape_cast %reduce_sum3A_604 : vector<1xi32> to vector<1x1xi32>
    %ge3A_606 = arith.constant 6000 : i32
    %ge3A_607 = vector.broadcast %ge3A_606 : i32 to vector<1x1xi32>
    %ge3A_608 = arith.cmpi sge, %broadcast_in_dim3A_605, %ge3A_607 : vector<1x1xi32>
    %select_n3A_609 = arith.select %ge3A_608, %or3A_595, %select_n3A_592 : vector<1x1xi1>, vector<1x1xi32>
    %or3A_610 = arith.constant 4 : i32
    %or3A_611 = vector.broadcast %or3A_610 : i32 to vector<1x1xi32>
    %or3A_612 = arith.ori %select_n3A_609, %or3A_611 : vector<1x1xi32>
    %broadcast_in_dim3A_613 = vector.shape_cast %or3A_612 : vector<1x1xi32> to vector<1x1xi32>
    %broadcast_in_dim3A_614 = vector.broadcast %broadcast_in_dim3A_613 : vector<1x1xi32> to vector<160x128xi32>
    %ge3A_615 = arith.cmpi sge, %select_n3A_117, %broadcast_in_dim3A_614 : vector<160x128xi32>
    %convert_element_type3A_616 = arith.extui %ge3A_615 : vector<160x128xi1> to vector<160x128xi32>
    %reduce_sum3A_617 = arith.constant dense<0> : vector<128xi32>
    %reduce_sum3A_618 = vector.multi_reduction <add>, %convert_element_type3A_616, %reduce_sum3A_617 [0] : vector<160x128xi32> to vector<128xi32>
    %broadcast_in_dim3A_619 = vector.shape_cast %reduce_sum3A_618 : vector<128xi32> to vector<1x128xi32>
    %reduce_sum3A_620 = arith.constant dense<0> : vector<1xi32>
    %reduce_sum3A_621 = vector.multi_reduction <add>, %broadcast_in_dim3A_619, %reduce_sum3A_620 [1] : vector<1x128xi32> to vector<1xi32>
    %broadcast_in_dim3A_622 = vector.shape_cast %reduce_sum3A_621 : vector<1xi32> to vector<1x1xi32>
    %ge3A_623 = arith.constant 6000 : i32
    %ge3A_624 = vector.broadcast %ge3A_623 : i32 to vector<1x1xi32>
    %ge3A_625 = arith.cmpi sge, %broadcast_in_dim3A_622, %ge3A_624 : vector<1x1xi32>
    %select_n3A_626 = arith.select %ge3A_625, %or3A_612, %select_n3A_609 : vector<1x1xi1>, vector<1x1xi32>
    %or3A_627 = arith.constant 2 : i32
    %or3A_628 = vector.broadcast %or3A_627 : i32 to vector<1x1xi32>
    %or3A_629 = arith.ori %select_n3A_626, %or3A_628 : vector<1x1xi32>
    %broadcast_in_dim3A_630 = vector.shape_cast %or3A_629 : vector<1x1xi32> to vector<1x1xi32>
    %broadcast_in_dim3A_631 = vector.broadcast %broadcast_in_dim3A_630 : vector<1x1xi32> to vector<160x128xi32>
    %ge3A_632 = arith.cmpi sge, %select_n3A_117, %broadcast_in_dim3A_631 : vector<160x128xi32>
    %convert_element_type3A_633 = arith.extui %ge3A_632 : vector<160x128xi1> to vector<160x128xi32>
    %reduce_sum3A_634 = arith.constant dense<0> : vector<128xi32>
    %reduce_sum3A_635 = vector.multi_reduction <add>, %convert_element_type3A_633, %reduce_sum3A_634 [0] : vector<160x128xi32> to vector<128xi32>
    %broadcast_in_dim3A_636 = vector.shape_cast %reduce_sum3A_635 : vector<128xi32> to vector<1x128xi32>
    %reduce_sum3A_637 = arith.constant dense<0> : vector<1xi32>
    %reduce_sum3A_638 = vector.multi_reduction <add>, %broadcast_in_dim3A_636, %reduce_sum3A_637 [1] : vector<1x128xi32> to vector<1xi32>
    %broadcast_in_dim3A_639 = vector.shape_cast %reduce_sum3A_638 : vector<1xi32> to vector<1x1xi32>
    %ge3A_640 = arith.constant 6000 : i32
    %ge3A_641 = vector.broadcast %ge3A_640 : i32 to vector<1x1xi32>
    %ge3A_642 = arith.cmpi sge, %broadcast_in_dim3A_639, %ge3A_641 : vector<1x1xi32>
    %select_n3A_643 = arith.select %ge3A_642, %or3A_629, %select_n3A_626 : vector<1x1xi1>, vector<1x1xi32>
    %or3A_644 = arith.constant 1 : i32
    %or3A_645 = vector.broadcast %or3A_644 : i32 to vector<1x1xi32>
    %or3A_646 = arith.ori %select_n3A_643, %or3A_645 : vector<1x1xi32>
    %broadcast_in_dim3A_647 = vector.shape_cast %or3A_646 : vector<1x1xi32> to vector<1x1xi32>
    %broadcast_in_dim3A_648 = vector.broadcast %broadcast_in_dim3A_647 : vector<1x1xi32> to vector<160x128xi32>
    %ge3A_649 = arith.cmpi sge, %select_n3A_117, %broadcast_in_dim3A_648 : vector<160x128xi32>
    %convert_element_type3A_650 = arith.extui %ge3A_649 : vector<160x128xi1> to vector<160x128xi32>
    %reduce_sum3A_651 = arith.constant dense<0> : vector<128xi32>
    %reduce_sum3A_652 = vector.multi_reduction <add>, %convert_element_type3A_650, %reduce_sum3A_651 [0] : vector<160x128xi32> to vector<128xi32>
    %broadcast_in_dim3A_653 = vector.shape_cast %reduce_sum3A_652 : vector<128xi32> to vector<1x128xi32>
    %reduce_sum3A_654 = arith.constant dense<0> : vector<1xi32>
    %reduce_sum3A_655 = vector.multi_reduction <add>, %broadcast_in_dim3A_653, %reduce_sum3A_654 [1] : vector<1x128xi32> to vector<1xi32>
    %broadcast_in_dim3A_656 = vector.shape_cast %reduce_sum3A_655 : vector<1xi32> to vector<1x1xi32>
    %ge3A_657 = arith.constant 6000 : i32
    %ge3A_658 = vector.broadcast %ge3A_657 : i32 to vector<1x1xi32>
    %ge3A_659 = arith.cmpi sge, %broadcast_in_dim3A_656, %ge3A_658 : vector<1x1xi32>
    %select_n3A_660 = arith.select %ge3A_659, %or3A_646, %select_n3A_643 : vector<1x1xi1>, vector<1x1xi32>
    %broadcast_in_dim3A_661 = vector.shape_cast %select_n3A_660 : vector<1x1xi32> to vector<1x1xi32>
    %broadcast_in_dim3A_662 = vector.broadcast %broadcast_in_dim3A_661 : vector<1x1xi32> to vector<160x128xi32>
    %eq3A = arith.cmpi eq, %select_n3A_117, %broadcast_in_dim3A_662 : vector<160x128xi32>
    %broadcast_in_dim3A_663 = vector.shape_cast %select_n3A_660 : vector<1x1xi32> to vector<1x1xi32>
    %broadcast_in_dim3A_664 = vector.broadcast %broadcast_in_dim3A_663 : vector<1x1xi32> to vector<160x128xi32>
    %ge3A_665 = arith.cmpi sge, %select_n3A_117, %broadcast_in_dim3A_664 : vector<160x128xi32>
    %convert_element_type3A_666 = arith.extui %ge3A_665 : vector<160x128xi1> to vector<160x128xi32>
    %reduce_sum3A_667 = arith.constant dense<0> : vector<128xi32>
    %reduce_sum3A_668 = vector.multi_reduction <add>, %convert_element_type3A_666, %reduce_sum3A_667 [0] : vector<160x128xi32> to vector<128xi32>
    %broadcast_in_dim3A_669 = vector.shape_cast %reduce_sum3A_668 : vector<128xi32> to vector<1x128xi32>
    %reduce_sum3A_670 = arith.constant dense<0> : vector<1xi32>
    %reduce_sum3A_671 = vector.multi_reduction <add>, %broadcast_in_dim3A_669, %reduce_sum3A_670 [1] : vector<1x128xi32> to vector<1xi32>
    %broadcast_in_dim3A_672 = vector.shape_cast %reduce_sum3A_671 : vector<1xi32> to vector<1x1xi32>
    %convert_element_type3A_673 = arith.extui %eq3A : vector<160x128xi1> to vector<160x128xi32>
    %reduce_sum3A_674 = arith.constant dense<0> : vector<128xi32>
    %reduce_sum3A_675 = vector.multi_reduction <add>, %convert_element_type3A_673, %reduce_sum3A_674 [0] : vector<160x128xi32> to vector<128xi32>
    %broadcast_in_dim3A_676 = vector.shape_cast %reduce_sum3A_675 : vector<128xi32> to vector<1x128xi32>
    %reduce_sum3A_677 = arith.constant dense<0> : vector<1xi32>
    %reduce_sum3A_678 = vector.multi_reduction <add>, %broadcast_in_dim3A_676, %reduce_sum3A_677 [1] : vector<1x128xi32> to vector<1xi32>
    %broadcast_in_dim3A_679 = vector.shape_cast %reduce_sum3A_678 : vector<1xi32> to vector<1x1xi32>
    %sub3A_680 = arith.subi %broadcast_in_dim3A_672, %broadcast_in_dim3A_679 : vector<1x1xi32>
    %sub3A_681 = arith.constant 6000 : i32
    %sub3A_682 = vector.broadcast %sub3A_681 : i32 to vector<1x1xi32>
    %sub3A_683 = arith.subi %sub3A_682, %sub3A_680 : vector<1x1xi32>
    %broadcast_in_dim3A_684 = arith.constant 0 : i32
    %broadcast_in_dim3A_685 = vector.broadcast %broadcast_in_dim3A_684 : i32 to vector<1x1xi32>
    %or3A_686 = arith.constant 16384 : i32
    %or3A_687 = vector.broadcast %or3A_686 : i32 to vector<1x1xi32>
    %or3A_688 = arith.ori %broadcast_in_dim3A_685, %or3A_687 : vector<1x1xi32>
    %broadcast_in_dim3A_689 = vector.shape_cast %or3A_688 : vector<1x1xi32> to vector<1x1xi32>
    %broadcast_in_dim3A_690 = vector.broadcast %broadcast_in_dim3A_689 : vector<1x1xi32> to vector<160x128xi32>
    %lt3A_691 = arith.cmpi slt, %add3A_106, %broadcast_in_dim3A_690 : vector<160x128xi32>
    %and3A_692 = arith.andi %eq3A, %lt3A_691 : vector<160x128xi1>
    %convert_element_type3A_693 = arith.extui %and3A_692 : vector<160x128xi1> to vector<160x128xi32>
    %reduce_sum3A_694 = arith.constant dense<0> : vector<128xi32>
    %reduce_sum3A_695 = vector.multi_reduction <add>, %convert_element_type3A_693, %reduce_sum3A_694 [0] : vector<160x128xi32> to vector<128xi32>
    %broadcast_in_dim3A_696 = vector.shape_cast %reduce_sum3A_695 : vector<128xi32> to vector<1x128xi32>
    %reduce_sum3A_697 = arith.constant dense<0> : vector<1xi32>
    %reduce_sum3A_698 = vector.multi_reduction <add>, %broadcast_in_dim3A_696, %reduce_sum3A_697 [1] : vector<1x128xi32> to vector<1xi32>
    %broadcast_in_dim3A_699 = vector.shape_cast %reduce_sum3A_698 : vector<1xi32> to vector<1x1xi32>
    %lt3A_700 = arith.cmpi slt, %broadcast_in_dim3A_699, %sub3A_683 : vector<1x1xi32>
    %select_n3A_701 = arith.select %lt3A_700, %or3A_688, %broadcast_in_dim3A_685 : vector<1x1xi1>, vector<1x1xi32>
    %or3A_702 = arith.constant 8192 : i32
    %or3A_703 = vector.broadcast %or3A_702 : i32 to vector<1x1xi32>
    %or3A_704 = arith.ori %select_n3A_701, %or3A_703 : vector<1x1xi32>
    %broadcast_in_dim3A_705 = vector.shape_cast %or3A_704 : vector<1x1xi32> to vector<1x1xi32>
    %broadcast_in_dim3A_706 = vector.broadcast %broadcast_in_dim3A_705 : vector<1x1xi32> to vector<160x128xi32>
    %lt3A_707 = arith.cmpi slt, %add3A_106, %broadcast_in_dim3A_706 : vector<160x128xi32>
    %and3A_708 = arith.andi %eq3A, %lt3A_707 : vector<160x128xi1>
    %convert_element_type3A_709 = arith.extui %and3A_708 : vector<160x128xi1> to vector<160x128xi32>
    %reduce_sum3A_710 = arith.constant dense<0> : vector<128xi32>
    %reduce_sum3A_711 = vector.multi_reduction <add>, %convert_element_type3A_709, %reduce_sum3A_710 [0] : vector<160x128xi32> to vector<128xi32>
    %broadcast_in_dim3A_712 = vector.shape_cast %reduce_sum3A_711 : vector<128xi32> to vector<1x128xi32>
    %reduce_sum3A_713 = arith.constant dense<0> : vector<1xi32>
    %reduce_sum3A_714 = vector.multi_reduction <add>, %broadcast_in_dim3A_712, %reduce_sum3A_713 [1] : vector<1x128xi32> to vector<1xi32>
    %broadcast_in_dim3A_715 = vector.shape_cast %reduce_sum3A_714 : vector<1xi32> to vector<1x1xi32>
    %lt3A_716 = arith.cmpi slt, %broadcast_in_dim3A_715, %sub3A_683 : vector<1x1xi32>
    %select_n3A_717 = arith.select %lt3A_716, %or3A_704, %select_n3A_701 : vector<1x1xi1>, vector<1x1xi32>
    %or3A_718 = arith.constant 4096 : i32
    %or3A_719 = vector.broadcast %or3A_718 : i32 to vector<1x1xi32>
    %or3A_720 = arith.ori %select_n3A_717, %or3A_719 : vector<1x1xi32>
    %broadcast_in_dim3A_721 = vector.shape_cast %or3A_720 : vector<1x1xi32> to vector<1x1xi32>
    %broadcast_in_dim3A_722 = vector.broadcast %broadcast_in_dim3A_721 : vector<1x1xi32> to vector<160x128xi32>
    %lt3A_723 = arith.cmpi slt, %add3A_106, %broadcast_in_dim3A_722 : vector<160x128xi32>
    %and3A_724 = arith.andi %eq3A, %lt3A_723 : vector<160x128xi1>
    %convert_element_type3A_725 = arith.extui %and3A_724 : vector<160x128xi1> to vector<160x128xi32>
    %reduce_sum3A_726 = arith.constant dense<0> : vector<128xi32>
    %reduce_sum3A_727 = vector.multi_reduction <add>, %convert_element_type3A_725, %reduce_sum3A_726 [0] : vector<160x128xi32> to vector<128xi32>
    %broadcast_in_dim3A_728 = vector.shape_cast %reduce_sum3A_727 : vector<128xi32> to vector<1x128xi32>
    %reduce_sum3A_729 = arith.constant dense<0> : vector<1xi32>
    %reduce_sum3A_730 = vector.multi_reduction <add>, %broadcast_in_dim3A_728, %reduce_sum3A_729 [1] : vector<1x128xi32> to vector<1xi32>
    %broadcast_in_dim3A_731 = vector.shape_cast %reduce_sum3A_730 : vector<1xi32> to vector<1x1xi32>
    %lt3A_732 = arith.cmpi slt, %broadcast_in_dim3A_731, %sub3A_683 : vector<1x1xi32>
    %select_n3A_733 = arith.select %lt3A_732, %or3A_720, %select_n3A_717 : vector<1x1xi1>, vector<1x1xi32>
    %or3A_734 = arith.constant 2048 : i32
    %or3A_735 = vector.broadcast %or3A_734 : i32 to vector<1x1xi32>
    %or3A_736 = arith.ori %select_n3A_733, %or3A_735 : vector<1x1xi32>
    %broadcast_in_dim3A_737 = vector.shape_cast %or3A_736 : vector<1x1xi32> to vector<1x1xi32>
    %broadcast_in_dim3A_738 = vector.broadcast %broadcast_in_dim3A_737 : vector<1x1xi32> to vector<160x128xi32>
    %lt3A_739 = arith.cmpi slt, %add3A_106, %broadcast_in_dim3A_738 : vector<160x128xi32>
    %and3A_740 = arith.andi %eq3A, %lt3A_739 : vector<160x128xi1>
    %convert_element_type3A_741 = arith.extui %and3A_740 : vector<160x128xi1> to vector<160x128xi32>
    %reduce_sum3A_742 = arith.constant dense<0> : vector<128xi32>
    %reduce_sum3A_743 = vector.multi_reduction <add>, %convert_element_type3A_741, %reduce_sum3A_742 [0] : vector<160x128xi32> to vector<128xi32>
    %broadcast_in_dim3A_744 = vector.shape_cast %reduce_sum3A_743 : vector<128xi32> to vector<1x128xi32>
    %reduce_sum3A_745 = arith.constant dense<0> : vector<1xi32>
    %reduce_sum3A_746 = vector.multi_reduction <add>, %broadcast_in_dim3A_744, %reduce_sum3A_745 [1] : vector<1x128xi32> to vector<1xi32>
    %broadcast_in_dim3A_747 = vector.shape_cast %reduce_sum3A_746 : vector<1xi32> to vector<1x1xi32>
    %lt3A_748 = arith.cmpi slt, %broadcast_in_dim3A_747, %sub3A_683 : vector<1x1xi32>
    %select_n3A_749 = arith.select %lt3A_748, %or3A_736, %select_n3A_733 : vector<1x1xi1>, vector<1x1xi32>
    %or3A_750 = arith.constant 1024 : i32
    %or3A_751 = vector.broadcast %or3A_750 : i32 to vector<1x1xi32>
    %or3A_752 = arith.ori %select_n3A_749, %or3A_751 : vector<1x1xi32>
    %broadcast_in_dim3A_753 = vector.shape_cast %or3A_752 : vector<1x1xi32> to vector<1x1xi32>
    %broadcast_in_dim3A_754 = vector.broadcast %broadcast_in_dim3A_753 : vector<1x1xi32> to vector<160x128xi32>
    %lt3A_755 = arith.cmpi slt, %add3A_106, %broadcast_in_dim3A_754 : vector<160x128xi32>
    %and3A_756 = arith.andi %eq3A, %lt3A_755 : vector<160x128xi1>
    %convert_element_type3A_757 = arith.extui %and3A_756 : vector<160x128xi1> to vector<160x128xi32>
    %reduce_sum3A_758 = arith.constant dense<0> : vector<128xi32>
    %reduce_sum3A_759 = vector.multi_reduction <add>, %convert_element_type3A_757, %reduce_sum3A_758 [0] : vector<160x128xi32> to vector<128xi32>
    %broadcast_in_dim3A_760 = vector.shape_cast %reduce_sum3A_759 : vector<128xi32> to vector<1x128xi32>
    %reduce_sum3A_761 = arith.constant dense<0> : vector<1xi32>
    %reduce_sum3A_762 = vector.multi_reduction <add>, %broadcast_in_dim3A_760, %reduce_sum3A_761 [1] : vector<1x128xi32> to vector<1xi32>
    %broadcast_in_dim3A_763 = vector.shape_cast %reduce_sum3A_762 : vector<1xi32> to vector<1x1xi32>
    %lt3A_764 = arith.cmpi slt, %broadcast_in_dim3A_763, %sub3A_683 : vector<1x1xi32>
    %select_n3A_765 = arith.select %lt3A_764, %or3A_752, %select_n3A_749 : vector<1x1xi1>, vector<1x1xi32>
    %or3A_766 = arith.constant 512 : i32
    %or3A_767 = vector.broadcast %or3A_766 : i32 to vector<1x1xi32>
    %or3A_768 = arith.ori %select_n3A_765, %or3A_767 : vector<1x1xi32>
    %broadcast_in_dim3A_769 = vector.shape_cast %or3A_768 : vector<1x1xi32> to vector<1x1xi32>
    %broadcast_in_dim3A_770 = vector.broadcast %broadcast_in_dim3A_769 : vector<1x1xi32> to vector<160x128xi32>
    %lt3A_771 = arith.cmpi slt, %add3A_106, %broadcast_in_dim3A_770 : vector<160x128xi32>
    %and3A_772 = arith.andi %eq3A, %lt3A_771 : vector<160x128xi1>
    %convert_element_type3A_773 = arith.extui %and3A_772 : vector<160x128xi1> to vector<160x128xi32>
    %reduce_sum3A_774 = arith.constant dense<0> : vector<128xi32>
    %reduce_sum3A_775 = vector.multi_reduction <add>, %convert_element_type3A_773, %reduce_sum3A_774 [0] : vector<160x128xi32> to vector<128xi32>
    %broadcast_in_dim3A_776 = vector.shape_cast %reduce_sum3A_775 : vector<128xi32> to vector<1x128xi32>
    %reduce_sum3A_777 = arith.constant dense<0> : vector<1xi32>
    %reduce_sum3A_778 = vector.multi_reduction <add>, %broadcast_in_dim3A_776, %reduce_sum3A_777 [1] : vector<1x128xi32> to vector<1xi32>
    %broadcast_in_dim3A_779 = vector.shape_cast %reduce_sum3A_778 : vector<1xi32> to vector<1x1xi32>
    %lt3A_780 = arith.cmpi slt, %broadcast_in_dim3A_779, %sub3A_683 : vector<1x1xi32>
    %select_n3A_781 = arith.select %lt3A_780, %or3A_768, %select_n3A_765 : vector<1x1xi1>, vector<1x1xi32>
    %or3A_782 = arith.constant 256 : i32
    %or3A_783 = vector.broadcast %or3A_782 : i32 to vector<1x1xi32>
    %or3A_784 = arith.ori %select_n3A_781, %or3A_783 : vector<1x1xi32>
    %broadcast_in_dim3A_785 = vector.shape_cast %or3A_784 : vector<1x1xi32> to vector<1x1xi32>
    %broadcast_in_dim3A_786 = vector.broadcast %broadcast_in_dim3A_785 : vector<1x1xi32> to vector<160x128xi32>
    %lt3A_787 = arith.cmpi slt, %add3A_106, %broadcast_in_dim3A_786 : vector<160x128xi32>
    %and3A_788 = arith.andi %eq3A, %lt3A_787 : vector<160x128xi1>
    %convert_element_type3A_789 = arith.extui %and3A_788 : vector<160x128xi1> to vector<160x128xi32>
    %reduce_sum3A_790 = arith.constant dense<0> : vector<128xi32>
    %reduce_sum3A_791 = vector.multi_reduction <add>, %convert_element_type3A_789, %reduce_sum3A_790 [0] : vector<160x128xi32> to vector<128xi32>
    %broadcast_in_dim3A_792 = vector.shape_cast %reduce_sum3A_791 : vector<128xi32> to vector<1x128xi32>
    %reduce_sum3A_793 = arith.constant dense<0> : vector<1xi32>
    %reduce_sum3A_794 = vector.multi_reduction <add>, %broadcast_in_dim3A_792, %reduce_sum3A_793 [1] : vector<1x128xi32> to vector<1xi32>
    %broadcast_in_dim3A_795 = vector.shape_cast %reduce_sum3A_794 : vector<1xi32> to vector<1x1xi32>
    %lt3A_796 = arith.cmpi slt, %broadcast_in_dim3A_795, %sub3A_683 : vector<1x1xi32>
    %select_n3A_797 = arith.select %lt3A_796, %or3A_784, %select_n3A_781 : vector<1x1xi1>, vector<1x1xi32>
    %or3A_798 = arith.constant 128 : i32
    %or3A_799 = vector.broadcast %or3A_798 : i32 to vector<1x1xi32>
    %or3A_800 = arith.ori %select_n3A_797, %or3A_799 : vector<1x1xi32>
    %broadcast_in_dim3A_801 = vector.shape_cast %or3A_800 : vector<1x1xi32> to vector<1x1xi32>
    %broadcast_in_dim3A_802 = vector.broadcast %broadcast_in_dim3A_801 : vector<1x1xi32> to vector<160x128xi32>
    %lt3A_803 = arith.cmpi slt, %add3A_106, %broadcast_in_dim3A_802 : vector<160x128xi32>
    %and3A_804 = arith.andi %eq3A, %lt3A_803 : vector<160x128xi1>
    %convert_element_type3A_805 = arith.extui %and3A_804 : vector<160x128xi1> to vector<160x128xi32>
    %reduce_sum3A_806 = arith.constant dense<0> : vector<128xi32>
    %reduce_sum3A_807 = vector.multi_reduction <add>, %convert_element_type3A_805, %reduce_sum3A_806 [0] : vector<160x128xi32> to vector<128xi32>
    %broadcast_in_dim3A_808 = vector.shape_cast %reduce_sum3A_807 : vector<128xi32> to vector<1x128xi32>
    %reduce_sum3A_809 = arith.constant dense<0> : vector<1xi32>
    %reduce_sum3A_810 = vector.multi_reduction <add>, %broadcast_in_dim3A_808, %reduce_sum3A_809 [1] : vector<1x128xi32> to vector<1xi32>
    %broadcast_in_dim3A_811 = vector.shape_cast %reduce_sum3A_810 : vector<1xi32> to vector<1x1xi32>
    %lt3A_812 = arith.cmpi slt, %broadcast_in_dim3A_811, %sub3A_683 : vector<1x1xi32>
    %select_n3A_813 = arith.select %lt3A_812, %or3A_800, %select_n3A_797 : vector<1x1xi1>, vector<1x1xi32>
    %or3A_814 = arith.constant 64 : i32
    %or3A_815 = vector.broadcast %or3A_814 : i32 to vector<1x1xi32>
    %or3A_816 = arith.ori %select_n3A_813, %or3A_815 : vector<1x1xi32>
    %broadcast_in_dim3A_817 = vector.shape_cast %or3A_816 : vector<1x1xi32> to vector<1x1xi32>
    %broadcast_in_dim3A_818 = vector.broadcast %broadcast_in_dim3A_817 : vector<1x1xi32> to vector<160x128xi32>
    %lt3A_819 = arith.cmpi slt, %add3A_106, %broadcast_in_dim3A_818 : vector<160x128xi32>
    %and3A_820 = arith.andi %eq3A, %lt3A_819 : vector<160x128xi1>
    %convert_element_type3A_821 = arith.extui %and3A_820 : vector<160x128xi1> to vector<160x128xi32>
    %reduce_sum3A_822 = arith.constant dense<0> : vector<128xi32>
    %reduce_sum3A_823 = vector.multi_reduction <add>, %convert_element_type3A_821, %reduce_sum3A_822 [0] : vector<160x128xi32> to vector<128xi32>
    %broadcast_in_dim3A_824 = vector.shape_cast %reduce_sum3A_823 : vector<128xi32> to vector<1x128xi32>
    %reduce_sum3A_825 = arith.constant dense<0> : vector<1xi32>
    %reduce_sum3A_826 = vector.multi_reduction <add>, %broadcast_in_dim3A_824, %reduce_sum3A_825 [1] : vector<1x128xi32> to vector<1xi32>
    %broadcast_in_dim3A_827 = vector.shape_cast %reduce_sum3A_826 : vector<1xi32> to vector<1x1xi32>
    %lt3A_828 = arith.cmpi slt, %broadcast_in_dim3A_827, %sub3A_683 : vector<1x1xi32>
    %select_n3A_829 = arith.select %lt3A_828, %or3A_816, %select_n3A_813 : vector<1x1xi1>, vector<1x1xi32>
    %or3A_830 = arith.constant 32 : i32
    %or3A_831 = vector.broadcast %or3A_830 : i32 to vector<1x1xi32>
    %or3A_832 = arith.ori %select_n3A_829, %or3A_831 : vector<1x1xi32>
    %broadcast_in_dim3A_833 = vector.shape_cast %or3A_832 : vector<1x1xi32> to vector<1x1xi32>
    %broadcast_in_dim3A_834 = vector.broadcast %broadcast_in_dim3A_833 : vector<1x1xi32> to vector<160x128xi32>
    %lt3A_835 = arith.cmpi slt, %add3A_106, %broadcast_in_dim3A_834 : vector<160x128xi32>
    %and3A_836 = arith.andi %eq3A, %lt3A_835 : vector<160x128xi1>
    %convert_element_type3A_837 = arith.extui %and3A_836 : vector<160x128xi1> to vector<160x128xi32>
    %reduce_sum3A_838 = arith.constant dense<0> : vector<128xi32>
    %reduce_sum3A_839 = vector.multi_reduction <add>, %convert_element_type3A_837, %reduce_sum3A_838 [0] : vector<160x128xi32> to vector<128xi32>
    %broadcast_in_dim3A_840 = vector.shape_cast %reduce_sum3A_839 : vector<128xi32> to vector<1x128xi32>
    %reduce_sum3A_841 = arith.constant dense<0> : vector<1xi32>
    %reduce_sum3A_842 = vector.multi_reduction <add>, %broadcast_in_dim3A_840, %reduce_sum3A_841 [1] : vector<1x128xi32> to vector<1xi32>
    %broadcast_in_dim3A_843 = vector.shape_cast %reduce_sum3A_842 : vector<1xi32> to vector<1x1xi32>
    %lt3A_844 = arith.cmpi slt, %broadcast_in_dim3A_843, %sub3A_683 : vector<1x1xi32>
    %select_n3A_845 = arith.select %lt3A_844, %or3A_832, %select_n3A_829 : vector<1x1xi1>, vector<1x1xi32>
    %or3A_846 = arith.constant 16 : i32
    %or3A_847 = vector.broadcast %or3A_846 : i32 to vector<1x1xi32>
    %or3A_848 = arith.ori %select_n3A_845, %or3A_847 : vector<1x1xi32>
    %broadcast_in_dim3A_849 = vector.shape_cast %or3A_848 : vector<1x1xi32> to vector<1x1xi32>
    %broadcast_in_dim3A_850 = vector.broadcast %broadcast_in_dim3A_849 : vector<1x1xi32> to vector<160x128xi32>
    %lt3A_851 = arith.cmpi slt, %add3A_106, %broadcast_in_dim3A_850 : vector<160x128xi32>
    %and3A_852 = arith.andi %eq3A, %lt3A_851 : vector<160x128xi1>
    %convert_element_type3A_853 = arith.extui %and3A_852 : vector<160x128xi1> to vector<160x128xi32>
    %reduce_sum3A_854 = arith.constant dense<0> : vector<128xi32>
    %reduce_sum3A_855 = vector.multi_reduction <add>, %convert_element_type3A_853, %reduce_sum3A_854 [0] : vector<160x128xi32> to vector<128xi32>
    %broadcast_in_dim3A_856 = vector.shape_cast %reduce_sum3A_855 : vector<128xi32> to vector<1x128xi32>
    %reduce_sum3A_857 = arith.constant dense<0> : vector<1xi32>
    %reduce_sum3A_858 = vector.multi_reduction <add>, %broadcast_in_dim3A_856, %reduce_sum3A_857 [1] : vector<1x128xi32> to vector<1xi32>
    %broadcast_in_dim3A_859 = vector.shape_cast %reduce_sum3A_858 : vector<1xi32> to vector<1x1xi32>
    %lt3A_860 = arith.cmpi slt, %broadcast_in_dim3A_859, %sub3A_683 : vector<1x1xi32>
    %select_n3A_861 = arith.select %lt3A_860, %or3A_848, %select_n3A_845 : vector<1x1xi1>, vector<1x1xi32>
    %or3A_862 = arith.constant 8 : i32
    %or3A_863 = vector.broadcast %or3A_862 : i32 to vector<1x1xi32>
    %or3A_864 = arith.ori %select_n3A_861, %or3A_863 : vector<1x1xi32>
    %broadcast_in_dim3A_865 = vector.shape_cast %or3A_864 : vector<1x1xi32> to vector<1x1xi32>
    %broadcast_in_dim3A_866 = vector.broadcast %broadcast_in_dim3A_865 : vector<1x1xi32> to vector<160x128xi32>
    %lt3A_867 = arith.cmpi slt, %add3A_106, %broadcast_in_dim3A_866 : vector<160x128xi32>
    %and3A_868 = arith.andi %eq3A, %lt3A_867 : vector<160x128xi1>
    %convert_element_type3A_869 = arith.extui %and3A_868 : vector<160x128xi1> to vector<160x128xi32>
    %reduce_sum3A_870 = arith.constant dense<0> : vector<128xi32>
    %reduce_sum3A_871 = vector.multi_reduction <add>, %convert_element_type3A_869, %reduce_sum3A_870 [0] : vector<160x128xi32> to vector<128xi32>
    %broadcast_in_dim3A_872 = vector.shape_cast %reduce_sum3A_871 : vector<128xi32> to vector<1x128xi32>
    %reduce_sum3A_873 = arith.constant dense<0> : vector<1xi32>
    %reduce_sum3A_874 = vector.multi_reduction <add>, %broadcast_in_dim3A_872, %reduce_sum3A_873 [1] : vector<1x128xi32> to vector<1xi32>
    %broadcast_in_dim3A_875 = vector.shape_cast %reduce_sum3A_874 : vector<1xi32> to vector<1x1xi32>
    %lt3A_876 = arith.cmpi slt, %broadcast_in_dim3A_875, %sub3A_683 : vector<1x1xi32>
    %select_n3A_877 = arith.select %lt3A_876, %or3A_864, %select_n3A_861 : vector<1x1xi1>, vector<1x1xi32>
    %or3A_878 = arith.constant 4 : i32
    %or3A_879 = vector.broadcast %or3A_878 : i32 to vector<1x1xi32>
    %or3A_880 = arith.ori %select_n3A_877, %or3A_879 : vector<1x1xi32>
    %broadcast_in_dim3A_881 = vector.shape_cast %or3A_880 : vector<1x1xi32> to vector<1x1xi32>
    %broadcast_in_dim3A_882 = vector.broadcast %broadcast_in_dim3A_881 : vector<1x1xi32> to vector<160x128xi32>
    %lt3A_883 = arith.cmpi slt, %add3A_106, %broadcast_in_dim3A_882 : vector<160x128xi32>
    %and3A_884 = arith.andi %eq3A, %lt3A_883 : vector<160x128xi1>
    %convert_element_type3A_885 = arith.extui %and3A_884 : vector<160x128xi1> to vector<160x128xi32>
    %reduce_sum3A_886 = arith.constant dense<0> : vector<128xi32>
    %reduce_sum3A_887 = vector.multi_reduction <add>, %convert_element_type3A_885, %reduce_sum3A_886 [0] : vector<160x128xi32> to vector<128xi32>
    %broadcast_in_dim3A_888 = vector.shape_cast %reduce_sum3A_887 : vector<128xi32> to vector<1x128xi32>
    %reduce_sum3A_889 = arith.constant dense<0> : vector<1xi32>
    %reduce_sum3A_890 = vector.multi_reduction <add>, %broadcast_in_dim3A_888, %reduce_sum3A_889 [1] : vector<1x128xi32> to vector<1xi32>
    %broadcast_in_dim3A_891 = vector.shape_cast %reduce_sum3A_890 : vector<1xi32> to vector<1x1xi32>
    %lt3A_892 = arith.cmpi slt, %broadcast_in_dim3A_891, %sub3A_683 : vector<1x1xi32>
    %select_n3A_893 = arith.select %lt3A_892, %or3A_880, %select_n3A_877 : vector<1x1xi1>, vector<1x1xi32>
    %or3A_894 = arith.constant 2 : i32
    %or3A_895 = vector.broadcast %or3A_894 : i32 to vector<1x1xi32>
    %or3A_896 = arith.ori %select_n3A_893, %or3A_895 : vector<1x1xi32>
    %broadcast_in_dim3A_897 = vector.shape_cast %or3A_896 : vector<1x1xi32> to vector<1x1xi32>
    %broadcast_in_dim3A_898 = vector.broadcast %broadcast_in_dim3A_897 : vector<1x1xi32> to vector<160x128xi32>
    %lt3A_899 = arith.cmpi slt, %add3A_106, %broadcast_in_dim3A_898 : vector<160x128xi32>
    %and3A_900 = arith.andi %eq3A, %lt3A_899 : vector<160x128xi1>
    %convert_element_type3A_901 = arith.extui %and3A_900 : vector<160x128xi1> to vector<160x128xi32>
    %reduce_sum3A_902 = arith.constant dense<0> : vector<128xi32>
    %reduce_sum3A_903 = vector.multi_reduction <add>, %convert_element_type3A_901, %reduce_sum3A_902 [0] : vector<160x128xi32> to vector<128xi32>
    %broadcast_in_dim3A_904 = vector.shape_cast %reduce_sum3A_903 : vector<128xi32> to vector<1x128xi32>
    %reduce_sum3A_905 = arith.constant dense<0> : vector<1xi32>
    %reduce_sum3A_906 = vector.multi_reduction <add>, %broadcast_in_dim3A_904, %reduce_sum3A_905 [1] : vector<1x128xi32> to vector<1xi32>
    %broadcast_in_dim3A_907 = vector.shape_cast %reduce_sum3A_906 : vector<1xi32> to vector<1x1xi32>
    %lt3A_908 = arith.cmpi slt, %broadcast_in_dim3A_907, %sub3A_683 : vector<1x1xi32>
    %select_n3A_909 = arith.select %lt3A_908, %or3A_896, %select_n3A_893 : vector<1x1xi1>, vector<1x1xi32>
    %or3A_910 = arith.constant 1 : i32
    %or3A_911 = vector.broadcast %or3A_910 : i32 to vector<1x1xi32>
    %or3A_912 = arith.ori %select_n3A_909, %or3A_911 : vector<1x1xi32>
    %broadcast_in_dim3A_913 = vector.shape_cast %or3A_912 : vector<1x1xi32> to vector<1x1xi32>
    %broadcast_in_dim3A_914 = vector.broadcast %broadcast_in_dim3A_913 : vector<1x1xi32> to vector<160x128xi32>
    %lt3A_915 = arith.cmpi slt, %add3A_106, %broadcast_in_dim3A_914 : vector<160x128xi32>
    %and3A_916 = arith.andi %eq3A, %lt3A_915 : vector<160x128xi1>
    %convert_element_type3A_917 = arith.extui %and3A_916 : vector<160x128xi1> to vector<160x128xi32>
    %reduce_sum3A_918 = arith.constant dense<0> : vector<128xi32>
    %reduce_sum3A_919 = vector.multi_reduction <add>, %convert_element_type3A_917, %reduce_sum3A_918 [0] : vector<160x128xi32> to vector<128xi32>
    %broadcast_in_dim3A_920 = vector.shape_cast %reduce_sum3A_919 : vector<128xi32> to vector<1x128xi32>
    %reduce_sum3A_921 = arith.constant dense<0> : vector<1xi32>
    %reduce_sum3A_922 = vector.multi_reduction <add>, %broadcast_in_dim3A_920, %reduce_sum3A_921 [1] : vector<1x128xi32> to vector<1xi32>
    %broadcast_in_dim3A_923 = vector.shape_cast %reduce_sum3A_922 : vector<1xi32> to vector<1x1xi32>
    %lt3A_924 = arith.cmpi slt, %broadcast_in_dim3A_923, %sub3A_683 : vector<1x1xi32>
    %select_n3A_925 = arith.select %lt3A_924, %or3A_912, %select_n3A_909 : vector<1x1xi1>, vector<1x1xi32>
    %broadcast_in_dim3A_926 = vector.shape_cast %select_n3A_660 : vector<1x1xi32> to vector<1x1xi32>
    %broadcast_in_dim3A_927 = vector.broadcast %broadcast_in_dim3A_926 : vector<1x1xi32> to vector<160x128xi32>
    %gt3A = arith.cmpi sgt, %select_n3A_117, %broadcast_in_dim3A_927 : vector<160x128xi32>
    %broadcast_in_dim3A_928 = vector.shape_cast %select_n3A_925 : vector<1x1xi32> to vector<1x1xi32>
    %broadcast_in_dim3A_929 = vector.broadcast %broadcast_in_dim3A_928 : vector<1x1xi32> to vector<160x128xi32>
    %le3A = arith.cmpi sle, %add3A_106, %broadcast_in_dim3A_929 : vector<160x128xi32>
    %and3A_930 = arith.andi %eq3A, %le3A : vector<160x128xi1>
    %or3A_931 = arith.ori %gt3A, %and3A_930 : vector<160x128xi1>
    %gt3A_932 = arith.constant -1.000000e+08 : f32
    %gt3A_933 = vector.broadcast %gt3A_932 : f32 to vector<160x128xf32>
    %gt3A_934 = arith.cmpf ogt, %select_n3A, %gt3A_933 : vector<160x128xf32>
    %and3A_935 = arith.andi %or3A_931, %gt3A_934 : vector<160x128xi1>
    %jit3A_936 = arith.constant -1.000000e+30 : f32
    %broadcast_in_dim3A_937 = vector.broadcast %jit3A_936 : f32 to vector<160x128xf32>
    %select_n3A_938 = arith.select %and3A_935, %select_n3A, %broadcast_in_dim3A_937 : vector<160x128xi1>, vector<160x128xf32>
    %sub3A_939 = arith.subf %min3A_90, %min3A_72 : vector<160x128xf32>
    %max3A_940 = arith.constant 0.000000e+00 : f32
    %max3A_941 = vector.broadcast %max3A_940 : f32 to vector<160x128xf32>
    %max3A_942 = arith.maximumf %sub3A_939, %max3A_941 : vector<160x128xf32>
    %sub3A_943 = arith.subf %min3A_81, %min3A_63 : vector<160x128xf32>
    %max3A_944 = arith.constant 0.000000e+00 : f32
    %max3A_945 = vector.broadcast %max3A_944 : f32 to vector<160x128xf32>
    %max3A_946 = arith.maximumf %sub3A_943, %max3A_945 : vector<160x128xf32>
    %mul3A_947 = arith.mulf %max3A_942, %max3A_946 : vector<160x128xf32>
    %convert_element_type3A_948 = arith.extui %and3A_935 : vector<160x128xi1> to vector<160x128xi32>
    %broadcast_in_dim3A_949 = arith.constant 0 : i32
    %broadcast_in_dim3A_950 = vector.broadcast %broadcast_in_dim3A_949 : i32 to vector<160x1xi32>
    %slice3A = vector.extract_strided_slice %convert_element_type3A_948 {offsets = [0, 0], sizes = [160, 127], strides = [1, 1]} : vector<160x128xi32> to vector<160x127xi32>
    %concatenate3A = tpu.concatenate %broadcast_in_dim3A_950, %slice3A in 1 : vector<160x1xi32>, vector<160x127xi32> -> vector<160x128xi32>
    %add3A_951 = arith.addi %convert_element_type3A_948, %concatenate3A : vector<160x128xi32>
    %broadcast_in_dim3A_952 = arith.constant 0 : i32
    %broadcast_in_dim3A_953 = vector.broadcast %broadcast_in_dim3A_952 : i32 to vector<160x2xi32>
    %slice3A_954 = vector.extract_strided_slice %add3A_951 {offsets = [0, 0], sizes = [160, 126], strides = [1, 1]} : vector<160x128xi32> to vector<160x126xi32>
    %concatenate3A_955 = tpu.concatenate %broadcast_in_dim3A_953, %slice3A_954 in 1 : vector<160x2xi32>, vector<160x126xi32> -> vector<160x128xi32>
    %add3A_956 = arith.addi %add3A_951, %concatenate3A_955 : vector<160x128xi32>
    %broadcast_in_dim3A_957 = arith.constant 0 : i32
    %broadcast_in_dim3A_958 = vector.broadcast %broadcast_in_dim3A_957 : i32 to vector<160x4xi32>
    %slice3A_959 = vector.extract_strided_slice %add3A_956 {offsets = [0, 0], sizes = [160, 124], strides = [1, 1]} : vector<160x128xi32> to vector<160x124xi32>
    %concatenate3A_960 = tpu.concatenate %broadcast_in_dim3A_958, %slice3A_959 in 1 : vector<160x4xi32>, vector<160x124xi32> -> vector<160x128xi32>
    %add3A_961 = arith.addi %add3A_956, %concatenate3A_960 : vector<160x128xi32>
    %broadcast_in_dim3A_962 = arith.constant 0 : i32
    %broadcast_in_dim3A_963 = vector.broadcast %broadcast_in_dim3A_962 : i32 to vector<160x8xi32>
    %slice3A_964 = vector.extract_strided_slice %add3A_961 {offsets = [0, 0], sizes = [160, 120], strides = [1, 1]} : vector<160x128xi32> to vector<160x120xi32>
    %concatenate3A_965 = tpu.concatenate %broadcast_in_dim3A_963, %slice3A_964 in 1 : vector<160x8xi32>, vector<160x120xi32> -> vector<160x128xi32>
    %add3A_966 = arith.addi %add3A_961, %concatenate3A_965 : vector<160x128xi32>
    %broadcast_in_dim3A_967 = arith.constant 0 : i32
    %broadcast_in_dim3A_968 = vector.broadcast %broadcast_in_dim3A_967 : i32 to vector<160x16xi32>
    %slice3A_969 = vector.extract_strided_slice %add3A_966 {offsets = [0, 0], sizes = [160, 112], strides = [1, 1]} : vector<160x128xi32> to vector<160x112xi32>
    %concatenate3A_970 = tpu.concatenate %broadcast_in_dim3A_968, %slice3A_969 in 1 : vector<160x16xi32>, vector<160x112xi32> -> vector<160x128xi32>
    %add3A_971 = arith.addi %add3A_966, %concatenate3A_970 : vector<160x128xi32>
    %broadcast_in_dim3A_972 = arith.constant 0 : i32
    %broadcast_in_dim3A_973 = vector.broadcast %broadcast_in_dim3A_972 : i32 to vector<160x32xi32>
    %slice3A_974 = vector.extract_strided_slice %add3A_971 {offsets = [0, 0], sizes = [160, 96], strides = [1, 1]} : vector<160x128xi32> to vector<160x96xi32>
    %concatenate3A_975 = tpu.concatenate %broadcast_in_dim3A_973, %slice3A_974 in 1 : vector<160x32xi32>, vector<160x96xi32> -> vector<160x128xi32>
    %add3A_976 = arith.addi %add3A_971, %concatenate3A_975 : vector<160x128xi32>
    %broadcast_in_dim3A_977 = arith.constant 0 : i32
    %broadcast_in_dim3A_978 = vector.broadcast %broadcast_in_dim3A_977 : i32 to vector<160x64xi32>
    %slice3A_979 = vector.extract_strided_slice %add3A_976 {offsets = [0, 0], sizes = [160, 64], strides = [1, 1]} : vector<160x128xi32> to vector<160x64xi32>
    %concatenate3A_980 = tpu.concatenate %broadcast_in_dim3A_978, %slice3A_979 in 1 : vector<160x64xi32>, vector<160x64xi32> -> vector<160x128xi32>
    %add3A_981 = arith.addi %add3A_976, %concatenate3A_980 : vector<160x128xi32>
    %slice3A_982 = vector.extract_strided_slice %add3A_981 {offsets = [0, 127], sizes = [160, 1], strides = [1, 1]} : vector<160x128xi32> to vector<160x1xi32>
    %broadcast_in_dim3A_983 = arith.constant 0 : i32
    %broadcast_in_dim3A_984 = vector.broadcast %broadcast_in_dim3A_983 : i32 to vector<1x1xi32>
    %slice3A_985 = vector.extract_strided_slice %slice3A_982 {offsets = [0, 0], sizes = [159, 1], strides = [1, 1]} : vector<160x1xi32> to vector<159x1xi32>
    %concatenate3A_986 = tpu.concatenate %broadcast_in_dim3A_984, %slice3A_985 in 0 : vector<1x1xi32>, vector<159x1xi32> -> vector<160x1xi32>
    %add3A_987 = arith.addi %slice3A_982, %concatenate3A_986 : vector<160x1xi32>
    %broadcast_in_dim3A_988 = arith.constant 0 : i32
    %broadcast_in_dim3A_989 = vector.broadcast %broadcast_in_dim3A_988 : i32 to vector<2x1xi32>
    %slice3A_990 = vector.extract_strided_slice %add3A_987 {offsets = [0, 0], sizes = [158, 1], strides = [1, 1]} : vector<160x1xi32> to vector<158x1xi32>
    %concatenate3A_991 = tpu.concatenate %broadcast_in_dim3A_989, %slice3A_990 in 0 : vector<2x1xi32>, vector<158x1xi32> -> vector<160x1xi32>
    %add3A_992 = arith.addi %add3A_987, %concatenate3A_991 : vector<160x1xi32>
    %broadcast_in_dim3A_993 = arith.constant 0 : i32
    %broadcast_in_dim3A_994 = vector.broadcast %broadcast_in_dim3A_993 : i32 to vector<4x1xi32>
    %slice3A_995 = vector.extract_strided_slice %add3A_992 {offsets = [0, 0], sizes = [156, 1], strides = [1, 1]} : vector<160x1xi32> to vector<156x1xi32>
    %concatenate3A_996 = tpu.concatenate %broadcast_in_dim3A_994, %slice3A_995 in 0 : vector<4x1xi32>, vector<156x1xi32> -> vector<160x1xi32>
    %add3A_997 = arith.addi %add3A_992, %concatenate3A_996 : vector<160x1xi32>
    %broadcast_in_dim3A_998 = arith.constant 0 : i32
    %broadcast_in_dim3A_999 = vector.broadcast %broadcast_in_dim3A_998 : i32 to vector<8x1xi32>
    %slice3A_1000 = vector.extract_strided_slice %add3A_997 {offsets = [0, 0], sizes = [152, 1], strides = [1, 1]} : vector<160x1xi32> to vector<152x1xi32>
    %concatenate3A_1001 = tpu.concatenate %broadcast_in_dim3A_999, %slice3A_1000 in 0 : vector<8x1xi32>, vector<152x1xi32> -> vector<160x1xi32>
    %add3A_1002 = arith.addi %add3A_997, %concatenate3A_1001 : vector<160x1xi32>
    %broadcast_in_dim3A_1003 = arith.constant 0 : i32
    %broadcast_in_dim3A_1004 = vector.broadcast %broadcast_in_dim3A_1003 : i32 to vector<16x1xi32>
    %slice3A_1005 = vector.extract_strided_slice %add3A_1002 {offsets = [0, 0], sizes = [144, 1], strides = [1, 1]} : vector<160x1xi32> to vector<144x1xi32>
    %concatenate3A_1006 = tpu.concatenate %broadcast_in_dim3A_1004, %slice3A_1005 in 0 : vector<16x1xi32>, vector<144x1xi32> -> vector<160x1xi32>
    %add3A_1007 = arith.addi %add3A_1002, %concatenate3A_1006 : vector<160x1xi32>
    %broadcast_in_dim3A_1008 = arith.constant 0 : i32
    %broadcast_in_dim3A_1009 = vector.broadcast %broadcast_in_dim3A_1008 : i32 to vector<32x1xi32>
    %slice3A_1010 = vector.extract_strided_slice %add3A_1007 {offsets = [0, 0], sizes = [128, 1], strides = [1, 1]} : vector<160x1xi32> to vector<128x1xi32>
    %concatenate3A_1011 = tpu.concatenate %broadcast_in_dim3A_1009, %slice3A_1010 in 0 : vector<32x1xi32>, vector<128x1xi32> -> vector<160x1xi32>
    %add3A_1012 = arith.addi %add3A_1007, %concatenate3A_1011 : vector<160x1xi32>
    %broadcast_in_dim3A_1013 = arith.constant 0 : i32
    %broadcast_in_dim3A_1014 = vector.broadcast %broadcast_in_dim3A_1013 : i32 to vector<64x1xi32>
    %slice3A_1015 = vector.extract_strided_slice %add3A_1012 {offsets = [0, 0], sizes = [96, 1], strides = [1, 1]} : vector<160x1xi32> to vector<96x1xi32>
    %concatenate3A_1016 = tpu.concatenate %broadcast_in_dim3A_1014, %slice3A_1015 in 0 : vector<64x1xi32>, vector<96x1xi32> -> vector<160x1xi32>
    %add3A_1017 = arith.addi %add3A_1012, %concatenate3A_1016 : vector<160x1xi32>
    %broadcast_in_dim3A_1018 = arith.constant 0 : i32
    %broadcast_in_dim3A_1019 = vector.broadcast %broadcast_in_dim3A_1018 : i32 to vector<128x1xi32>
    %slice3A_1020 = vector.extract_strided_slice %add3A_1017 {offsets = [0, 0], sizes = [32, 1], strides = [1, 1]} : vector<160x1xi32> to vector<32x1xi32>
    %concatenate3A_1021 = tpu.concatenate %broadcast_in_dim3A_1019, %slice3A_1020 in 0 : vector<128x1xi32>, vector<32x1xi32> -> vector<160x1xi32>
    %add3A_1022 = arith.addi %add3A_1017, %concatenate3A_1021 : vector<160x1xi32>
    %sub3A_1023 = arith.subi %add3A_1022, %slice3A_982 : vector<160x1xi32>
    %add3A_1024 = vector.broadcast %sub3A_1023 : vector<160x1xi32> to vector<160x128xi32>
    %add3A_1025 = arith.addi %add3A_1024, %add3A_981 : vector<160x128xi32>
    %sub3A_1026 = arith.subi %add3A_1025, %convert_element_type3A_948 : vector<160x128xi32>
    %jit3A_1027 = arith.constant 6144 : i32
    %broadcast_in_dim3A_1028 = vector.broadcast %jit3A_1027 : i32 to vector<160x128xi32>
    %select_n3A_1029 = arith.select %and3A_935, %sub3A_1026, %broadcast_in_dim3A_1028 : vector<160x128xi1>, vector<160x128xi32>
    %swap3A = arith.constant 0 : index
    %swap3A_1030 = arith.constant 0 : index
    %swap3A_1031 = vector.load %arg4[%swap3A, %swap3A_1030] : memref<160x128xi32, #tpu.memory_space<vmem>>, vector<160x128xi32>
    tpu.vector_store %arg4[%swap3A, %swap3A_1030], %select_n3A_1029 {strides = array<i32>} : memref<160x128xi32, #tpu.memory_space<vmem>>, vector<160x128xi32>,
    %swap3A_1032 = arith.constant 0 : index
    %swap3A_1033 = arith.constant 0 : index
    %swap3A_1034 = vector.load %arg5[%swap3A_1032, %swap3A_1033] : memref<160x128xi32, #tpu.memory_space<vmem>>, vector<160x128xi32>
    tpu.vector_store %arg5[%swap3A_1032, %swap3A_1033], %add3A_106 {strides = array<i32>} : memref<160x128xi32, #tpu.memory_space<vmem>>, vector<160x128xi32>,
    %reduce_max3A = arith.constant dense<-2147483648> : vector<128xi32>
    %reduce_max3A_1035 = vector.multi_reduction <maxsi>, %select_n3A_117, %reduce_max3A [0] : vector<160x128xi32> to vector<128xi32>
    %broadcast_in_dim3A_1036 = vector.shape_cast %reduce_max3A_1035 : vector<128xi32> to vector<1x128xi32>
    %reduce_max3A_1037 = arith.constant dense<-2147483648> : vector<1xi32>
    %reduce_max3A_1038 = vector.multi_reduction <maxsi>, %broadcast_in_dim3A_1036, %reduce_max3A_1037 [1] : vector<1x128xi32> to vector<1xi32>
    %broadcast_in_dim3A_1039 = vector.shape_cast %reduce_max3A_1038 : vector<1xi32> to vector<1x1xi32>
    %broadcast_in_dim3A_1040 = vector.shape_cast %broadcast_in_dim3A_1039 : vector<1x1xi32> to vector<1x1xi32>
    %broadcast_in_dim3A_1041 = vector.broadcast %broadcast_in_dim3A_1040 : vector<1x1xi32> to vector<160x128xi32>
    %eq3A_1042 = arith.cmpi eq, %select_n3A_117, %broadcast_in_dim3A_1041 : vector<160x128xi32>
    %jit3A_1043 = arith.constant 1073741824 : i32
    %broadcast_in_dim3A_1044 = vector.broadcast %jit3A_1043 : i32 to vector<160x128xi32>
    %select_n3A_1045 = arith.select %eq3A_1042, %add3A_106, %broadcast_in_dim3A_1044 : vector<160x128xi1>, vector<160x128xi32>
    %reduce_min3A = arith.constant dense<2147483647> : vector<128xi32>
    %reduce_min3A_1046 = vector.multi_reduction <minsi>, %select_n3A_1045, %reduce_min3A [0] : vector<160x128xi32> to vector<128xi32>
    %broadcast_in_dim3A_1047 = vector.shape_cast %reduce_min3A_1046 : vector<128xi32> to vector<1x128xi32>
    %reduce_min3A_1048 = arith.constant dense<2147483647> : vector<1xi32>
    %reduce_min3A_1049 = vector.multi_reduction <minsi>, %broadcast_in_dim3A_1047, %reduce_min3A_1048 [1] : vector<1x128xi32> to vector<1xi32>
    %broadcast_in_dim3A_1050 = vector.shape_cast %reduce_min3A_1049 : vector<1xi32> to vector<1x1xi32>
    %broadcast_in_dim3A_1051 = vector.shape_cast %broadcast_in_dim3A_1050 : vector<1x1xi32> to vector<1x1xi32>
    %broadcast_in_dim3A_1052 = vector.broadcast %broadcast_in_dim3A_1051 : vector<1x1xi32> to vector<160x128xi32>
    %eq3A_1053 = arith.cmpi eq, %add3A_106, %broadcast_in_dim3A_1052 : vector<160x128xi32>
    %jit3A_1054 = arith.constant 0.000000e+00 : f32
    %broadcast_in_dim3A_1055 = vector.broadcast %jit3A_1054 : f32 to vector<160x128xf32>
    %select_n3A_1056 = arith.select %eq3A_1053, %min3A_63, %broadcast_in_dim3A_1055 : vector<160x128xi1>, vector<160x128xf32>
    %reduce_sum3A_1057 = arith.constant dense<0.000000e+00> : vector<128xf32>
    %reduce_sum3A_1058 = vector.multi_reduction <add>, %select_n3A_1056, %reduce_sum3A_1057 [0] : vector<160x128xf32> to vector<128xf32>
    %broadcast_in_dim3A_1059 = vector.shape_cast %reduce_sum3A_1058 : vector<128xf32> to vector<1x128xf32>
    %reduce_sum3A_1060 = arith.constant dense<0.000000e+00> : vector<1xf32>
    %reduce_sum3A_1061 = vector.multi_reduction <add>, %broadcast_in_dim3A_1059, %reduce_sum3A_1060 [1] : vector<1x128xf32> to vector<1xf32>
    %broadcast_in_dim3A_1062 = vector.shape_cast %reduce_sum3A_1061 : vector<1xf32> to vector<1x1xf32>
    %jit3A_1063 = arith.constant 0.000000e+00 : f32
    %broadcast_in_dim3A_1064 = vector.broadcast %jit3A_1063 : f32 to vector<160x128xf32>
    %select_n3A_1065 = arith.select %eq3A_1053, %min3A_72, %broadcast_in_dim3A_1064 : vector<160x128xi1>, vector<160x128xf32>
    %reduce_sum3A_1066 = arith.constant dense<0.000000e+00> : vector<128xf32>
    %reduce_sum3A_1067 = vector.multi_reduction <add>, %select_n3A_1065, %reduce_sum3A_1066 [0] : vector<160x128xf32> to vector<128xf32>
    %broadcast_in_dim3A_1068 = vector.shape_cast %reduce_sum3A_1067 : vector<128xf32> to vector<1x128xf32>
    %reduce_sum3A_1069 = arith.constant dense<0.000000e+00> : vector<1xf32>
    %reduce_sum3A_1070 = vector.multi_reduction <add>, %broadcast_in_dim3A_1068, %reduce_sum3A_1069 [1] : vector<1x128xf32> to vector<1xf32>
    %broadcast_in_dim3A_1071 = vector.shape_cast %reduce_sum3A_1070 : vector<1xf32> to vector<1x1xf32>
    %jit3A_1072 = arith.constant 0.000000e+00 : f32
    %broadcast_in_dim3A_1073 = vector.broadcast %jit3A_1072 : f32 to vector<160x128xf32>
    %select_n3A_1074 = arith.select %eq3A_1053, %min3A_81, %broadcast_in_dim3A_1073 : vector<160x128xi1>, vector<160x128xf32>
    %reduce_sum3A_1075 = arith.constant dense<0.000000e+00> : vector<128xf32>
    %reduce_sum3A_1076 = vector.multi_reduction <add>, %select_n3A_1074, %reduce_sum3A_1075 [0] : vector<160x128xf32> to vector<128xf32>
    %broadcast_in_dim3A_1077 = vector.shape_cast %reduce_sum3A_1076 : vector<128xf32> to vector<1x128xf32>
    %reduce_sum3A_1078 = arith.constant dense<0.000000e+00> : vector<1xf32>
    %reduce_sum3A_1079 = vector.multi_reduction <add>, %broadcast_in_dim3A_1077, %reduce_sum3A_1078 [1] : vector<1x128xf32> to vector<1xf32>
    %broadcast_in_dim3A_1080 = vector.shape_cast %reduce_sum3A_1079 : vector<1xf32> to vector<1x1xf32>
    %jit3A_1081 = arith.constant 0.000000e+00 : f32
    %broadcast_in_dim3A_1082 = vector.broadcast %jit3A_1081 : f32 to vector<160x128xf32>
    %select_n3A_1083 = arith.select %eq3A_1053, %min3A_90, %broadcast_in_dim3A_1082 : vector<160x128xi1>, vector<160x128xf32>
    %reduce_sum3A_1084 = arith.constant dense<0.000000e+00> : vector<128xf32>
    %reduce_sum3A_1085 = vector.multi_reduction <add>, %select_n3A_1083, %reduce_sum3A_1084 [0] : vector<160x128xf32> to vector<128xf32>
    %broadcast_in_dim3A_1086 = vector.shape_cast %reduce_sum3A_1085 : vector<128xf32> to vector<1x128xf32>
    %reduce_sum3A_1087 = arith.constant dense<0.000000e+00> : vector<1xf32>
    %reduce_sum3A_1088 = vector.multi_reduction <add>, %broadcast_in_dim3A_1086, %reduce_sum3A_1087 [1] : vector<1x128xf32> to vector<1xf32>
    %broadcast_in_dim3A_1089 = vector.shape_cast %reduce_sum3A_1088 : vector<1xf32> to vector<1x1xf32>
    %iota3A_1090 = tpu.iota {dimensions = array<i32: 1>} : vector<1x128xi32>
    %eq3A_1091 = arith.constant 0 : i32
    %eq3A_1092 = vector.broadcast %eq3A_1091 : i32 to vector<1x128xi32>
    %eq3A_1093 = arith.cmpi eq, %iota3A_1090, %eq3A_1092 : vector<1x128xi32>
    %broadcast_in_dim3A_1094 = vector.shape_cast %broadcast_in_dim3A_1062 : vector<1x1xf32> to vector<1x1xf32>
    %broadcast_in_dim3A_1095 = vector.broadcast %broadcast_in_dim3A_1094 : vector<1x1xf32> to vector<1x128xf32>
    %eq3A_1096 = arith.constant 1 : i32
    %eq3A_1097 = vector.broadcast %eq3A_1096 : i32 to vector<1x128xi32>
    %eq3A_1098 = arith.cmpi eq, %iota3A_1090, %eq3A_1097 : vector<1x128xi32>
    %broadcast_in_dim3A_1099 = vector.shape_cast %broadcast_in_dim3A_1071 : vector<1x1xf32> to vector<1x1xf32>
    %broadcast_in_dim3A_1100 = vector.broadcast %broadcast_in_dim3A_1099 : vector<1x1xf32> to vector<1x128xf32>
    %eq3A_1101 = arith.constant 2 : i32
    %eq3A_1102 = vector.broadcast %eq3A_1101 : i32 to vector<1x128xi32>
    %eq3A_1103 = arith.cmpi eq, %iota3A_1090, %eq3A_1102 : vector<1x128xi32>
    %broadcast_in_dim3A_1104 = vector.shape_cast %broadcast_in_dim3A_1080 : vector<1x1xf32> to vector<1x1xf32>
    %broadcast_in_dim3A_1105 = vector.broadcast %broadcast_in_dim3A_1104 : vector<1x1xf32> to vector<1x128xf32>
    %eq3A_1106 = arith.constant 3 : i32
    %eq3A_1107 = vector.broadcast %eq3A_1106 : i32 to vector<1x128xi32>
    %eq3A_1108 = arith.cmpi eq, %iota3A_1090, %eq3A_1107 : vector<1x128xi32>
    %broadcast_in_dim3A_1109 = vector.shape_cast %broadcast_in_dim3A_1089 : vector<1x1xf32> to vector<1x1xf32>
    %broadcast_in_dim3A_1110 = vector.broadcast %broadcast_in_dim3A_1109 : vector<1x1xf32> to vector<1x128xf32>
    %broadcast_in_dim3A_1111 = arith.constant 0.000000e+00 : f32
    %broadcast_in_dim3A_1112 = vector.broadcast %broadcast_in_dim3A_1111 : f32 to vector<1x128xf32>
    %select_n3A_1113 = arith.select %eq3A_1108, %broadcast_in_dim3A_1110, %broadcast_in_dim3A_1112 : vector<1x128xi1>, vector<1x128xf32>
    %select_n3A_1114 = arith.select %eq3A_1103, %broadcast_in_dim3A_1105, %select_n3A_1113 : vector<1x128xi1>, vector<1x128xf32>
    %select_n3A_1115 = arith.select %eq3A_1098, %broadcast_in_dim3A_1100, %select_n3A_1114 : vector<1x128xi1>, vector<1x128xf32>
    %select_n3A_1116 = arith.select %eq3A_1093, %broadcast_in_dim3A_1095, %select_n3A_1115 : vector<1x128xi1>, vector<1x128xf32>
    %swap3A_1117 = arith.constant 0 : index
    %swap3A_1118 = arith.constant 0 : index
    %swap3A_1119 = vector.load %arg6[%swap3A_1117, %swap3A_1118] : memref<160x128xf32, #tpu.memory_space<vmem>>, vector<160x128xf32>
    tpu.vector_store %arg6[%swap3A_1117, %swap3A_1118], %min3A_63 {strides = array<i32>} : memref<160x128xf32, #tpu.memory_space<vmem>>, vector<160x128xf32>,
    %swap3A_1120 = arith.constant 0 : index
    %swap3A_1121 = arith.constant 0 : index
    %swap3A_1122 = vector.load %arg7[%swap3A_1120, %swap3A_1121] : memref<160x128xf32, #tpu.memory_space<vmem>>, vector<160x128xf32>
    tpu.vector_store %arg7[%swap3A_1120, %swap3A_1121], %min3A_72 {strides = array<i32>} : memref<160x128xf32, #tpu.memory_space<vmem>>, vector<160x128xf32>,
    %swap3A_1123 = arith.constant 0 : index
    %swap3A_1124 = arith.constant 0 : index
    %swap3A_1125 = vector.load %arg8[%swap3A_1123, %swap3A_1124] : memref<160x128xf32, #tpu.memory_space<vmem>>, vector<160x128xf32>
    tpu.vector_store %arg8[%swap3A_1123, %swap3A_1124], %min3A_81 {strides = array<i32>} : memref<160x128xf32, #tpu.memory_space<vmem>>, vector<160x128xf32>,
    %swap3A_1126 = arith.constant 0 : index
    %swap3A_1127 = arith.constant 0 : index
    %swap3A_1128 = vector.load %arg9[%swap3A_1126, %swap3A_1127] : memref<160x128xf32, #tpu.memory_space<vmem>>, vector<160x128xf32>
    tpu.vector_store %arg9[%swap3A_1126, %swap3A_1127], %min3A_90 {strides = array<i32>} : memref<160x128xf32, #tpu.memory_space<vmem>>, vector<160x128xf32>,
    %swap3A_1129 = arith.constant 0 : index
    %swap3A_1130 = arith.constant 0 : index
    %swap3A_1131 = vector.load %arg10[%swap3A_1129, %swap3A_1130] : memref<160x128xf32, #tpu.memory_space<vmem>>, vector<160x128xf32>
    tpu.vector_store %arg10[%swap3A_1129, %swap3A_1130], %mul3A_947 {strides = array<i32>} : memref<160x128xf32, #tpu.memory_space<vmem>>, vector<160x128xf32>,
    %swap3A_1132 = arith.constant 0 : index
    %swap3A_1133 = arith.constant 0 : index
    %swap3A_1134 = vector.load %arg11[%swap3A_1132, %swap3A_1133] : memref<160x128xf32, #tpu.memory_space<vmem>>, vector<160x128xf32>
    tpu.vector_store %arg11[%swap3A_1132, %swap3A_1133], %select_n3A_938 {strides = array<i32>} : memref<160x128xf32, #tpu.memory_space<vmem>>, vector<160x128xf32>,
    %broadcast_in_dim3A_1135 = vector.shape_cast %select_n3A_1116 : vector<1x128xf32> to vector<1x128xf32>
    %broadcast_in_dim3A_1136 = vector.broadcast %broadcast_in_dim3A_1135 : vector<1x128xf32> to vector<8x128xf32>
    %swap3A_1137 = arith.constant 0 : index
    %swap3A_1138 = arith.constant 0 : index
    %swap3A_1139 = vector.load %arg12[%swap3A_1137, %swap3A_1138] : memref<8x128xf32, #tpu.memory_space<vmem>>, vector<8x128xf32>
    tpu.vector_store %arg12[%swap3A_1137, %swap3A_1138], %broadcast_in_dim3A_1136 {strides = array<i32>} : memref<8x128xf32, #tpu.memory_space<vmem>>, vector<8x128xf32>,
    return
  }
}

</mosaic_0001>

<sc_bundles>
// kernel: kernel.5.cloned.1.call-start
scs
__scs_entry_jumppad:
0x0: {  	(pc) =	sbr.rel $0x88, $3  }
0x1: {  	(tag) =	ssettag $0x0;
	lr =	simm.s32 $0x1  }
0x2: {  	[smem:$0x3F9D] =	sst lr;
	_ =	strace $0xD0000000  }
0x3: {  	_ = 	snop  }
0x4: {  	_ = 	snop  }
0x5: {  	_ = 	snop  }
0x6: {  	_ = 	snop  }
0x7: {  	_ = 	snop  }
__scs_overlays_trampoline_lowered:
0x8: {  	[smem:$0x3FAC] =	sst s0  }
0x9: {  	[smem:$0x3FAD] =	sst s1  }
0xa: {  	[smem:$0x3FAE] =	sst s2  }
0xb: {  	[smem:$0x3FAF] =	sst s3  }
0xc: {  	[smem:$0x3FB0] =	sst s4  }
0xd: {  	[smem:$0x3FB1] =	sst s5  }
0xe: {  	[smem:$0x3FB2] =	sst s6  }
0xf: {  	[smem:$0x3FB3] =	sst s7  }
0x10: {  	[smem:$0x3FB4] =	sst s8  }
0x11: {  	[smem:$0x3FB5] =	sst s9;
	s0 =	simm.s32 @!p0 $0x0  }
0x12: {  	s1 =	sld [smem:$0x3F9B];
	s0 =	simm.s32 @p0 $0x1  }
0x13: {  	[smem:$0x3FB6] =	sst s0;
	s0 =	simm.s32 @!p1 $0x0  }
0x14: {  	s2 =	sld [smem:$0x3F9A];
	s0 =	simm.s32 @p1 $0x1  }
0x15: {  	[smem:$0x3FB7] =	sst s0;
	s0 =	simm.s32 @!p2 $0x0  }
0x16: {  	s3 =	sld [smem:$0x3FDB];
	s0 =	simm.s32 @p2 $0x1  }
0x17: {  	s4 =	simm.s32 $0x1BF5;
	[smem:$0x3FB9] =	sst s0  }
0x18: {  	s0 =	sld [smem:$0x3F9C];
	_ =	swait.ge [sflag:s4], $0x0  }
0x19: {  	s7 =	sld [smem:$0x3F9D]  }
0x1a: {  	s8 =	sadd.s32 $0xFFFFE003, lr  }
0x1b: {  	s9 =	sadd.s32 $0xFFFFFEF7, lr;
	s5 =	simm.s32 $0xFFFFFFFF;
	p2 =	slt.u32 s8, $0xFFFFF086  }
0x1c: {  	p1 =	slt.u32 s9, $0xF7A;
	s5 =	simm.s32 @!p2 $0x0  }
0x1d: {  	s5 =	simm.s32 @p1 $0x1;
	p0 =	seq.s32 s7, s2  }
0x1e: {  	s7 =	smul.u32 @!p0 $0xF7A, s2;
	p2 =	seq.s32 @!p0 s5, $0x0  }
0x1f: {  	s9 =	smul.u32 $0xF7A, s1;
	s8 =	simm.s32 @!p0 $0x1BF5;
	p2 =	por !p2, p0  }
0x20: {  	[sflag:s8] =	ssyncset.s32 @!p0 $0xFFFFF086;
	s6 =	sadd.s32 @!p0 s3, s7;
	s7 =	simm.s32 @!p0 $0x108  }
0x21: {  	s3 =	sadd.s32 s3, s9;
	s6 =	sadd.s32 @!p0 $0x88, s6;
	s7 =	simm.s32 @p2 $0x1082  }
0x22: {  	[simem:s7], [sflag:s8] =	dma.local @!p0 [hbm:s6], $0xF7A  }
0x23: {  	s9 =	sor.u32 $0xD0000000, s2;
	s6 =	simm.s32 $0x108;
	_ =	swait.ge @!p0 [sflag:s8], $0x0  }
0x24: {  	s3 =	sadd.s32 $0x88, s3;
	s6 =	simm.s32 @!p1 $0x1082;
	[sflag:s4] =	ssyncset.s32 $0xFFFFF086  }
0x25: {  	[simem:s6], [sflag:s4] =	dma.local [hbm:s3], $0xF7A  }
0x26: {  	[smem:$0x3F9D] =	sst s1;
	(tag) =	ssettag s2;
	_ =	strace s9  }
0x27: {  	s1 =	sld [smem:$0x3FAD]  }
0x28: {  	s2 =	sld [smem:$0x3FAE]  }
0x29: {  	s4 =	sld [smem:$0x3FB0]  }
0x2a: {  	p0 =	seq.s32 s5, $0x0;
	s5 =	sld [smem:$0x3FB1]  }
0x2b: {  	s6 =	sld [smem:$0x3FB2]  }
0x2c: {  	s7 =	sld [smem:$0x3FB3]  }
0x2d: {  	s3 =	simm.s32 $0x108;
	s8 =	sld [smem:$0x3FB4]  }
0x2e: {  	s3 =	simm.s32 @!p0 $0x1082;
	s9 =	sld [smem:$0x3FB5]  }
0x2f: {  	lr =	sadd.s32 s0, s3;
	s0 =	sld [smem:$0x3FAC]  }
0x30: {  	s3 =	sld [smem:$0x3FAF]  }
0x31: {  	[smem:$0x3FB8] =	sst s10  }
0x32: {  	s10 =	sld [smem:$0x3FB6];
	_ =	sdelay $0x3  }
0x33: {  	p0 =	seq.s32 s10, $0x1;
	s10 =	sld [smem:$0x3FB8];
	_ =	sdelay $0x3  }
0x34: {  	[smem:$0x3FB8] =	sst s10  }
0x35: {  	s10 =	sld [smem:$0x3FB7];
	_ =	sdelay $0x3  }
0x36: {  	p1 =	seq.s32 s10, $0x1;
	s10 =	sld [smem:$0x3FB8];
	_ =	sdelay $0x3  }
0x37: {  	[smem:$0x3FB8] =	sst s10  }
0x38: {  	s10 =	sld [smem:$0x3FB9]  }
0x39: {  	_ = 	snop;
	(pc) =	sbr.ind lr, $3  }
0x3a: {  	_ = 	snop  }
0x3b: {  	_ = 	snop  }
0x3c: {  	p2 =	seq.s32 s10, $0x1;
	s10 =	sld [smem:$0x3FB8]  }
0x3d: {  	_ =	shalt  }
0x3e: {  	_ =	shalt  }
0x3f: {  	_ =	shalt  }
0x40: {  	_ =	shalt  }
0x41: {  	_ =	shalt  }
0x42: {  	_ =	shalt  }
0x43: {  	_ =	shalt  }
0x44: {  	_ =	shalt  }
0x45: {  	_ =	shalt  }
0x46: {  	_ =	shalt  }
0x47: {  	_ =	shalt  }
0x48: {  	_ =	shalt  }
0x49: {  	_ =	shalt  }
0x4a: {  	_ =	shalt  }
0x4b: {  	_ =	shalt  }
0x4c: {  	_ =	shalt  }
0x4d: {  	_ =	shalt  }
0x4e: {  	_ =	shalt  }
0x4f: {  	_ =	shalt  }
0x50: {  	_ =	shalt  }
0x51: {  	_ =	shalt  }
0x52: {  	_ =	shalt  }
0x53: {  	_ =	shalt  }
0x54: {  	_ =	shalt  }
0x55: {  	_ =	shalt  }
0x56: {  	_ =	shalt  }
0x57: {  	_ =	shalt  }
0x58: {  	_ =	shalt  }
0x59: {  	_ =	shalt  }
0x5a: {  	_ =	shalt  }
0x5b: {  	_ =	shalt  }
0x5c: {  	_ =	shalt  }
0x5d: {  	_ =	shalt  }
0x5e: {  	_ =	shalt  }
0x5f: {  	_ =	shalt  }
0x60: {  	_ =	shalt  }
0x61: {  	_ =	shalt  }
0x62: {  	_ =	shalt  }
0x63: {  	_ =	shalt  }
0x64: {  	_ =	shalt  }
0x65: {  	_ =	shalt  }
0x66: {  	_ =	shalt  }
0x67: {  	_ =	shalt  }
0x68: {  	_ =	shalt  }
0x69: {  	_ =	shalt  }
0x6a: {  	_ =	shalt  }
0x6b: {  	_ =	shalt  }
0x6c: {  	_ =	shalt  }
0x6d: {  	_ =	shalt  }
0x6e: {  	_ =	shalt  }
0x6f: {  	_ =	shalt  }
0x70: {  	_ =	shalt  }
0x71: {  	_ =	shalt  }
0x72: {  	_ =	shalt  }
0x73: {  	_ =	shalt  }
0x74: {  	_ =	shalt  }
0x75: {  	_ =	shalt  }
0x76: {  	_ =	shalt  }
0x77: {  	_ =	shalt  }
0x78: {  	_ =	shalt  }
0x79: {  	_ =	shalt  }
0x7a: {  	_ =	shalt  }
0x7b: {  	_ =	shalt  }
0x7c: {  	_ =	shalt  }
0x7d: {  	_ =	shalt  }
0x7e: {  	_ =	shalt  }
0x7f: {  	_ =	shalt  }
0x80: {  	_ =	shalt  }
0x81: {  	_ =	shalt  }
0x82: {  	_ =	shalt  }
0x83: {  	_ =	shalt  }
0x84: {  	_ =	shalt  }
0x85: {  	_ =	shalt  }
0x86: {  	_ =	shalt  }
0x87: {  	_ =	shalt  }
.Lfunc_end0:
.L_simem_size_0:
called_computation_lowered:
.L_overlay_start_0:
0x88: {  	s2 =	sld [smem:$0x3FD9]  }
0x89: {  	s3 =	sld [smem:$0x3FFE];
	_ =	sdelay $0x1  }
0x8a: {  	s1 =	srdreg.scid  }
0x8b: {  	s0 =	sand.u32 $0x1, s1  }
0x8c: {  	s16 =	sshll.u32 s0, $0xA;
	s2 =	sadd.s32 s3, s2  }
0x8d: {  	s2 =	sadd.s32 s2, s16  }
0x8e: {  	[smem:$0x3FC4] =	sst s2  }
0x8f: {  	_ = 	snop  }
0x90: {  	(tm) =	ssettm $0x1  }
0x91: {  	s17 =	sld [smem:$0x3FFB];
	_ =	sdelay $0x3  }
0x92: {  	_ =	strace s17  }
0x93: {  	s2 =	sld [smem:$0x3FFC];
	_ =	sdelay $0x3  }
0x94: {  	_ =	strace s2  }
0x95: {  	s2 =	sld [smem:$0x3FFD];
	_ =	sdelay $0x3  }
0x96: {  	_ =	strace s2  }
0x97: {  	_ =	strace $0x8FFFFFFF  }
0x98: {  	s18 =	sld [smem:$0x3FDB];
	_ =	sdelay $0x1  }
0x99: {  	s19 =	simm.s32 $_scs_section_size  }
0x9a: {  	s4 =	simm.s32 $_size__tile_overlayer_lowered;
	s5 =	simm.s32 $_tile_overlayer_lowered  }
0x9b: {  	s22 =	simm.s32 $0x1BFF;
	s21 =	sshll.u32 s5, $0x1;
	s2 =	sadd.s32 s19, s18  }
0x9c: {  	s6 =	simm.s32 $0x0;
	s20 =	sshll.u32 s4, $0x1;
	s4 =	sadd.s32 s21, s2  }
0x9d: {  	[timem:s6], [sflag:s22] =	dma.local [hbm:s4], s20  }
0x9e: {  	_ =	swait.ge [sflag:s22], s20  }
0x9f: {  	s3 =	ssub.s32 $0x0, s20;
	[sflag:s22] =	ssyncset.done $0x0  }
0xa0: {  	[sflag:s22] =	ssyncadd.s32 s3;
	_ =	sdelay $0x1  }
0xa1: {  	s23 =	simm.s32 $0x1B8B  }
0xa2: {  	_ =	swait.ge [sflag:s23], $0x1  }
0xa3: {  	[sflag:s23] =	ssyncset.done $0x0  }
0xa4: {  	s25 =	simm.s32 $0x1B8E;
	s24 =	sld [smem:$0x3FFE];
	[sflag:s23] =	ssyncadd.s32 $0xFFFFFFFF  }
0xa5: {  	s26 =	simm.s32 $execute0_lowered;
	[smem:$0x3FD2] =	sst s25  }
0xa6: {  	s4 =	sshll.u32 s26, $0x1;
	_ =	strace $0x80000046;
	[dreg:$0x1] =	wrdreg $0xFFFFFFFF  }
0xa7: {  	s28 =	simm.s32 $_size_execute0_lowered;
	s2 =	sadd.s32 s2, s4;
	[dreg:$0x0] =	wrdreg $0x0  }
0xa8: {  	s4 =	sshll.u32 s28, $0x1;
	[dreg:$0x2] =	wrdreg s2  }
0xa9: {  	[dreg:$0x3] =	wrdreg s4  }
0xaa: {  	[dreg:$0x4] =	wrdreg $0xC0  }
0xab: {  	_ =	task [dreg:s6], $0x5FFFF  }
0xac: {  	[dreg:$0x1] =	wrdreg $0xFFFFFFFF  }
0xad: {  	[dreg:$0x0] =	wrdreg $0x60  }
0xae: {  	[dreg:$0x2] =	wrdreg s24  }
0xaf: {  	[dreg:$0x3] =	wrdreg $0x9  }
0xb0: {  	_ =	task.clear_ibuf [dreg:s6], $0x4FFFF;
	_ =	strace $0x90000046  }
0xb1: {  	s29 =	simm.s32 $0x9;
	_ =	strace $0x80000048  }
0xb2: {  	_ =	swait.ge [sflag:s29], $0x1  }
0xb3: {  	[sflag:s29] =	ssyncadd.s32 $0xFFFFFFFF  }
0xb4: {  	_ =	strace $0x90000048  }
0xb5: {  	_ =	sfence  }
0xb6: {  	s30 =	sld [smem:$0x0];
	_ =	sdelay $0x2  }
0xb7: {  	s31 =	sshll.u32 s1, $0xD;
	s1 =	sshrl.u32 s1, $0x2  }
0xb8: {  	s3 =	sand.u32 $0x4000, s31;
	s1 =	sadd.s32 s1, s30  }
0xb9: {  	s0 =	sor.u32 s3, s0;
	s1 =	sshll.u32 s1, $0x11  }
0xba: {  	s0 =	sor.u32 s1, s0  }
0xbb: {  	s0 =	sadd.s32 $0x8F2B, s0  }
0xbc: {  	[sflag:s0] =	ssyncadd.remote.s32 $0x1  }
0xbd: {  	_ =	sfence.sel $0xFFFF  }
0xbe: {  	[dreg:$0x0] =	wrdreg $0xFFFFFFFF;
	(pc) =	sbr.abs _section_cstart, $3  }
0xbf: {  	[dreg:$0x1] =	wrdreg $0xFFFFFFFF  }
0xc0: {  	_ =	task.clear_ibuf [dreg:s6], $0x2FFFF;
	_ =	strace $0x9FFFFFFF  }
0xc1: {  	(tm) =	ssettm $0x7FFFFFFF  }
tec
execute0_lowered:
.L_overlay_start_1:
0x0: {  	(tag) =	ssettag $0x1  }
0x1: {  	s1 =	srdreg.scid  }
0x2: {  	s1 =	sand.u32 $0x1, s1  }
0x3: {  	p0 =	seq.s32 s1, $0x1  }
.Ltmp0:
0x4: {  	_ = 	snop;
	(pc) =	sbr.rel @p0 .LBB2_4-.Ltmp0, $4  }
0x5: {  	_ = 	snop  }
0x6: {  	s10 =	rddreg [dreg:$0x0];
	s2 =	simm.s32 $0x0  }
0x7: {  	[smem:$0x7FF] =	sst s2  }
0x8: {  	s0 =	rddreg [dreg:$0x1];
	_ =	strace $0x80000047;
	s1 =	stileid.u32  }
0x9: {  	v0 =	vimm.s32 $0x4FFF  }
0xa: {  	v1 =	vimm.f32 $-1.000000020e+30;
	[tilespmem:$0x4000] =	vst v0  }
0xb: {  	[tilespmem:$0x4180] =	vst v1  }
0xc: {  	[tilespmem:$0x4010] =	vst v0  }
0xd: {  	[tilespmem:$0x4190] =	vst v1  }
0xe: {  	[tilespmem:$0x4020] =	vst v0  }
0xf: {  	[tilespmem:$0x41A0] =	vst v1  }
0x10: {  	[tilespmem:$0x4030] =	vst v0  }
0x11: {  	[tilespmem:$0x41B0] =	vst v1  }
0x12: {  	[tilespmem:$0x4040] =	vst v0  }
0x13: {  	[tilespmem:$0x41C0] =	vst v1  }
0x14: {  	[tilespmem:$0x4050] =	vst v0  }
0x15: {  	[tilespmem:$0x41D0] =	vst v1  }
0x16: {  	[tilespmem:$0x4060] =	vst v0  }
0x17: {  	[tilespmem:$0x41E0] =	vst v1  }
0x18: {  	[tilespmem:$0x4070] =	vst v0  }
0x19: {  	[tilespmem:$0x41F0] =	vst v1  }
0x1a: {  	[tilespmem:$0x4080] =	vst v0  }
0x1b: {  	[tilespmem:$0x4200] =	vst v1  }
0x1c: {  	[tilespmem:$0x4090] =	vst v0  }
0x1d: {  	[tilespmem:$0x4210] =	vst v1  }
0x1e: {  	[tilespmem:$0x40A0] =	vst v0  }
0x1f: {  	[tilespmem:$0x4220] =	vst v1  }
0x20: {  	[tilespmem:$0x40B0] =	vst v0  }
0x21: {  	[tilespmem:$0x4230] =	vst v1  }
0x22: {  	[tilespmem:$0x40C0] =	vst v0  }
0x23: {  	[tilespmem:$0x4240] =	vst v1  }
0x24: {  	[tilespmem:$0x40D0] =	vst v0  }
0x25: {  	[tilespmem:$0x4250] =	vst v1  }
0x26: {  	[tilespmem:$0x40E0] =	vst v0  }
0x27: {  	[tilespmem:$0x4260] =	vst v1  }
0x28: {  	[tilespmem:$0x40F0] =	vst v0  }
0x29: {  	[tilespmem:$0x4270] =	vst v1  }
0x2a: {  	[tilespmem:$0x4100] =	vst v0  }
0x2b: {  	[tilespmem:$0x4280] =	vst v1  }
0x2c: {  	[tilespmem:$0x4110] =	vst v0  }
0x2d: {  	[tilespmem:$0x4290] =	vst v1  }
0x2e: {  	[tilespmem:$0x4120] =	vst v0  }
0x2f: {  	[tilespmem:$0x42A0] =	vst v1  }
0x30: {  	[tilespmem:$0x4130] =	vst v0  }
0x31: {  	[tilespmem:$0x42B0] =	vst v1  }
0x32: {  	[tilespmem:$0x4140] =	vst v0  }
0x33: {  	[tilespmem:$0x42C0] =	vst v1  }
0x34: {  	[tilespmem:$0x4150] =	vst v0  }
0x35: {  	[tilespmem:$0x42D0] =	vst v1  }
0x36: {  	[tilespmem:$0x4160] =	vst v0  }
0x37: {  	s5 =	smul.u32 $0x30, s1;
	[tilespmem:$0x42E0] =	vst v1  }
0x38: {  	s3 =	sadd.s32 $0x7C00, s10;
	[tilespmem:$0x4170] =	vst v0  }
0x39: {  	s4 =	sadd.s32 $0x9400, s10;
	s7 =	simm.s32 $0x4000;
	[tilespmem:$0x42F0] =	vst v1;
	s6 =	sadd.s32 s3, s5  }
0x3a: {  	[hbm4b:s6+s2] =	stream.linear.scatter [tilespmem:s7], [sflag:$0x1], $0x180, $0x38;
	[tilespmem:$0x4300] =	vst v63  }
0x3b: {  	s31 =	simm.s32 $0x4180;
	s5 =	sadd.s32 s4, s5  }
0x3c: {  	[hbm4b:s5+s2] =	stream.linear.scatter [tilespmem:s31], [sflag:$0x1], $0x180, $0x38;
	[tilespmem:$0x4300] =	vst v63  }
0x3d: {  	s2 =	simm.s32 $0x1  }
0x3e: {  	p0 =	sgt.u32 s1, $0x9;
	_ =	swait.ge [sflag:s2], $0x180  }
.Ltmp1:
0x3f: {  	[sflag:s2] =	ssyncset.done $0x0;
	(pc) =	sbr.rel @p0 .LBB2_3-.Ltmp1, $4  }
0x40: {  	[sflag:s2] =	ssyncadd.s32 $0xFFFFFE80  }
0x41: {  	_ =	swait.ge [sflag:s2], $0x180  }
0x42: {  	[sflag:s2] =	ssyncset.done $0x0  }
0x43: {  	[sflag:s2] =	ssyncadd.s32 $0xFFFFFE80  }
0x44: {  	s5 =	sshll.u32 s1, $0x8  }
0x45: {  	s5 =	sadd.s32 s5, s10  }
0x46: {  	s11 =	simm.s32 $0x0;
	s6 =	sadd.s32 $0x2C00, s5  }
0x47: {  	[tilespmem:s11], [sflag:$0x1] =	stream.linear.gather [hbm4b:s6+s11], $0x800, $0x38;
	[tilespmem:$0x4300] =	vst v63  }
0x48: {  	s7 =	simm.s32 $0x800;
	s14 =	sadd.s32 $0x3600, s5  }
0x49: {  	[tilespmem:s7], [sflag:$0x1] =	stream.linear.gather [hbm4b:s14+s11], $0x800, $0x38;
	[tilespmem:$0x4300] =	vst v63  }
0x4a: {  	s8 =	simm.s32 $0x1000;
	s15 =	sadd.s32 $0x7200, s5  }
0x4b: {  	[tilespmem:s8], [sflag:$0x1] =	stream.linear.gather [hbm4b:s15+s11], $0x800, $0x38;
	[tilespmem:$0x4300] =	vst v63  }
0x4c: {  	s9 =	simm.s32 $0x1800;
	s16 =	sadd.s32 $0x4000, s5  }
0x4d: {  	[tilespmem:s9], [sflag:$0x1] =	stream.linear.gather [hbm4b:s16+s11], $0x800, $0x38;
	[tilespmem:$0x4300] =	vst v63  }
0x4e: {  	s12 =	simm.s32 $0x2000;
	s17 =	sadd.s32 $0x4A00, s5  }
0x4f: {  	[tilespmem:s12], [sflag:$0x1] =	stream.linear.gather [hbm4b:s17+s11], $0x800, $0x38;
	[tilespmem:$0x4300] =	vst v63  }
0x50: {  	s13 =	simm.s32 $0x2800;
	s18 =	sadd.s32 $0x5400, s5  }
0x51: {  	[tilespmem:s13], [sflag:$0x1] =	stream.linear.gather [hbm4b:s18+s11], $0x800, $0x38;
	[tilespmem:$0x4300] =	vst v63  }
0x52: {  	s19 =	sadd.s32 $0x5E00, s5;
	s14 =	simm.s32 $0x3000  }
0x53: {  	[tilespmem:s14], [sflag:$0x1] =	stream.linear.gather [hbm4b:s19+s11], $0x800, $0x38;
	[tilespmem:$0x4300] =	vst v63  }
0x54: {  	s5 =	sadd.s32 $0x6800, s5;
	s15 =	simm.s32 $0x3800  }
0x55: {  	[tilespmem:s15], [sflag:$0x1] =	stream.linear.gather [hbm4b:s5+s11], $0x800, $0x38;
	[tilespmem:$0x4300] =	vst v63  }
0x56: {  	_ =	swait.ge [sflag:s2], $0x800  }
0x57: {  	[sflag:s2] =	ssyncset.done $0x0  }
0x58: {  	[sflag:s2] =	ssyncadd.s32 $0xFFFFF800  }
0x59: {  	_ =	swait.ge [sflag:s2], $0x800  }
0x5a: {  	[sflag:s2] =	ssyncset.done $0x0  }
0x5b: {  	[sflag:s2] =	ssyncadd.s32 $0xFFFFF800  }
0x5c: {  	_ =	swait.ge [sflag:s2], $0x800  }
0x5d: {  	[sflag:s2] =	ssyncset.done $0x0  }
0x5e: {  	[sflag:s2] =	ssyncadd.s32 $0xFFFFF800  }
0x5f: {  	_ =	swait.ge [sflag:s2], $0x800  }
0x60: {  	[sflag:s2] =	ssyncset.done $0x0  }
0x61: {  	[sflag:s2] =	ssyncadd.s32 $0xFFFFF800  }
0x62: {  	_ =	swait.ge [sflag:s2], $0x800  }
0x63: {  	[sflag:s2] =	ssyncset.done $0x0  }
0x64: {  	[sflag:s2] =	ssyncadd.s32 $0xFFFFF800  }
0x65: {  	_ =	swait.ge [sflag:s2], $0x800  }
0x66: {  	[sflag:s2] =	ssyncset.done $0x0  }
0x67: {  	[sflag:s2] =	ssyncadd.s32 $0xFFFFF800  }
0x68: {  	_ =	swait.ge [sflag:s2], $0x800  }
0x69: {  	[sflag:s2] =	ssyncset.done $0x0  }
0x6a: {  	[sflag:s2] =	ssyncadd.s32 $0xFFFFF800  }
0x6b: {  	_ =	swait.ge [sflag:s2], $0x800  }
0x6c: {  	[sflag:s2] =	ssyncset.done $0x0  }
0x6d: {  	[sflag:s2] =	ssyncadd.s32 $0xFFFFF800  }
0x6e: {  	s5 =	simm.s32 $0x80;
	[bflag:$0x0] =	sbarrier.arrive $0xFFFF  }
0x6f: {  	[hbm4b:s3+s5] =	stream.indirect.scatter [tilespmem:s7], [sflag:$0x1], $0x1, s11, s5, $0xb8;
	[tilespmem:$0x4300] =	vst v63  }
0x70: {  	_ = 	snop  }
0x71: {  	[hbm4b:s4+s5] =	stream.indirect.scatter [tilespmem:s8], [sflag:$0x1], $0x1, s11, s5, $0xb8;
	[tilespmem:$0x4300] =	vst v63  }
0x72: {  	s6 =	sadd.s32 $0x8000, s10  }
0x73: {  	[hbm4b:s6+s5] =	stream.indirect.scatter [tilespmem:s9], [sflag:$0x1], $0x1, s11, s5, $0xb8;
	[tilespmem:$0x4300] =	vst v63  }
0x74: {  	s7 =	sadd.s32 $0x8400, s10  }
0x75: {  	[hbm4b:s7+s5] =	stream.indirect.scatter [tilespmem:s12], [sflag:$0x1], $0x1, s11, s5, $0xb8;
	[tilespmem:$0x4300] =	vst v63  }
0x76: {  	s8 =	sadd.s32 $0x8800, s10  }
0x77: {  	[hbm4b:s8+s5] =	stream.indirect.scatter [tilespmem:s13], [sflag:$0x1], $0x1, s11, s5, $0xb8;
	[tilespmem:$0x4300] =	vst v63  }
0x78: {  	s9 =	sadd.s32 $0x8C00, s10  }
0x79: {  	[hbm4b:s9+s5] =	stream.indirect.scatter [tilespmem:s14], [sflag:$0x1], $0x1, s11, s5, $0xb8;
	[tilespmem:$0x4300] =	vst v63  }
0x7a: {  	s10 =	sadd.s32 $0x9000, s10  }
0x7b: {  	[hbm4b:s10+s5] =	stream.indirect.scatter [tilespmem:s15], [sflag:$0x1], $0x1, s11, s5, $0xb8;
	[tilespmem:$0x4300] =	vst v63  }
0x7c: {  	s20 =	simm.s32 $0x880  }
0x7d: {  	[hbm4b:s3+s5] =	stream.indirect.scatter [tilespmem:s20], [sflag:$0x1], $0x1, s5, s5, $0xb8;
	[tilespmem:$0x4300] =	vst v63  }
0x7e: {  	s21 =	simm.s32 $0x1080  }
0x7f: {  	[hbm4b:s4+s5] =	stream.indirect.scatter [tilespmem:s21], [sflag:$0x1], $0x1, s5, s5, $0xb8;
	[tilespmem:$0x4300] =	vst v63  }
0x80: {  	s22 =	simm.s32 $0x1880  }
0x81: {  	[hbm4b:s6+s5] =	stream.indirect.scatter [tilespmem:s22], [sflag:$0x1], $0x1, s5, s5, $0xb8;
	[tilespmem:$0x4300] =	vst v63  }
0x82: {  	s23 =	simm.s32 $0x2080  }
0x83: {  	[hbm4b:s7+s5] =	stream.indirect.scatter [tilespmem:s23], [sflag:$0x1], $0x1, s5, s5, $0xb8;
	[tilespmem:$0x4300] =	vst v63  }
0x84: {  	s24 =	simm.s32 $0x2880  }
0x85: {  	[hbm4b:s8+s5] =	stream.indirect.scatter [tilespmem:s24], [sflag:$0x1], $0x1, s5, s5, $0xb8;
	[tilespmem:$0x4300] =	vst v63  }
0x86: {  	s25 =	simm.s32 $0x3080  }
0x87: {  	[hbm4b:s9+s5] =	stream.indirect.scatter [tilespmem:s25], [sflag:$0x1], $0x1, s5, s5, $0xb8;
	[tilespmem:$0x4300] =	vst v63  }
0x88: {  	s26 =	simm.s32 $0x3880  }
0x89: {  	[hbm4b:s10+s5] =	stream.indirect.scatter [tilespmem:s26], [sflag:$0x1], $0x1, s5, s5, $0xb8;
	[tilespmem:$0x4300] =	vst v63  }
0x8a: {  	s28 =	simm.s32 $0x100;
	s29 =	simm.s32 $0x900  }
0x8b: {  	[hbm4b:s3+s5] =	stream.indirect.scatter [tilespmem:s29], [sflag:$0x1], $0x1, s28, s5, $0xb8;
	[tilespmem:$0x4300] =	vst v63  }
0x8c: {  	s30 =	simm.s32 $0x1100  }
0x8d: {  	[hbm4b:s4+s5] =	stream.indirect.scatter [tilespmem:s30], [sflag:$0x1], $0x1, s28, s5, $0xb8;
	[tilespmem:$0x4300] =	vst v63  }
0x8e: {  	s31 =	simm.s32 $0x1900  }
0x8f: {  	[hbm4b:s6+s5] =	stream.indirect.scatter [tilespmem:s31], [sflag:$0x1], $0x1, s28, s5, $0xb8;
	[tilespmem:$0x4300] =	vst v63  }
0x90: {  	s13 =	simm.s32 $0x2100  }
0x91: {  	[hbm4b:s7+s5] =	stream.indirect.scatter [tilespmem:s13], [sflag:$0x1], $0x1, s28, s5, $0xb8;
	[tilespmem:$0x4300] =	vst v63  }
0x92: {  	s14 =	simm.s32 $0x2900  }
0x93: {  	[hbm4b:s8+s5] =	stream.indirect.scatter [tilespmem:s14], [sflag:$0x1], $0x1, s28, s5, $0xb8;
	[tilespmem:$0x4300] =	vst v63  }
0x94: {  	s15 =	simm.s32 $0x3100  }
0x95: {  	[hbm4b:s9+s5] =	stream.indirect.scatter [tilespmem:s15], [sflag:$0x1], $0x1, s28, s5, $0xb8;
	[tilespmem:$0x4300] =	vst v63  }
0x96: {  	s16 =	simm.s32 $0x3900  }
0x97: {  	[hbm4b:s10+s5] =	stream.indirect.scatter [tilespmem:s16], [sflag:$0x1], $0x1, s28, s5, $0xb8;
	[tilespmem:$0x4300] =	vst v63  }
0x98: {  	s17 =	simm.s32 $0x180;
	s18 =	simm.s32 $0x980  }
0x99: {  	[hbm4b:s3+s5] =	stream.indirect.scatter [tilespmem:s18], [sflag:$0x1], $0x1, s17, s5, $0xb8;
	[tilespmem:$0x4300] =	vst v63  }
0x9a: {  	s19 =	simm.s32 $0x1180  }
0x9b: {  	[hbm4b:s4+s5] =	stream.indirect.scatter [tilespmem:s19], [sflag:$0x1], $0x1, s17, s5, $0xb8;
	[tilespmem:$0x4300] =	vst v63  }
0x9c: {  	s20 =	simm.s32 $0x1980  }
0x9d: {  	[hbm4b:s6+s5] =	stream.indirect.scatter [tilespmem:s20], [sflag:$0x1], $0x1, s17, s5, $0xb8;
	[tilespmem:$0x4300] =	vst v63  }
0x9e: {  	s21 =	simm.s32 $0x2180  }
0x9f: {  	[hbm4b:s7+s5] =	stream.indirect.scatter [tilespmem:s21], [sflag:$0x1], $0x1, s17, s5, $0xb8;
	[tilespmem:$0x4300] =	vst v63  }
0xa0: {  	s22 =	simm.s32 $0x2980  }
0xa1: {  	[hbm4b:s8+s5] =	stream.indirect.scatter [tilespmem:s22], [sflag:$0x1], $0x1, s17, s5, $0xb8;
	[tilespmem:$0x4300] =	vst v63  }
0xa2: {  	s23 =	simm.s32 $0x3180  }
0xa3: {  	[hbm4b:s9+s5] =	stream.indirect.scatter [tilespmem:s23], [sflag:$0x1], $0x1, s17, s5, $0xb8;
	[tilespmem:$0x4300] =	vst v63  }
0xa4: {  	s24 =	simm.s32 $0x3980  }
0xa5: {  	[hbm4b:s10+s5] =	stream.indirect.scatter [tilespmem:s24], [sflag:$0x1], $0x1, s17, s5, $0xb8;
	[tilespmem:$0x4300] =	vst v63  }
0xa6: {  	s25 =	simm.s32 $0x200;
	s26 =	simm.s32 $0xA00  }
0xa7: {  	[hbm4b:s3+s5] =	stream.indirect.scatter [tilespmem:s26], [sflag:$0x1], $0x1, s25, s5, $0xb8;
	[tilespmem:$0x4300] =	vst v63  }
0xa8: {  	s28 =	simm.s32 $0x1200  }
0xa9: {  	[hbm4b:s4+s5] =	stream.indirect.scatter [tilespmem:s28], [sflag:$0x1], $0x1, s25, s5, $0xb8;
	[tilespmem:$0x4300] =	vst v63  }
0xaa: {  	s29 =	simm.s32 $0x1A00  }
0xab: {  	[hbm4b:s6+s5] =	stream.indirect.scatter [tilespmem:s29], [sflag:$0x1], $0x1, s25, s5, $0xb8;
	[tilespmem:$0x4300] =	vst v63  }
0xac: {  	s30 =	simm.s32 $0x2200  }
0xad: {  	[hbm4b:s7+s5] =	stream.indirect.scatter [tilespmem:s30], [sflag:$0x1], $0x1, s25, s5, $0xb8;
	[tilespmem:$0x4300] =	vst v63  }
0xae: {  	s31 =	simm.s32 $0x2A00  }
0xaf: {  	[hbm4b:s8+s5] =	stream.indirect.scatter [tilespmem:s31], [sflag:$0x1], $0x1, s25, s5, $0xb8;
	[tilespmem:$0x4300] =	vst v63  }
0xb0: {  	s13 =	simm.s32 $0x3200  }
0xb1: {  	[hbm4b:s9+s5] =	stream.indirect.scatter [tilespmem:s13], [sflag:$0x1], $0x1, s25, s5, $0xb8;
	[tilespmem:$0x4300] =	vst v63  }
0xb2: {  	s14 =	simm.s32 $0x3A00  }
0xb3: {  	[hbm4b:s10+s5] =	stream.indirect.scatter [tilespmem:s14], [sflag:$0x1], $0x1, s25, s5, $0xb8;
	[tilespmem:$0x4300] =	vst v63  }
0xb4: {  	s15 =	simm.s32 $0x280;
	s16 =	simm.s32 $0xA80  }
0xb5: {  	[hbm4b:s3+s5] =	stream.indirect.scatter [tilespmem:s16], [sflag:$0x1], $0x1, s15, s5, $0xb8;
	[tilespmem:$0x4300] =	vst v63  }
0xb6: {  	s17 =	simm.s32 $0x1280  }
0xb7: {  	[hbm4b:s4+s5] =	stream.indirect.scatter [tilespmem:s17], [sflag:$0x1], $0x1, s15, s5, $0xb8;
	[tilespmem:$0x4300] =	vst v63  }
0xb8: {  	s18 =	simm.s32 $0x1A80  }
0xb9: {  	[hbm4b:s6+s5] =	stream.indirect.scatter [tilespmem:s18], [sflag:$0x1], $0x1, s15, s5, $0xb8;
	[tilespmem:$0x4300] =	vst v63  }
0xba: {  	s19 =	simm.s32 $0x2280  }
0xbb: {  	[hbm4b:s7+s5] =	stream.indirect.scatter [tilespmem:s19], [sflag:$0x1], $0x1, s15, s5, $0xb8;
	[tilespmem:$0x4300] =	vst v63  }
0xbc: {  	s20 =	simm.s32 $0x2A80  }
0xbd: {  	[hbm4b:s8+s5] =	stream.indirect.scatter [tilespmem:s20], [sflag:$0x1], $0x1, s15, s5, $0xb8;
	[tilespmem:$0x4300] =	vst v63  }
0xbe: {  	s21 =	simm.s32 $0x3280  }
0xbf: {  	[hbm4b:s9+s5] =	stream.indirect.scatter [tilespmem:s21], [sflag:$0x1], $0x1, s15, s5, $0xb8;
	[tilespmem:$0x4300] =	vst v63  }
0xc0: {  	s22 =	simm.s32 $0x3A80  }
0xc1: {  	[hbm4b:s10+s5] =	stream.indirect.scatter [tilespmem:s22], [sflag:$0x1], $0x1, s15, s5, $0xb8;
	[tilespmem:$0x4300] =	vst v63  }
0xc2: {  	s23 =	simm.s32 $0x300;
	s24 =	simm.s32 $0xB00  }
0xc3: {  	[hbm4b:s3+s5] =	stream.indirect.scatter [tilespmem:s24], [sflag:$0x1], $0x1, s23, s5, $0xb8;
	[tilespmem:$0x4300] =	vst v63  }
0xc4: {  	s25 =	simm.s32 $0x1300  }
0xc5: {  	[hbm4b:s4+s5] =	stream.indirect.scatter [tilespmem:s25], [sflag:$0x1], $0x1, s23, s5, $0xb8;
	[tilespmem:$0x4300] =	vst v63  }
0xc6: {  	s26 =	simm.s32 $0x1B00  }
0xc7: {  	[hbm4b:s6+s5] =	stream.indirect.scatter [tilespmem:s26], [sflag:$0x1], $0x1, s23, s5, $0xb8;
	[tilespmem:$0x4300] =	vst v63  }
0xc8: {  	s28 =	simm.s32 $0x2300  }
0xc9: {  	[hbm4b:s7+s5] =	stream.indirect.scatter [tilespmem:s28], [sflag:$0x1], $0x1, s23, s5, $0xb8;
	[tilespmem:$0x4300] =	vst v63  }
0xca: {  	s29 =	simm.s32 $0x2B00  }
0xcb: {  	[hbm4b:s8+s5] =	stream.indirect.scatter [tilespmem:s29], [sflag:$0x1], $0x1, s23, s5, $0xb8;
	[tilespmem:$0x4300] =	vst v63  }
0xcc: {  	s30 =	simm.s32 $0x3300  }
0xcd: {  	[hbm4b:s9+s5] =	stream.indirect.scatter [tilespmem:s30], [sflag:$0x1], $0x1, s23, s5, $0xb8;
	[tilespmem:$0x4300] =	vst v63  }
0xce: {  	s31 =	simm.s32 $0x3B00  }
0xcf: {  	[hbm4b:s10+s5] =	stream.indirect.scatter [tilespmem:s31], [sflag:$0x1], $0x1, s23, s5, $0xb8;
	[tilespmem:$0x4300] =	vst v63  }
0xd0: {  	s13 =	simm.s32 $0x380;
	s14 =	simm.s32 $0xB80  }
0xd1: {  	[hbm4b:s3+s5] =	stream.indirect.scatter [tilespmem:s14], [sflag:$0x1], $0x1, s13, s5, $0xb8;
	[tilespmem:$0x4300] =	vst v63  }
0xd2: {  	s15 =	simm.s32 $0x1380  }
0xd3: {  	[hbm4b:s4+s5] =	stream.indirect.scatter [tilespmem:s15], [sflag:$0x1], $0x1, s13, s5, $0xb8;
	[tilespmem:$0x4300] =	vst v63  }
0xd4: {  	s16 =	simm.s32 $0x1B80  }
0xd5: {  	[hbm4b:s6+s5] =	stream.indirect.scatter [tilespmem:s16], [sflag:$0x1], $0x1, s13, s5, $0xb8;
	[tilespmem:$0x4300] =	vst v63  }
0xd6: {  	s17 =	simm.s32 $0x2380  }
0xd7: {  	[hbm4b:s7+s5] =	stream.indirect.scatter [tilespmem:s17], [sflag:$0x1], $0x1, s13, s5, $0xb8;
	[tilespmem:$0x4300] =	vst v63  }
0xd8: {  	s18 =	simm.s32 $0x2B80  }
0xd9: {  	[hbm4b:s8+s5] =	stream.indirect.scatter [tilespmem:s18], [sflag:$0x1], $0x1, s13, s5, $0xb8;
	[tilespmem:$0x4300] =	vst v63  }
0xda: {  	s19 =	simm.s32 $0x3380  }
0xdb: {  	[hbm4b:s9+s5] =	stream.indirect.scatter [tilespmem:s19], [sflag:$0x1], $0x1, s13, s5, $0xb8;
	[tilespmem:$0x4300] =	vst v63  }
0xdc: {  	s20 =	simm.s32 $0x3B80  }
0xdd: {  	[hbm4b:s10+s5] =	stream.indirect.scatter [tilespmem:s20], [sflag:$0x1], $0x1, s13, s5, $0xb8;
	[tilespmem:$0x4300] =	vst v63  }
0xde: {  	s21 =	simm.s32 $0x400;
	s22 =	simm.s32 $0xC00  }
0xdf: {  	[hbm4b:s3+s5] =	stream.indirect.scatter [tilespmem:s22], [sflag:$0x1], $0x1, s21, s5, $0xb8;
	[tilespmem:$0x4300] =	vst v63  }
0xe0: {  	s23 =	simm.s32 $0x1400  }
0xe1: {  	[hbm4b:s4+s5] =	stream.indirect.scatter [tilespmem:s23], [sflag:$0x1], $0x1, s21, s5, $0xb8;
	[tilespmem:$0x4300] =	vst v63  }
0xe2: {  	s24 =	simm.s32 $0x1C00  }
0xe3: {  	[hbm4b:s6+s5] =	stream.indirect.scatter [tilespmem:s24], [sflag:$0x1], $0x1, s21, s5, $0xb8;
	[tilespmem:$0x4300] =	vst v63  }
0xe4: {  	s25 =	simm.s32 $0x2400  }
0xe5: {  	[hbm4b:s7+s5] =	stream.indirect.scatter [tilespmem:s25], [sflag:$0x1], $0x1, s21, s5, $0xb8;
	[tilespmem:$0x4300] =	vst v63  }
0xe6: {  	s26 =	simm.s32 $0x2C00  }
0xe7: {  	[hbm4b:s8+s5] =	stream.indirect.scatter [tilespmem:s26], [sflag:$0x1], $0x1, s21, s5, $0xb8;
	[tilespmem:$0x4300] =	vst v63  }
0xe8: {  	s28 =	simm.s32 $0x3400  }
0xe9: {  	[hbm4b:s9+s5] =	stream.indirect.scatter [tilespmem:s28], [sflag:$0x1], $0x1, s21, s5, $0xb8;
	[tilespmem:$0x4300] =	vst v63  }
0xea: {  	s29 =	simm.s32 $0x3C00  }
0xeb: {  	[hbm4b:s10+s5] =	stream.indirect.scatter [tilespmem:s29], [sflag:$0x1], $0x1, s21, s5, $0xb8;
	[tilespmem:$0x4300] =	vst v63  }
0xec: {  	s30 =	simm.s32 $0x480;
	s31 =	simm.s32 $0xC80  }
0xed: {  	[hbm4b:s3+s5] =	stream.indirect.scatter [tilespmem:s31], [sflag:$0x1], $0x1, s30, s5, $0xb8;
	[tilespmem:$0x4300] =	vst v63  }
0xee: {  	s13 =	simm.s32 $0x1480  }
0xef: {  	[hbm4b:s4+s5] =	stream.indirect.scatter [tilespmem:s13], [sflag:$0x1], $0x1, s30, s5, $0xb8;
	[tilespmem:$0x4300] =	vst v63  }
0xf0: {  	s14 =	simm.s32 $0x1C80  }
0xf1: {  	[hbm4b:s6+s5] =	stream.indirect.scatter [tilespmem:s14], [sflag:$0x1], $0x1, s30, s5, $0xb8;
	[tilespmem:$0x4300] =	vst v63  }
0xf2: {  	s15 =	simm.s32 $0x2480  }
0xf3: {  	[hbm4b:s7+s5] =	stream.indirect.scatter [tilespmem:s15], [sflag:$0x1], $0x1, s30, s5, $0xb8;
	[tilespmem:$0x4300] =	vst v63  }
0xf4: {  	s16 =	simm.s32 $0x2C80  }
0xf5: {  	[hbm4b:s8+s5] =	stream.indirect.scatter [tilespmem:s16], [sflag:$0x1], $0x1, s30, s5, $0xb8;
	[tilespmem:$0x4300] =	vst v63  }
0xf6: {  	s17 =	simm.s32 $0x3480  }
0xf7: {  	[hbm4b:s9+s5] =	stream.indirect.scatter [tilespmem:s17], [sflag:$0x1], $0x1, s30, s5, $0xb8;
	[tilespmem:$0x4300] =	vst v63  }
0xf8: {  	s18 =	simm.s32 $0x3C80  }
0xf9: {  	[hbm4b:s10+s5] =	stream.indirect.scatter [tilespmem:s18], [sflag:$0x1], $0x1, s30, s5, $0xb8;
	[tilespmem:$0x4300] =	vst v63  }
0xfa: {  	s19 =	simm.s32 $0x500;
	s20 =	simm.s32 $0xD00  }
0xfb: {  	[hbm4b:s3+s5] =	stream.indirect.scatter [tilespmem:s20], [sflag:$0x1], $0x1, s19, s5, $0xb8;
	[tilespmem:$0x4300] =	vst v63  }
0xfc: {  	s21 =	simm.s32 $0x1500  }
0xfd: {  	[hbm4b:s4+s5] =	stream.indirect.scatter [tilespmem:s21], [sflag:$0x1], $0x1, s19, s5, $0xb8;
	[tilespmem:$0x4300] =	vst v63  }
0xfe: {  	s22 =	simm.s32 $0x1D00  }
0xff: {  	[hbm4b:s6+s5] =	stream.indirect.scatter [tilespmem:s22], [sflag:$0x1], $0x1, s19, s5, $0xb8;
	[tilespmem:$0x4300] =	vst v63  }
0x100: {  	s23 =	simm.s32 $0x2500  }
0x101: {  	[hbm4b:s7+s5] =	stream.indirect.scatter [tilespmem:s23], [sflag:$0x1], $0x1, s19, s5, $0xb8;
	[tilespmem:$0x4300] =	vst v63  }
0x102: {  	s24 =	simm.s32 $0x2D00  }
0x103: {  	[hbm4b:s8+s5] =	stream.indirect.scatter [tilespmem:s24], [sflag:$0x1], $0x1, s19, s5, $0xb8;
	[tilespmem:$0x4300] =	vst v63  }
0x104: {  	s25 =	simm.s32 $0x3500  }
0x105: {  	[hbm4b:s9+s5] =	stream.indirect.scatter [tilespmem:s25], [sflag:$0x1], $0x1, s19, s5, $0xb8;
	[tilespmem:$0x4300] =	vst v63  }
0x106: {  	s26 =	simm.s32 $0x3D00  }
0x107: {  	[hbm4b:s10+s5] =	stream.indirect.scatter [tilespmem:s26], [sflag:$0x1], $0x1, s19, s5, $0xb8;
	[tilespmem:$0x4300] =	vst v63  }
0x108: {  	s28 =	simm.s32 $0x580;
	s29 =	simm.s32 $0xD80  }
0x109: {  	[hbm4b:s3+s5] =	stream.indirect.scatter [tilespmem:s29], [sflag:$0x1], $0x1, s28, s5, $0xb8;
	[tilespmem:$0x4300] =	vst v63  }
0x10a: {  	s30 =	simm.s32 $0x1580  }
0x10b: {  	[hbm4b:s4+s5] =	stream.indirect.scatter [tilespmem:s30], [sflag:$0x1], $0x1, s28, s5, $0xb8;
	[tilespmem:$0x4300] =	vst v63  }
0x10c: {  	s31 =	simm.s32 $0x1D80  }
0x10d: {  	[hbm4b:s6+s5] =	stream.indirect.scatter [tilespmem:s31], [sflag:$0x1], $0x1, s28, s5, $0xb8;
	[tilespmem:$0x4300] =	vst v63  }
0x10e: {  	s13 =	simm.s32 $0x2580  }
0x10f: {  	[hbm4b:s7+s5] =	stream.indirect.scatter [tilespmem:s13], [sflag:$0x1], $0x1, s28, s5, $0xb8;
	[tilespmem:$0x4300] =	vst v63  }
0x110: {  	s14 =	simm.s32 $0x2D80  }
0x111: {  	[hbm4b:s8+s5] =	stream.indirect.scatter [tilespmem:s14], [sflag:$0x1], $0x1, s28, s5, $0xb8;
	[tilespmem:$0x4300] =	vst v63  }
0x112: {  	s15 =	simm.s32 $0x3580  }
0x113: {  	[hbm4b:s9+s5] =	stream.indirect.scatter [tilespmem:s15], [sflag:$0x1], $0x1, s28, s5, $0xb8;
	[tilespmem:$0x4300] =	vst v63  }
0x114: {  	s16 =	simm.s32 $0x3D80  }
0x115: {  	[hbm4b:s10+s5] =	stream.indirect.scatter [tilespmem:s16], [sflag:$0x1], $0x1, s28, s5, $0xb8;
	[tilespmem:$0x4300] =	vst v63  }
0x116: {  	s17 =	simm.s32 $0x600;
	s18 =	simm.s32 $0xE00  }
0x117: {  	[hbm4b:s3+s5] =	stream.indirect.scatter [tilespmem:s18], [sflag:$0x1], $0x1, s17, s5, $0xb8;
	[tilespmem:$0x4300] =	vst v63  }
0x118: {  	s19 =	simm.s32 $0x1600  }
0x119: {  	[hbm4b:s4+s5] =	stream.indirect.scatter [tilespmem:s19], [sflag:$0x1], $0x1, s17, s5, $0xb8;
	[tilespmem:$0x4300] =	vst v63  }
0x11a: {  	s20 =	simm.s32 $0x1E00  }
0x11b: {  	[hbm4b:s6+s5] =	stream.indirect.scatter [tilespmem:s20], [sflag:$0x1], $0x1, s17, s5, $0xb8;
	[tilespmem:$0x4300] =	vst v63  }
0x11c: {  	s21 =	simm.s32 $0x2600  }
0x11d: {  	[hbm4b:s7+s5] =	stream.indirect.scatter [tilespmem:s21], [sflag:$0x1], $0x1, s17, s5, $0xb8;
	[tilespmem:$0x4300] =	vst v63  }
0x11e: {  	s22 =	simm.s32 $0x2E00  }
0x11f: {  	[hbm4b:s8+s5] =	stream.indirect.scatter [tilespmem:s22], [sflag:$0x1], $0x1, s17, s5, $0xb8;
	[tilespmem:$0x4300] =	vst v63  }
0x120: {  	s23 =	simm.s32 $0x3600  }
0x121: {  	[hbm4b:s9+s5] =	stream.indirect.scatter [tilespmem:s23], [sflag:$0x1], $0x1, s17, s5, $0xb8;
	[tilespmem:$0x4300] =	vst v63  }
0x122: {  	s24 =	simm.s32 $0x3E00  }
0x123: {  	[hbm4b:s10+s5] =	stream.indirect.scatter [tilespmem:s24], [sflag:$0x1], $0x1, s17, s5, $0xb8;
	[tilespmem:$0x4300] =	vst v63  }
0x124: {  	s25 =	simm.s32 $0x680;
	s26 =	simm.s32 $0xE80  }
0x125: {  	[hbm4b:s3+s5] =	stream.indirect.scatter [tilespmem:s26], [sflag:$0x1], $0x1, s25, s5, $0xb8;
	[tilespmem:$0x4300] =	vst v63  }
0x126: {  	s28 =	simm.s32 $0x1680  }
0x127: {  	[hbm4b:s4+s5] =	stream.indirect.scatter [tilespmem:s28], [sflag:$0x1], $0x1, s25, s5, $0xb8;
	[tilespmem:$0x4300] =	vst v63  }
0x128: {  	s29 =	simm.s32 $0x1E80  }
0x129: {  	[hbm4b:s6+s5] =	stream.indirect.scatter [tilespmem:s29], [sflag:$0x1], $0x1, s25, s5, $0xb8;
	[tilespmem:$0x4300] =	vst v63  }
0x12a: {  	s30 =	simm.s32 $0x2680  }
0x12b: {  	[hbm4b:s7+s5] =	stream.indirect.scatter [tilespmem:s30], [sflag:$0x1], $0x1, s25, s5, $0xb8;
	[tilespmem:$0x4300] =	vst v63  }
0x12c: {  	s31 =	simm.s32 $0x2E80  }
0x12d: {  	[hbm4b:s8+s5] =	stream.indirect.scatter [tilespmem:s31], [sflag:$0x1], $0x1, s25, s5, $0xb8;
	[tilespmem:$0x4300] =	vst v63  }
0x12e: {  	s13 =	simm.s32 $0x3680  }
0x12f: {  	[hbm4b:s9+s5] =	stream.indirect.scatter [tilespmem:s13], [sflag:$0x1], $0x1, s25, s5, $0xb8;
	[tilespmem:$0x4300] =	vst v63  }
0x130: {  	s14 =	simm.s32 $0x3E80  }
0x131: {  	[hbm4b:s10+s5] =	stream.indirect.scatter [tilespmem:s14], [sflag:$0x1], $0x1, s25, s5, $0xb8;
	[tilespmem:$0x4300] =	vst v63  }
0x132: {  	s15 =	simm.s32 $0x700;
	s16 =	simm.s32 $0xF00  }
0x133: {  	[hbm4b:s3+s5] =	stream.indirect.scatter [tilespmem:s16], [sflag:$0x1], $0x1, s15, s5, $0xb8;
	[tilespmem:$0x4300] =	vst v63  }
0x134: {  	s17 =	simm.s32 $0x1700  }
0x135: {  	[hbm4b:s4+s5] =	stream.indirect.scatter [tilespmem:s17], [sflag:$0x1], $0x1, s15, s5, $0xb8;
	[tilespmem:$0x4300] =	vst v63  }
0x136: {  	s18 =	simm.s32 $0x1F00  }
0x137: {  	[hbm4b:s6+s5] =	stream.indirect.scatter [tilespmem:s18], [sflag:$0x1], $0x1, s15, s5, $0xb8;
	[tilespmem:$0x4300] =	vst v63  }
0x138: {  	s19 =	simm.s32 $0x2700  }
0x139: {  	[hbm4b:s7+s5] =	stream.indirect.scatter [tilespmem:s19], [sflag:$0x1], $0x1, s15, s5, $0xb8;
	[tilespmem:$0x4300] =	vst v63  }
0x13a: {  	s20 =	simm.s32 $0x2F00  }
0x13b: {  	[hbm4b:s8+s5] =	stream.indirect.scatter [tilespmem:s20], [sflag:$0x1], $0x1, s15, s5, $0xb8;
	[tilespmem:$0x4300] =	vst v63  }
0x13c: {  	s21 =	simm.s32 $0x3700  }
0x13d: {  	[hbm4b:s9+s5] =	stream.indirect.scatter [tilespmem:s21], [sflag:$0x1], $0x1, s15, s5, $0xb8;
	[tilespmem:$0x4300] =	vst v63  }
0x13e: {  	s22 =	simm.s32 $0x3F00  }
0x13f: {  	[hbm4b:s10+s5] =	stream.indirect.scatter [tilespmem:s22], [sflag:$0x1], $0x1, s15, s5, $0xb8;
	[tilespmem:$0x4300] =	vst v63  }
0x140: {  	s23 =	simm.s32 $0x780;
	s24 =	simm.s32 $0xF80  }
0x141: {  	[hbm4b:s3+s5] =	stream.indirect.scatter [tilespmem:s24], [sflag:$0x1], $0x1, s23, s5, $0xb8;
	[tilespmem:$0x4300] =	vst v63  }
0x142: {  	s25 =	simm.s32 $0x1780  }
0x143: {  	[hbm4b:s4+s5] =	stream.indirect.scatter [tilespmem:s25], [sflag:$0x1], $0x1, s23, s5, $0xb8;
	[tilespmem:$0x4300] =	vst v63  }
0x144: {  	s26 =	simm.s32 $0x1F80  }
0x145: {  	[hbm4b:s6+s5] =	stream.indirect.scatter [tilespmem:s26], [sflag:$0x1], $0x1, s23, s5, $0xb8;
	[tilespmem:$0x4300] =	vst v63  }
0x146: {  	s28 =	simm.s32 $0x2780  }
0x147: {  	[hbm4b:s7+s5] =	stream.indirect.scatter [tilespmem:s28], [sflag:$0x1], $0x1, s23, s5, $0xb8;
	[tilespmem:$0x4300] =	vst v63  }
0x148: {  	s29 =	simm.s32 $0x2F80  }
0x149: {  	[hbm4b:s8+s5] =	stream.indirect.scatter [tilespmem:s29], [sflag:$0x1], $0x1, s23, s5, $0xb8;
	[tilespmem:$0x4300] =	vst v63  }
0x14a: {  	s30 =	simm.s32 $0x3780  }
0x14b: {  	[hbm4b:s9+s5] =	stream.indirect.scatter [tilespmem:s30], [sflag:$0x1], $0x1, s23, s5, $0xb8;
	[tilespmem:$0x4300] =	vst v63  }
0x14c: {  	s31 =	simm.s32 $0x3F80  }
0x14d: {  	[hbm4b:s10+s5] =	stream.indirect.scatter [tilespmem:s31], [sflag:$0x1], $0x1, s23, s5, $0xb8;
	[tilespmem:$0x4300] =	vst v63  }
0x14e: {  	_ =	swait.ge [sflag:s2], $0x80  }
0x14f: {  	[sflag:s2] =	ssyncset.done $0x0  }
0x150: {  	[sflag:s2] =	ssyncadd.s32 $0xFFFFFF80  }
0x151: {  	_ =	swait.ge [sflag:s2], $0x80  }
0x152: {  	[sflag:s2] =	ssyncset.done $0x0  }
0x153: {  	[sflag:s2] =	ssyncadd.s32 $0xFFFFFF80  }
0x154: {  	_ =	swait.ge [sflag:s2], $0x80  }
0x155: {  	[sflag:s2] =	ssyncset.done $0x0  }
0x156: {  	[sflag:s2] =	ssyncadd.s32 $0xFFFFFF80  }
0x157: {  	_ =	swait.ge [sflag:s2], $0x80  }
0x158: {  	[sflag:s2] =	ssyncset.done $0x0  }
0x159: {  	[sflag:s2] =	ssyncadd.s32 $0xFFFFFF80  }
0x15a: {  	_ =	swait.ge [sflag:s2], $0x80  }
0x15b: {  	[sflag:s2] =	ssyncset.done $0x0  }
0x15c: {  	[sflag:s2] =	ssyncadd.s32 $0xFFFFFF80  }
0x15d: {  	_ =	swait.ge [sflag:s2], $0x80  }
0x15e: {  	[sflag:s2] =	ssyncset.done $0x0  }
0x15f: {  	[sflag:s2] =	ssyncadd.s32 $0xFFFFFF80  }
0x160: {  	_ =	swait.ge [sflag:s2], $0x80  }
0x161: {  	[sflag:s2] =	ssyncset.done $0x0  }
0x162: {  	[sflag:s2] =	ssyncadd.s32 $0xFFFFFF80  }
0x163: {  	_ =	swait.ge [sflag:s2], $0x80  }
0x164: {  	[sflag:s2] =	ssyncset.done $0x0  }
0x165: {  	[sflag:s2] =	ssyncadd.s32 $0xFFFFFF80  }
0x166: {  	_ =	swait.ge [sflag:s2], $0x80  }
0x167: {  	[sflag:s2] =	ssyncset.done $0x0  }
0x168: {  	[sflag:s2] =	ssyncadd.s32 $0xFFFFFF80  }
0x169: {  	_ =	swait.ge [sflag:s2], $0x80  }
0x16a: {  	[sflag:s2] =	ssyncset.done $0x0  }
0x16b: {  	[sflag:s2] =	ssyncadd.s32 $0xFFFFFF80  }
0x16c: {  	_ =	swait.ge [sflag:s2], $0x80  }
0x16d: {  	[sflag:s2] =	ssyncset.done $0x0  }
0x16e: {  	[sflag:s2] =	ssyncadd.s32 $0xFFFFFF80  }
0x16f: {  	_ =	swait.ge [sflag:s2], $0x80  }
0x170: {  	[sflag:s2] =	ssyncset.done $0x0  }
0x171: {  	[sflag:s2] =	ssyncadd.s32 $0xFFFFFF80  }
0x172: {  	_ =	swait.ge [sflag:s2], $0x80  }
0x173: {  	[sflag:s2] =	ssyncset.done $0x0  }
0x174: {  	[sflag:s2] =	ssyncadd.s32 $0xFFFFFF80  }
0x175: {  	_ =	swait.ge [sflag:s2], $0x80  }
0x176: {  	[sflag:s2] =	ssyncset.done $0x0  }
0x177: {  	[sflag:s2] =	ssyncadd.s32 $0xFFFFFF80  }
0x178: {  	_ =	swait.ge [sflag:s2], $0x80  }
0x179: {  	[sflag:s2] =	ssyncset.done $0x0  }
0x17a: {  	[sflag:s2] =	ssyncadd.s32 $0xFFFFFF80  }
0x17b: {  	_ =	swait.ge [sflag:s2], $0x80  }
0x17c: {  	[sflag:s2] =	ssyncset.done $0x0  }
0x17d: {  	[sflag:s2] =	ssyncadd.s32 $0xFFFFFF80  }
0x17e: {  	_ =	swait.ge [sflag:s2], $0x80  }
0x17f: {  	[sflag:s2] =	ssyncset.done $0x0  }
0x180: {  	[sflag:s2] =	ssyncadd.s32 $0xFFFFFF80  }
0x181: {  	_ =	swait.ge [sflag:s2], $0x80  }
0x182: {  	[sflag:s2] =	ssyncset.done $0x0  }
0x183: {  	[sflag:s2] =	ssyncadd.s32 $0xFFFFFF80  }
0x184: {  	_ =	swait.ge [sflag:s2], $0x80  }
0x185: {  	[sflag:s2] =	ssyncset.done $0x0  }
0x186: {  	[sflag:s2] =	ssyncadd.s32 $0xFFFFFF80  }
0x187: {  	_ =	swait.ge [sflag:s2], $0x80  }
0x188: {  	[sflag:s2] =	ssyncset.done $0x0  }
0x189: {  	[sflag:s2] =	ssyncadd.s32 $0xFFFFFF80  }
0x18a: {  	_ =	swait.ge [sflag:s2], $0x80  }
0x18b: {  	[sflag:s2] =	ssyncset.done $0x0  }
0x18c: {  	[sflag:s2] =	ssyncadd.s32 $0xFFFFFF80  }
0x18d: {  	_ =	swait.ge [sflag:s2], $0x80  }
0x18e: {  	[sflag:s2] =	ssyncset.done $0x0  }
0x18f: {  	[sflag:s2] =	ssyncadd.s32 $0xFFFFFF80  }
0x190: {  	_ =	swait.ge [sflag:s2], $0x80  }
0x191: {  	[sflag:s2] =	ssyncset.done $0x0  }
0x192: {  	[sflag:s2] =	ssyncadd.s32 $0xFFFFFF80  }
0x193: {  	_ =	swait.ge [sflag:s2], $0x80  }
0x194: {  	[sflag:s2] =	ssyncset.done $0x0  }
0x195: {  	[sflag:s2] =	ssyncadd.s32 $0xFFFFFF80  }
0x196: {  	_ =	swait.ge [sflag:s2], $0x80  }
0x197: {  	[sflag:s2] =	ssyncset.done $0x0  }
0x198: {  	[sflag:s2] =	ssyncadd.s32 $0xFFFFFF80  }
0x199: {  	_ =	swait.ge [sflag:s2], $0x80  }
0x19a: {  	[sflag:s2] =	ssyncset.done $0x0  }
0x19b: {  	[sflag:s2] =	ssyncadd.s32 $0xFFFFFF80  }
0x19c: {  	_ =	swait.ge [sflag:s2], $0x80  }
0x19d: {  	[sflag:s2] =	ssyncset.done $0x0  }
0x19e: {  	[sflag:s2] =	ssyncadd.s32 $0xFFFFFF80  }
0x19f: {  	_ =	swait.ge [sflag:s2], $0x80  }
0x1a0: {  	[sflag:s2] =	ssyncset.done $0x0  }
0x1a1: {  	[sflag:s2] =	ssyncadd.s32 $0xFFFFFF80  }
0x1a2: {  	_ =	swait.ge [sflag:s2], $0x80  }
0x1a3: {  	[sflag:s2] =	ssyncset.done $0x0  }
0x1a4: {  	[sflag:s2] =	ssyncadd.s32 $0xFFFFFF80  }
0x1a5: {  	_ =	swait.ge [sflag:s2], $0x80  }
0x1a6: {  	[sflag:s2] =	ssyncset.done $0x0  }
0x1a7: {  	[sflag:s2] =	ssyncadd.s32 $0xFFFFFF80  }
0x1a8: {  	_ =	swait.ge [sflag:s2], $0x80  }
0x1a9: {  	[sflag:s2] =	ssyncset.done $0x0  }
0x1aa: {  	[sflag:s2] =	ssyncadd.s32 $0xFFFFFF80  }
0x1ab: {  	_ =	swait.ge [sflag:s2], $0x80  }
0x1ac: {  	[sflag:s2] =	ssyncset.done $0x0  }
0x1ad: {  	[sflag:s2] =	ssyncadd.s32 $0xFFFFFF80  }
0x1ae: {  	_ =	swait.ge [sflag:s2], $0x80  }
0x1af: {  	[sflag:s2] =	ssyncset.done $0x0  }
0x1b0: {  	[sflag:s2] =	ssyncadd.s32 $0xFFFFFF80  }
0x1b1: {  	_ =	swait.ge [sflag:s2], $0x80  }
0x1b2: {  	[sflag:s2] =	ssyncset.done $0x0  }
0x1b3: {  	[sflag:s2] =	ssyncadd.s32 $0xFFFFFF80  }
0x1b4: {  	_ =	swait.ge [sflag:s2], $0x80  }
0x1b5: {  	[sflag:s2] =	ssyncset.done $0x0  }
0x1b6: {  	[sflag:s2] =	ssyncadd.s32 $0xFFFFFF80  }
0x1b7: {  	_ =	swait.ge [sflag:s2], $0x80  }
0x1b8: {  	[sflag:s2] =	ssyncset.done $0x0  }
0x1b9: {  	[sflag:s2] =	ssyncadd.s32 $0xFFFFFF80  }
0x1ba: {  	_ =	swait.ge [sflag:s2], $0x80  }
0x1bb: {  	[sflag:s2] =	ssyncset.done $0x0  }
0x1bc: {  	[sflag:s2] =	ssyncadd.s32 $0xFFFFFF80  }
0x1bd: {  	_ =	swait.ge [sflag:s2], $0x80  }
0x1be: {  	[sflag:s2] =	ssyncset.done $0x0  }
0x1bf: {  	[sflag:s2] =	ssyncadd.s32 $0xFFFFFF80  }
0x1c0: {  	_ =	swait.ge [sflag:s2], $0x80  }
0x1c1: {  	[sflag:s2] =	ssyncset.done $0x0  }
0x1c2: {  	[sflag:s2] =	ssyncadd.s32 $0xFFFFFF80  }
0x1c3: {  	_ =	swait.ge [sflag:s2], $0x80  }
0x1c4: {  	[sflag:s2] =	ssyncset.done $0x0  }
0x1c5: {  	[sflag:s2] =	ssyncadd.s32 $0xFFFFFF80  }
0x1c6: {  	_ =	swait.ge [sflag:s2], $0x80  }
0x1c7: {  	[sflag:s2] =	ssyncset.done $0x0  }
0x1c8: {  	[sflag:s2] =	ssyncadd.s32 $0xFFFFFF80  }
0x1c9: {  	_ =	swait.ge [sflag:s2], $0x80  }
0x1ca: {  	[sflag:s2] =	ssyncset.done $0x0  }
0x1cb: {  	[sflag:s2] =	ssyncadd.s32 $0xFFFFFF80  }
0x1cc: {  	_ =	swait.ge [sflag:s2], $0x80  }
0x1cd: {  	[sflag:s2] =	ssyncset.done $0x0  }
0x1ce: {  	[sflag:s2] =	ssyncadd.s32 $0xFFFFFF80  }
0x1cf: {  	_ =	swait.ge [sflag:s2], $0x80  }
0x1d0: {  	[sflag:s2] =	ssyncset.done $0x0  }
0x1d1: {  	[sflag:s2] =	ssyncadd.s32 $0xFFFFFF80  }
0x1d2: {  	_ =	swait.ge [sflag:s2], $0x80  }
0x1d3: {  	[sflag:s2] =	ssyncset.done $0x0  }
0x1d4: {  	[sflag:s2] =	ssyncadd.s32 $0xFFFFFF80  }
0x1d5: {  	_ =	swait.ge [sflag:s2], $0x80  }
0x1d6: {  	[sflag:s2] =	ssyncset.done $0x0  }
0x1d7: {  	[sflag:s2] =	ssyncadd.s32 $0xFFFFFF80  }
0x1d8: {  	_ =	swait.ge [sflag:s2], $0x80  }
0x1d9: {  	[sflag:s2] =	ssyncset.done $0x0  }
0x1da: {  	[sflag:s2] =	ssyncadd.s32 $0xFFFFFF80  }
0x1db: {  	_ =	swait.ge [sflag:s2], $0x80  }
0x1dc: {  	[sflag:s2] =	ssyncset.done $0x0  }
0x1dd: {  	[sflag:s2] =	ssyncadd.s32 $0xFFFFFF80  }
0x1de: {  	_ =	swait.ge [sflag:s2], $0x80  }
0x1df: {  	[sflag:s2] =	ssyncset.done $0x0  }
0x1e0: {  	[sflag:s2] =	ssyncadd.s32 $0xFFFFFF80  }
0x1e1: {  	_ =	swait.ge [sflag:s2], $0x80  }
0x1e2: {  	[sflag:s2] =	ssyncset.done $0x0  }
0x1e3: {  	[sflag:s2] =	ssyncadd.s32 $0xFFFFFF80  }
0x1e4: {  	_ =	swait.ge [sflag:s2], $0x80  }
0x1e5: {  	[sflag:s2] =	ssyncset.done $0x0  }
0x1e6: {  	[sflag:s2] =	ssyncadd.s32 $0xFFFFFF80  }
0x1e7: {  	_ =	swait.ge [sflag:s2], $0x80  }
0x1e8: {  	[sflag:s2] =	ssyncset.done $0x0  }
0x1e9: {  	[sflag:s2] =	ssyncadd.s32 $0xFFFFFF80  }
0x1ea: {  	_ =	swait.ge [sflag:s2], $0x80  }
0x1eb: {  	[sflag:s2] =	ssyncset.done $0x0  }
0x1ec: {  	[sflag:s2] =	ssyncadd.s32 $0xFFFFFF80  }
0x1ed: {  	_ =	swait.ge [sflag:s2], $0x80  }
0x1ee: {  	[sflag:s2] =	ssyncset.done $0x0  }
0x1ef: {  	[sflag:s2] =	ssyncadd.s32 $0xFFFFFF80  }
0x1f0: {  	_ =	swait.ge [sflag:s2], $0x80  }
0x1f1: {  	[sflag:s2] =	ssyncset.done $0x0  }
0x1f2: {  	[sflag:s2] =	ssyncadd.s32 $0xFFFFFF80  }
0x1f3: {  	_ =	swait.ge [sflag:s2], $0x80  }
0x1f4: {  	[sflag:s2] =	ssyncset.done $0x0  }
0x1f5: {  	[sflag:s2] =	ssyncadd.s32 $0xFFFFFF80  }
0x1f6: {  	_ =	swait.ge [sflag:s2], $0x80  }
0x1f7: {  	[sflag:s2] =	ssyncset.done $0x0  }
0x1f8: {  	[sflag:s2] =	ssyncadd.s32 $0xFFFFFF80  }
0x1f9: {  	_ =	swait.ge [sflag:s2], $0x80  }
0x1fa: {  	[sflag:s2] =	ssyncset.done $0x0  }
0x1fb: {  	[sflag:s2] =	ssyncadd.s32 $0xFFFFFF80  }
0x1fc: {  	_ =	swait.ge [sflag:s2], $0x80  }
0x1fd: {  	[sflag:s2] =	ssyncset.done $0x0  }
0x1fe: {  	[sflag:s2] =	ssyncadd.s32 $0xFFFFFF80  }
0x1ff: {  	_ =	swait.ge [sflag:s2], $0x80  }
0x200: {  	[sflag:s2] =	ssyncset.done $0x0  }
0x201: {  	[sflag:s2] =	ssyncadd.s32 $0xFFFFFF80  }
0x202: {  	_ =	swait.ge [sflag:s2], $0x80  }
0x203: {  	[sflag:s2] =	ssyncset.done $0x0  }
0x204: {  	[sflag:s2] =	ssyncadd.s32 $0xFFFFFF80  }
0x205: {  	_ =	swait.ge [sflag:s2], $0x80  }
0x206: {  	[sflag:s2] =	ssyncset.done $0x0  }
0x207: {  	[sflag:s2] =	ssyncadd.s32 $0xFFFFFF80  }
0x208: {  	_ =	swait.ge [sflag:s2], $0x80  }
0x209: {  	[sflag:s2] =	ssyncset.done $0x0  }
0x20a: {  	[sflag:s2] =	ssyncadd.s32 $0xFFFFFF80  }
0x20b: {  	_ =	swait.ge [sflag:s2], $0x80  }
0x20c: {  	[sflag:s2] =	ssyncset.done $0x0  }
0x20d: {  	[sflag:s2] =	ssyncadd.s32 $0xFFFFFF80  }
0x20e: {  	_ =	swait.ge [sflag:s2], $0x80  }
0x20f: {  	[sflag:s2] =	ssyncset.done $0x0  }
0x210: {  	[sflag:s2] =	ssyncadd.s32 $0xFFFFFF80  }
0x211: {  	_ =	swait.ge [sflag:s2], $0x80  }
0x212: {  	[sflag:s2] =	ssyncset.done $0x0  }
0x213: {  	[sflag:s2] =	ssyncadd.s32 $0xFFFFFF80  }
0x214: {  	_ =	swait.ge [sflag:s2], $0x80  }
0x215: {  	[sflag:s2] =	ssyncset.done $0x0  }
0x216: {  	[sflag:s2] =	ssyncadd.s32 $0xFFFFFF80  }
0x217: {  	_ =	swait.ge [sflag:s2], $0x80  }
0x218: {  	[sflag:s2] =	ssyncset.done $0x0  }
0x219: {  	[sflag:s2] =	ssyncadd.s32 $0xFFFFFF80  }
0x21a: {  	_ =	swait.ge [sflag:s2], $0x80  }
0x21b: {  	[sflag:s2] =	ssyncset.done $0x0  }
0x21c: {  	[sflag:s2] =	ssyncadd.s32 $0xFFFFFF80  }
0x21d: {  	_ =	swait.ge [sflag:s2], $0x80  }
0x21e: {  	[sflag:s2] =	ssyncset.done $0x0  }
0x21f: {  	[sflag:s2] =	ssyncadd.s32 $0xFFFFFF80  }
0x220: {  	_ =	swait.ge [sflag:s2], $0x80  }
0x221: {  	[sflag:s2] =	ssyncset.done $0x0  }
0x222: {  	[sflag:s2] =	ssyncadd.s32 $0xFFFFFF80  }
0x223: {  	_ =	swait.ge [sflag:s2], $0x80  }
0x224: {  	[sflag:s2] =	ssyncset.done $0x0  }
0x225: {  	[sflag:s2] =	ssyncadd.s32 $0xFFFFFF80  }
0x226: {  	_ =	swait.ge [sflag:s2], $0x80  }
0x227: {  	[sflag:s2] =	ssyncset.done $0x0  }
0x228: {  	[sflag:s2] =	ssyncadd.s32 $0xFFFFFF80  }
0x229: {  	_ =	swait.ge [sflag:s2], $0x80  }
0x22a: {  	[sflag:s2] =	ssyncset.done $0x0  }
0x22b: {  	[sflag:s2] =	ssyncadd.s32 $0xFFFFFF80  }
0x22c: {  	_ =	swait.ge [sflag:s2], $0x80  }
0x22d: {  	[sflag:s2] =	ssyncset.done $0x0  }
0x22e: {  	[sflag:s2] =	ssyncadd.s32 $0xFFFFFF80  }
0x22f: {  	_ =	swait.ge [sflag:s2], $0x80  }
0x230: {  	[sflag:s2] =	ssyncset.done $0x0  }
0x231: {  	[sflag:s2] =	ssyncadd.s32 $0xFFFFFF80  }
0x232: {  	_ =	swait.ge [sflag:s2], $0x80  }
0x233: {  	[sflag:s2] =	ssyncset.done $0x0  }
0x234: {  	[sflag:s2] =	ssyncadd.s32 $0xFFFFFF80  }
0x235: {  	_ =	swait.ge [sflag:s2], $0x80  }
0x236: {  	[sflag:s2] =	ssyncset.done $0x0  }
0x237: {  	[sflag:s2] =	ssyncadd.s32 $0xFFFFFF80  }
0x238: {  	_ =	swait.ge [sflag:s2], $0x80  }
0x239: {  	[sflag:s2] =	ssyncset.done $0x0  }
0x23a: {  	[sflag:s2] =	ssyncadd.s32 $0xFFFFFF80  }
0x23b: {  	_ =	swait.ge [sflag:s2], $0x80  }
0x23c: {  	[sflag:s2] =	ssyncset.done $0x0  }
0x23d: {  	[sflag:s2] =	ssyncadd.s32 $0xFFFFFF80  }
0x23e: {  	_ =	swait.ge [sflag:s2], $0x80  }
0x23f: {  	[sflag:s2] =	ssyncset.done $0x0  }
0x240: {  	[sflag:s2] =	ssyncadd.s32 $0xFFFFFF80  }
0x241: {  	_ =	swait.ge [sflag:s2], $0x80  }
0x242: {  	[sflag:s2] =	ssyncset.done $0x0  }
0x243: {  	[sflag:s2] =	ssyncadd.s32 $0xFFFFFF80  }
0x244: {  	_ =	swait.ge [sflag:s2], $0x80  }
0x245: {  	[sflag:s2] =	ssyncset.done $0x0  }
0x246: {  	[sflag:s2] =	ssyncadd.s32 $0xFFFFFF80  }
0x247: {  	_ =	swait.ge [sflag:s2], $0x80  }
0x248: {  	[sflag:s2] =	ssyncset.done $0x0  }
0x249: {  	[sflag:s2] =	ssyncadd.s32 $0xFFFFFF80  }
0x24a: {  	_ =	swait.ge [sflag:s2], $0x80  }
0x24b: {  	[sflag:s2] =	ssyncset.done $0x0  }
0x24c: {  	[sflag:s2] =	ssyncadd.s32 $0xFFFFFF80  }
0x24d: {  	_ =	swait.ge [sflag:s2], $0x80  }
0x24e: {  	[sflag:s2] =	ssyncset.done $0x0  }
0x24f: {  	[sflag:s2] =	ssyncadd.s32 $0xFFFFFF80  }
0x250: {  	_ =	swait.ge [sflag:s2], $0x80  }
0x251: {  	[sflag:s2] =	ssyncset.done $0x0  }
0x252: {  	[sflag:s2] =	ssyncadd.s32 $0xFFFFFF80  }
0x253: {  	_ =	swait.ge [sflag:s2], $0x80  }
0x254: {  	[sflag:s2] =	ssyncset.done $0x0  }
0x255: {  	[sflag:s2] =	ssyncadd.s32 $0xFFFFFF80  }
0x256: {  	_ =	swait.ge [sflag:s2], $0x80  }
0x257: {  	[sflag:s2] =	ssyncset.done $0x0  }
0x258: {  	[sflag:s2] =	ssyncadd.s32 $0xFFFFFF80  }
0x259: {  	_ =	swait.ge [sflag:s2], $0x80  }
0x25a: {  	[sflag:s2] =	ssyncset.done $0x0  }
0x25b: {  	[sflag:s2] =	ssyncadd.s32 $0xFFFFFF80  }
0x25c: {  	_ =	swait.ge [sflag:s2], $0x80  }
0x25d: {  	[sflag:s2] =	ssyncset.done $0x0  }
0x25e: {  	[sflag:s2] =	ssyncadd.s32 $0xFFFFFF80  }
0x25f: {  	_ =	swait.ge [sflag:s2], $0x80  }
0x260: {  	[sflag:s2] =	ssyncset.done $0x0  }
0x261: {  	[sflag:s2] =	ssyncadd.s32 $0xFFFFFF80  }
0x262: {  	_ =	swait.ge [sflag:s2], $0x80  }
0x263: {  	[sflag:s2] =	ssyncset.done $0x0  }
0x264: {  	[sflag:s2] =	ssyncadd.s32 $0xFFFFFF80  }
0x265: {  	_ =	swait.ge [sflag:s2], $0x80  }
0x266: {  	[sflag:s2] =	ssyncset.done $0x0  }
0x267: {  	[sflag:s2] =	ssyncadd.s32 $0xFFFFFF80  }
0x268: {  	_ =	swait.ge [sflag:s2], $0x80  }
0x269: {  	[sflag:s2] =	ssyncset.done $0x0  }
0x26a: {  	[sflag:s2] =	ssyncadd.s32 $0xFFFFFF80  }
0x26b: {  	_ =	swait.ge [sflag:s2], $0x80  }
0x26c: {  	[sflag:s2] =	ssyncset.done $0x0  }
0x26d: {  	[sflag:s2] =	ssyncadd.s32 $0xFFFFFF80  }
0x26e: {  	_ =	swait.ge [sflag:s2], $0x80  }
0x26f: {  	[sflag:s2] =	ssyncset.done $0x0  }
0x270: {  	[sflag:s2] =	ssyncadd.s32 $0xFFFFFF80  }
0x271: {  	_ =	swait.ge [sflag:s2], $0x80  }
0x272: {  	[sflag:s2] =	ssyncset.done $0x0  }
0x273: {  	[sflag:s2] =	ssyncadd.s32 $0xFFFFFF80  }
0x274: {  	_ =	swait.ge [sflag:s2], $0x80  }
0x275: {  	[sflag:s2] =	ssyncset.done $0x0  }
0x276: {  	[sflag:s2] =	ssyncadd.s32 $0xFFFFFF80  }
0x277: {  	_ =	swait.ge [sflag:s2], $0x80  }
0x278: {  	[sflag:s2] =	ssyncset.done $0x0  }
0x279: {  	[sflag:s2] =	ssyncadd.s32 $0xFFFFFF80  }
0x27a: {  	_ =	swait.ge [sflag:s2], $0x80  }
0x27b: {  	[sflag:s2] =	ssyncset.done $0x0  }
0x27c: {  	[sflag:s2] =	ssyncadd.s32 $0xFFFFFF80  }
0x27d: {  	_ =	swait.ge [sflag:s2], $0x80  }
0x27e: {  	[sflag:s2] =	ssyncset.done $0x0  }
0x27f: {  	[sflag:s2] =	ssyncadd.s32 $0xFFFFFF80  }
0x280: {  	_ =	swait.ge [sflag:s2], $0x80  }
0x281: {  	[sflag:s2] =	ssyncset.done $0x0  }
0x282: {  	[sflag:s2] =	ssyncadd.s32 $0xFFFFFF80  }
0x283: {  	_ =	swait.ge [sflag:s2], $0x80  }
0x284: {  	[sflag:s2] =	ssyncset.done $0x0  }
0x285: {  	[sflag:s2] =	ssyncadd.s32 $0xFFFFFF80  }
0x286: {  	_ =	swait.ge [sflag:s2], $0x80  }
0x287: {  	[sflag:s2] =	ssyncset.done $0x0  }
0x288: {  	[sflag:s2] =	ssyncadd.s32 $0xFFFFFF80  }
0x289: {  	_ =	swait.ge [sflag:s2], $0x80  }
0x28a: {  	[sflag:s2] =	ssyncset.done $0x0  }
0x28b: {  	[sflag:s2] =	ssyncadd.s32 $0xFFFFFF80  }
0x28c: {  	_ =	swait.ge [sflag:s2], $0x80  }
0x28d: {  	[sflag:s2] =	ssyncset.done $0x0  }
0x28e: {  	[sflag:s2] =	ssyncadd.s32 $0xFFFFFF80  }
0x28f: {  	_ =	swait.ge [sflag:s2], $0x80  }
0x290: {  	[sflag:s2] =	ssyncset.done $0x0  }
0x291: {  	[sflag:s2] =	ssyncadd.s32 $0xFFFFFF80  }
0x292: {  	_ =	swait.ge [sflag:s2], $0x80  }
0x293: {  	[sflag:s2] =	ssyncset.done $0x0  }
0x294: {  	[sflag:s2] =	ssyncadd.s32 $0xFFFFFF80  }
0x295: {  	_ =	swait.ge [sflag:s2], $0x80  }
0x296: {  	[sflag:s2] =	ssyncset.done $0x0  }
0x297: {  	[sflag:s2] =	ssyncadd.s32 $0xFFFFFF80  }
0x298: {  	_ =	swait.ge [sflag:s2], $0x80  }
.Ltmp2:
0x299: {  	[sflag:s2] =	ssyncset.done $0x0;
	(pc) =	sbr.rel .LBB2_4-.Ltmp2, $4  }
0x29a: {  	[sflag:s2] =	ssyncadd.s32 $0xFFFFFF80  }
0x29b: {  	_ =	swait.ge [sflag:s2], $0x80  }
0x29c: {  	[sflag:s2] =	ssyncset.done $0x0  }
0x29d: {  	[sflag:s2] =	ssyncadd.s32 $0xFFFFFF80  }
.LBB2_3:
0x29e: {  	[bflag:$0x0] =	sbarrier.arrive $0xFFFF  }
.LBB2_4:
0x29f: {  	_ =	sfence.sel $0x180000  }
0x2a0: {  	[bflag:$0x0] =	sbarrier.arrive $0xFFFF  }
0x2a1: {  	p0 =	sne.s32 s1, $0x0;
	_ =	strace $0x90000047  }
0x2a2: {  	s0 =	sadd.s32 @!p0 $0x100000, s0;
	[bflag:$0x2] =	sbarrier.arrive $0xFFFF  }
0x2a3: {  	[sflag:s0] =	ssyncadd.tile.s32 @!p0 $0x1;
	_ =	shalt  }
.Lfunc_end2:
_tile_overlayer_lowered:
.L_overlay_start_2:
0x2a4: {  	(tag) =	ssettag $0x2  }
0x2a5: {  	s0 =	rddreg [dreg:$0x0];
	s2 =	stileid.u32  }
0x2a6: {  	s1 =	rddreg [dreg:$0x1];
	p0 =	sne.s32 s2, $0x0  }
0x2a7: {  	s3 =	rddreg [dreg:$0x2];
	[bflag:$0x3] =	sbarrier.arrive $0xFFFF;
	s2 =	simm.s32 @!p0 $0x1C02  }
0x2a8: {  	[timem:s3], [sflag:s2] =	dma.local @!p0 [hbm:s0], s1  }
0x2a9: {  	s0 =	simm.s32 @!p0 $0x2  }
0x2aa: {  	_ =	swait.ge @!p0 [sflag:s0], s1  }
0x2ab: {  	s1 =	ssub.s32 @!p0 $0x0, s1;
	[sflag:s0] =	ssyncset.done @!p0 $0x0  }
0x2ac: {  	[sflag:s0] =	ssyncadd.s32 @!p0 s1  }
0x2ad: {  	[bflag:$0x3] =	sbarrier.arrive $0xFFFF  }
0x2ae: {  	_ =	shalt  }

</sc_bundles>
